<compile_context>
chip_gen: v7x
topology: tpu7x:2x2x1
jax: 0.10.2.dev20260603
libtpu: 0.0.44.dev20260713+nightly
codegen_flags: <defaults>
</compile_context>

<pallas_src>
import functools

import jax
import jax.numpy as jnp
from jax import lax
from jax.experimental import pallas as pl
from jax.experimental.pallas import tpu as pltpu
from jax.experimental.pallas import tpu_sc as plsc

_NW = 32
_NB = 2


def _make_lookup(B, S, D):
    BW = B // _NW
    n_grp = S // _NB
    mesh = plsc.VectorSubcoreMesh(core_axis_name="c", subcore_axis_name="s")

    @functools.partial(
        pl.kernel,
        out_type=jax.ShapeDtypeStruct((S, D, B), jnp.float32),
        mesh=mesh,
        scratch_types=[
            pltpu.VMEM((S, BW), jnp.int32),
            pltpu.VMEM((_NB, BW, D), jnp.float32),
            pltpu.VMEM((_NB, D, BW), jnp.float32),
            pltpu.SemaphoreType.DMA((_NB,)),
            pltpu.SemaphoreType.DMA((_NB,)),
        ],
        compiler_params=pltpu.CompilerParams(
            use_tc_tiling_on_sc=False, needs_layout_passes=False
        ),
    )
    def lookup(idsT_hbm, tbl_hbm, out_hbm, idsv, gbuf, tbuf, gsem, ssem):
        wid = lax.axis_index("s") * 2 + lax.axis_index("c")
        b0 = wid * BW

        pltpu.sync_copy(idsT_hbm.at[:, pl.ds(b0, BW)], idsv)

        def gather_desc(s, b):
            return pltpu.make_async_copy(
                tbl_hbm.at[idsv.at[s]], gbuf.at[b], gsem.at[b]
            )

        def scatter_desc(s, b):
            return pltpu.make_async_copy(
                tbuf.at[b], out_hbm.at[s, :, pl.ds(b0, BW)], ssem.at[b]
            )

        lanes = lax.iota(jnp.int32, 16)
        diag = [(lanes + d) & 15 for d in range(16)]
        col = [lanes + 16 * c for c in range(D // 16)]

        def transpose(b):
            def ablock(a, carry):
                a16 = a * 16
                for c in range(D // 16):
                    for d in range(16):
                        row = diag[d] + a16
                        v = plsc.load_gather(gbuf.at[b], [row, col[c]])
                        plsc.store_scatter(tbuf.at[b], [col[c], row], v)
                return carry

            lax.fori_loop(0, BW // 16, ablock, 0)

        for b in range(_NB):
            gather_desc(b, b).start()

        def body(g, carry):
            s0 = g * _NB
            for b in range(_NB):
                s = s0 + b
                gather_desc(s, b).wait()

                @pl.when(g > 0)
                def _():
                    scatter_desc(s - _NB, b).wait()

                transpose(b)

                @pl.when(g < n_grp - 1)
                def _():
                    gather_desc(s + _NB, b).start()

                scatter_desc(s, b).start()
            return carry

        lax.fori_loop(0, n_grp, body, 0)

        for b in range(_NB):
            scatter_desc(S - _NB + b, b).wait()

    return lookup


def kernel(input_ids, word_embeddings):
    B, S = input_ids.shape
    V, D = word_embeddings.shape
    idsT = input_ids.T.astype(jnp.int32)
    out_phys = _make_lookup(B, S, D)(idsT, word_embeddings)
    return jnp.transpose(out_phys, (2, 0, 1))

# --- scband reference (transcript-rebuilt; emitter-appended) ---
"""Pipeline reference for scband-yaya-embeddings-3315714752705 (READ-ONLY COPY).

The authoritative reference and input builder live on the scoring server;
editing this copy changes nothing except your own understanding.
"""

import jax, jax.numpy as jnp
import numpy as np

VOCAB_SIZE = 1000000
HIDDEN_SIZE = 64
BATCH = 4096
SEQ_LEN = 200


def setup_inputs(seed: int = 0) -> dict:
    key = jax.random.key(seed)
    k_idx, k_tbl = jax.random.split(key)
    input_ids = jax.random.randint(k_idx, (BATCH, SEQ_LEN), 0, VOCAB_SIZE, dtype=jnp.int64 if jax.config.jax_enable_x64 else jnp.int32)
    word_embeddings = jax.random.normal(k_tbl, (VOCAB_SIZE, HIDDEN_SIZE), dtype=jnp.float32) * 0.02
    return {"input_ids": input_ids, "word_embeddings": word_embeddings}


def reference(input_ids, word_embeddings):
    # nn.Embedding lookup: table[idx]
    return jnp.take(word_embeddings, input_ids, axis=0)

if __name__ == "__main__":
    import jax
    _d = setup_inputs()
    print(jax.jit(kernel)(*tuple(_d.values())))

</pallas_src>

<mosaic_0001>
#map = affine_map<(d0, d1) -> (0, 0)>
#map1 = affine_map<(d0, d1) -> (0, 0, 0)>
module attributes {stable_mosaic.version = 14 : i64} {
  func.func @lookup(%arg0: i32, %arg1: i32, %arg2: memref<200x4096xi32, #tpu.memory_space<hbm>>, %arg3: memref<1000000x64xf32, #tpu.memory_space<hbm>>, %arg4: memref<200x64x4096xf32, #tpu.memory_space<hbm>>, %arg5: memref<200x128xi32, #tpu.memory_space<vmem>>, %arg6: memref<2x128x64xf32, #tpu.memory_space<vmem>>, %arg7: memref<2x64x128xf32, #tpu.memory_space<vmem>>, %arg8: memref<2x!tpu.dma_semaphore, #tpu.memory_space<semaphore_mem>>, %arg9: memref<2x!tpu.dma_semaphore, #tpu.memory_space<semaphore_mem>>) attributes {dimension_semantics = [#tpu.dimension_semantics<core_parallel>, #tpu.dimension_semantics<subcore_parallel>], iteration_bounds = array<i64: 2, 16>, scalar_prefetch = 0 : i64, scratch_operands = 5 : i64, tpu.core_type = #tpu.core_type<sc_vector_subcore>, window_params = [{transform_indices = #map}, {transform_indices = #map}, {transform_indices = #map1}]} {
    %mul3A = arith.constant 2 : i32
    %mul3A_0 = arith.muli %arg1, %mul3A : i32
    %add3A = arith.addi %mul3A_0, %arg0 : i32
    %mul3A_1 = arith.constant 128 : i32
    %mul3A_2 = arith.muli %add3A, %mul3A_1 : i32
    "tpu.region"() ({
      %run_scoped3A = tpu.sem_alloc : memref<!tpu.dma_semaphore, #tpu.memory_space<semaphore_mem>>
      %dma_start3A_181 = arith.constant 0 : i32
      %dma_start3A_182 = tpu.memref_slice %arg2[%dma_start3A_181, %mul3A_2] : memref<200x4096xi32, #tpu.memory_space<hbm>> -> memref<200x128xi32, #tpu.memory_space<hbm>>
      %dma_start3A_183 = arith.constant 0 : i32
      %dma_start3A_184 = tpu.memref_slice %arg2[%dma_start3A_183, %mul3A_2] : memref<200x4096xi32, #tpu.memory_space<hbm>> -> memref<200x128xi32, #tpu.memory_space<hbm>>
      tpu.enqueue_dma source(%dma_start3A_184 : memref<200x128xi32, #tpu.memory_space<hbm>>) target(%arg5 : memref<200x128xi32, #tpu.memory_space<vmem>>) target_semaphore(%run_scoped3A : memref<!tpu.dma_semaphore, #tpu.memory_space<semaphore_mem>>)
      %dma_wait3A_185 = arith.constant 0 : i32
      %dma_wait3A_186 = tpu.memref_slice %arg2[%dma_wait3A_185, %mul3A_2] : memref<200x4096xi32, #tpu.memory_space<hbm>> -> memref<200x128xi32, #tpu.memory_space<hbm>>
      %dma_wait3A_187 = arith.constant 0 : i32
      %dma_wait3A_188 = tpu.memref_slice %arg2[%dma_wait3A_187, %mul3A_2] : memref<200x4096xi32, #tpu.memory_space<hbm>> -> memref<200x128xi32, #tpu.memory_space<hbm>>
      tpu.wait_dma2 semaphore(%run_scoped3A : memref<!tpu.dma_semaphore, #tpu.memory_space<semaphore_mem>>) src(%dma_wait3A_188 : memref<200x128xi32, #tpu.memory_space<hbm>>) dst(%arg5 : memref<200x128xi32, #tpu.memory_space<vmem>>)
      tpu.yield
    }) : () -> ()
    %iota3A = tpu.iota {dimensions = array<i32: 0>} : vector<16xi32>
    %add3A_3 = arith.constant 0 : i32
    %add3A_4 = vector.broadcast %add3A_3 : i32 to vector<16xi32>
    %add3A_5 = arith.addi %iota3A, %add3A_4 : vector<16xi32>
    %and3A = arith.constant 15 : i32
    %and3A_6 = vector.broadcast %and3A : i32 to vector<16xi32>
    %and3A_7 = arith.andi %add3A_5, %and3A_6 : vector<16xi32>
    %add3A_8 = arith.constant 1 : i32
    %add3A_9 = vector.broadcast %add3A_8 : i32 to vector<16xi32>
    %add3A_10 = arith.addi %iota3A, %add3A_9 : vector<16xi32>
    %and3A_11 = arith.constant 15 : i32
    %and3A_12 = vector.broadcast %and3A_11 : i32 to vector<16xi32>
    %and3A_13 = arith.andi %add3A_10, %and3A_12 : vector<16xi32>
    %add3A_14 = arith.constant 2 : i32
    %add3A_15 = vector.broadcast %add3A_14 : i32 to vector<16xi32>
    %add3A_16 = arith.addi %iota3A, %add3A_15 : vector<16xi32>
    %and3A_17 = arith.constant 15 : i32
    %and3A_18 = vector.broadcast %and3A_17 : i32 to vector<16xi32>
    %and3A_19 = arith.andi %add3A_16, %and3A_18 : vector<16xi32>
    %add3A_20 = arith.constant 3 : i32
    %add3A_21 = vector.broadcast %add3A_20 : i32 to vector<16xi32>
    %add3A_22 = arith.addi %iota3A, %add3A_21 : vector<16xi32>
    %and3A_23 = arith.constant 15 : i32
    %and3A_24 = vector.broadcast %and3A_23 : i32 to vector<16xi32>
    %and3A_25 = arith.andi %add3A_22, %and3A_24 : vector<16xi32>
    %add3A_26 = arith.constant 4 : i32
    %add3A_27 = vector.broadcast %add3A_26 : i32 to vector<16xi32>
    %add3A_28 = arith.addi %iota3A, %add3A_27 : vector<16xi32>
    %and3A_29 = arith.constant 15 : i32
    %and3A_30 = vector.broadcast %and3A_29 : i32 to vector<16xi32>
    %and3A_31 = arith.andi %add3A_28, %and3A_30 : vector<16xi32>
    %add3A_32 = arith.constant 5 : i32
    %add3A_33 = vector.broadcast %add3A_32 : i32 to vector<16xi32>
    %add3A_34 = arith.addi %iota3A, %add3A_33 : vector<16xi32>
    %and3A_35 = arith.constant 15 : i32
    %and3A_36 = vector.broadcast %and3A_35 : i32 to vector<16xi32>
    %and3A_37 = arith.andi %add3A_34, %and3A_36 : vector<16xi32>
    %add3A_38 = arith.constant 6 : i32
    %add3A_39 = vector.broadcast %add3A_38 : i32 to vector<16xi32>
    %add3A_40 = arith.addi %iota3A, %add3A_39 : vector<16xi32>
    %and3A_41 = arith.constant 15 : i32
    %and3A_42 = vector.broadcast %and3A_41 : i32 to vector<16xi32>
    %and3A_43 = arith.andi %add3A_40, %and3A_42 : vector<16xi32>
    %add3A_44 = arith.constant 7 : i32
    %add3A_45 = vector.broadcast %add3A_44 : i32 to vector<16xi32>
    %add3A_46 = arith.addi %iota3A, %add3A_45 : vector<16xi32>
    %and3A_47 = arith.constant 15 : i32
    %and3A_48 = vector.broadcast %and3A_47 : i32 to vector<16xi32>
    %and3A_49 = arith.andi %add3A_46, %and3A_48 : vector<16xi32>
    %add3A_50 = arith.constant 8 : i32
    %add3A_51 = vector.broadcast %add3A_50 : i32 to vector<16xi32>
    %add3A_52 = arith.addi %iota3A, %add3A_51 : vector<16xi32>
    %and3A_53 = arith.constant 15 : i32
    %and3A_54 = vector.broadcast %and3A_53 : i32 to vector<16xi32>
    %and3A_55 = arith.andi %add3A_52, %and3A_54 : vector<16xi32>
    %add3A_56 = arith.constant 9 : i32
    %add3A_57 = vector.broadcast %add3A_56 : i32 to vector<16xi32>
    %add3A_58 = arith.addi %iota3A, %add3A_57 : vector<16xi32>
    %and3A_59 = arith.constant 15 : i32
    %and3A_60 = vector.broadcast %and3A_59 : i32 to vector<16xi32>
    %and3A_61 = arith.andi %add3A_58, %and3A_60 : vector<16xi32>
    %add3A_62 = arith.constant 10 : i32
    %add3A_63 = vector.broadcast %add3A_62 : i32 to vector<16xi32>
    %add3A_64 = arith.addi %iota3A, %add3A_63 : vector<16xi32>
    %and3A_65 = arith.constant 15 : i32
    %and3A_66 = vector.broadcast %and3A_65 : i32 to vector<16xi32>
    %and3A_67 = arith.andi %add3A_64, %and3A_66 : vector<16xi32>
    %add3A_68 = arith.constant 11 : i32
    %add3A_69 = vector.broadcast %add3A_68 : i32 to vector<16xi32>
    %add3A_70 = arith.addi %iota3A, %add3A_69 : vector<16xi32>
    %and3A_71 = arith.constant 15 : i32
    %and3A_72 = vector.broadcast %and3A_71 : i32 to vector<16xi32>
    %and3A_73 = arith.andi %add3A_70, %and3A_72 : vector<16xi32>
    %add3A_74 = arith.constant 12 : i32
    %add3A_75 = vector.broadcast %add3A_74 : i32 to vector<16xi32>
    %add3A_76 = arith.addi %iota3A, %add3A_75 : vector<16xi32>
    %and3A_77 = arith.constant 15 : i32
    %and3A_78 = vector.broadcast %and3A_77 : i32 to vector<16xi32>
    %and3A_79 = arith.andi %add3A_76, %and3A_78 : vector<16xi32>
    %add3A_80 = arith.constant 13 : i32
    %add3A_81 = vector.broadcast %add3A_80 : i32 to vector<16xi32>
    %add3A_82 = arith.addi %iota3A, %add3A_81 : vector<16xi32>
    %and3A_83 = arith.constant 15 : i32
    %and3A_84 = vector.broadcast %and3A_83 : i32 to vector<16xi32>
    %and3A_85 = arith.andi %add3A_82, %and3A_84 : vector<16xi32>
    %add3A_86 = arith.constant 14 : i32
    %add3A_87 = vector.broadcast %add3A_86 : i32 to vector<16xi32>
    %add3A_88 = arith.addi %iota3A, %add3A_87 : vector<16xi32>
    %and3A_89 = arith.constant 15 : i32
    %and3A_90 = vector.broadcast %and3A_89 : i32 to vector<16xi32>
    %and3A_91 = arith.andi %add3A_88, %and3A_90 : vector<16xi32>
    %add3A_92 = arith.constant 15 : i32
    %add3A_93 = vector.broadcast %add3A_92 : i32 to vector<16xi32>
    %add3A_94 = arith.addi %iota3A, %add3A_93 : vector<16xi32>
    %and3A_95 = arith.constant 15 : i32
    %and3A_96 = vector.broadcast %and3A_95 : i32 to vector<16xi32>
    %and3A_97 = arith.andi %add3A_94, %and3A_96 : vector<16xi32>
    %add3A_98 = arith.constant 0 : i32
    %add3A_99 = vector.broadcast %add3A_98 : i32 to vector<16xi32>
    %add3A_100 = arith.addi %iota3A, %add3A_99 : vector<16xi32>
    %add3A_101 = arith.constant 16 : i32
    %add3A_102 = vector.broadcast %add3A_101 : i32 to vector<16xi32>
    %add3A_103 = arith.addi %iota3A, %add3A_102 : vector<16xi32>
    %add3A_104 = arith.constant 32 : i32
    %add3A_105 = vector.broadcast %add3A_104 : i32 to vector<16xi32>
    %add3A_106 = arith.addi %iota3A, %add3A_105 : vector<16xi32>
    %add3A_107 = arith.constant 48 : i32
    %add3A_108 = vector.broadcast %add3A_107 : i32 to vector<16xi32>
    %add3A_109 = arith.addi %iota3A, %add3A_108 : vector<16xi32>
    %dma_start3A = arith.constant 0 : i32
    %dma_start3A_110 = arith.constant 0 : i32
    %dma_start3A_111 = arith.constant 0 : i32
    %dma_start3A_112 = arith.constant 0 : i32
    %dma_start3A_113 = arith.constant 0 : i32
    %dma_start3A_114 = tpu.memref_slice %arg6[%dma_start3A_110, %dma_start3A_112, %dma_start3A_113] : memref<2x128x64xf32, #tpu.memory_space<vmem>> -> memref<1x128x64xf32, #tpu.memory_space<vmem>>
    %dma_start3A_115 = tpu.memref_squeeze %dma_start3A_114 : memref<1x128x64xf32, #tpu.memory_space<vmem>> -> memref<128x64xf32, #tpu.memory_space<vmem>>
    %dma_start3A_116 = arith.constant 0 : i32
    %dma_start3A_117 = tpu.memref_slice %arg5[%dma_start3A, %dma_start3A_116] : memref<200x128xi32, #tpu.memory_space<vmem>> -> memref<1x128xi32, #tpu.memory_space<vmem>>
    %dma_start3A_118 = tpu.memref_squeeze %dma_start3A_117 : memref<1x128xi32, #tpu.memory_space<vmem>> -> memref<128xi32, #tpu.memory_space<vmem>>
    %dma_start3A_119 = arith.constant 0 : i32
    %dma_start3A_120 = arith.constant 0 : i32
    %dma_start3A_121 = tpu.memref_slice %arg3[%dma_start3A_119, %dma_start3A_120] : memref<1000000x64xf32, #tpu.memory_space<hbm>> -> memref<1000000x64xf32, #tpu.memory_space<hbm>>
    %dma_start3A_122 = tpu.memref_slice %arg8[%dma_start3A_111] : memref<2x!tpu.dma_semaphore, #tpu.memory_space<semaphore_mem>> -> memref<1x!tpu.dma_semaphore, #tpu.memory_space<semaphore_mem>>
    %dma_start3A_123 = tpu.memref_squeeze %dma_start3A_122 : memref<1x!tpu.dma_semaphore, #tpu.memory_space<semaphore_mem>> -> memref<!tpu.dma_semaphore, #tpu.memory_space<semaphore_mem>>
    tpu.enqueue_indirect_dma source(%dma_start3A_121 : memref<1000000x64xf32, #tpu.memory_space<hbm>>) target(%dma_start3A_115 : memref<128x64xf32, #tpu.memory_space<vmem>>) offsets(%dma_start3A_118 : memref<128xi32, #tpu.memory_space<vmem>>) semaphore(%dma_start3A_123 : memref<!tpu.dma_semaphore, #tpu.memory_space<semaphore_mem>>)
    %dma_start3A_124 = arith.constant 1 : i32
    %dma_start3A_125 = arith.constant 1 : i32
    %dma_start3A_126 = arith.constant 1 : i32
    %dma_start3A_127 = arith.constant 0 : i32
    %dma_start3A_128 = arith.constant 0 : i32
    %dma_start3A_129 = tpu.memref_slice %arg6[%dma_start3A_125, %dma_start3A_127, %dma_start3A_128] : memref<2x128x64xf32, #tpu.memory_space<vmem>> -> memref<1x128x64xf32, #tpu.memory_space<vmem>>
    %dma_start3A_130 = tpu.memref_squeeze %dma_start3A_129 : memref<1x128x64xf32, #tpu.memory_space<vmem>> -> memref<128x64xf32, #tpu.memory_space<vmem>>
    %dma_start3A_131 = arith.constant 0 : i32
    %dma_start3A_132 = tpu.memref_slice %arg5[%dma_start3A_124, %dma_start3A_131] : memref<200x128xi32, #tpu.memory_space<vmem>> -> memref<1x128xi32, #tpu.memory_space<vmem>>
    %dma_start3A_133 = tpu.memref_squeeze %dma_start3A_132 : memref<1x128xi32, #tpu.memory_space<vmem>> -> memref<128xi32, #tpu.memory_space<vmem>>
    %dma_start3A_134 = arith.constant 0 : i32
    %dma_start3A_135 = arith.constant 0 : i32
    %dma_start3A_136 = tpu.memref_slice %arg3[%dma_start3A_134, %dma_start3A_135] : memref<1000000x64xf32, #tpu.memory_space<hbm>> -> memref<1000000x64xf32, #tpu.memory_space<hbm>>
    %dma_start3A_137 = tpu.memref_slice %arg8[%dma_start3A_126] : memref<2x!tpu.dma_semaphore, #tpu.memory_space<semaphore_mem>> -> memref<1x!tpu.dma_semaphore, #tpu.memory_space<semaphore_mem>>
    %dma_start3A_138 = tpu.memref_squeeze %dma_start3A_137 : memref<1x!tpu.dma_semaphore, #tpu.memory_space<semaphore_mem>> -> memref<!tpu.dma_semaphore, #tpu.memory_space<semaphore_mem>>
    tpu.enqueue_indirect_dma source(%dma_start3A_136 : memref<1000000x64xf32, #tpu.memory_space<hbm>>) target(%dma_start3A_130 : memref<128x64xf32, #tpu.memory_space<vmem>>) offsets(%dma_start3A_133 : memref<128xi32, #tpu.memory_space<vmem>>) semaphore(%dma_start3A_138 : memref<!tpu.dma_semaphore, #tpu.memory_space<semaphore_mem>>)
    %scan3A = arith.constant 0 : i32
    %scan3A_139 = arith.constant 0 : i32
    %scan3A_140 = arith.constant 100 : i32
    %scan3A_141 = arith.addi %scan3A_139, %scan3A_140 : i32
    %scan3A_142 = arith.constant 1 : i32
    scf.for %scan3A_181 = %scan3A_139 to %scan3A_141 step %scan3A_142  : i32 {
      %mul3A_182 = arith.constant 2 : i32
      %mul3A_183 = arith.muli %scan3A_181, %mul3A_182 : i32
      %add3A_184 = arith.constant 0 : i32
      %add3A_185 = arith.addi %mul3A_183, %add3A_184 : i32
      %dma_wait3A_186 = arith.constant 0 : i32
      %dma_wait3A_187 = arith.constant 0 : i32
      %dma_wait3A_188 = arith.constant 0 : i32
      %dma_wait3A_189 = arith.constant 0 : i32
      %dma_wait3A_190 = tpu.memref_slice %arg6[%dma_wait3A_186, %dma_wait3A_188, %dma_wait3A_189] : memref<2x128x64xf32, #tpu.memory_space<vmem>> -> memref<1x128x64xf32, #tpu.memory_space<vmem>>
      %dma_wait3A_191 = tpu.memref_squeeze %dma_wait3A_190 : memref<1x128x64xf32, #tpu.memory_space<vmem>> -> memref<128x64xf32, #tpu.memory_space<vmem>>
      %dma_wait3A_192 = arith.constant 0 : i32
      %dma_wait3A_193 = tpu.memref_slice %arg5[%add3A_185, %dma_wait3A_192] : memref<200x128xi32, #tpu.memory_space<vmem>> -> memref<1x128xi32, #tpu.memory_space<vmem>>
      %dma_wait3A_194 = tpu.memref_squeeze %dma_wait3A_193 : memref<1x128xi32, #tpu.memory_space<vmem>> -> memref<128xi32, #tpu.memory_space<vmem>>
      %dma_wait3A_195 = arith.constant 0 : i32
      %dma_wait3A_196 = arith.constant 0 : i32
      %dma_wait3A_197 = tpu.memref_slice %arg3[%dma_wait3A_195, %dma_wait3A_196] : memref<1000000x64xf32, #tpu.memory_space<hbm>> -> memref<1000000x64xf32, #tpu.memory_space<hbm>>
      %dma_wait3A_198 = tpu.memref_slice %arg8[%dma_wait3A_187] : memref<2x!tpu.dma_semaphore, #tpu.memory_space<semaphore_mem>> -> memref<1x!tpu.dma_semaphore, #tpu.memory_space<semaphore_mem>>
      %dma_wait3A_199 = tpu.memref_squeeze %dma_wait3A_198 : memref<1x!tpu.dma_semaphore, #tpu.memory_space<semaphore_mem>> -> memref<!tpu.dma_semaphore, #tpu.memory_space<semaphore_mem>>
      tpu.wait_indirect_dma semaphore(%dma_wait3A_199 : memref<!tpu.dma_semaphore, #tpu.memory_space<semaphore_mem>>) src(%dma_wait3A_197 : memref<1000000x64xf32, #tpu.memory_space<hbm>>) dst(%dma_wait3A_191 : memref<128x64xf32, #tpu.memory_space<vmem>>)
      %gt3A = arith.constant 0 : i32
      %gt3A_200 = arith.cmpi sgt, %scan3A_181, %gt3A : i32
      %convert_element_type3A = arith.extui %gt3A_200 : i1 to i32
      %cond3A = arith.constant 0 : i32
      %cond3A_201 = arith.cmpi ne, %convert_element_type3A, %cond3A : i32
      scf.if %cond3A_201 {
        %sub3A = arith.constant 2 : i32
        %sub3A_280 = arith.subi %add3A_185, %sub3A : i32
        %dma_wait3A_281 = arith.constant 0 : i32
        %dma_wait3A_282 = arith.constant 0 : i32
        %dma_wait3A_283 = arith.constant 0 : i32
        %dma_wait3A_284 = arith.constant 0 : i32
        %dma_wait3A_285 = tpu.memref_slice %arg7[%dma_wait3A_281, %dma_wait3A_283, %dma_wait3A_284] : memref<2x64x128xf32, #tpu.memory_space<vmem>> -> memref<1x64x128xf32, #tpu.memory_space<vmem>>
        %dma_wait3A_286 = tpu.memref_squeeze %dma_wait3A_285 : memref<1x64x128xf32, #tpu.memory_space<vmem>> -> memref<64x128xf32, #tpu.memory_space<vmem>>
        %dma_wait3A_287 = arith.constant 0 : i32
        %dma_wait3A_288 = tpu.memref_slice %arg4[%sub3A_280, %dma_wait3A_287, %mul3A_2] : memref<200x64x4096xf32, #tpu.memory_space<hbm>> -> memref<1x64x128xf32, #tpu.memory_space<hbm>>
        %dma_wait3A_289 = tpu.memref_squeeze %dma_wait3A_288 : memref<1x64x128xf32, #tpu.memory_space<hbm>> -> memref<64x128xf32, #tpu.memory_space<hbm>>
        %dma_wait3A_290 = tpu.memref_slice %arg9[%dma_wait3A_282] : memref<2x!tpu.dma_semaphore, #tpu.memory_space<semaphore_mem>> -> memref<1x!tpu.dma_semaphore, #tpu.memory_space<semaphore_mem>>
        %dma_wait3A_291 = tpu.memref_squeeze %dma_wait3A_290 : memref<1x!tpu.dma_semaphore, #tpu.memory_space<semaphore_mem>> -> memref<!tpu.dma_semaphore, #tpu.memory_space<semaphore_mem>>
        %dma_wait3A_292 = arith.constant 0 : i32
        %dma_wait3A_293 = tpu.memref_slice %arg4[%sub3A_280, %dma_wait3A_292, %mul3A_2] : memref<200x64x4096xf32, #tpu.memory_space<hbm>> -> memref<1x64x128xf32, #tpu.memory_space<hbm>>
        %dma_wait3A_294 = tpu.memref_squeeze %dma_wait3A_293 : memref<1x64x128xf32, #tpu.memory_space<hbm>> -> memref<64x128xf32, #tpu.memory_space<hbm>>
        %dma_wait3A_295 = arith.constant 0 : i32
        %dma_wait3A_296 = arith.constant 0 : i32
        %dma_wait3A_297 = tpu.memref_slice %arg7[%dma_wait3A_281, %dma_wait3A_295, %dma_wait3A_296] : memref<2x64x128xf32, #tpu.memory_space<vmem>> -> memref<1x64x128xf32, #tpu.memory_space<vmem>>
        %dma_wait3A_298 = tpu.memref_squeeze %dma_wait3A_297 : memref<1x64x128xf32, #tpu.memory_space<vmem>> -> memref<64x128xf32, #tpu.memory_space<vmem>>
        tpu.wait_dma2 semaphore(%dma_wait3A_291 : memref<!tpu.dma_semaphore, #tpu.memory_space<semaphore_mem>>) src(%dma_wait3A_298 : memref<64x128xf32, #tpu.memory_space<vmem>>) dst(%dma_wait3A_294 : memref<64x128xf32, #tpu.memory_space<hbm>>)
      } else {
      }
      %scan3A_202 = arith.constant 0 : i32
      %scan3A_203 = arith.constant 0 : i32
      %scan3A_204 = arith.constant 8 : i32
      %scan3A_205 = arith.addi %scan3A_203, %scan3A_204 : i32
      %scan3A_206 = arith.constant 1 : i32
      scf.for %scan3A_280 = %scan3A_203 to %scan3A_205 step %scan3A_206  : i32 {
        %mul3A_281 = arith.constant 16 : i32
        %mul3A_282 = arith.muli %scan3A_280, %mul3A_281 : i32
        %add3A_283 = vector.broadcast %mul3A_282 : i32 to vector<16xi32>
        %add3A_284 = arith.addi %and3A_7, %add3A_283 : vector<16xi32>
        %gather3A = arith.constant 0 : i32
        %gather3A_285 = arith.constant 0 : i32
        %gather3A_286 = arith.constant 0 : i32
        %gather3A_287 = tpu.memref_slice %arg6[%gather3A, %gather3A_285, %gather3A_286] : memref<2x128x64xf32, #tpu.memory_space<vmem>> -> memref<1x128x64xf32, #tpu.memory_space<vmem>>
        %gather3A_288 = tpu.memref_squeeze %gather3A_287 : memref<1x128x64xf32, #tpu.memory_space<vmem>> -> memref<128x64xf32, #tpu.memory_space<vmem>>
        %gather3A_289 = tpu.vector_load_idx %gather3A_288[%add3A_284, %add3A_100] : memref<128x64xf32, #tpu.memory_space<vmem>>[vector<16xi32>, vector<16xi32>], vector<16xf32>,
        %scatter3A = arith.constant 0 : i32
        %scatter3A_290 = arith.constant 0 : i32
        %scatter3A_291 = arith.constant 0 : i32
        %scatter3A_292 = tpu.memref_slice %arg7[%scatter3A, %scatter3A_290, %scatter3A_291] : memref<2x64x128xf32, #tpu.memory_space<vmem>> -> memref<1x64x128xf32, #tpu.memory_space<vmem>>
        %scatter3A_293 = tpu.memref_squeeze %scatter3A_292 : memref<1x64x128xf32, #tpu.memory_space<vmem>> -> memref<64x128xf32, #tpu.memory_space<vmem>>
        tpu.vector_store_idx %scatter3A_293[%add3A_100, %add3A_284], %gather3A_289 : memref<64x128xf32, #tpu.memory_space<vmem>>[vector<16xi32>, vector<16xi32>], vector<16xf32>,
        %add3A_294 = vector.broadcast %mul3A_282 : i32 to vector<16xi32>
        %add3A_295 = arith.addi %and3A_13, %add3A_294 : vector<16xi32>
        %gather3A_296 = arith.constant 0 : i32
        %gather3A_297 = arith.constant 0 : i32
        %gather3A_298 = arith.constant 0 : i32
        %gather3A_299 = tpu.memref_slice %arg6[%gather3A_296, %gather3A_297, %gather3A_298] : memref<2x128x64xf32, #tpu.memory_space<vmem>> -> memref<1x128x64xf32, #tpu.memory_space<vmem>>
        %gather3A_300 = tpu.memref_squeeze %gather3A_299 : memref<1x128x64xf32, #tpu.memory_space<vmem>> -> memref<128x64xf32, #tpu.memory_space<vmem>>
        %gather3A_301 = tpu.vector_load_idx %gather3A_300[%add3A_295, %add3A_100] : memref<128x64xf32, #tpu.memory_space<vmem>>[vector<16xi32>, vector<16xi32>], vector<16xf32>,
        %scatter3A_302 = arith.constant 0 : i32
        %scatter3A_303 = arith.constant 0 : i32
        %scatter3A_304 = arith.constant 0 : i32
        %scatter3A_305 = tpu.memref_slice %arg7[%scatter3A_302, %scatter3A_303, %scatter3A_304] : memref<2x64x128xf32, #tpu.memory_space<vmem>> -> memref<1x64x128xf32, #tpu.memory_space<vmem>>
        %scatter3A_306 = tpu.memref_squeeze %scatter3A_305 : memref<1x64x128xf32, #tpu.memory_space<vmem>> -> memref<64x128xf32, #tpu.memory_space<vmem>>
        tpu.vector_store_idx %scatter3A_306[%add3A_100, %add3A_295], %gather3A_301 : memref<64x128xf32, #tpu.memory_space<vmem>>[vector<16xi32>, vector<16xi32>], vector<16xf32>,
        %add3A_307 = vector.broadcast %mul3A_282 : i32 to vector<16xi32>
        %add3A_308 = arith.addi %and3A_19, %add3A_307 : vector<16xi32>
        %gather3A_309 = arith.constant 0 : i32
        %gather3A_310 = arith.constant 0 : i32
        %gather3A_311 = arith.constant 0 : i32
        %gather3A_312 = tpu.memref_slice %arg6[%gather3A_309, %gather3A_310, %gather3A_311] : memref<2x128x64xf32, #tpu.memory_space<vmem>> -> memref<1x128x64xf32, #tpu.memory_space<vmem>>
        %gather3A_313 = tpu.memref_squeeze %gather3A_312 : memref<1x128x64xf32, #tpu.memory_space<vmem>> -> memref<128x64xf32, #tpu.memory_space<vmem>>
        %gather3A_314 = tpu.vector_load_idx %gather3A_313[%add3A_308, %add3A_100] : memref<128x64xf32, #tpu.memory_space<vmem>>[vector<16xi32>, vector<16xi32>], vector<16xf32>,
        %scatter3A_315 = arith.constant 0 : i32
        %scatter3A_316 = arith.constant 0 : i32
        %scatter3A_317 = arith.constant 0 : i32
        %scatter3A_318 = tpu.memref_slice %arg7[%scatter3A_315, %scatter3A_316, %scatter3A_317] : memref<2x64x128xf32, #tpu.memory_space<vmem>> -> memref<1x64x128xf32, #tpu.memory_space<vmem>>
        %scatter3A_319 = tpu.memref_squeeze %scatter3A_318 : memref<1x64x128xf32, #tpu.memory_space<vmem>> -> memref<64x128xf32, #tpu.memory_space<vmem>>
        tpu.vector_store_idx %scatter3A_319[%add3A_100, %add3A_308], %gather3A_314 : memref<64x128xf32, #tpu.memory_space<vmem>>[vector<16xi32>, vector<16xi32>], vector<16xf32>,
        %add3A_320 = vector.broadcast %mul3A_282 : i32 to vector<16xi32>
        %add3A_321 = arith.addi %and3A_25, %add3A_320 : vector<16xi32>
        %gather3A_322 = arith.constant 0 : i32
        %gather3A_323 = arith.constant 0 : i32
        %gather3A_324 = arith.constant 0 : i32
        %gather3A_325 = tpu.memref_slice %arg6[%gather3A_322, %gather3A_323, %gather3A_324] : memref<2x128x64xf32, #tpu.memory_space<vmem>> -> memref<1x128x64xf32, #tpu.memory_space<vmem>>
        %gather3A_326 = tpu.memref_squeeze %gather3A_325 : memref<1x128x64xf32, #tpu.memory_space<vmem>> -> memref<128x64xf32, #tpu.memory_space<vmem>>
        %gather3A_327 = tpu.vector_load_idx %gather3A_326[%add3A_321, %add3A_100] : memref<128x64xf32, #tpu.memory_space<vmem>>[vector<16xi32>, vector<16xi32>], vector<16xf32>,
        %scatter3A_328 = arith.constant 0 : i32
        %scatter3A_329 = arith.constant 0 : i32
        %scatter3A_330 = arith.constant 0 : i32
        %scatter3A_331 = tpu.memref_slice %arg7[%scatter3A_328, %scatter3A_329, %scatter3A_330] : memref<2x64x128xf32, #tpu.memory_space<vmem>> -> memref<1x64x128xf32, #tpu.memory_space<vmem>>
        %scatter3A_332 = tpu.memref_squeeze %scatter3A_331 : memref<1x64x128xf32, #tpu.memory_space<vmem>> -> memref<64x128xf32, #tpu.memory_space<vmem>>
        tpu.vector_store_idx %scatter3A_332[%add3A_100, %add3A_321], %gather3A_327 : memref<64x128xf32, #tpu.memory_space<vmem>>[vector<16xi32>, vector<16xi32>], vector<16xf32>,
        %add3A_333 = vector.broadcast %mul3A_282 : i32 to vector<16xi32>
        %add3A_334 = arith.addi %and3A_31, %add3A_333 : vector<16xi32>
        %gather3A_335 = arith.constant 0 : i32
        %gather3A_336 = arith.constant 0 : i32
        %gather3A_337 = arith.constant 0 : i32
        %gather3A_338 = tpu.memref_slice %arg6[%gather3A_335, %gather3A_336, %gather3A_337] : memref<2x128x64xf32, #tpu.memory_space<vmem>> -> memref<1x128x64xf32, #tpu.memory_space<vmem>>
        %gather3A_339 = tpu.memref_squeeze %gather3A_338 : memref<1x128x64xf32, #tpu.memory_space<vmem>> -> memref<128x64xf32, #tpu.memory_space<vmem>>
        %gather3A_340 = tpu.vector_load_idx %gather3A_339[%add3A_334, %add3A_100] : memref<128x64xf32, #tpu.memory_space<vmem>>[vector<16xi32>, vector<16xi32>], vector<16xf32>,
        %scatter3A_341 = arith.constant 0 : i32
        %scatter3A_342 = arith.constant 0 : i32
        %scatter3A_343 = arith.constant 0 : i32
        %scatter3A_344 = tpu.memref_slice %arg7[%scatter3A_341, %scatter3A_342, %scatter3A_343] : memref<2x64x128xf32, #tpu.memory_space<vmem>> -> memref<1x64x128xf32, #tpu.memory_space<vmem>>
        %scatter3A_345 = tpu.memref_squeeze %scatter3A_344 : memref<1x64x128xf32, #tpu.memory_space<vmem>> -> memref<64x128xf32, #tpu.memory_space<vmem>>
        tpu.vector_store_idx %scatter3A_345[%add3A_100, %add3A_334], %gather3A_340 : memref<64x128xf32, #tpu.memory_space<vmem>>[vector<16xi32>, vector<16xi32>], vector<16xf32>,
        %add3A_346 = vector.broadcast %mul3A_282 : i32 to vector<16xi32>
        %add3A_347 = arith.addi %and3A_37, %add3A_346 : vector<16xi32>
        %gather3A_348 = arith.constant 0 : i32
        %gather3A_349 = arith.constant 0 : i32
        %gather3A_350 = arith.constant 0 : i32
        %gather3A_351 = tpu.memref_slice %arg6[%gather3A_348, %gather3A_349, %gather3A_350] : memref<2x128x64xf32, #tpu.memory_space<vmem>> -> memref<1x128x64xf32, #tpu.memory_space<vmem>>
        %gather3A_352 = tpu.memref_squeeze %gather3A_351 : memref<1x128x64xf32, #tpu.memory_space<vmem>> -> memref<128x64xf32, #tpu.memory_space<vmem>>
        %gather3A_353 = tpu.vector_load_idx %gather3A_352[%add3A_347, %add3A_100] : memref<128x64xf32, #tpu.memory_space<vmem>>[vector<16xi32>, vector<16xi32>], vector<16xf32>,
        %scatter3A_354 = arith.constant 0 : i32
        %scatter3A_355 = arith.constant 0 : i32
        %scatter3A_356 = arith.constant 0 : i32
        %scatter3A_357 = tpu.memref_slice %arg7[%scatter3A_354, %scatter3A_355, %scatter3A_356] : memref<2x64x128xf32, #tpu.memory_space<vmem>> -> memref<1x64x128xf32, #tpu.memory_space<vmem>>
        %scatter3A_358 = tpu.memref_squeeze %scatter3A_357 : memref<1x64x128xf32, #tpu.memory_space<vmem>> -> memref<64x128xf32, #tpu.memory_space<vmem>>
        tpu.vector_store_idx %scatter3A_358[%add3A_100, %add3A_347], %gather3A_353 : memref<64x128xf32, #tpu.memory_space<vmem>>[vector<16xi32>, vector<16xi32>], vector<16xf32>,
        %add3A_359 = vector.broadcast %mul3A_282 : i32 to vector<16xi32>
        %add3A_360 = arith.addi %and3A_43, %add3A_359 : vector<16xi32>
        %gather3A_361 = arith.constant 0 : i32
        %gather3A_362 = arith.constant 0 : i32
        %gather3A_363 = arith.constant 0 : i32
        %gather3A_364 = tpu.memref_slice %arg6[%gather3A_361, %gather3A_362, %gather3A_363] : memref<2x128x64xf32, #tpu.memory_space<vmem>> -> memref<1x128x64xf32, #tpu.memory_space<vmem>>
        %gather3A_365 = tpu.memref_squeeze %gather3A_364 : memref<1x128x64xf32, #tpu.memory_space<vmem>> -> memref<128x64xf32, #tpu.memory_space<vmem>>
        %gather3A_366 = tpu.vector_load_idx %gather3A_365[%add3A_360, %add3A_100] : memref<128x64xf32, #tpu.memory_space<vmem>>[vector<16xi32>, vector<16xi32>], vector<16xf32>,
        %scatter3A_367 = arith.constant 0 : i32
        %scatter3A_368 = arith.constant 0 : i32
        %scatter3A_369 = arith.constant 0 : i32
        %scatter3A_370 = tpu.memref_slice %arg7[%scatter3A_367, %scatter3A_368, %scatter3A_369] : memref<2x64x128xf32, #tpu.memory_space<vmem>> -> memref<1x64x128xf32, #tpu.memory_space<vmem>>
        %scatter3A_371 = tpu.memref_squeeze %scatter3A_370 : memref<1x64x128xf32, #tpu.memory_space<vmem>> -> memref<64x128xf32, #tpu.memory_space<vmem>>
        tpu.vector_store_idx %scatter3A_371[%add3A_100, %add3A_360], %gather3A_366 : memref<64x128xf32, #tpu.memory_space<vmem>>[vector<16xi32>, vector<16xi32>], vector<16xf32>,
        %add3A_372 = vector.broadcast %mul3A_282 : i32 to vector<16xi32>
        %add3A_373 = arith.addi %and3A_49, %add3A_372 : vector<16xi32>
        %gather3A_374 = arith.constant 0 : i32
        %gather3A_375 = arith.constant 0 : i32
        %gather3A_376 = arith.constant 0 : i32
        %gather3A_377 = tpu.memref_slice %arg6[%gather3A_374, %gather3A_375, %gather3A_376] : memref<2x128x64xf32, #tpu.memory_space<vmem>> -> memref<1x128x64xf32, #tpu.memory_space<vmem>>
        %gather3A_378 = tpu.memref_squeeze %gather3A_377 : memref<1x128x64xf32, #tpu.memory_space<vmem>> -> memref<128x64xf32, #tpu.memory_space<vmem>>
        %gather3A_379 = tpu.vector_load_idx %gather3A_378[%add3A_373, %add3A_100] : memref<128x64xf32, #tpu.memory_space<vmem>>[vector<16xi32>, vector<16xi32>], vector<16xf32>,
        %scatter3A_380 = arith.constant 0 : i32
        %scatter3A_381 = arith.constant 0 : i32
        %scatter3A_382 = arith.constant 0 : i32
        %scatter3A_383 = tpu.memref_slice %arg7[%scatter3A_380, %scatter3A_381, %scatter3A_382] : memref<2x64x128xf32, #tpu.memory_space<vmem>> -> memref<1x64x128xf32, #tpu.memory_space<vmem>>
        %scatter3A_384 = tpu.memref_squeeze %scatter3A_383 : memref<1x64x128xf32, #tpu.memory_space<vmem>> -> memref<64x128xf32, #tpu.memory_space<vmem>>
        tpu.vector_store_idx %scatter3A_384[%add3A_100, %add3A_373], %gather3A_379 : memref<64x128xf32, #tpu.memory_space<vmem>>[vector<16xi32>, vector<16xi32>], vector<16xf32>,
        %add3A_385 = vector.broadcast %mul3A_282 : i32 to vector<16xi32>
        %add3A_386 = arith.addi %and3A_55, %add3A_385 : vector<16xi32>
        %gather3A_387 = arith.constant 0 : i32
        %gather3A_388 = arith.constant 0 : i32
        %gather3A_389 = arith.constant 0 : i32
        %gather3A_390 = tpu.memref_slice %arg6[%gather3A_387, %gather3A_388, %gather3A_389] : memref<2x128x64xf32, #tpu.memory_space<vmem>> -> memref<1x128x64xf32, #tpu.memory_space<vmem>>
        %gather3A_391 = tpu.memref_squeeze %gather3A_390 : memref<1x128x64xf32, #tpu.memory_space<vmem>> -> memref<128x64xf32, #tpu.memory_space<vmem>>
        %gather3A_392 = tpu.vector_load_idx %gather3A_391[%add3A_386, %add3A_100] : memref<128x64xf32, #tpu.memory_space<vmem>>[vector<16xi32>, vector<16xi32>], vector<16xf32>,
        %scatter3A_393 = arith.constant 0 : i32
        %scatter3A_394 = arith.constant 0 : i32
        %scatter3A_395 = arith.constant 0 : i32
        %scatter3A_396 = tpu.memref_slice %arg7[%scatter3A_393, %scatter3A_394, %scatter3A_395] : memref<2x64x128xf32, #tpu.memory_space<vmem>> -> memref<1x64x128xf32, #tpu.memory_space<vmem>>
        %scatter3A_397 = tpu.memref_squeeze %scatter3A_396 : memref<1x64x128xf32, #tpu.memory_space<vmem>> -> memref<64x128xf32, #tpu.memory_space<vmem>>
        tpu.vector_store_idx %scatter3A_397[%add3A_100, %add3A_386], %gather3A_392 : memref<64x128xf32, #tpu.memory_space<vmem>>[vector<16xi32>, vector<16xi32>], vector<16xf32>,
        %add3A_398 = vector.broadcast %mul3A_282 : i32 to vector<16xi32>
        %add3A_399 = arith.addi %and3A_61, %add3A_398 : vector<16xi32>
        %gather3A_400 = arith.constant 0 : i32
        %gather3A_401 = arith.constant 0 : i32
        %gather3A_402 = arith.constant 0 : i32
        %gather3A_403 = tpu.memref_slice %arg6[%gather3A_400, %gather3A_401, %gather3A_402] : memref<2x128x64xf32, #tpu.memory_space<vmem>> -> memref<1x128x64xf32, #tpu.memory_space<vmem>>
        %gather3A_404 = tpu.memref_squeeze %gather3A_403 : memref<1x128x64xf32, #tpu.memory_space<vmem>> -> memref<128x64xf32, #tpu.memory_space<vmem>>
        %gather3A_405 = tpu.vector_load_idx %gather3A_404[%add3A_399, %add3A_100] : memref<128x64xf32, #tpu.memory_space<vmem>>[vector<16xi32>, vector<16xi32>], vector<16xf32>,
        %scatter3A_406 = arith.constant 0 : i32
        %scatter3A_407 = arith.constant 0 : i32
        %scatter3A_408 = arith.constant 0 : i32
        %scatter3A_409 = tpu.memref_slice %arg7[%scatter3A_406, %scatter3A_407, %scatter3A_408] : memref<2x64x128xf32, #tpu.memory_space<vmem>> -> memref<1x64x128xf32, #tpu.memory_space<vmem>>
        %scatter3A_410 = tpu.memref_squeeze %scatter3A_409 : memref<1x64x128xf32, #tpu.memory_space<vmem>> -> memref<64x128xf32, #tpu.memory_space<vmem>>
        tpu.vector_store_idx %scatter3A_410[%add3A_100, %add3A_399], %gather3A_405 : memref<64x128xf32, #tpu.memory_space<vmem>>[vector<16xi32>, vector<16xi32>], vector<16xf32>,
        %add3A_411 = vector.broadcast %mul3A_282 : i32 to vector<16xi32>
        %add3A_412 = arith.addi %and3A_67, %add3A_411 : vector<16xi32>
        %gather3A_413 = arith.constant 0 : i32
        %gather3A_414 = arith.constant 0 : i32
        %gather3A_415 = arith.constant 0 : i32
        %gather3A_416 = tpu.memref_slice %arg6[%gather3A_413, %gather3A_414, %gather3A_415] : memref<2x128x64xf32, #tpu.memory_space<vmem>> -> memref<1x128x64xf32, #tpu.memory_space<vmem>>
        %gather3A_417 = tpu.memref_squeeze %gather3A_416 : memref<1x128x64xf32, #tpu.memory_space<vmem>> -> memref<128x64xf32, #tpu.memory_space<vmem>>
        %gather3A_418 = tpu.vector_load_idx %gather3A_417[%add3A_412, %add3A_100] : memref<128x64xf32, #tpu.memory_space<vmem>>[vector<16xi32>, vector<16xi32>], vector<16xf32>,
        %scatter3A_419 = arith.constant 0 : i32
        %scatter3A_420 = arith.constant 0 : i32
        %scatter3A_421 = arith.constant 0 : i32
        %scatter3A_422 = tpu.memref_slice %arg7[%scatter3A_419, %scatter3A_420, %scatter3A_421] : memref<2x64x128xf32, #tpu.memory_space<vmem>> -> memref<1x64x128xf32, #tpu.memory_space<vmem>>
        %scatter3A_423 = tpu.memref_squeeze %scatter3A_422 : memref<1x64x128xf32, #tpu.memory_space<vmem>> -> memref<64x128xf32, #tpu.memory_space<vmem>>
        tpu.vector_store_idx %scatter3A_423[%add3A_100, %add3A_412], %gather3A_418 : memref<64x128xf32, #tpu.memory_space<vmem>>[vector<16xi32>, vector<16xi32>], vector<16xf32>,
        %add3A_424 = vector.broadcast %mul3A_282 : i32 to vector<16xi32>
        %add3A_425 = arith.addi %and3A_73, %add3A_424 : vector<16xi32>
        %gather3A_426 = arith.constant 0 : i32
        %gather3A_427 = arith.constant 0 : i32
        %gather3A_428 = arith.constant 0 : i32
        %gather3A_429 = tpu.memref_slice %arg6[%gather3A_426, %gather3A_427, %gather3A_428] : memref<2x128x64xf32, #tpu.memory_space<vmem>> -> memref<1x128x64xf32, #tpu.memory_space<vmem>>
        %gather3A_430 = tpu.memref_squeeze %gather3A_429 : memref<1x128x64xf32, #tpu.memory_space<vmem>> -> memref<128x64xf32, #tpu.memory_space<vmem>>
        %gather3A_431 = tpu.vector_load_idx %gather3A_430[%add3A_425, %add3A_100] : memref<128x64xf32, #tpu.memory_space<vmem>>[vector<16xi32>, vector<16xi32>], vector<16xf32>,
        %scatter3A_432 = arith.constant 0 : i32
        %scatter3A_433 = arith.constant 0 : i32
        %scatter3A_434 = arith.constant 0 : i32
        %scatter3A_435 = tpu.memref_slice %arg7[%scatter3A_432, %scatter3A_433, %scatter3A_434] : memref<2x64x128xf32, #tpu.memory_space<vmem>> -> memref<1x64x128xf32, #tpu.memory_space<vmem>>
        %scatter3A_436 = tpu.memref_squeeze %scatter3A_435 : memref<1x64x128xf32, #tpu.memory_space<vmem>> -> memref<64x128xf32, #tpu.memory_space<vmem>>
        tpu.vector_store_idx %scatter3A_436[%add3A_100, %add3A_425], %gather3A_431 : memref<64x128xf32, #tpu.memory_space<vmem>>[vector<16xi32>, vector<16xi32>], vector<16xf32>,
        %add3A_437 = vector.broadcast %mul3A_282 : i32 to vector<16xi32>
        %add3A_438 = arith.addi %and3A_79, %add3A_437 : vector<16xi32>
        %gather3A_439 = arith.constant 0 : i32
        %gather3A_440 = arith.constant 0 : i32
        %gather3A_441 = arith.constant 0 : i32
        %gather3A_442 = tpu.memref_slice %arg6[%gather3A_439, %gather3A_440, %gather3A_441] : memref<2x128x64xf32, #tpu.memory_space<vmem>> -> memref<1x128x64xf32, #tpu.memory_space<vmem>>
        %gather3A_443 = tpu.memref_squeeze %gather3A_442 : memref<1x128x64xf32, #tpu.memory_space<vmem>> -> memref<128x64xf32, #tpu.memory_space<vmem>>
        %gather3A_444 = tpu.vector_load_idx %gather3A_443[%add3A_438, %add3A_100] : memref<128x64xf32, #tpu.memory_space<vmem>>[vector<16xi32>, vector<16xi32>], vector<16xf32>,
        %scatter3A_445 = arith.constant 0 : i32
        %scatter3A_446 = arith.constant 0 : i32
        %scatter3A_447 = arith.constant 0 : i32
        %scatter3A_448 = tpu.memref_slice %arg7[%scatter3A_445, %scatter3A_446, %scatter3A_447] : memref<2x64x128xf32, #tpu.memory_space<vmem>> -> memref<1x64x128xf32, #tpu.memory_space<vmem>>
        %scatter3A_449 = tpu.memref_squeeze %scatter3A_448 : memref<1x64x128xf32, #tpu.memory_space<vmem>> -> memref<64x128xf32, #tpu.memory_space<vmem>>
        tpu.vector_store_idx %scatter3A_449[%add3A_100, %add3A_438], %gather3A_444 : memref<64x128xf32, #tpu.memory_space<vmem>>[vector<16xi32>, vector<16xi32>], vector<16xf32>,
        %add3A_450 = vector.broadcast %mul3A_282 : i32 to vector<16xi32>
        %add3A_451 = arith.addi %and3A_85, %add3A_450 : vector<16xi32>
        %gather3A_452 = arith.constant 0 : i32
        %gather3A_453 = arith.constant 0 : i32
        %gather3A_454 = arith.constant 0 : i32
        %gather3A_455 = tpu.memref_slice %arg6[%gather3A_452, %gather3A_453, %gather3A_454] : memref<2x128x64xf32, #tpu.memory_space<vmem>> -> memref<1x128x64xf32, #tpu.memory_space<vmem>>
        %gather3A_456 = tpu.memref_squeeze %gather3A_455 : memref<1x128x64xf32, #tpu.memory_space<vmem>> -> memref<128x64xf32, #tpu.memory_space<vmem>>
        %gather3A_457 = tpu.vector_load_idx %gather3A_456[%add3A_451, %add3A_100] : memref<128x64xf32, #tpu.memory_space<vmem>>[vector<16xi32>, vector<16xi32>], vector<16xf32>,
        %scatter3A_458 = arith.constant 0 : i32
        %scatter3A_459 = arith.constant 0 : i32
        %scatter3A_460 = arith.constant 0 : i32
        %scatter3A_461 = tpu.memref_slice %arg7[%scatter3A_458, %scatter3A_459, %scatter3A_460] : memref<2x64x128xf32, #tpu.memory_space<vmem>> -> memref<1x64x128xf32, #tpu.memory_space<vmem>>
        %scatter3A_462 = tpu.memref_squeeze %scatter3A_461 : memref<1x64x128xf32, #tpu.memory_space<vmem>> -> memref<64x128xf32, #tpu.memory_space<vmem>>
        tpu.vector_store_idx %scatter3A_462[%add3A_100, %add3A_451], %gather3A_457 : memref<64x128xf32, #tpu.memory_space<vmem>>[vector<16xi32>, vector<16xi32>], vector<16xf32>,
        %add3A_463 = vector.broadcast %mul3A_282 : i32 to vector<16xi32>
        %add3A_464 = arith.addi %and3A_91, %add3A_463 : vector<16xi32>
        %gather3A_465 = arith.constant 0 : i32
        %gather3A_466 = arith.constant 0 : i32
        %gather3A_467 = arith.constant 0 : i32
        %gather3A_468 = tpu.memref_slice %arg6[%gather3A_465, %gather3A_466, %gather3A_467] : memref<2x128x64xf32, #tpu.memory_space<vmem>> -> memref<1x128x64xf32, #tpu.memory_space<vmem>>
        %gather3A_469 = tpu.memref_squeeze %gather3A_468 : memref<1x128x64xf32, #tpu.memory_space<vmem>> -> memref<128x64xf32, #tpu.memory_space<vmem>>
        %gather3A_470 = tpu.vector_load_idx %gather3A_469[%add3A_464, %add3A_100] : memref<128x64xf32, #tpu.memory_space<vmem>>[vector<16xi32>, vector<16xi32>], vector<16xf32>,
        %scatter3A_471 = arith.constant 0 : i32
        %scatter3A_472 = arith.constant 0 : i32
        %scatter3A_473 = arith.constant 0 : i32
        %scatter3A_474 = tpu.memref_slice %arg7[%scatter3A_471, %scatter3A_472, %scatter3A_473] : memref<2x64x128xf32, #tpu.memory_space<vmem>> -> memref<1x64x128xf32, #tpu.memory_space<vmem>>
        %scatter3A_475 = tpu.memref_squeeze %scatter3A_474 : memref<1x64x128xf32, #tpu.memory_space<vmem>> -> memref<64x128xf32, #tpu.memory_space<vmem>>
        tpu.vector_store_idx %scatter3A_475[%add3A_100, %add3A_464], %gather3A_470 : memref<64x128xf32, #tpu.memory_space<vmem>>[vector<16xi32>, vector<16xi32>], vector<16xf32>,
        %add3A_476 = vector.broadcast %mul3A_282 : i32 to vector<16xi32>
        %add3A_477 = arith.addi %and3A_97, %add3A_476 : vector<16xi32>
        %gather3A_478 = arith.constant 0 : i32
        %gather3A_479 = arith.constant 0 : i32
        %gather3A_480 = arith.constant 0 : i32
        %gather3A_481 = tpu.memref_slice %arg6[%gather3A_478, %gather3A_479, %gather3A_480] : memref<2x128x64xf32, #tpu.memory_space<vmem>> -> memref<1x128x64xf32, #tpu.memory_space<vmem>>
        %gather3A_482 = tpu.memref_squeeze %gather3A_481 : memref<1x128x64xf32, #tpu.memory_space<vmem>> -> memref<128x64xf32, #tpu.memory_space<vmem>>
        %gather3A_483 = tpu.vector_load_idx %gather3A_482[%add3A_477, %add3A_100] : memref<128x64xf32, #tpu.memory_space<vmem>>[vector<16xi32>, vector<16xi32>], vector<16xf32>,
        %scatter3A_484 = arith.constant 0 : i32
        %scatter3A_485 = arith.constant 0 : i32
        %scatter3A_486 = arith.constant 0 : i32
        %scatter3A_487 = tpu.memref_slice %arg7[%scatter3A_484, %scatter3A_485, %scatter3A_486] : memref<2x64x128xf32, #tpu.memory_space<vmem>> -> memref<1x64x128xf32, #tpu.memory_space<vmem>>
        %scatter3A_488 = tpu.memref_squeeze %scatter3A_487 : memref<1x64x128xf32, #tpu.memory_space<vmem>> -> memref<64x128xf32, #tpu.memory_space<vmem>>
        tpu.vector_store_idx %scatter3A_488[%add3A_100, %add3A_477], %gather3A_483 : memref<64x128xf32, #tpu.memory_space<vmem>>[vector<16xi32>, vector<16xi32>], vector<16xf32>,
        %add3A_489 = vector.broadcast %mul3A_282 : i32 to vector<16xi32>
        %add3A_490 = arith.addi %and3A_7, %add3A_489 : vector<16xi32>
        %gather3A_491 = arith.constant 0 : i32
        %gather3A_492 = arith.constant 0 : i32
        %gather3A_493 = arith.constant 0 : i32
        %gather3A_494 = tpu.memref_slice %arg6[%gather3A_491, %gather3A_492, %gather3A_493] : memref<2x128x64xf32, #tpu.memory_space<vmem>> -> memref<1x128x64xf32, #tpu.memory_space<vmem>>
        %gather3A_495 = tpu.memref_squeeze %gather3A_494 : memref<1x128x64xf32, #tpu.memory_space<vmem>> -> memref<128x64xf32, #tpu.memory_space<vmem>>
        %gather3A_496 = tpu.vector_load_idx %gather3A_495[%add3A_490, %add3A_103] : memref<128x64xf32, #tpu.memory_space<vmem>>[vector<16xi32>, vector<16xi32>], vector<16xf32>,
        %scatter3A_497 = arith.constant 0 : i32
        %scatter3A_498 = arith.constant 0 : i32
        %scatter3A_499 = arith.constant 0 : i32
        %scatter3A_500 = tpu.memref_slice %arg7[%scatter3A_497, %scatter3A_498, %scatter3A_499] : memref<2x64x128xf32, #tpu.memory_space<vmem>> -> memref<1x64x128xf32, #tpu.memory_space<vmem>>
        %scatter3A_501 = tpu.memref_squeeze %scatter3A_500 : memref<1x64x128xf32, #tpu.memory_space<vmem>> -> memref<64x128xf32, #tpu.memory_space<vmem>>
        tpu.vector_store_idx %scatter3A_501[%add3A_103, %add3A_490], %gather3A_496 : memref<64x128xf32, #tpu.memory_space<vmem>>[vector<16xi32>, vector<16xi32>], vector<16xf32>,
        %add3A_502 = vector.broadcast %mul3A_282 : i32 to vector<16xi32>
        %add3A_503 = arith.addi %and3A_13, %add3A_502 : vector<16xi32>
        %gather3A_504 = arith.constant 0 : i32
        %gather3A_505 = arith.constant 0 : i32
        %gather3A_506 = arith.constant 0 : i32
        %gather3A_507 = tpu.memref_slice %arg6[%gather3A_504, %gather3A_505, %gather3A_506] : memref<2x128x64xf32, #tpu.memory_space<vmem>> -> memref<1x128x64xf32, #tpu.memory_space<vmem>>
        %gather3A_508 = tpu.memref_squeeze %gather3A_507 : memref<1x128x64xf32, #tpu.memory_space<vmem>> -> memref<128x64xf32, #tpu.memory_space<vmem>>
        %gather3A_509 = tpu.vector_load_idx %gather3A_508[%add3A_503, %add3A_103] : memref<128x64xf32, #tpu.memory_space<vmem>>[vector<16xi32>, vector<16xi32>], vector<16xf32>,
        %scatter3A_510 = arith.constant 0 : i32
        %scatter3A_511 = arith.constant 0 : i32
        %scatter3A_512 = arith.constant 0 : i32
        %scatter3A_513 = tpu.memref_slice %arg7[%scatter3A_510, %scatter3A_511, %scatter3A_512] : memref<2x64x128xf32, #tpu.memory_space<vmem>> -> memref<1x64x128xf32, #tpu.memory_space<vmem>>
        %scatter3A_514 = tpu.memref_squeeze %scatter3A_513 : memref<1x64x128xf32, #tpu.memory_space<vmem>> -> memref<64x128xf32, #tpu.memory_space<vmem>>
        tpu.vector_store_idx %scatter3A_514[%add3A_103, %add3A_503], %gather3A_509 : memref<64x128xf32, #tpu.memory_space<vmem>>[vector<16xi32>, vector<16xi32>], vector<16xf32>,
        %add3A_515 = vector.broadcast %mul3A_282 : i32 to vector<16xi32>
        %add3A_516 = arith.addi %and3A_19, %add3A_515 : vector<16xi32>
        %gather3A_517 = arith.constant 0 : i32
        %gather3A_518 = arith.constant 0 : i32
        %gather3A_519 = arith.constant 0 : i32
        %gather3A_520 = tpu.memref_slice %arg6[%gather3A_517, %gather3A_518, %gather3A_519] : memref<2x128x64xf32, #tpu.memory_space<vmem>> -> memref<1x128x64xf32, #tpu.memory_space<vmem>>
        %gather3A_521 = tpu.memref_squeeze %gather3A_520 : memref<1x128x64xf32, #tpu.memory_space<vmem>> -> memref<128x64xf32, #tpu.memory_space<vmem>>
        %gather3A_522 = tpu.vector_load_idx %gather3A_521[%add3A_516, %add3A_103] : memref<128x64xf32, #tpu.memory_space<vmem>>[vector<16xi32>, vector<16xi32>], vector<16xf32>,
        %scatter3A_523 = arith.constant 0 : i32
        %scatter3A_524 = arith.constant 0 : i32
        %scatter3A_525 = arith.constant 0 : i32
        %scatter3A_526 = tpu.memref_slice %arg7[%scatter3A_523, %scatter3A_524, %scatter3A_525] : memref<2x64x128xf32, #tpu.memory_space<vmem>> -> memref<1x64x128xf32, #tpu.memory_space<vmem>>
        %scatter3A_527 = tpu.memref_squeeze %scatter3A_526 : memref<1x64x128xf32, #tpu.memory_space<vmem>> -> memref<64x128xf32, #tpu.memory_space<vmem>>
        tpu.vector_store_idx %scatter3A_527[%add3A_103, %add3A_516], %gather3A_522 : memref<64x128xf32, #tpu.memory_space<vmem>>[vector<16xi32>, vector<16xi32>], vector<16xf32>,
        %add3A_528 = vector.broadcast %mul3A_282 : i32 to vector<16xi32>
        %add3A_529 = arith.addi %and3A_25, %add3A_528 : vector<16xi32>
        %gather3A_530 = arith.constant 0 : i32
        %gather3A_531 = arith.constant 0 : i32
        %gather3A_532 = arith.constant 0 : i32
        %gather3A_533 = tpu.memref_slice %arg6[%gather3A_530, %gather3A_531, %gather3A_532] : memref<2x128x64xf32, #tpu.memory_space<vmem>> -> memref<1x128x64xf32, #tpu.memory_space<vmem>>
        %gather3A_534 = tpu.memref_squeeze %gather3A_533 : memref<1x128x64xf32, #tpu.memory_space<vmem>> -> memref<128x64xf32, #tpu.memory_space<vmem>>
        %gather3A_535 = tpu.vector_load_idx %gather3A_534[%add3A_529, %add3A_103] : memref<128x64xf32, #tpu.memory_space<vmem>>[vector<16xi32>, vector<16xi32>], vector<16xf32>,
        %scatter3A_536 = arith.constant 0 : i32
        %scatter3A_537 = arith.constant 0 : i32
        %scatter3A_538 = arith.constant 0 : i32
        %scatter3A_539 = tpu.memref_slice %arg7[%scatter3A_536, %scatter3A_537, %scatter3A_538] : memref<2x64x128xf32, #tpu.memory_space<vmem>> -> memref<1x64x128xf32, #tpu.memory_space<vmem>>
        %scatter3A_540 = tpu.memref_squeeze %scatter3A_539 : memref<1x64x128xf32, #tpu.memory_space<vmem>> -> memref<64x128xf32, #tpu.memory_space<vmem>>
        tpu.vector_store_idx %scatter3A_540[%add3A_103, %add3A_529], %gather3A_535 : memref<64x128xf32, #tpu.memory_space<vmem>>[vector<16xi32>, vector<16xi32>], vector<16xf32>,
        %add3A_541 = vector.broadcast %mul3A_282 : i32 to vector<16xi32>
        %add3A_542 = arith.addi %and3A_31, %add3A_541 : vector<16xi32>
        %gather3A_543 = arith.constant 0 : i32
        %gather3A_544 = arith.constant 0 : i32
        %gather3A_545 = arith.constant 0 : i32
        %gather3A_546 = tpu.memref_slice %arg6[%gather3A_543, %gather3A_544, %gather3A_545] : memref<2x128x64xf32, #tpu.memory_space<vmem>> -> memref<1x128x64xf32, #tpu.memory_space<vmem>>
        %gather3A_547 = tpu.memref_squeeze %gather3A_546 : memref<1x128x64xf32, #tpu.memory_space<vmem>> -> memref<128x64xf32, #tpu.memory_space<vmem>>
        %gather3A_548 = tpu.vector_load_idx %gather3A_547[%add3A_542, %add3A_103] : memref<128x64xf32, #tpu.memory_space<vmem>>[vector<16xi32>, vector<16xi32>], vector<16xf32>,
        %scatter3A_549 = arith.constant 0 : i32
        %scatter3A_550 = arith.constant 0 : i32
        %scatter3A_551 = arith.constant 0 : i32
        %scatter3A_552 = tpu.memref_slice %arg7[%scatter3A_549, %scatter3A_550, %scatter3A_551] : memref<2x64x128xf32, #tpu.memory_space<vmem>> -> memref<1x64x128xf32, #tpu.memory_space<vmem>>
        %scatter3A_553 = tpu.memref_squeeze %scatter3A_552 : memref<1x64x128xf32, #tpu.memory_space<vmem>> -> memref<64x128xf32, #tpu.memory_space<vmem>>
        tpu.vector_store_idx %scatter3A_553[%add3A_103, %add3A_542], %gather3A_548 : memref<64x128xf32, #tpu.memory_space<vmem>>[vector<16xi32>, vector<16xi32>], vector<16xf32>,
        %add3A_554 = vector.broadcast %mul3A_282 : i32 to vector<16xi32>
        %add3A_555 = arith.addi %and3A_37, %add3A_554 : vector<16xi32>
        %gather3A_556 = arith.constant 0 : i32
        %gather3A_557 = arith.constant 0 : i32
        %gather3A_558 = arith.constant 0 : i32
        %gather3A_559 = tpu.memref_slice %arg6[%gather3A_556, %gather3A_557, %gather3A_558] : memref<2x128x64xf32, #tpu.memory_space<vmem>> -> memref<1x128x64xf32, #tpu.memory_space<vmem>>
        %gather3A_560 = tpu.memref_squeeze %gather3A_559 : memref<1x128x64xf32, #tpu.memory_space<vmem>> -> memref<128x64xf32, #tpu.memory_space<vmem>>
        %gather3A_561 = tpu.vector_load_idx %gather3A_560[%add3A_555, %add3A_103] : memref<128x64xf32, #tpu.memory_space<vmem>>[vector<16xi32>, vector<16xi32>], vector<16xf32>,
        %scatter3A_562 = arith.constant 0 : i32
        %scatter3A_563 = arith.constant 0 : i32
        %scatter3A_564 = arith.constant 0 : i32
        %scatter3A_565 = tpu.memref_slice %arg7[%scatter3A_562, %scatter3A_563, %scatter3A_564] : memref<2x64x128xf32, #tpu.memory_space<vmem>> -> memref<1x64x128xf32, #tpu.memory_space<vmem>>
        %scatter3A_566 = tpu.memref_squeeze %scatter3A_565 : memref<1x64x128xf32, #tpu.memory_space<vmem>> -> memref<64x128xf32, #tpu.memory_space<vmem>>
        tpu.vector_store_idx %scatter3A_566[%add3A_103, %add3A_555], %gather3A_561 : memref<64x128xf32, #tpu.memory_space<vmem>>[vector<16xi32>, vector<16xi32>], vector<16xf32>,
        %add3A_567 = vector.broadcast %mul3A_282 : i32 to vector<16xi32>
        %add3A_568 = arith.addi %and3A_43, %add3A_567 : vector<16xi32>
        %gather3A_569 = arith.constant 0 : i32
        %gather3A_570 = arith.constant 0 : i32
        %gather3A_571 = arith.constant 0 : i32
        %gather3A_572 = tpu.memref_slice %arg6[%gather3A_569, %gather3A_570, %gather3A_571] : memref<2x128x64xf32, #tpu.memory_space<vmem>> -> memref<1x128x64xf32, #tpu.memory_space<vmem>>
        %gather3A_573 = tpu.memref_squeeze %gather3A_572 : memref<1x128x64xf32, #tpu.memory_space<vmem>> -> memref<128x64xf32, #tpu.memory_space<vmem>>
        %gather3A_574 = tpu.vector_load_idx %gather3A_573[%add3A_568, %add3A_103] : memref<128x64xf32, #tpu.memory_space<vmem>>[vector<16xi32>, vector<16xi32>], vector<16xf32>,
        %scatter3A_575 = arith.constant 0 : i32
        %scatter3A_576 = arith.constant 0 : i32
        %scatter3A_577 = arith.constant 0 : i32
        %scatter3A_578 = tpu.memref_slice %arg7[%scatter3A_575, %scatter3A_576, %scatter3A_577] : memref<2x64x128xf32, #tpu.memory_space<vmem>> -> memref<1x64x128xf32, #tpu.memory_space<vmem>>
        %scatter3A_579 = tpu.memref_squeeze %scatter3A_578 : memref<1x64x128xf32, #tpu.memory_space<vmem>> -> memref<64x128xf32, #tpu.memory_space<vmem>>
        tpu.vector_store_idx %scatter3A_579[%add3A_103, %add3A_568], %gather3A_574 : memref<64x128xf32, #tpu.memory_space<vmem>>[vector<16xi32>, vector<16xi32>], vector<16xf32>,
        %add3A_580 = vector.broadcast %mul3A_282 : i32 to vector<16xi32>
        %add3A_581 = arith.addi %and3A_49, %add3A_580 : vector<16xi32>
        %gather3A_582 = arith.constant 0 : i32
        %gather3A_583 = arith.constant 0 : i32
        %gather3A_584 = arith.constant 0 : i32
        %gather3A_585 = tpu.memref_slice %arg6[%gather3A_582, %gather3A_583, %gather3A_584] : memref<2x128x64xf32, #tpu.memory_space<vmem>> -> memref<1x128x64xf32, #tpu.memory_space<vmem>>
        %gather3A_586 = tpu.memref_squeeze %gather3A_585 : memref<1x128x64xf32, #tpu.memory_space<vmem>> -> memref<128x64xf32, #tpu.memory_space<vmem>>
        %gather3A_587 = tpu.vector_load_idx %gather3A_586[%add3A_581, %add3A_103] : memref<128x64xf32, #tpu.memory_space<vmem>>[vector<16xi32>, vector<16xi32>], vector<16xf32>,
        %scatter3A_588 = arith.constant 0 : i32
        %scatter3A_589 = arith.constant 0 : i32
        %scatter3A_590 = arith.constant 0 : i32
        %scatter3A_591 = tpu.memref_slice %arg7[%scatter3A_588, %scatter3A_589, %scatter3A_590] : memref<2x64x128xf32, #tpu.memory_space<vmem>> -> memref<1x64x128xf32, #tpu.memory_space<vmem>>
        %scatter3A_592 = tpu.memref_squeeze %scatter3A_591 : memref<1x64x128xf32, #tpu.memory_space<vmem>> -> memref<64x128xf32, #tpu.memory_space<vmem>>
        tpu.vector_store_idx %scatter3A_592[%add3A_103, %add3A_581], %gather3A_587 : memref<64x128xf32, #tpu.memory_space<vmem>>[vector<16xi32>, vector<16xi32>], vector<16xf32>,
        %add3A_593 = vector.broadcast %mul3A_282 : i32 to vector<16xi32>
        %add3A_594 = arith.addi %and3A_55, %add3A_593 : vector<16xi32>
        %gather3A_595 = arith.constant 0 : i32
        %gather3A_596 = arith.constant 0 : i32
        %gather3A_597 = arith.constant 0 : i32
        %gather3A_598 = tpu.memref_slice %arg6[%gather3A_595, %gather3A_596, %gather3A_597] : memref<2x128x64xf32, #tpu.memory_space<vmem>> -> memref<1x128x64xf32, #tpu.memory_space<vmem>>
        %gather3A_599 = tpu.memref_squeeze %gather3A_598 : memref<1x128x64xf32, #tpu.memory_space<vmem>> -> memref<128x64xf32, #tpu.memory_space<vmem>>
        %gather3A_600 = tpu.vector_load_idx %gather3A_599[%add3A_594, %add3A_103] : memref<128x64xf32, #tpu.memory_space<vmem>>[vector<16xi32>, vector<16xi32>], vector<16xf32>,
        %scatter3A_601 = arith.constant 0 : i32
        %scatter3A_602 = arith.constant 0 : i32
        %scatter3A_603 = arith.constant 0 : i32
        %scatter3A_604 = tpu.memref_slice %arg7[%scatter3A_601, %scatter3A_602, %scatter3A_603] : memref<2x64x128xf32, #tpu.memory_space<vmem>> -> memref<1x64x128xf32, #tpu.memory_space<vmem>>
        %scatter3A_605 = tpu.memref_squeeze %scatter3A_604 : memref<1x64x128xf32, #tpu.memory_space<vmem>> -> memref<64x128xf32, #tpu.memory_space<vmem>>
        tpu.vector_store_idx %scatter3A_605[%add3A_103, %add3A_594], %gather3A_600 : memref<64x128xf32, #tpu.memory_space<vmem>>[vector<16xi32>, vector<16xi32>], vector<16xf32>,
        %add3A_606 = vector.broadcast %mul3A_282 : i32 to vector<16xi32>
        %add3A_607 = arith.addi %and3A_61, %add3A_606 : vector<16xi32>
        %gather3A_608 = arith.constant 0 : i32
        %gather3A_609 = arith.constant 0 : i32
        %gather3A_610 = arith.constant 0 : i32
        %gather3A_611 = tpu.memref_slice %arg6[%gather3A_608, %gather3A_609, %gather3A_610] : memref<2x128x64xf32, #tpu.memory_space<vmem>> -> memref<1x128x64xf32, #tpu.memory_space<vmem>>
        %gather3A_612 = tpu.memref_squeeze %gather3A_611 : memref<1x128x64xf32, #tpu.memory_space<vmem>> -> memref<128x64xf32, #tpu.memory_space<vmem>>
        %gather3A_613 = tpu.vector_load_idx %gather3A_612[%add3A_607, %add3A_103] : memref<128x64xf32, #tpu.memory_space<vmem>>[vector<16xi32>, vector<16xi32>], vector<16xf32>,
        %scatter3A_614 = arith.constant 0 : i32
        %scatter3A_615 = arith.constant 0 : i32
        %scatter3A_616 = arith.constant 0 : i32
        %scatter3A_617 = tpu.memref_slice %arg7[%scatter3A_614, %scatter3A_615, %scatter3A_616] : memref<2x64x128xf32, #tpu.memory_space<vmem>> -> memref<1x64x128xf32, #tpu.memory_space<vmem>>
        %scatter3A_618 = tpu.memref_squeeze %scatter3A_617 : memref<1x64x128xf32, #tpu.memory_space<vmem>> -> memref<64x128xf32, #tpu.memory_space<vmem>>
        tpu.vector_store_idx %scatter3A_618[%add3A_103, %add3A_607], %gather3A_613 : memref<64x128xf32, #tpu.memory_space<vmem>>[vector<16xi32>, vector<16xi32>], vector<16xf32>,
        %add3A_619 = vector.broadcast %mul3A_282 : i32 to vector<16xi32>
        %add3A_620 = arith.addi %and3A_67, %add3A_619 : vector<16xi32>
        %gather3A_621 = arith.constant 0 : i32
        %gather3A_622 = arith.constant 0 : i32
        %gather3A_623 = arith.constant 0 : i32
        %gather3A_624 = tpu.memref_slice %arg6[%gather3A_621, %gather3A_622, %gather3A_623] : memref<2x128x64xf32, #tpu.memory_space<vmem>> -> memref<1x128x64xf32, #tpu.memory_space<vmem>>
        %gather3A_625 = tpu.memref_squeeze %gather3A_624 : memref<1x128x64xf32, #tpu.memory_space<vmem>> -> memref<128x64xf32, #tpu.memory_space<vmem>>
        %gather3A_626 = tpu.vector_load_idx %gather3A_625[%add3A_620, %add3A_103] : memref<128x64xf32, #tpu.memory_space<vmem>>[vector<16xi32>, vector<16xi32>], vector<16xf32>,
        %scatter3A_627 = arith.constant 0 : i32
        %scatter3A_628 = arith.constant 0 : i32
        %scatter3A_629 = arith.constant 0 : i32
        %scatter3A_630 = tpu.memref_slice %arg7[%scatter3A_627, %scatter3A_628, %scatter3A_629] : memref<2x64x128xf32, #tpu.memory_space<vmem>> -> memref<1x64x128xf32, #tpu.memory_space<vmem>>
        %scatter3A_631 = tpu.memref_squeeze %scatter3A_630 : memref<1x64x128xf32, #tpu.memory_space<vmem>> -> memref<64x128xf32, #tpu.memory_space<vmem>>
        tpu.vector_store_idx %scatter3A_631[%add3A_103, %add3A_620], %gather3A_626 : memref<64x128xf32, #tpu.memory_space<vmem>>[vector<16xi32>, vector<16xi32>], vector<16xf32>,
        %add3A_632 = vector.broadcast %mul3A_282 : i32 to vector<16xi32>
        %add3A_633 = arith.addi %and3A_73, %add3A_632 : vector<16xi32>
        %gather3A_634 = arith.constant 0 : i32
        %gather3A_635 = arith.constant 0 : i32
        %gather3A_636 = arith.constant 0 : i32
        %gather3A_637 = tpu.memref_slice %arg6[%gather3A_634, %gather3A_635, %gather3A_636] : memref<2x128x64xf32, #tpu.memory_space<vmem>> -> memref<1x128x64xf32, #tpu.memory_space<vmem>>
        %gather3A_638 = tpu.memref_squeeze %gather3A_637 : memref<1x128x64xf32, #tpu.memory_space<vmem>> -> memref<128x64xf32, #tpu.memory_space<vmem>>
        %gather3A_639 = tpu.vector_load_idx %gather3A_638[%add3A_633, %add3A_103] : memref<128x64xf32, #tpu.memory_space<vmem>>[vector<16xi32>, vector<16xi32>], vector<16xf32>,
        %scatter3A_640 = arith.constant 0 : i32
        %scatter3A_641 = arith.constant 0 : i32
        %scatter3A_642 = arith.constant 0 : i32
        %scatter3A_643 = tpu.memref_slice %arg7[%scatter3A_640, %scatter3A_641, %scatter3A_642] : memref<2x64x128xf32, #tpu.memory_space<vmem>> -> memref<1x64x128xf32, #tpu.memory_space<vmem>>
        %scatter3A_644 = tpu.memref_squeeze %scatter3A_643 : memref<1x64x128xf32, #tpu.memory_space<vmem>> -> memref<64x128xf32, #tpu.memory_space<vmem>>
        tpu.vector_store_idx %scatter3A_644[%add3A_103, %add3A_633], %gather3A_639 : memref<64x128xf32, #tpu.memory_space<vmem>>[vector<16xi32>, vector<16xi32>], vector<16xf32>,
        %add3A_645 = vector.broadcast %mul3A_282 : i32 to vector<16xi32>
        %add3A_646 = arith.addi %and3A_79, %add3A_645 : vector<16xi32>
        %gather3A_647 = arith.constant 0 : i32
        %gather3A_648 = arith.constant 0 : i32
        %gather3A_649 = arith.constant 0 : i32
        %gather3A_650 = tpu.memref_slice %arg6[%gather3A_647, %gather3A_648, %gather3A_649] : memref<2x128x64xf32, #tpu.memory_space<vmem>> -> memref<1x128x64xf32, #tpu.memory_space<vmem>>
        %gather3A_651 = tpu.memref_squeeze %gather3A_650 : memref<1x128x64xf32, #tpu.memory_space<vmem>> -> memref<128x64xf32, #tpu.memory_space<vmem>>
        %gather3A_652 = tpu.vector_load_idx %gather3A_651[%add3A_646, %add3A_103] : memref<128x64xf32, #tpu.memory_space<vmem>>[vector<16xi32>, vector<16xi32>], vector<16xf32>,
        %scatter3A_653 = arith.constant 0 : i32
        %scatter3A_654 = arith.constant 0 : i32
        %scatter3A_655 = arith.constant 0 : i32
        %scatter3A_656 = tpu.memref_slice %arg7[%scatter3A_653, %scatter3A_654, %scatter3A_655] : memref<2x64x128xf32, #tpu.memory_space<vmem>> -> memref<1x64x128xf32, #tpu.memory_space<vmem>>
        %scatter3A_657 = tpu.memref_squeeze %scatter3A_656 : memref<1x64x128xf32, #tpu.memory_space<vmem>> -> memref<64x128xf32, #tpu.memory_space<vmem>>
        tpu.vector_store_idx %scatter3A_657[%add3A_103, %add3A_646], %gather3A_652 : memref<64x128xf32, #tpu.memory_space<vmem>>[vector<16xi32>, vector<16xi32>], vector<16xf32>,
        %add3A_658 = vector.broadcast %mul3A_282 : i32 to vector<16xi32>
        %add3A_659 = arith.addi %and3A_85, %add3A_658 : vector<16xi32>
        %gather3A_660 = arith.constant 0 : i32
        %gather3A_661 = arith.constant 0 : i32
        %gather3A_662 = arith.constant 0 : i32
        %gather3A_663 = tpu.memref_slice %arg6[%gather3A_660, %gather3A_661, %gather3A_662] : memref<2x128x64xf32, #tpu.memory_space<vmem>> -> memref<1x128x64xf32, #tpu.memory_space<vmem>>
        %gather3A_664 = tpu.memref_squeeze %gather3A_663 : memref<1x128x64xf32, #tpu.memory_space<vmem>> -> memref<128x64xf32, #tpu.memory_space<vmem>>
        %gather3A_665 = tpu.vector_load_idx %gather3A_664[%add3A_659, %add3A_103] : memref<128x64xf32, #tpu.memory_space<vmem>>[vector<16xi32>, vector<16xi32>], vector<16xf32>,
        %scatter3A_666 = arith.constant 0 : i32
        %scatter3A_667 = arith.constant 0 : i32
        %scatter3A_668 = arith.constant 0 : i32
        %scatter3A_669 = tpu.memref_slice %arg7[%scatter3A_666, %scatter3A_667, %scatter3A_668] : memref<2x64x128xf32, #tpu.memory_space<vmem>> -> memref<1x64x128xf32, #tpu.memory_space<vmem>>
        %scatter3A_670 = tpu.memref_squeeze %scatter3A_669 : memref<1x64x128xf32, #tpu.memory_space<vmem>> -> memref<64x128xf32, #tpu.memory_space<vmem>>
        tpu.vector_store_idx %scatter3A_670[%add3A_103, %add3A_659], %gather3A_665 : memref<64x128xf32, #tpu.memory_space<vmem>>[vector<16xi32>, vector<16xi32>], vector<16xf32>,
        %add3A_671 = vector.broadcast %mul3A_282 : i32 to vector<16xi32>
        %add3A_672 = arith.addi %and3A_91, %add3A_671 : vector<16xi32>
        %gather3A_673 = arith.constant 0 : i32
        %gather3A_674 = arith.constant 0 : i32
        %gather3A_675 = arith.constant 0 : i32
        %gather3A_676 = tpu.memref_slice %arg6[%gather3A_673, %gather3A_674, %gather3A_675] : memref<2x128x64xf32, #tpu.memory_space<vmem>> -> memref<1x128x64xf32, #tpu.memory_space<vmem>>
        %gather3A_677 = tpu.memref_squeeze %gather3A_676 : memref<1x128x64xf32, #tpu.memory_space<vmem>> -> memref<128x64xf32, #tpu.memory_space<vmem>>
        %gather3A_678 = tpu.vector_load_idx %gather3A_677[%add3A_672, %add3A_103] : memref<128x64xf32, #tpu.memory_space<vmem>>[vector<16xi32>, vector<16xi32>], vector<16xf32>,
        %scatter3A_679 = arith.constant 0 : i32
        %scatter3A_680 = arith.constant 0 : i32
        %scatter3A_681 = arith.constant 0 : i32
        %scatter3A_682 = tpu.memref_slice %arg7[%scatter3A_679, %scatter3A_680, %scatter3A_681] : memref<2x64x128xf32, #tpu.memory_space<vmem>> -> memref<1x64x128xf32, #tpu.memory_space<vmem>>
        %scatter3A_683 = tpu.memref_squeeze %scatter3A_682 : memref<1x64x128xf32, #tpu.memory_space<vmem>> -> memref<64x128xf32, #tpu.memory_space<vmem>>
        tpu.vector_store_idx %scatter3A_683[%add3A_103, %add3A_672], %gather3A_678 : memref<64x128xf32, #tpu.memory_space<vmem>>[vector<16xi32>, vector<16xi32>], vector<16xf32>,
        %add3A_684 = vector.broadcast %mul3A_282 : i32 to vector<16xi32>
        %add3A_685 = arith.addi %and3A_97, %add3A_684 : vector<16xi32>
        %gather3A_686 = arith.constant 0 : i32
        %gather3A_687 = arith.constant 0 : i32
        %gather3A_688 = arith.constant 0 : i32
        %gather3A_689 = tpu.memref_slice %arg6[%gather3A_686, %gather3A_687, %gather3A_688] : memref<2x128x64xf32, #tpu.memory_space<vmem>> -> memref<1x128x64xf32, #tpu.memory_space<vmem>>
        %gather3A_690 = tpu.memref_squeeze %gather3A_689 : memref<1x128x64xf32, #tpu.memory_space<vmem>> -> memref<128x64xf32, #tpu.memory_space<vmem>>
        %gather3A_691 = tpu.vector_load_idx %gather3A_690[%add3A_685, %add3A_103] : memref<128x64xf32, #tpu.memory_space<vmem>>[vector<16xi32>, vector<16xi32>], vector<16xf32>,
        %scatter3A_692 = arith.constant 0 : i32
        %scatter3A_693 = arith.constant 0 : i32
        %scatter3A_694 = arith.constant 0 : i32
        %scatter3A_695 = tpu.memref_slice %arg7[%scatter3A_692, %scatter3A_693, %scatter3A_694] : memref<2x64x128xf32, #tpu.memory_space<vmem>> -> memref<1x64x128xf32, #tpu.memory_space<vmem>>
        %scatter3A_696 = tpu.memref_squeeze %scatter3A_695 : memref<1x64x128xf32, #tpu.memory_space<vmem>> -> memref<64x128xf32, #tpu.memory_space<vmem>>
        tpu.vector_store_idx %scatter3A_696[%add3A_103, %add3A_685], %gather3A_691 : memref<64x128xf32, #tpu.memory_space<vmem>>[vector<16xi32>, vector<16xi32>], vector<16xf32>,
        %add3A_697 = vector.broadcast %mul3A_282 : i32 to vector<16xi32>
        %add3A_698 = arith.addi %and3A_7, %add3A_697 : vector<16xi32>
        %gather3A_699 = arith.constant 0 : i32
        %gather3A_700 = arith.constant 0 : i32
        %gather3A_701 = arith.constant 0 : i32
        %gather3A_702 = tpu.memref_slice %arg6[%gather3A_699, %gather3A_700, %gather3A_701] : memref<2x128x64xf32, #tpu.memory_space<vmem>> -> memref<1x128x64xf32, #tpu.memory_space<vmem>>
        %gather3A_703 = tpu.memref_squeeze %gather3A_702 : memref<1x128x64xf32, #tpu.memory_space<vmem>> -> memref<128x64xf32, #tpu.memory_space<vmem>>
        %gather3A_704 = tpu.vector_load_idx %gather3A_703[%add3A_698, %add3A_106] : memref<128x64xf32, #tpu.memory_space<vmem>>[vector<16xi32>, vector<16xi32>], vector<16xf32>,
        %scatter3A_705 = arith.constant 0 : i32
        %scatter3A_706 = arith.constant 0 : i32
        %scatter3A_707 = arith.constant 0 : i32
        %scatter3A_708 = tpu.memref_slice %arg7[%scatter3A_705, %scatter3A_706, %scatter3A_707] : memref<2x64x128xf32, #tpu.memory_space<vmem>> -> memref<1x64x128xf32, #tpu.memory_space<vmem>>
        %scatter3A_709 = tpu.memref_squeeze %scatter3A_708 : memref<1x64x128xf32, #tpu.memory_space<vmem>> -> memref<64x128xf32, #tpu.memory_space<vmem>>
        tpu.vector_store_idx %scatter3A_709[%add3A_106, %add3A_698], %gather3A_704 : memref<64x128xf32, #tpu.memory_space<vmem>>[vector<16xi32>, vector<16xi32>], vector<16xf32>,
        %add3A_710 = vector.broadcast %mul3A_282 : i32 to vector<16xi32>
        %add3A_711 = arith.addi %and3A_13, %add3A_710 : vector<16xi32>
        %gather3A_712 = arith.constant 0 : i32
        %gather3A_713 = arith.constant 0 : i32
        %gather3A_714 = arith.constant 0 : i32
        %gather3A_715 = tpu.memref_slice %arg6[%gather3A_712, %gather3A_713, %gather3A_714] : memref<2x128x64xf32, #tpu.memory_space<vmem>> -> memref<1x128x64xf32, #tpu.memory_space<vmem>>
        %gather3A_716 = tpu.memref_squeeze %gather3A_715 : memref<1x128x64xf32, #tpu.memory_space<vmem>> -> memref<128x64xf32, #tpu.memory_space<vmem>>
        %gather3A_717 = tpu.vector_load_idx %gather3A_716[%add3A_711, %add3A_106] : memref<128x64xf32, #tpu.memory_space<vmem>>[vector<16xi32>, vector<16xi32>], vector<16xf32>,
        %scatter3A_718 = arith.constant 0 : i32
        %scatter3A_719 = arith.constant 0 : i32
        %scatter3A_720 = arith.constant 0 : i32
        %scatter3A_721 = tpu.memref_slice %arg7[%scatter3A_718, %scatter3A_719, %scatter3A_720] : memref<2x64x128xf32, #tpu.memory_space<vmem>> -> memref<1x64x128xf32, #tpu.memory_space<vmem>>
        %scatter3A_722 = tpu.memref_squeeze %scatter3A_721 : memref<1x64x128xf32, #tpu.memory_space<vmem>> -> memref<64x128xf32, #tpu.memory_space<vmem>>
        tpu.vector_store_idx %scatter3A_722[%add3A_106, %add3A_711], %gather3A_717 : memref<64x128xf32, #tpu.memory_space<vmem>>[vector<16xi32>, vector<16xi32>], vector<16xf32>,
        %add3A_723 = vector.broadcast %mul3A_282 : i32 to vector<16xi32>
        %add3A_724 = arith.addi %and3A_19, %add3A_723 : vector<16xi32>
        %gather3A_725 = arith.constant 0 : i32
        %gather3A_726 = arith.constant 0 : i32
        %gather3A_727 = arith.constant 0 : i32
        %gather3A_728 = tpu.memref_slice %arg6[%gather3A_725, %gather3A_726, %gather3A_727] : memref<2x128x64xf32, #tpu.memory_space<vmem>> -> memref<1x128x64xf32, #tpu.memory_space<vmem>>
        %gather3A_729 = tpu.memref_squeeze %gather3A_728 : memref<1x128x64xf32, #tpu.memory_space<vmem>> -> memref<128x64xf32, #tpu.memory_space<vmem>>
        %gather3A_730 = tpu.vector_load_idx %gather3A_729[%add3A_724, %add3A_106] : memref<128x64xf32, #tpu.memory_space<vmem>>[vector<16xi32>, vector<16xi32>], vector<16xf32>,
        %scatter3A_731 = arith.constant 0 : i32
        %scatter3A_732 = arith.constant 0 : i32
        %scatter3A_733 = arith.constant 0 : i32
        %scatter3A_734 = tpu.memref_slice %arg7[%scatter3A_731, %scatter3A_732, %scatter3A_733] : memref<2x64x128xf32, #tpu.memory_space<vmem>> -> memref<1x64x128xf32, #tpu.memory_space<vmem>>
        %scatter3A_735 = tpu.memref_squeeze %scatter3A_734 : memref<1x64x128xf32, #tpu.memory_space<vmem>> -> memref<64x128xf32, #tpu.memory_space<vmem>>
        tpu.vector_store_idx %scatter3A_735[%add3A_106, %add3A_724], %gather3A_730 : memref<64x128xf32, #tpu.memory_space<vmem>>[vector<16xi32>, vector<16xi32>], vector<16xf32>,
        %add3A_736 = vector.broadcast %mul3A_282 : i32 to vector<16xi32>
        %add3A_737 = arith.addi %and3A_25, %add3A_736 : vector<16xi32>
        %gather3A_738 = arith.constant 0 : i32
        %gather3A_739 = arith.constant 0 : i32
        %gather3A_740 = arith.constant 0 : i32
        %gather3A_741 = tpu.memref_slice %arg6[%gather3A_738, %gather3A_739, %gather3A_740] : memref<2x128x64xf32, #tpu.memory_space<vmem>> -> memref<1x128x64xf32, #tpu.memory_space<vmem>>
        %gather3A_742 = tpu.memref_squeeze %gather3A_741 : memref<1x128x64xf32, #tpu.memory_space<vmem>> -> memref<128x64xf32, #tpu.memory_space<vmem>>
        %gather3A_743 = tpu.vector_load_idx %gather3A_742[%add3A_737, %add3A_106] : memref<128x64xf32, #tpu.memory_space<vmem>>[vector<16xi32>, vector<16xi32>], vector<16xf32>,
        %scatter3A_744 = arith.constant 0 : i32
        %scatter3A_745 = arith.constant 0 : i32
        %scatter3A_746 = arith.constant 0 : i32
        %scatter3A_747 = tpu.memref_slice %arg7[%scatter3A_744, %scatter3A_745, %scatter3A_746] : memref<2x64x128xf32, #tpu.memory_space<vmem>> -> memref<1x64x128xf32, #tpu.memory_space<vmem>>
        %scatter3A_748 = tpu.memref_squeeze %scatter3A_747 : memref<1x64x128xf32, #tpu.memory_space<vmem>> -> memref<64x128xf32, #tpu.memory_space<vmem>>
        tpu.vector_store_idx %scatter3A_748[%add3A_106, %add3A_737], %gather3A_743 : memref<64x128xf32, #tpu.memory_space<vmem>>[vector<16xi32>, vector<16xi32>], vector<16xf32>,
        %add3A_749 = vector.broadcast %mul3A_282 : i32 to vector<16xi32>
        %add3A_750 = arith.addi %and3A_31, %add3A_749 : vector<16xi32>
        %gather3A_751 = arith.constant 0 : i32
        %gather3A_752 = arith.constant 0 : i32
        %gather3A_753 = arith.constant 0 : i32
        %gather3A_754 = tpu.memref_slice %arg6[%gather3A_751, %gather3A_752, %gather3A_753] : memref<2x128x64xf32, #tpu.memory_space<vmem>> -> memref<1x128x64xf32, #tpu.memory_space<vmem>>
        %gather3A_755 = tpu.memref_squeeze %gather3A_754 : memref<1x128x64xf32, #tpu.memory_space<vmem>> -> memref<128x64xf32, #tpu.memory_space<vmem>>
        %gather3A_756 = tpu.vector_load_idx %gather3A_755[%add3A_750, %add3A_106] : memref<128x64xf32, #tpu.memory_space<vmem>>[vector<16xi32>, vector<16xi32>], vector<16xf32>,
        %scatter3A_757 = arith.constant 0 : i32
        %scatter3A_758 = arith.constant 0 : i32
        %scatter3A_759 = arith.constant 0 : i32
        %scatter3A_760 = tpu.memref_slice %arg7[%scatter3A_757, %scatter3A_758, %scatter3A_759] : memref<2x64x128xf32, #tpu.memory_space<vmem>> -> memref<1x64x128xf32, #tpu.memory_space<vmem>>
        %scatter3A_761 = tpu.memref_squeeze %scatter3A_760 : memref<1x64x128xf32, #tpu.memory_space<vmem>> -> memref<64x128xf32, #tpu.memory_space<vmem>>
        tpu.vector_store_idx %scatter3A_761[%add3A_106, %add3A_750], %gather3A_756 : memref<64x128xf32, #tpu.memory_space<vmem>>[vector<16xi32>, vector<16xi32>], vector<16xf32>,
        %add3A_762 = vector.broadcast %mul3A_282 : i32 to vector<16xi32>
        %add3A_763 = arith.addi %and3A_37, %add3A_762 : vector<16xi32>
        %gather3A_764 = arith.constant 0 : i32
        %gather3A_765 = arith.constant 0 : i32
        %gather3A_766 = arith.constant 0 : i32
        %gather3A_767 = tpu.memref_slice %arg6[%gather3A_764, %gather3A_765, %gather3A_766] : memref<2x128x64xf32, #tpu.memory_space<vmem>> -> memref<1x128x64xf32, #tpu.memory_space<vmem>>
        %gather3A_768 = tpu.memref_squeeze %gather3A_767 : memref<1x128x64xf32, #tpu.memory_space<vmem>> -> memref<128x64xf32, #tpu.memory_space<vmem>>
        %gather3A_769 = tpu.vector_load_idx %gather3A_768[%add3A_763, %add3A_106] : memref<128x64xf32, #tpu.memory_space<vmem>>[vector<16xi32>, vector<16xi32>], vector<16xf32>,
        %scatter3A_770 = arith.constant 0 : i32
        %scatter3A_771 = arith.constant 0 : i32
        %scatter3A_772 = arith.constant 0 : i32
        %scatter3A_773 = tpu.memref_slice %arg7[%scatter3A_770, %scatter3A_771, %scatter3A_772] : memref<2x64x128xf32, #tpu.memory_space<vmem>> -> memref<1x64x128xf32, #tpu.memory_space<vmem>>
        %scatter3A_774 = tpu.memref_squeeze %scatter3A_773 : memref<1x64x128xf32, #tpu.memory_space<vmem>> -> memref<64x128xf32, #tpu.memory_space<vmem>>
        tpu.vector_store_idx %scatter3A_774[%add3A_106, %add3A_763], %gather3A_769 : memref<64x128xf32, #tpu.memory_space<vmem>>[vector<16xi32>, vector<16xi32>], vector<16xf32>,
        %add3A_775 = vector.broadcast %mul3A_282 : i32 to vector<16xi32>
        %add3A_776 = arith.addi %and3A_43, %add3A_775 : vector<16xi32>
        %gather3A_777 = arith.constant 0 : i32
        %gather3A_778 = arith.constant 0 : i32
        %gather3A_779 = arith.constant 0 : i32
        %gather3A_780 = tpu.memref_slice %arg6[%gather3A_777, %gather3A_778, %gather3A_779] : memref<2x128x64xf32, #tpu.memory_space<vmem>> -> memref<1x128x64xf32, #tpu.memory_space<vmem>>
        %gather3A_781 = tpu.memref_squeeze %gather3A_780 : memref<1x128x64xf32, #tpu.memory_space<vmem>> -> memref<128x64xf32, #tpu.memory_space<vmem>>
        %gather3A_782 = tpu.vector_load_idx %gather3A_781[%add3A_776, %add3A_106] : memref<128x64xf32, #tpu.memory_space<vmem>>[vector<16xi32>, vector<16xi32>], vector<16xf32>,
        %scatter3A_783 = arith.constant 0 : i32
        %scatter3A_784 = arith.constant 0 : i32
        %scatter3A_785 = arith.constant 0 : i32
        %scatter3A_786 = tpu.memref_slice %arg7[%scatter3A_783, %scatter3A_784, %scatter3A_785] : memref<2x64x128xf32, #tpu.memory_space<vmem>> -> memref<1x64x128xf32, #tpu.memory_space<vmem>>
        %scatter3A_787 = tpu.memref_squeeze %scatter3A_786 : memref<1x64x128xf32, #tpu.memory_space<vmem>> -> memref<64x128xf32, #tpu.memory_space<vmem>>
        tpu.vector_store_idx %scatter3A_787[%add3A_106, %add3A_776], %gather3A_782 : memref<64x128xf32, #tpu.memory_space<vmem>>[vector<16xi32>, vector<16xi32>], vector<16xf32>,
        %add3A_788 = vector.broadcast %mul3A_282 : i32 to vector<16xi32>
        %add3A_789 = arith.addi %and3A_49, %add3A_788 : vector<16xi32>
        %gather3A_790 = arith.constant 0 : i32
        %gather3A_791 = arith.constant 0 : i32
        %gather3A_792 = arith.constant 0 : i32
        %gather3A_793 = tpu.memref_slice %arg6[%gather3A_790, %gather3A_791, %gather3A_792] : memref<2x128x64xf32, #tpu.memory_space<vmem>> -> memref<1x128x64xf32, #tpu.memory_space<vmem>>
        %gather3A_794 = tpu.memref_squeeze %gather3A_793 : memref<1x128x64xf32, #tpu.memory_space<vmem>> -> memref<128x64xf32, #tpu.memory_space<vmem>>
        %gather3A_795 = tpu.vector_load_idx %gather3A_794[%add3A_789, %add3A_106] : memref<128x64xf32, #tpu.memory_space<vmem>>[vector<16xi32>, vector<16xi32>], vector<16xf32>,
        %scatter3A_796 = arith.constant 0 : i32
        %scatter3A_797 = arith.constant 0 : i32
        %scatter3A_798 = arith.constant 0 : i32
        %scatter3A_799 = tpu.memref_slice %arg7[%scatter3A_796, %scatter3A_797, %scatter3A_798] : memref<2x64x128xf32, #tpu.memory_space<vmem>> -> memref<1x64x128xf32, #tpu.memory_space<vmem>>
        %scatter3A_800 = tpu.memref_squeeze %scatter3A_799 : memref<1x64x128xf32, #tpu.memory_space<vmem>> -> memref<64x128xf32, #tpu.memory_space<vmem>>
        tpu.vector_store_idx %scatter3A_800[%add3A_106, %add3A_789], %gather3A_795 : memref<64x128xf32, #tpu.memory_space<vmem>>[vector<16xi32>, vector<16xi32>], vector<16xf32>,
        %add3A_801 = vector.broadcast %mul3A_282 : i32 to vector<16xi32>
        %add3A_802 = arith.addi %and3A_55, %add3A_801 : vector<16xi32>
        %gather3A_803 = arith.constant 0 : i32
        %gather3A_804 = arith.constant 0 : i32
        %gather3A_805 = arith.constant 0 : i32
        %gather3A_806 = tpu.memref_slice %arg6[%gather3A_803, %gather3A_804, %gather3A_805] : memref<2x128x64xf32, #tpu.memory_space<vmem>> -> memref<1x128x64xf32, #tpu.memory_space<vmem>>
        %gather3A_807 = tpu.memref_squeeze %gather3A_806 : memref<1x128x64xf32, #tpu.memory_space<vmem>> -> memref<128x64xf32, #tpu.memory_space<vmem>>
        %gather3A_808 = tpu.vector_load_idx %gather3A_807[%add3A_802, %add3A_106] : memref<128x64xf32, #tpu.memory_space<vmem>>[vector<16xi32>, vector<16xi32>], vector<16xf32>,
        %scatter3A_809 = arith.constant 0 : i32
        %scatter3A_810 = arith.constant 0 : i32
        %scatter3A_811 = arith.constant 0 : i32
        %scatter3A_812 = tpu.memref_slice %arg7[%scatter3A_809, %scatter3A_810, %scatter3A_811] : memref<2x64x128xf32, #tpu.memory_space<vmem>> -> memref<1x64x128xf32, #tpu.memory_space<vmem>>
        %scatter3A_813 = tpu.memref_squeeze %scatter3A_812 : memref<1x64x128xf32, #tpu.memory_space<vmem>> -> memref<64x128xf32, #tpu.memory_space<vmem>>
        tpu.vector_store_idx %scatter3A_813[%add3A_106, %add3A_802], %gather3A_808 : memref<64x128xf32, #tpu.memory_space<vmem>>[vector<16xi32>, vector<16xi32>], vector<16xf32>,
        %add3A_814 = vector.broadcast %mul3A_282 : i32 to vector<16xi32>
        %add3A_815 = arith.addi %and3A_61, %add3A_814 : vector<16xi32>
        %gather3A_816 = arith.constant 0 : i32
        %gather3A_817 = arith.constant 0 : i32
        %gather3A_818 = arith.constant 0 : i32
        %gather3A_819 = tpu.memref_slice %arg6[%gather3A_816, %gather3A_817, %gather3A_818] : memref<2x128x64xf32, #tpu.memory_space<vmem>> -> memref<1x128x64xf32, #tpu.memory_space<vmem>>
        %gather3A_820 = tpu.memref_squeeze %gather3A_819 : memref<1x128x64xf32, #tpu.memory_space<vmem>> -> memref<128x64xf32, #tpu.memory_space<vmem>>
        %gather3A_821 = tpu.vector_load_idx %gather3A_820[%add3A_815, %add3A_106] : memref<128x64xf32, #tpu.memory_space<vmem>>[vector<16xi32>, vector<16xi32>], vector<16xf32>,
        %scatter3A_822 = arith.constant 0 : i32
        %scatter3A_823 = arith.constant 0 : i32
        %scatter3A_824 = arith.constant 0 : i32
        %scatter3A_825 = tpu.memref_slice %arg7[%scatter3A_822, %scatter3A_823, %scatter3A_824] : memref<2x64x128xf32, #tpu.memory_space<vmem>> -> memref<1x64x128xf32, #tpu.memory_space<vmem>>
        %scatter3A_826 = tpu.memref_squeeze %scatter3A_825 : memref<1x64x128xf32, #tpu.memory_space<vmem>> -> memref<64x128xf32, #tpu.memory_space<vmem>>
        tpu.vector_store_idx %scatter3A_826[%add3A_106, %add3A_815], %gather3A_821 : memref<64x128xf32, #tpu.memory_space<vmem>>[vector<16xi32>, vector<16xi32>], vector<16xf32>,
        %add3A_827 = vector.broadcast %mul3A_282 : i32 to vector<16xi32>
        %add3A_828 = arith.addi %and3A_67, %add3A_827 : vector<16xi32>
        %gather3A_829 = arith.constant 0 : i32
        %gather3A_830 = arith.constant 0 : i32
        %gather3A_831 = arith.constant 0 : i32
        %gather3A_832 = tpu.memref_slice %arg6[%gather3A_829, %gather3A_830, %gather3A_831] : memref<2x128x64xf32, #tpu.memory_space<vmem>> -> memref<1x128x64xf32, #tpu.memory_space<vmem>>
        %gather3A_833 = tpu.memref_squeeze %gather3A_832 : memref<1x128x64xf32, #tpu.memory_space<vmem>> -> memref<128x64xf32, #tpu.memory_space<vmem>>
        %gather3A_834 = tpu.vector_load_idx %gather3A_833[%add3A_828, %add3A_106] : memref<128x64xf32, #tpu.memory_space<vmem>>[vector<16xi32>, vector<16xi32>], vector<16xf32>,
        %scatter3A_835 = arith.constant 0 : i32
        %scatter3A_836 = arith.constant 0 : i32
        %scatter3A_837 = arith.constant 0 : i32
        %scatter3A_838 = tpu.memref_slice %arg7[%scatter3A_835, %scatter3A_836, %scatter3A_837] : memref<2x64x128xf32, #tpu.memory_space<vmem>> -> memref<1x64x128xf32, #tpu.memory_space<vmem>>
        %scatter3A_839 = tpu.memref_squeeze %scatter3A_838 : memref<1x64x128xf32, #tpu.memory_space<vmem>> -> memref<64x128xf32, #tpu.memory_space<vmem>>
        tpu.vector_store_idx %scatter3A_839[%add3A_106, %add3A_828], %gather3A_834 : memref<64x128xf32, #tpu.memory_space<vmem>>[vector<16xi32>, vector<16xi32>], vector<16xf32>,
        %add3A_840 = vector.broadcast %mul3A_282 : i32 to vector<16xi32>
        %add3A_841 = arith.addi %and3A_73, %add3A_840 : vector<16xi32>
        %gather3A_842 = arith.constant 0 : i32
        %gather3A_843 = arith.constant 0 : i32
        %gather3A_844 = arith.constant 0 : i32
        %gather3A_845 = tpu.memref_slice %arg6[%gather3A_842, %gather3A_843, %gather3A_844] : memref<2x128x64xf32, #tpu.memory_space<vmem>> -> memref<1x128x64xf32, #tpu.memory_space<vmem>>
        %gather3A_846 = tpu.memref_squeeze %gather3A_845 : memref<1x128x64xf32, #tpu.memory_space<vmem>> -> memref<128x64xf32, #tpu.memory_space<vmem>>
        %gather3A_847 = tpu.vector_load_idx %gather3A_846[%add3A_841, %add3A_106] : memref<128x64xf32, #tpu.memory_space<vmem>>[vector<16xi32>, vector<16xi32>], vector<16xf32>,
        %scatter3A_848 = arith.constant 0 : i32
        %scatter3A_849 = arith.constant 0 : i32
        %scatter3A_850 = arith.constant 0 : i32
        %scatter3A_851 = tpu.memref_slice %arg7[%scatter3A_848, %scatter3A_849, %scatter3A_850] : memref<2x64x128xf32, #tpu.memory_space<vmem>> -> memref<1x64x128xf32, #tpu.memory_space<vmem>>
        %scatter3A_852 = tpu.memref_squeeze %scatter3A_851 : memref<1x64x128xf32, #tpu.memory_space<vmem>> -> memref<64x128xf32, #tpu.memory_space<vmem>>
        tpu.vector_store_idx %scatter3A_852[%add3A_106, %add3A_841], %gather3A_847 : memref<64x128xf32, #tpu.memory_space<vmem>>[vector<16xi32>, vector<16xi32>], vector<16xf32>,
        %add3A_853 = vector.broadcast %mul3A_282 : i32 to vector<16xi32>
        %add3A_854 = arith.addi %and3A_79, %add3A_853 : vector<16xi32>
        %gather3A_855 = arith.constant 0 : i32
        %gather3A_856 = arith.constant 0 : i32
        %gather3A_857 = arith.constant 0 : i32
        %gather3A_858 = tpu.memref_slice %arg6[%gather3A_855, %gather3A_856, %gather3A_857] : memref<2x128x64xf32, #tpu.memory_space<vmem>> -> memref<1x128x64xf32, #tpu.memory_space<vmem>>
        %gather3A_859 = tpu.memref_squeeze %gather3A_858 : memref<1x128x64xf32, #tpu.memory_space<vmem>> -> memref<128x64xf32, #tpu.memory_space<vmem>>
        %gather3A_860 = tpu.vector_load_idx %gather3A_859[%add3A_854, %add3A_106] : memref<128x64xf32, #tpu.memory_space<vmem>>[vector<16xi32>, vector<16xi32>], vector<16xf32>,
        %scatter3A_861 = arith.constant 0 : i32
        %scatter3A_862 = arith.constant 0 : i32
        %scatter3A_863 = arith.constant 0 : i32
        %scatter3A_864 = tpu.memref_slice %arg7[%scatter3A_861, %scatter3A_862, %scatter3A_863] : memref<2x64x128xf32, #tpu.memory_space<vmem>> -> memref<1x64x128xf32, #tpu.memory_space<vmem>>
        %scatter3A_865 = tpu.memref_squeeze %scatter3A_864 : memref<1x64x128xf32, #tpu.memory_space<vmem>> -> memref<64x128xf32, #tpu.memory_space<vmem>>
        tpu.vector_store_idx %scatter3A_865[%add3A_106, %add3A_854], %gather3A_860 : memref<64x128xf32, #tpu.memory_space<vmem>>[vector<16xi32>, vector<16xi32>], vector<16xf32>,
        %add3A_866 = vector.broadcast %mul3A_282 : i32 to vector<16xi32>
        %add3A_867 = arith.addi %and3A_85, %add3A_866 : vector<16xi32>
        %gather3A_868 = arith.constant 0 : i32
        %gather3A_869 = arith.constant 0 : i32
        %gather3A_870 = arith.constant 0 : i32
        %gather3A_871 = tpu.memref_slice %arg6[%gather3A_868, %gather3A_869, %gather3A_870] : memref<2x128x64xf32, #tpu.memory_space<vmem>> -> memref<1x128x64xf32, #tpu.memory_space<vmem>>
        %gather3A_872 = tpu.memref_squeeze %gather3A_871 : memref<1x128x64xf32, #tpu.memory_space<vmem>> -> memref<128x64xf32, #tpu.memory_space<vmem>>
        %gather3A_873 = tpu.vector_load_idx %gather3A_872[%add3A_867, %add3A_106] : memref<128x64xf32, #tpu.memory_space<vmem>>[vector<16xi32>, vector<16xi32>], vector<16xf32>,
        %scatter3A_874 = arith.constant 0 : i32
        %scatter3A_875 = arith.constant 0 : i32
        %scatter3A_876 = arith.constant 0 : i32
        %scatter3A_877 = tpu.memref_slice %arg7[%scatter3A_874, %scatter3A_875, %scatter3A_876] : memref<2x64x128xf32, #tpu.memory_space<vmem>> -> memref<1x64x128xf32, #tpu.memory_space<vmem>>
        %scatter3A_878 = tpu.memref_squeeze %scatter3A_877 : memref<1x64x128xf32, #tpu.memory_space<vmem>> -> memref<64x128xf32, #tpu.memory_space<vmem>>
        tpu.vector_store_idx %scatter3A_878[%add3A_106, %add3A_867], %gather3A_873 : memref<64x128xf32, #tpu.memory_space<vmem>>[vector<16xi32>, vector<16xi32>], vector<16xf32>,
        %add3A_879 = vector.broadcast %mul3A_282 : i32 to vector<16xi32>
        %add3A_880 = arith.addi %and3A_91, %add3A_879 : vector<16xi32>
        %gather3A_881 = arith.constant 0 : i32
        %gather3A_882 = arith.constant 0 : i32
        %gather3A_883 = arith.constant 0 : i32
        %gather3A_884 = tpu.memref_slice %arg6[%gather3A_881, %gather3A_882, %gather3A_883] : memref<2x128x64xf32, #tpu.memory_space<vmem>> -> memref<1x128x64xf32, #tpu.memory_space<vmem>>
        %gather3A_885 = tpu.memref_squeeze %gather3A_884 : memref<1x128x64xf32, #tpu.memory_space<vmem>> -> memref<128x64xf32, #tpu.memory_space<vmem>>
        %gather3A_886 = tpu.vector_load_idx %gather3A_885[%add3A_880, %add3A_106] : memref<128x64xf32, #tpu.memory_space<vmem>>[vector<16xi32>, vector<16xi32>], vector<16xf32>,
        %scatter3A_887 = arith.constant 0 : i32
        %scatter3A_888 = arith.constant 0 : i32
        %scatter3A_889 = arith.constant 0 : i32
        %scatter3A_890 = tpu.memref_slice %arg7[%scatter3A_887, %scatter3A_888, %scatter3A_889] : memref<2x64x128xf32, #tpu.memory_space<vmem>> -> memref<1x64x128xf32, #tpu.memory_space<vmem>>
        %scatter3A_891 = tpu.memref_squeeze %scatter3A_890 : memref<1x64x128xf32, #tpu.memory_space<vmem>> -> memref<64x128xf32, #tpu.memory_space<vmem>>
        tpu.vector_store_idx %scatter3A_891[%add3A_106, %add3A_880], %gather3A_886 : memref<64x128xf32, #tpu.memory_space<vmem>>[vector<16xi32>, vector<16xi32>], vector<16xf32>,
        %add3A_892 = vector.broadcast %mul3A_282 : i32 to vector<16xi32>
        %add3A_893 = arith.addi %and3A_97, %add3A_892 : vector<16xi32>
        %gather3A_894 = arith.constant 0 : i32
        %gather3A_895 = arith.constant 0 : i32
        %gather3A_896 = arith.constant 0 : i32
        %gather3A_897 = tpu.memref_slice %arg6[%gather3A_894, %gather3A_895, %gather3A_896] : memref<2x128x64xf32, #tpu.memory_space<vmem>> -> memref<1x128x64xf32, #tpu.memory_space<vmem>>
        %gather3A_898 = tpu.memref_squeeze %gather3A_897 : memref<1x128x64xf32, #tpu.memory_space<vmem>> -> memref<128x64xf32, #tpu.memory_space<vmem>>
        %gather3A_899 = tpu.vector_load_idx %gather3A_898[%add3A_893, %add3A_106] : memref<128x64xf32, #tpu.memory_space<vmem>>[vector<16xi32>, vector<16xi32>], vector<16xf32>,
        %scatter3A_900 = arith.constant 0 : i32
        %scatter3A_901 = arith.constant 0 : i32
        %scatter3A_902 = arith.constant 0 : i32
        %scatter3A_903 = tpu.memref_slice %arg7[%scatter3A_900, %scatter3A_901, %scatter3A_902] : memref<2x64x128xf32, #tpu.memory_space<vmem>> -> memref<1x64x128xf32, #tpu.memory_space<vmem>>
        %scatter3A_904 = tpu.memref_squeeze %scatter3A_903 : memref<1x64x128xf32, #tpu.memory_space<vmem>> -> memref<64x128xf32, #tpu.memory_space<vmem>>
        tpu.vector_store_idx %scatter3A_904[%add3A_106, %add3A_893], %gather3A_899 : memref<64x128xf32, #tpu.memory_space<vmem>>[vector<16xi32>, vector<16xi32>], vector<16xf32>,
        %add3A_905 = vector.broadcast %mul3A_282 : i32 to vector<16xi32>
        %add3A_906 = arith.addi %and3A_7, %add3A_905 : vector<16xi32>
        %gather3A_907 = arith.constant 0 : i32
        %gather3A_908 = arith.constant 0 : i32
        %gather3A_909 = arith.constant 0 : i32
        %gather3A_910 = tpu.memref_slice %arg6[%gather3A_907, %gather3A_908, %gather3A_909] : memref<2x128x64xf32, #tpu.memory_space<vmem>> -> memref<1x128x64xf32, #tpu.memory_space<vmem>>
        %gather3A_911 = tpu.memref_squeeze %gather3A_910 : memref<1x128x64xf32, #tpu.memory_space<vmem>> -> memref<128x64xf32, #tpu.memory_space<vmem>>
        %gather3A_912 = tpu.vector_load_idx %gather3A_911[%add3A_906, %add3A_109] : memref<128x64xf32, #tpu.memory_space<vmem>>[vector<16xi32>, vector<16xi32>], vector<16xf32>,
        %scatter3A_913 = arith.constant 0 : i32
        %scatter3A_914 = arith.constant 0 : i32
        %scatter3A_915 = arith.constant 0 : i32
        %scatter3A_916 = tpu.memref_slice %arg7[%scatter3A_913, %scatter3A_914, %scatter3A_915] : memref<2x64x128xf32, #tpu.memory_space<vmem>> -> memref<1x64x128xf32, #tpu.memory_space<vmem>>
        %scatter3A_917 = tpu.memref_squeeze %scatter3A_916 : memref<1x64x128xf32, #tpu.memory_space<vmem>> -> memref<64x128xf32, #tpu.memory_space<vmem>>
        tpu.vector_store_idx %scatter3A_917[%add3A_109, %add3A_906], %gather3A_912 : memref<64x128xf32, #tpu.memory_space<vmem>>[vector<16xi32>, vector<16xi32>], vector<16xf32>,
        %add3A_918 = vector.broadcast %mul3A_282 : i32 to vector<16xi32>
        %add3A_919 = arith.addi %and3A_13, %add3A_918 : vector<16xi32>
        %gather3A_920 = arith.constant 0 : i32
        %gather3A_921 = arith.constant 0 : i32
        %gather3A_922 = arith.constant 0 : i32
        %gather3A_923 = tpu.memref_slice %arg6[%gather3A_920, %gather3A_921, %gather3A_922] : memref<2x128x64xf32, #tpu.memory_space<vmem>> -> memref<1x128x64xf32, #tpu.memory_space<vmem>>
        %gather3A_924 = tpu.memref_squeeze %gather3A_923 : memref<1x128x64xf32, #tpu.memory_space<vmem>> -> memref<128x64xf32, #tpu.memory_space<vmem>>
        %gather3A_925 = tpu.vector_load_idx %gather3A_924[%add3A_919, %add3A_109] : memref<128x64xf32, #tpu.memory_space<vmem>>[vector<16xi32>, vector<16xi32>], vector<16xf32>,
        %scatter3A_926 = arith.constant 0 : i32
        %scatter3A_927 = arith.constant 0 : i32
        %scatter3A_928 = arith.constant 0 : i32
        %scatter3A_929 = tpu.memref_slice %arg7[%scatter3A_926, %scatter3A_927, %scatter3A_928] : memref<2x64x128xf32, #tpu.memory_space<vmem>> -> memref<1x64x128xf32, #tpu.memory_space<vmem>>
        %scatter3A_930 = tpu.memref_squeeze %scatter3A_929 : memref<1x64x128xf32, #tpu.memory_space<vmem>> -> memref<64x128xf32, #tpu.memory_space<vmem>>
        tpu.vector_store_idx %scatter3A_930[%add3A_109, %add3A_919], %gather3A_925 : memref<64x128xf32, #tpu.memory_space<vmem>>[vector<16xi32>, vector<16xi32>], vector<16xf32>,
        %add3A_931 = vector.broadcast %mul3A_282 : i32 to vector<16xi32>
        %add3A_932 = arith.addi %and3A_19, %add3A_931 : vector<16xi32>
        %gather3A_933 = arith.constant 0 : i32
        %gather3A_934 = arith.constant 0 : i32
        %gather3A_935 = arith.constant 0 : i32
        %gather3A_936 = tpu.memref_slice %arg6[%gather3A_933, %gather3A_934, %gather3A_935] : memref<2x128x64xf32, #tpu.memory_space<vmem>> -> memref<1x128x64xf32, #tpu.memory_space<vmem>>
        %gather3A_937 = tpu.memref_squeeze %gather3A_936 : memref<1x128x64xf32, #tpu.memory_space<vmem>> -> memref<128x64xf32, #tpu.memory_space<vmem>>
        %gather3A_938 = tpu.vector_load_idx %gather3A_937[%add3A_932, %add3A_109] : memref<128x64xf32, #tpu.memory_space<vmem>>[vector<16xi32>, vector<16xi32>], vector<16xf32>,
        %scatter3A_939 = arith.constant 0 : i32
        %scatter3A_940 = arith.constant 0 : i32
        %scatter3A_941 = arith.constant 0 : i32
        %scatter3A_942 = tpu.memref_slice %arg7[%scatter3A_939, %scatter3A_940, %scatter3A_941] : memref<2x64x128xf32, #tpu.memory_space<vmem>> -> memref<1x64x128xf32, #tpu.memory_space<vmem>>
        %scatter3A_943 = tpu.memref_squeeze %scatter3A_942 : memref<1x64x128xf32, #tpu.memory_space<vmem>> -> memref<64x128xf32, #tpu.memory_space<vmem>>
        tpu.vector_store_idx %scatter3A_943[%add3A_109, %add3A_932], %gather3A_938 : memref<64x128xf32, #tpu.memory_space<vmem>>[vector<16xi32>, vector<16xi32>], vector<16xf32>,
        %add3A_944 = vector.broadcast %mul3A_282 : i32 to vector<16xi32>
        %add3A_945 = arith.addi %and3A_25, %add3A_944 : vector<16xi32>
        %gather3A_946 = arith.constant 0 : i32
        %gather3A_947 = arith.constant 0 : i32
        %gather3A_948 = arith.constant 0 : i32
        %gather3A_949 = tpu.memref_slice %arg6[%gather3A_946, %gather3A_947, %gather3A_948] : memref<2x128x64xf32, #tpu.memory_space<vmem>> -> memref<1x128x64xf32, #tpu.memory_space<vmem>>
        %gather3A_950 = tpu.memref_squeeze %gather3A_949 : memref<1x128x64xf32, #tpu.memory_space<vmem>> -> memref<128x64xf32, #tpu.memory_space<vmem>>
        %gather3A_951 = tpu.vector_load_idx %gather3A_950[%add3A_945, %add3A_109] : memref<128x64xf32, #tpu.memory_space<vmem>>[vector<16xi32>, vector<16xi32>], vector<16xf32>,
        %scatter3A_952 = arith.constant 0 : i32
        %scatter3A_953 = arith.constant 0 : i32
        %scatter3A_954 = arith.constant 0 : i32
        %scatter3A_955 = tpu.memref_slice %arg7[%scatter3A_952, %scatter3A_953, %scatter3A_954] : memref<2x64x128xf32, #tpu.memory_space<vmem>> -> memref<1x64x128xf32, #tpu.memory_space<vmem>>
        %scatter3A_956 = tpu.memref_squeeze %scatter3A_955 : memref<1x64x128xf32, #tpu.memory_space<vmem>> -> memref<64x128xf32, #tpu.memory_space<vmem>>
        tpu.vector_store_idx %scatter3A_956[%add3A_109, %add3A_945], %gather3A_951 : memref<64x128xf32, #tpu.memory_space<vmem>>[vector<16xi32>, vector<16xi32>], vector<16xf32>,
        %add3A_957 = vector.broadcast %mul3A_282 : i32 to vector<16xi32>
        %add3A_958 = arith.addi %and3A_31, %add3A_957 : vector<16xi32>
        %gather3A_959 = arith.constant 0 : i32
        %gather3A_960 = arith.constant 0 : i32
        %gather3A_961 = arith.constant 0 : i32
        %gather3A_962 = tpu.memref_slice %arg6[%gather3A_959, %gather3A_960, %gather3A_961] : memref<2x128x64xf32, #tpu.memory_space<vmem>> -> memref<1x128x64xf32, #tpu.memory_space<vmem>>
        %gather3A_963 = tpu.memref_squeeze %gather3A_962 : memref<1x128x64xf32, #tpu.memory_space<vmem>> -> memref<128x64xf32, #tpu.memory_space<vmem>>
        %gather3A_964 = tpu.vector_load_idx %gather3A_963[%add3A_958, %add3A_109] : memref<128x64xf32, #tpu.memory_space<vmem>>[vector<16xi32>, vector<16xi32>], vector<16xf32>,
        %scatter3A_965 = arith.constant 0 : i32
        %scatter3A_966 = arith.constant 0 : i32
        %scatter3A_967 = arith.constant 0 : i32
        %scatter3A_968 = tpu.memref_slice %arg7[%scatter3A_965, %scatter3A_966, %scatter3A_967] : memref<2x64x128xf32, #tpu.memory_space<vmem>> -> memref<1x64x128xf32, #tpu.memory_space<vmem>>
        %scatter3A_969 = tpu.memref_squeeze %scatter3A_968 : memref<1x64x128xf32, #tpu.memory_space<vmem>> -> memref<64x128xf32, #tpu.memory_space<vmem>>
        tpu.vector_store_idx %scatter3A_969[%add3A_109, %add3A_958], %gather3A_964 : memref<64x128xf32, #tpu.memory_space<vmem>>[vector<16xi32>, vector<16xi32>], vector<16xf32>,
        %add3A_970 = vector.broadcast %mul3A_282 : i32 to vector<16xi32>
        %add3A_971 = arith.addi %and3A_37, %add3A_970 : vector<16xi32>
        %gather3A_972 = arith.constant 0 : i32
        %gather3A_973 = arith.constant 0 : i32
        %gather3A_974 = arith.constant 0 : i32
        %gather3A_975 = tpu.memref_slice %arg6[%gather3A_972, %gather3A_973, %gather3A_974] : memref<2x128x64xf32, #tpu.memory_space<vmem>> -> memref<1x128x64xf32, #tpu.memory_space<vmem>>
        %gather3A_976 = tpu.memref_squeeze %gather3A_975 : memref<1x128x64xf32, #tpu.memory_space<vmem>> -> memref<128x64xf32, #tpu.memory_space<vmem>>
        %gather3A_977 = tpu.vector_load_idx %gather3A_976[%add3A_971, %add3A_109] : memref<128x64xf32, #tpu.memory_space<vmem>>[vector<16xi32>, vector<16xi32>], vector<16xf32>,
        %scatter3A_978 = arith.constant 0 : i32
        %scatter3A_979 = arith.constant 0 : i32
        %scatter3A_980 = arith.constant 0 : i32
        %scatter3A_981 = tpu.memref_slice %arg7[%scatter3A_978, %scatter3A_979, %scatter3A_980] : memref<2x64x128xf32, #tpu.memory_space<vmem>> -> memref<1x64x128xf32, #tpu.memory_space<vmem>>
        %scatter3A_982 = tpu.memref_squeeze %scatter3A_981 : memref<1x64x128xf32, #tpu.memory_space<vmem>> -> memref<64x128xf32, #tpu.memory_space<vmem>>
        tpu.vector_store_idx %scatter3A_982[%add3A_109, %add3A_971], %gather3A_977 : memref<64x128xf32, #tpu.memory_space<vmem>>[vector<16xi32>, vector<16xi32>], vector<16xf32>,
        %add3A_983 = vector.broadcast %mul3A_282 : i32 to vector<16xi32>
        %add3A_984 = arith.addi %and3A_43, %add3A_983 : vector<16xi32>
        %gather3A_985 = arith.constant 0 : i32
        %gather3A_986 = arith.constant 0 : i32
        %gather3A_987 = arith.constant 0 : i32
        %gather3A_988 = tpu.memref_slice %arg6[%gather3A_985, %gather3A_986, %gather3A_987] : memref<2x128x64xf32, #tpu.memory_space<vmem>> -> memref<1x128x64xf32, #tpu.memory_space<vmem>>
        %gather3A_989 = tpu.memref_squeeze %gather3A_988 : memref<1x128x64xf32, #tpu.memory_space<vmem>> -> memref<128x64xf32, #tpu.memory_space<vmem>>
        %gather3A_990 = tpu.vector_load_idx %gather3A_989[%add3A_984, %add3A_109] : memref<128x64xf32, #tpu.memory_space<vmem>>[vector<16xi32>, vector<16xi32>], vector<16xf32>,
        %scatter3A_991 = arith.constant 0 : i32
        %scatter3A_992 = arith.constant 0 : i32
        %scatter3A_993 = arith.constant 0 : i32
        %scatter3A_994 = tpu.memref_slice %arg7[%scatter3A_991, %scatter3A_992, %scatter3A_993] : memref<2x64x128xf32, #tpu.memory_space<vmem>> -> memref<1x64x128xf32, #tpu.memory_space<vmem>>
        %scatter3A_995 = tpu.memref_squeeze %scatter3A_994 : memref<1x64x128xf32, #tpu.memory_space<vmem>> -> memref<64x128xf32, #tpu.memory_space<vmem>>
        tpu.vector_store_idx %scatter3A_995[%add3A_109, %add3A_984], %gather3A_990 : memref<64x128xf32, #tpu.memory_space<vmem>>[vector<16xi32>, vector<16xi32>], vector<16xf32>,
        %add3A_996 = vector.broadcast %mul3A_282 : i32 to vector<16xi32>
        %add3A_997 = arith.addi %and3A_49, %add3A_996 : vector<16xi32>
        %gather3A_998 = arith.constant 0 : i32
        %gather3A_999 = arith.constant 0 : i32
        %gather3A_1000 = arith.constant 0 : i32
        %gather3A_1001 = tpu.memref_slice %arg6[%gather3A_998, %gather3A_999, %gather3A_1000] : memref<2x128x64xf32, #tpu.memory_space<vmem>> -> memref<1x128x64xf32, #tpu.memory_space<vmem>>
        %gather3A_1002 = tpu.memref_squeeze %gather3A_1001 : memref<1x128x64xf32, #tpu.memory_space<vmem>> -> memref<128x64xf32, #tpu.memory_space<vmem>>
        %gather3A_1003 = tpu.vector_load_idx %gather3A_1002[%add3A_997, %add3A_109] : memref<128x64xf32, #tpu.memory_space<vmem>>[vector<16xi32>, vector<16xi32>], vector<16xf32>,
        %scatter3A_1004 = arith.constant 0 : i32
        %scatter3A_1005 = arith.constant 0 : i32
        %scatter3A_1006 = arith.constant 0 : i32
        %scatter3A_1007 = tpu.memref_slice %arg7[%scatter3A_1004, %scatter3A_1005, %scatter3A_1006] : memref<2x64x128xf32, #tpu.memory_space<vmem>> -> memref<1x64x128xf32, #tpu.memory_space<vmem>>
        %scatter3A_1008 = tpu.memref_squeeze %scatter3A_1007 : memref<1x64x128xf32, #tpu.memory_space<vmem>> -> memref<64x128xf32, #tpu.memory_space<vmem>>
        tpu.vector_store_idx %scatter3A_1008[%add3A_109, %add3A_997], %gather3A_1003 : memref<64x128xf32, #tpu.memory_space<vmem>>[vector<16xi32>, vector<16xi32>], vector<16xf32>,
        %add3A_1009 = vector.broadcast %mul3A_282 : i32 to vector<16xi32>
        %add3A_1010 = arith.addi %and3A_55, %add3A_1009 : vector<16xi32>
        %gather3A_1011 = arith.constant 0 : i32
        %gather3A_1012 = arith.constant 0 : i32
        %gather3A_1013 = arith.constant 0 : i32
        %gather3A_1014 = tpu.memref_slice %arg6[%gather3A_1011, %gather3A_1012, %gather3A_1013] : memref<2x128x64xf32, #tpu.memory_space<vmem>> -> memref<1x128x64xf32, #tpu.memory_space<vmem>>
        %gather3A_1015 = tpu.memref_squeeze %gather3A_1014 : memref<1x128x64xf32, #tpu.memory_space<vmem>> -> memref<128x64xf32, #tpu.memory_space<vmem>>
        %gather3A_1016 = tpu.vector_load_idx %gather3A_1015[%add3A_1010, %add3A_109] : memref<128x64xf32, #tpu.memory_space<vmem>>[vector<16xi32>, vector<16xi32>], vector<16xf32>,
        %scatter3A_1017 = arith.constant 0 : i32
        %scatter3A_1018 = arith.constant 0 : i32
        %scatter3A_1019 = arith.constant 0 : i32
        %scatter3A_1020 = tpu.memref_slice %arg7[%scatter3A_1017, %scatter3A_1018, %scatter3A_1019] : memref<2x64x128xf32, #tpu.memory_space<vmem>> -> memref<1x64x128xf32, #tpu.memory_space<vmem>>
        %scatter3A_1021 = tpu.memref_squeeze %scatter3A_1020 : memref<1x64x128xf32, #tpu.memory_space<vmem>> -> memref<64x128xf32, #tpu.memory_space<vmem>>
        tpu.vector_store_idx %scatter3A_1021[%add3A_109, %add3A_1010], %gather3A_1016 : memref<64x128xf32, #tpu.memory_space<vmem>>[vector<16xi32>, vector<16xi32>], vector<16xf32>,
        %add3A_1022 = vector.broadcast %mul3A_282 : i32 to vector<16xi32>
        %add3A_1023 = arith.addi %and3A_61, %add3A_1022 : vector<16xi32>
        %gather3A_1024 = arith.constant 0 : i32
        %gather3A_1025 = arith.constant 0 : i32
        %gather3A_1026 = arith.constant 0 : i32
        %gather3A_1027 = tpu.memref_slice %arg6[%gather3A_1024, %gather3A_1025, %gather3A_1026] : memref<2x128x64xf32, #tpu.memory_space<vmem>> -> memref<1x128x64xf32, #tpu.memory_space<vmem>>
        %gather3A_1028 = tpu.memref_squeeze %gather3A_1027 : memref<1x128x64xf32, #tpu.memory_space<vmem>> -> memref<128x64xf32, #tpu.memory_space<vmem>>
        %gather3A_1029 = tpu.vector_load_idx %gather3A_1028[%add3A_1023, %add3A_109] : memref<128x64xf32, #tpu.memory_space<vmem>>[vector<16xi32>, vector<16xi32>], vector<16xf32>,
        %scatter3A_1030 = arith.constant 0 : i32
        %scatter3A_1031 = arith.constant 0 : i32
        %scatter3A_1032 = arith.constant 0 : i32
        %scatter3A_1033 = tpu.memref_slice %arg7[%scatter3A_1030, %scatter3A_1031, %scatter3A_1032] : memref<2x64x128xf32, #tpu.memory_space<vmem>> -> memref<1x64x128xf32, #tpu.memory_space<vmem>>
        %scatter3A_1034 = tpu.memref_squeeze %scatter3A_1033 : memref<1x64x128xf32, #tpu.memory_space<vmem>> -> memref<64x128xf32, #tpu.memory_space<vmem>>
        tpu.vector_store_idx %scatter3A_1034[%add3A_109, %add3A_1023], %gather3A_1029 : memref<64x128xf32, #tpu.memory_space<vmem>>[vector<16xi32>, vector<16xi32>], vector<16xf32>,
        %add3A_1035 = vector.broadcast %mul3A_282 : i32 to vector<16xi32>
        %add3A_1036 = arith.addi %and3A_67, %add3A_1035 : vector<16xi32>
        %gather3A_1037 = arith.constant 0 : i32
        %gather3A_1038 = arith.constant 0 : i32
        %gather3A_1039 = arith.constant 0 : i32
        %gather3A_1040 = tpu.memref_slice %arg6[%gather3A_1037, %gather3A_1038, %gather3A_1039] : memref<2x128x64xf32, #tpu.memory_space<vmem>> -> memref<1x128x64xf32, #tpu.memory_space<vmem>>
        %gather3A_1041 = tpu.memref_squeeze %gather3A_1040 : memref<1x128x64xf32, #tpu.memory_space<vmem>> -> memref<128x64xf32, #tpu.memory_space<vmem>>
        %gather3A_1042 = tpu.vector_load_idx %gather3A_1041[%add3A_1036, %add3A_109] : memref<128x64xf32, #tpu.memory_space<vmem>>[vector<16xi32>, vector<16xi32>], vector<16xf32>,
        %scatter3A_1043 = arith.constant 0 : i32
        %scatter3A_1044 = arith.constant 0 : i32
        %scatter3A_1045 = arith.constant 0 : i32
        %scatter3A_1046 = tpu.memref_slice %arg7[%scatter3A_1043, %scatter3A_1044, %scatter3A_1045] : memref<2x64x128xf32, #tpu.memory_space<vmem>> -> memref<1x64x128xf32, #tpu.memory_space<vmem>>
        %scatter3A_1047 = tpu.memref_squeeze %scatter3A_1046 : memref<1x64x128xf32, #tpu.memory_space<vmem>> -> memref<64x128xf32, #tpu.memory_space<vmem>>
        tpu.vector_store_idx %scatter3A_1047[%add3A_109, %add3A_1036], %gather3A_1042 : memref<64x128xf32, #tpu.memory_space<vmem>>[vector<16xi32>, vector<16xi32>], vector<16xf32>,
        %add3A_1048 = vector.broadcast %mul3A_282 : i32 to vector<16xi32>
        %add3A_1049 = arith.addi %and3A_73, %add3A_1048 : vector<16xi32>
        %gather3A_1050 = arith.constant 0 : i32
        %gather3A_1051 = arith.constant 0 : i32
        %gather3A_1052 = arith.constant 0 : i32
        %gather3A_1053 = tpu.memref_slice %arg6[%gather3A_1050, %gather3A_1051, %gather3A_1052] : memref<2x128x64xf32, #tpu.memory_space<vmem>> -> memref<1x128x64xf32, #tpu.memory_space<vmem>>
        %gather3A_1054 = tpu.memref_squeeze %gather3A_1053 : memref<1x128x64xf32, #tpu.memory_space<vmem>> -> memref<128x64xf32, #tpu.memory_space<vmem>>
        %gather3A_1055 = tpu.vector_load_idx %gather3A_1054[%add3A_1049, %add3A_109] : memref<128x64xf32, #tpu.memory_space<vmem>>[vector<16xi32>, vector<16xi32>], vector<16xf32>,
        %scatter3A_1056 = arith.constant 0 : i32
        %scatter3A_1057 = arith.constant 0 : i32
        %scatter3A_1058 = arith.constant 0 : i32
        %scatter3A_1059 = tpu.memref_slice %arg7[%scatter3A_1056, %scatter3A_1057, %scatter3A_1058] : memref<2x64x128xf32, #tpu.memory_space<vmem>> -> memref<1x64x128xf32, #tpu.memory_space<vmem>>
        %scatter3A_1060 = tpu.memref_squeeze %scatter3A_1059 : memref<1x64x128xf32, #tpu.memory_space<vmem>> -> memref<64x128xf32, #tpu.memory_space<vmem>>
        tpu.vector_store_idx %scatter3A_1060[%add3A_109, %add3A_1049], %gather3A_1055 : memref<64x128xf32, #tpu.memory_space<vmem>>[vector<16xi32>, vector<16xi32>], vector<16xf32>,
        %add3A_1061 = vector.broadcast %mul3A_282 : i32 to vector<16xi32>
        %add3A_1062 = arith.addi %and3A_79, %add3A_1061 : vector<16xi32>
        %gather3A_1063 = arith.constant 0 : i32
        %gather3A_1064 = arith.constant 0 : i32
        %gather3A_1065 = arith.constant 0 : i32
        %gather3A_1066 = tpu.memref_slice %arg6[%gather3A_1063, %gather3A_1064, %gather3A_1065] : memref<2x128x64xf32, #tpu.memory_space<vmem>> -> memref<1x128x64xf32, #tpu.memory_space<vmem>>
        %gather3A_1067 = tpu.memref_squeeze %gather3A_1066 : memref<1x128x64xf32, #tpu.memory_space<vmem>> -> memref<128x64xf32, #tpu.memory_space<vmem>>
        %gather3A_1068 = tpu.vector_load_idx %gather3A_1067[%add3A_1062, %add3A_109] : memref<128x64xf32, #tpu.memory_space<vmem>>[vector<16xi32>, vector<16xi32>], vector<16xf32>,
        %scatter3A_1069 = arith.constant 0 : i32
        %scatter3A_1070 = arith.constant 0 : i32
        %scatter3A_1071 = arith.constant 0 : i32
        %scatter3A_1072 = tpu.memref_slice %arg7[%scatter3A_1069, %scatter3A_1070, %scatter3A_1071] : memref<2x64x128xf32, #tpu.memory_space<vmem>> -> memref<1x64x128xf32, #tpu.memory_space<vmem>>
        %scatter3A_1073 = tpu.memref_squeeze %scatter3A_1072 : memref<1x64x128xf32, #tpu.memory_space<vmem>> -> memref<64x128xf32, #tpu.memory_space<vmem>>
        tpu.vector_store_idx %scatter3A_1073[%add3A_109, %add3A_1062], %gather3A_1068 : memref<64x128xf32, #tpu.memory_space<vmem>>[vector<16xi32>, vector<16xi32>], vector<16xf32>,
        %add3A_1074 = vector.broadcast %mul3A_282 : i32 to vector<16xi32>
        %add3A_1075 = arith.addi %and3A_85, %add3A_1074 : vector<16xi32>
        %gather3A_1076 = arith.constant 0 : i32
        %gather3A_1077 = arith.constant 0 : i32
        %gather3A_1078 = arith.constant 0 : i32
        %gather3A_1079 = tpu.memref_slice %arg6[%gather3A_1076, %gather3A_1077, %gather3A_1078] : memref<2x128x64xf32, #tpu.memory_space<vmem>> -> memref<1x128x64xf32, #tpu.memory_space<vmem>>
        %gather3A_1080 = tpu.memref_squeeze %gather3A_1079 : memref<1x128x64xf32, #tpu.memory_space<vmem>> -> memref<128x64xf32, #tpu.memory_space<vmem>>
        %gather3A_1081 = tpu.vector_load_idx %gather3A_1080[%add3A_1075, %add3A_109] : memref<128x64xf32, #tpu.memory_space<vmem>>[vector<16xi32>, vector<16xi32>], vector<16xf32>,
        %scatter3A_1082 = arith.constant 0 : i32
        %scatter3A_1083 = arith.constant 0 : i32
        %scatter3A_1084 = arith.constant 0 : i32
        %scatter3A_1085 = tpu.memref_slice %arg7[%scatter3A_1082, %scatter3A_1083, %scatter3A_1084] : memref<2x64x128xf32, #tpu.memory_space<vmem>> -> memref<1x64x128xf32, #tpu.memory_space<vmem>>
        %scatter3A_1086 = tpu.memref_squeeze %scatter3A_1085 : memref<1x64x128xf32, #tpu.memory_space<vmem>> -> memref<64x128xf32, #tpu.memory_space<vmem>>
        tpu.vector_store_idx %scatter3A_1086[%add3A_109, %add3A_1075], %gather3A_1081 : memref<64x128xf32, #tpu.memory_space<vmem>>[vector<16xi32>, vector<16xi32>], vector<16xf32>,
        %add3A_1087 = vector.broadcast %mul3A_282 : i32 to vector<16xi32>
        %add3A_1088 = arith.addi %and3A_91, %add3A_1087 : vector<16xi32>
        %gather3A_1089 = arith.constant 0 : i32
        %gather3A_1090 = arith.constant 0 : i32
        %gather3A_1091 = arith.constant 0 : i32
        %gather3A_1092 = tpu.memref_slice %arg6[%gather3A_1089, %gather3A_1090, %gather3A_1091] : memref<2x128x64xf32, #tpu.memory_space<vmem>> -> memref<1x128x64xf32, #tpu.memory_space<vmem>>
        %gather3A_1093 = tpu.memref_squeeze %gather3A_1092 : memref<1x128x64xf32, #tpu.memory_space<vmem>> -> memref<128x64xf32, #tpu.memory_space<vmem>>
        %gather3A_1094 = tpu.vector_load_idx %gather3A_1093[%add3A_1088, %add3A_109] : memref<128x64xf32, #tpu.memory_space<vmem>>[vector<16xi32>, vector<16xi32>], vector<16xf32>,
        %scatter3A_1095 = arith.constant 0 : i32
        %scatter3A_1096 = arith.constant 0 : i32
        %scatter3A_1097 = arith.constant 0 : i32
        %scatter3A_1098 = tpu.memref_slice %arg7[%scatter3A_1095, %scatter3A_1096, %scatter3A_1097] : memref<2x64x128xf32, #tpu.memory_space<vmem>> -> memref<1x64x128xf32, #tpu.memory_space<vmem>>
        %scatter3A_1099 = tpu.memref_squeeze %scatter3A_1098 : memref<1x64x128xf32, #tpu.memory_space<vmem>> -> memref<64x128xf32, #tpu.memory_space<vmem>>
        tpu.vector_store_idx %scatter3A_1099[%add3A_109, %add3A_1088], %gather3A_1094 : memref<64x128xf32, #tpu.memory_space<vmem>>[vector<16xi32>, vector<16xi32>], vector<16xf32>,
        %add3A_1100 = vector.broadcast %mul3A_282 : i32 to vector<16xi32>
        %add3A_1101 = arith.addi %and3A_97, %add3A_1100 : vector<16xi32>
        %gather3A_1102 = arith.constant 0 : i32
        %gather3A_1103 = arith.constant 0 : i32
        %gather3A_1104 = arith.constant 0 : i32
        %gather3A_1105 = tpu.memref_slice %arg6[%gather3A_1102, %gather3A_1103, %gather3A_1104] : memref<2x128x64xf32, #tpu.memory_space<vmem>> -> memref<1x128x64xf32, #tpu.memory_space<vmem>>
        %gather3A_1106 = tpu.memref_squeeze %gather3A_1105 : memref<1x128x64xf32, #tpu.memory_space<vmem>> -> memref<128x64xf32, #tpu.memory_space<vmem>>
        %gather3A_1107 = tpu.vector_load_idx %gather3A_1106[%add3A_1101, %add3A_109] : memref<128x64xf32, #tpu.memory_space<vmem>>[vector<16xi32>, vector<16xi32>], vector<16xf32>,
        %scatter3A_1108 = arith.constant 0 : i32
        %scatter3A_1109 = arith.constant 0 : i32
        %scatter3A_1110 = arith.constant 0 : i32
        %scatter3A_1111 = tpu.memref_slice %arg7[%scatter3A_1108, %scatter3A_1109, %scatter3A_1110] : memref<2x64x128xf32, #tpu.memory_space<vmem>> -> memref<1x64x128xf32, #tpu.memory_space<vmem>>
        %scatter3A_1112 = tpu.memref_squeeze %scatter3A_1111 : memref<1x64x128xf32, #tpu.memory_space<vmem>> -> memref<64x128xf32, #tpu.memory_space<vmem>>
        tpu.vector_store_idx %scatter3A_1112[%add3A_109, %add3A_1101], %gather3A_1107 : memref<64x128xf32, #tpu.memory_space<vmem>>[vector<16xi32>, vector<16xi32>], vector<16xf32>,
      }
      %scan3A_207 = arith.constant 8 : i32
      %lt3A = arith.constant 99 : i32
      %lt3A_208 = arith.cmpi slt, %scan3A_181, %lt3A : i32
      %convert_element_type3A_209 = arith.extui %lt3A_208 : i1 to i32
      %cond3A_210 = arith.constant 0 : i32
      %cond3A_211 = arith.cmpi ne, %convert_element_type3A_209, %cond3A_210 : i32
      scf.if %cond3A_211 {
        %add3A_280 = arith.constant 2 : i32
        %add3A_281 = arith.addi %add3A_185, %add3A_280 : i32
        %dma_start3A_282 = arith.constant 0 : i32
        %dma_start3A_283 = arith.constant 0 : i32
        %dma_start3A_284 = arith.constant 0 : i32
        %dma_start3A_285 = arith.constant 0 : i32
        %dma_start3A_286 = tpu.memref_slice %arg6[%dma_start3A_282, %dma_start3A_284, %dma_start3A_285] : memref<2x128x64xf32, #tpu.memory_space<vmem>> -> memref<1x128x64xf32, #tpu.memory_space<vmem>>
        %dma_start3A_287 = tpu.memref_squeeze %dma_start3A_286 : memref<1x128x64xf32, #tpu.memory_space<vmem>> -> memref<128x64xf32, #tpu.memory_space<vmem>>
        %dma_start3A_288 = arith.constant 0 : i32
        %dma_start3A_289 = tpu.memref_slice %arg5[%add3A_281, %dma_start3A_288] : memref<200x128xi32, #tpu.memory_space<vmem>> -> memref<1x128xi32, #tpu.memory_space<vmem>>
        %dma_start3A_290 = tpu.memref_squeeze %dma_start3A_289 : memref<1x128xi32, #tpu.memory_space<vmem>> -> memref<128xi32, #tpu.memory_space<vmem>>
        %dma_start3A_291 = arith.constant 0 : i32
        %dma_start3A_292 = arith.constant 0 : i32
        %dma_start3A_293 = tpu.memref_slice %arg3[%dma_start3A_291, %dma_start3A_292] : memref<1000000x64xf32, #tpu.memory_space<hbm>> -> memref<1000000x64xf32, #tpu.memory_space<hbm>>
        %dma_start3A_294 = tpu.memref_slice %arg8[%dma_start3A_283] : memref<2x!tpu.dma_semaphore, #tpu.memory_space<semaphore_mem>> -> memref<1x!tpu.dma_semaphore, #tpu.memory_space<semaphore_mem>>
        %dma_start3A_295 = tpu.memref_squeeze %dma_start3A_294 : memref<1x!tpu.dma_semaphore, #tpu.memory_space<semaphore_mem>> -> memref<!tpu.dma_semaphore, #tpu.memory_space<semaphore_mem>>
        tpu.enqueue_indirect_dma source(%dma_start3A_293 : memref<1000000x64xf32, #tpu.memory_space<hbm>>) target(%dma_start3A_287 : memref<128x64xf32, #tpu.memory_space<vmem>>) offsets(%dma_start3A_290 : memref<128xi32, #tpu.memory_space<vmem>>) semaphore(%dma_start3A_295 : memref<!tpu.dma_semaphore, #tpu.memory_space<semaphore_mem>>)
      } else {
      }
      %dma_start3A_212 = arith.constant 0 : i32
      %dma_start3A_213 = arith.constant 0 : i32
      %dma_start3A_214 = arith.constant 0 : i32
      %dma_start3A_215 = arith.constant 0 : i32
      %dma_start3A_216 = tpu.memref_slice %arg7[%dma_start3A_212, %dma_start3A_214, %dma_start3A_215] : memref<2x64x128xf32, #tpu.memory_space<vmem>> -> memref<1x64x128xf32, #tpu.memory_space<vmem>>
      %dma_start3A_217 = tpu.memref_squeeze %dma_start3A_216 : memref<1x64x128xf32, #tpu.memory_space<vmem>> -> memref<64x128xf32, #tpu.memory_space<vmem>>
      %dma_start3A_218 = arith.constant 0 : i32
      %dma_start3A_219 = tpu.memref_slice %arg4[%add3A_185, %dma_start3A_218, %mul3A_2] : memref<200x64x4096xf32, #tpu.memory_space<hbm>> -> memref<1x64x128xf32, #tpu.memory_space<hbm>>
      %dma_start3A_220 = tpu.memref_squeeze %dma_start3A_219 : memref<1x64x128xf32, #tpu.memory_space<hbm>> -> memref<64x128xf32, #tpu.memory_space<hbm>>
      %dma_start3A_221 = tpu.memref_slice %arg9[%dma_start3A_213] : memref<2x!tpu.dma_semaphore, #tpu.memory_space<semaphore_mem>> -> memref<1x!tpu.dma_semaphore, #tpu.memory_space<semaphore_mem>>
      %dma_start3A_222 = tpu.memref_squeeze %dma_start3A_221 : memref<1x!tpu.dma_semaphore, #tpu.memory_space<semaphore_mem>> -> memref<!tpu.dma_semaphore, #tpu.memory_space<semaphore_mem>>
      %dma_start3A_223 = arith.constant 0 : i32
      %dma_start3A_224 = tpu.memref_slice %arg4[%add3A_185, %dma_start3A_223, %mul3A_2] : memref<200x64x4096xf32, #tpu.memory_space<hbm>> -> memref<1x64x128xf32, #tpu.memory_space<hbm>>
      %dma_start3A_225 = tpu.memref_squeeze %dma_start3A_224 : memref<1x64x128xf32, #tpu.memory_space<hbm>> -> memref<64x128xf32, #tpu.memory_space<hbm>>
      %dma_start3A_226 = arith.constant 0 : i32
      %dma_start3A_227 = arith.constant 0 : i32
      %dma_start3A_228 = tpu.memref_slice %arg7[%dma_start3A_212, %dma_start3A_226, %dma_start3A_227] : memref<2x64x128xf32, #tpu.memory_space<vmem>> -> memref<1x64x128xf32, #tpu.memory_space<vmem>>
      %dma_start3A_229 = tpu.memref_squeeze %dma_start3A_228 : memref<1x64x128xf32, #tpu.memory_space<vmem>> -> memref<64x128xf32, #tpu.memory_space<vmem>>
      tpu.enqueue_dma source(%dma_start3A_229 : memref<64x128xf32, #tpu.memory_space<vmem>>) target(%dma_start3A_225 : memref<64x128xf32, #tpu.memory_space<hbm>>) target_semaphore(%dma_start3A_222 : memref<!tpu.dma_semaphore, #tpu.memory_space<semaphore_mem>>)
      %add3A_230 = arith.constant 1 : i32
      %add3A_231 = arith.addi %mul3A_183, %add3A_230 : i32
      %dma_wait3A_232 = arith.constant 1 : i32
      %dma_wait3A_233 = arith.constant 1 : i32
      %dma_wait3A_234 = arith.constant 0 : i32
      %dma_wait3A_235 = arith.constant 0 : i32
      %dma_wait3A_236 = tpu.memref_slice %arg6[%dma_wait3A_232, %dma_wait3A_234, %dma_wait3A_235] : memref<2x128x64xf32, #tpu.memory_space<vmem>> -> memref<1x128x64xf32, #tpu.memory_space<vmem>>
      %dma_wait3A_237 = tpu.memref_squeeze %dma_wait3A_236 : memref<1x128x64xf32, #tpu.memory_space<vmem>> -> memref<128x64xf32, #tpu.memory_space<vmem>>
      %dma_wait3A_238 = arith.constant 0 : i32
      %dma_wait3A_239 = tpu.memref_slice %arg5[%add3A_231, %dma_wait3A_238] : memref<200x128xi32, #tpu.memory_space<vmem>> -> memref<1x128xi32, #tpu.memory_space<vmem>>
      %dma_wait3A_240 = tpu.memref_squeeze %dma_wait3A_239 : memref<1x128xi32, #tpu.memory_space<vmem>> -> memref<128xi32, #tpu.memory_space<vmem>>
      %dma_wait3A_241 = arith.constant 0 : i32
      %dma_wait3A_242 = arith.constant 0 : i32
      %dma_wait3A_243 = tpu.memref_slice %arg3[%dma_wait3A_241, %dma_wait3A_242] : memref<1000000x64xf32, #tpu.memory_space<hbm>> -> memref<1000000x64xf32, #tpu.memory_space<hbm>>
      %dma_wait3A_244 = tpu.memref_slice %arg8[%dma_wait3A_233] : memref<2x!tpu.dma_semaphore, #tpu.memory_space<semaphore_mem>> -> memref<1x!tpu.dma_semaphore, #tpu.memory_space<semaphore_mem>>
      %dma_wait3A_245 = tpu.memref_squeeze %dma_wait3A_244 : memref<1x!tpu.dma_semaphore, #tpu.memory_space<semaphore_mem>> -> memref<!tpu.dma_semaphore, #tpu.memory_space<semaphore_mem>>
      tpu.wait_indirect_dma semaphore(%dma_wait3A_245 : memref<!tpu.dma_semaphore, #tpu.memory_space<semaphore_mem>>) src(%dma_wait3A_243 : memref<1000000x64xf32, #tpu.memory_space<hbm>>) dst(%dma_wait3A_237 : memref<128x64xf32, #tpu.memory_space<vmem>>)
      %gt3A_246 = arith.constant 0 : i32
      %gt3A_247 = arith.cmpi sgt, %scan3A_181, %gt3A_246 : i32
      %convert_element_type3A_248 = arith.extui %gt3A_247 : i1 to i32
      %cond3A_249 = arith.constant 0 : i32
      %cond3A_250 = arith.cmpi ne, %convert_element_type3A_248, %cond3A_249 : i32
      scf.if %cond3A_250 {
        %sub3A = arith.constant 2 : i32
        %sub3A_280 = arith.subi %add3A_231, %sub3A : i32
        %dma_wait3A_281 = arith.constant 1 : i32
        %dma_wait3A_282 = arith.constant 1 : i32
        %dma_wait3A_283 = arith.constant 0 : i32
        %dma_wait3A_284 = arith.constant 0 : i32
        %dma_wait3A_285 = tpu.memref_slice %arg7[%dma_wait3A_281, %dma_wait3A_283, %dma_wait3A_284] : memref<2x64x128xf32, #tpu.memory_space<vmem>> -> memref<1x64x128xf32, #tpu.memory_space<vmem>>
        %dma_wait3A_286 = tpu.memref_squeeze %dma_wait3A_285 : memref<1x64x128xf32, #tpu.memory_space<vmem>> -> memref<64x128xf32, #tpu.memory_space<vmem>>
        %dma_wait3A_287 = arith.constant 0 : i32
        %dma_wait3A_288 = tpu.memref_slice %arg4[%sub3A_280, %dma_wait3A_287, %mul3A_2] : memref<200x64x4096xf32, #tpu.memory_space<hbm>> -> memref<1x64x128xf32, #tpu.memory_space<hbm>>
        %dma_wait3A_289 = tpu.memref_squeeze %dma_wait3A_288 : memref<1x64x128xf32, #tpu.memory_space<hbm>> -> memref<64x128xf32, #tpu.memory_space<hbm>>
        %dma_wait3A_290 = tpu.memref_slice %arg9[%dma_wait3A_282] : memref<2x!tpu.dma_semaphore, #tpu.memory_space<semaphore_mem>> -> memref<1x!tpu.dma_semaphore, #tpu.memory_space<semaphore_mem>>
        %dma_wait3A_291 = tpu.memref_squeeze %dma_wait3A_290 : memref<1x!tpu.dma_semaphore, #tpu.memory_space<semaphore_mem>> -> memref<!tpu.dma_semaphore, #tpu.memory_space<semaphore_mem>>
        %dma_wait3A_292 = arith.constant 0 : i32
        %dma_wait3A_293 = tpu.memref_slice %arg4[%sub3A_280, %dma_wait3A_292, %mul3A_2] : memref<200x64x4096xf32, #tpu.memory_space<hbm>> -> memref<1x64x128xf32, #tpu.memory_space<hbm>>
        %dma_wait3A_294 = tpu.memref_squeeze %dma_wait3A_293 : memref<1x64x128xf32, #tpu.memory_space<hbm>> -> memref<64x128xf32, #tpu.memory_space<hbm>>
        %dma_wait3A_295 = arith.constant 0 : i32
        %dma_wait3A_296 = arith.constant 0 : i32
        %dma_wait3A_297 = tpu.memref_slice %arg7[%dma_wait3A_281, %dma_wait3A_295, %dma_wait3A_296] : memref<2x64x128xf32, #tpu.memory_space<vmem>> -> memref<1x64x128xf32, #tpu.memory_space<vmem>>
        %dma_wait3A_298 = tpu.memref_squeeze %dma_wait3A_297 : memref<1x64x128xf32, #tpu.memory_space<vmem>> -> memref<64x128xf32, #tpu.memory_space<vmem>>
        tpu.wait_dma2 semaphore(%dma_wait3A_291 : memref<!tpu.dma_semaphore, #tpu.memory_space<semaphore_mem>>) src(%dma_wait3A_298 : memref<64x128xf32, #tpu.memory_space<vmem>>) dst(%dma_wait3A_294 : memref<64x128xf32, #tpu.memory_space<hbm>>)
      } else {
      }
      %scan3A_251 = arith.constant 0 : i32
      %scan3A_252 = arith.constant 0 : i32
      %scan3A_253 = arith.constant 8 : i32
      %scan3A_254 = arith.addi %scan3A_252, %scan3A_253 : i32
      %scan3A_255 = arith.constant 1 : i32
      scf.for %scan3A_280 = %scan3A_252 to %scan3A_254 step %scan3A_255  : i32 {
        %mul3A_281 = arith.constant 16 : i32
        %mul3A_282 = arith.muli %scan3A_280, %mul3A_281 : i32
        %add3A_283 = vector.broadcast %mul3A_282 : i32 to vector<16xi32>
        %add3A_284 = arith.addi %and3A_7, %add3A_283 : vector<16xi32>
        %gather3A = arith.constant 1 : i32
        %gather3A_285 = arith.constant 0 : i32
        %gather3A_286 = arith.constant 0 : i32
        %gather3A_287 = tpu.memref_slice %arg6[%gather3A, %gather3A_285, %gather3A_286] : memref<2x128x64xf32, #tpu.memory_space<vmem>> -> memref<1x128x64xf32, #tpu.memory_space<vmem>>
        %gather3A_288 = tpu.memref_squeeze %gather3A_287 : memref<1x128x64xf32, #tpu.memory_space<vmem>> -> memref<128x64xf32, #tpu.memory_space<vmem>>
        %gather3A_289 = tpu.vector_load_idx %gather3A_288[%add3A_284, %add3A_100] : memref<128x64xf32, #tpu.memory_space<vmem>>[vector<16xi32>, vector<16xi32>], vector<16xf32>,
        %scatter3A = arith.constant 1 : i32
        %scatter3A_290 = arith.constant 0 : i32
        %scatter3A_291 = arith.constant 0 : i32
        %scatter3A_292 = tpu.memref_slice %arg7[%scatter3A, %scatter3A_290, %scatter3A_291] : memref<2x64x128xf32, #tpu.memory_space<vmem>> -> memref<1x64x128xf32, #tpu.memory_space<vmem>>
        %scatter3A_293 = tpu.memref_squeeze %scatter3A_292 : memref<1x64x128xf32, #tpu.memory_space<vmem>> -> memref<64x128xf32, #tpu.memory_space<vmem>>
        tpu.vector_store_idx %scatter3A_293[%add3A_100, %add3A_284], %gather3A_289 : memref<64x128xf32, #tpu.memory_space<vmem>>[vector<16xi32>, vector<16xi32>], vector<16xf32>,
        %add3A_294 = vector.broadcast %mul3A_282 : i32 to vector<16xi32>
        %add3A_295 = arith.addi %and3A_13, %add3A_294 : vector<16xi32>
        %gather3A_296 = arith.constant 1 : i32
        %gather3A_297 = arith.constant 0 : i32
        %gather3A_298 = arith.constant 0 : i32
        %gather3A_299 = tpu.memref_slice %arg6[%gather3A_296, %gather3A_297, %gather3A_298] : memref<2x128x64xf32, #tpu.memory_space<vmem>> -> memref<1x128x64xf32, #tpu.memory_space<vmem>>
        %gather3A_300 = tpu.memref_squeeze %gather3A_299 : memref<1x128x64xf32, #tpu.memory_space<vmem>> -> memref<128x64xf32, #tpu.memory_space<vmem>>
        %gather3A_301 = tpu.vector_load_idx %gather3A_300[%add3A_295, %add3A_100] : memref<128x64xf32, #tpu.memory_space<vmem>>[vector<16xi32>, vector<16xi32>], vector<16xf32>,
        %scatter3A_302 = arith.constant 1 : i32
        %scatter3A_303 = arith.constant 0 : i32
        %scatter3A_304 = arith.constant 0 : i32
        %scatter3A_305 = tpu.memref_slice %arg7[%scatter3A_302, %scatter3A_303, %scatter3A_304] : memref<2x64x128xf32, #tpu.memory_space<vmem>> -> memref<1x64x128xf32, #tpu.memory_space<vmem>>
        %scatter3A_306 = tpu.memref_squeeze %scatter3A_305 : memref<1x64x128xf32, #tpu.memory_space<vmem>> -> memref<64x128xf32, #tpu.memory_space<vmem>>
        tpu.vector_store_idx %scatter3A_306[%add3A_100, %add3A_295], %gather3A_301 : memref<64x128xf32, #tpu.memory_space<vmem>>[vector<16xi32>, vector<16xi32>], vector<16xf32>,
        %add3A_307 = vector.broadcast %mul3A_282 : i32 to vector<16xi32>
        %add3A_308 = arith.addi %and3A_19, %add3A_307 : vector<16xi32>
        %gather3A_309 = arith.constant 1 : i32
        %gather3A_310 = arith.constant 0 : i32
        %gather3A_311 = arith.constant 0 : i32
        %gather3A_312 = tpu.memref_slice %arg6[%gather3A_309, %gather3A_310, %gather3A_311] : memref<2x128x64xf32, #tpu.memory_space<vmem>> -> memref<1x128x64xf32, #tpu.memory_space<vmem>>
        %gather3A_313 = tpu.memref_squeeze %gather3A_312 : memref<1x128x64xf32, #tpu.memory_space<vmem>> -> memref<128x64xf32, #tpu.memory_space<vmem>>
        %gather3A_314 = tpu.vector_load_idx %gather3A_313[%add3A_308, %add3A_100] : memref<128x64xf32, #tpu.memory_space<vmem>>[vector<16xi32>, vector<16xi32>], vector<16xf32>,
        %scatter3A_315 = arith.constant 1 : i32
        %scatter3A_316 = arith.constant 0 : i32
        %scatter3A_317 = arith.constant 0 : i32
        %scatter3A_318 = tpu.memref_slice %arg7[%scatter3A_315, %scatter3A_316, %scatter3A_317] : memref<2x64x128xf32, #tpu.memory_space<vmem>> -> memref<1x64x128xf32, #tpu.memory_space<vmem>>
        %scatter3A_319 = tpu.memref_squeeze %scatter3A_318 : memref<1x64x128xf32, #tpu.memory_space<vmem>> -> memref<64x128xf32, #tpu.memory_space<vmem>>
        tpu.vector_store_idx %scatter3A_319[%add3A_100, %add3A_308], %gather3A_314 : memref<64x128xf32, #tpu.memory_space<vmem>>[vector<16xi32>, vector<16xi32>], vector<16xf32>,
        %add3A_320 = vector.broadcast %mul3A_282 : i32 to vector<16xi32>
        %add3A_321 = arith.addi %and3A_25, %add3A_320 : vector<16xi32>
        %gather3A_322 = arith.constant 1 : i32
        %gather3A_323 = arith.constant 0 : i32
        %gather3A_324 = arith.constant 0 : i32
        %gather3A_325 = tpu.memref_slice %arg6[%gather3A_322, %gather3A_323, %gather3A_324] : memref<2x128x64xf32, #tpu.memory_space<vmem>> -> memref<1x128x64xf32, #tpu.memory_space<vmem>>
        %gather3A_326 = tpu.memref_squeeze %gather3A_325 : memref<1x128x64xf32, #tpu.memory_space<vmem>> -> memref<128x64xf32, #tpu.memory_space<vmem>>
        %gather3A_327 = tpu.vector_load_idx %gather3A_326[%add3A_321, %add3A_100] : memref<128x64xf32, #tpu.memory_space<vmem>>[vector<16xi32>, vector<16xi32>], vector<16xf32>,
        %scatter3A_328 = arith.constant 1 : i32
        %scatter3A_329 = arith.constant 0 : i32
        %scatter3A_330 = arith.constant 0 : i32
        %scatter3A_331 = tpu.memref_slice %arg7[%scatter3A_328, %scatter3A_329, %scatter3A_330] : memref<2x64x128xf32, #tpu.memory_space<vmem>> -> memref<1x64x128xf32, #tpu.memory_space<vmem>>
        %scatter3A_332 = tpu.memref_squeeze %scatter3A_331 : memref<1x64x128xf32, #tpu.memory_space<vmem>> -> memref<64x128xf32, #tpu.memory_space<vmem>>
        tpu.vector_store_idx %scatter3A_332[%add3A_100, %add3A_321], %gather3A_327 : memref<64x128xf32, #tpu.memory_space<vmem>>[vector<16xi32>, vector<16xi32>], vector<16xf32>,
        %add3A_333 = vector.broadcast %mul3A_282 : i32 to vector<16xi32>
        %add3A_334 = arith.addi %and3A_31, %add3A_333 : vector<16xi32>
        %gather3A_335 = arith.constant 1 : i32
        %gather3A_336 = arith.constant 0 : i32
        %gather3A_337 = arith.constant 0 : i32
        %gather3A_338 = tpu.memref_slice %arg6[%gather3A_335, %gather3A_336, %gather3A_337] : memref<2x128x64xf32, #tpu.memory_space<vmem>> -> memref<1x128x64xf32, #tpu.memory_space<vmem>>
        %gather3A_339 = tpu.memref_squeeze %gather3A_338 : memref<1x128x64xf32, #tpu.memory_space<vmem>> -> memref<128x64xf32, #tpu.memory_space<vmem>>
        %gather3A_340 = tpu.vector_load_idx %gather3A_339[%add3A_334, %add3A_100] : memref<128x64xf32, #tpu.memory_space<vmem>>[vector<16xi32>, vector<16xi32>], vector<16xf32>,
        %scatter3A_341 = arith.constant 1 : i32
        %scatter3A_342 = arith.constant 0 : i32
        %scatter3A_343 = arith.constant 0 : i32
        %scatter3A_344 = tpu.memref_slice %arg7[%scatter3A_341, %scatter3A_342, %scatter3A_343] : memref<2x64x128xf32, #tpu.memory_space<vmem>> -> memref<1x64x128xf32, #tpu.memory_space<vmem>>
        %scatter3A_345 = tpu.memref_squeeze %scatter3A_344 : memref<1x64x128xf32, #tpu.memory_space<vmem>> -> memref<64x128xf32, #tpu.memory_space<vmem>>
        tpu.vector_store_idx %scatter3A_345[%add3A_100, %add3A_334], %gather3A_340 : memref<64x128xf32, #tpu.memory_space<vmem>>[vector<16xi32>, vector<16xi32>], vector<16xf32>,
        %add3A_346 = vector.broadcast %mul3A_282 : i32 to vector<16xi32>
        %add3A_347 = arith.addi %and3A_37, %add3A_346 : vector<16xi32>
        %gather3A_348 = arith.constant 1 : i32
        %gather3A_349 = arith.constant 0 : i32
        %gather3A_350 = arith.constant 0 : i32
        %gather3A_351 = tpu.memref_slice %arg6[%gather3A_348, %gather3A_349, %gather3A_350] : memref<2x128x64xf32, #tpu.memory_space<vmem>> -> memref<1x128x64xf32, #tpu.memory_space<vmem>>
        %gather3A_352 = tpu.memref_squeeze %gather3A_351 : memref<1x128x64xf32, #tpu.memory_space<vmem>> -> memref<128x64xf32, #tpu.memory_space<vmem>>
        %gather3A_353 = tpu.vector_load_idx %gather3A_352[%add3A_347, %add3A_100] : memref<128x64xf32, #tpu.memory_space<vmem>>[vector<16xi32>, vector<16xi32>], vector<16xf32>,
        %scatter3A_354 = arith.constant 1 : i32
        %scatter3A_355 = arith.constant 0 : i32
        %scatter3A_356 = arith.constant 0 : i32
        %scatter3A_357 = tpu.memref_slice %arg7[%scatter3A_354, %scatter3A_355, %scatter3A_356] : memref<2x64x128xf32, #tpu.memory_space<vmem>> -> memref<1x64x128xf32, #tpu.memory_space<vmem>>
        %scatter3A_358 = tpu.memref_squeeze %scatter3A_357 : memref<1x64x128xf32, #tpu.memory_space<vmem>> -> memref<64x128xf32, #tpu.memory_space<vmem>>
        tpu.vector_store_idx %scatter3A_358[%add3A_100, %add3A_347], %gather3A_353 : memref<64x128xf32, #tpu.memory_space<vmem>>[vector<16xi32>, vector<16xi32>], vector<16xf32>,
        %add3A_359 = vector.broadcast %mul3A_282 : i32 to vector<16xi32>
        %add3A_360 = arith.addi %and3A_43, %add3A_359 : vector<16xi32>
        %gather3A_361 = arith.constant 1 : i32
        %gather3A_362 = arith.constant 0 : i32
        %gather3A_363 = arith.constant 0 : i32
        %gather3A_364 = tpu.memref_slice %arg6[%gather3A_361, %gather3A_362, %gather3A_363] : memref<2x128x64xf32, #tpu.memory_space<vmem>> -> memref<1x128x64xf32, #tpu.memory_space<vmem>>
        %gather3A_365 = tpu.memref_squeeze %gather3A_364 : memref<1x128x64xf32, #tpu.memory_space<vmem>> -> memref<128x64xf32, #tpu.memory_space<vmem>>
        %gather3A_366 = tpu.vector_load_idx %gather3A_365[%add3A_360, %add3A_100] : memref<128x64xf32, #tpu.memory_space<vmem>>[vector<16xi32>, vector<16xi32>], vector<16xf32>,
        %scatter3A_367 = arith.constant 1 : i32
        %scatter3A_368 = arith.constant 0 : i32
        %scatter3A_369 = arith.constant 0 : i32
        %scatter3A_370 = tpu.memref_slice %arg7[%scatter3A_367, %scatter3A_368, %scatter3A_369] : memref<2x64x128xf32, #tpu.memory_space<vmem>> -> memref<1x64x128xf32, #tpu.memory_space<vmem>>
        %scatter3A_371 = tpu.memref_squeeze %scatter3A_370 : memref<1x64x128xf32, #tpu.memory_space<vmem>> -> memref<64x128xf32, #tpu.memory_space<vmem>>
        tpu.vector_store_idx %scatter3A_371[%add3A_100, %add3A_360], %gather3A_366 : memref<64x128xf32, #tpu.memory_space<vmem>>[vector<16xi32>, vector<16xi32>], vector<16xf32>,
        %add3A_372 = vector.broadcast %mul3A_282 : i32 to vector<16xi32>
        %add3A_373 = arith.addi %and3A_49, %add3A_372 : vector<16xi32>
        %gather3A_374 = arith.constant 1 : i32
        %gather3A_375 = arith.constant 0 : i32
        %gather3A_376 = arith.constant 0 : i32
        %gather3A_377 = tpu.memref_slice %arg6[%gather3A_374, %gather3A_375, %gather3A_376] : memref<2x128x64xf32, #tpu.memory_space<vmem>> -> memref<1x128x64xf32, #tpu.memory_space<vmem>>
        %gather3A_378 = tpu.memref_squeeze %gather3A_377 : memref<1x128x64xf32, #tpu.memory_space<vmem>> -> memref<128x64xf32, #tpu.memory_space<vmem>>
        %gather3A_379 = tpu.vector_load_idx %gather3A_378[%add3A_373, %add3A_100] : memref<128x64xf32, #tpu.memory_space<vmem>>[vector<16xi32>, vector<16xi32>], vector<16xf32>,
        %scatter3A_380 = arith.constant 1 : i32
        %scatter3A_381 = arith.constant 0 : i32
        %scatter3A_382 = arith.constant 0 : i32
        %scatter3A_383 = tpu.memref_slice %arg7[%scatter3A_380, %scatter3A_381, %scatter3A_382] : memref<2x64x128xf32, #tpu.memory_space<vmem>> -> memref<1x64x128xf32, #tpu.memory_space<vmem>>
        %scatter3A_384 = tpu.memref_squeeze %scatter3A_383 : memref<1x64x128xf32, #tpu.memory_space<vmem>> -> memref<64x128xf32, #tpu.memory_space<vmem>>
        tpu.vector_store_idx %scatter3A_384[%add3A_100, %add3A_373], %gather3A_379 : memref<64x128xf32, #tpu.memory_space<vmem>>[vector<16xi32>, vector<16xi32>], vector<16xf32>,
        %add3A_385 = vector.broadcast %mul3A_282 : i32 to vector<16xi32>
        %add3A_386 = arith.addi %and3A_55, %add3A_385 : vector<16xi32>
        %gather3A_387 = arith.constant 1 : i32
        %gather3A_388 = arith.constant 0 : i32
        %gather3A_389 = arith.constant 0 : i32
        %gather3A_390 = tpu.memref_slice %arg6[%gather3A_387, %gather3A_388, %gather3A_389] : memref<2x128x64xf32, #tpu.memory_space<vmem>> -> memref<1x128x64xf32, #tpu.memory_space<vmem>>
        %gather3A_391 = tpu.memref_squeeze %gather3A_390 : memref<1x128x64xf32, #tpu.memory_space<vmem>> -> memref<128x64xf32, #tpu.memory_space<vmem>>
        %gather3A_392 = tpu.vector_load_idx %gather3A_391[%add3A_386, %add3A_100] : memref<128x64xf32, #tpu.memory_space<vmem>>[vector<16xi32>, vector<16xi32>], vector<16xf32>,
        %scatter3A_393 = arith.constant 1 : i32
        %scatter3A_394 = arith.constant 0 : i32
        %scatter3A_395 = arith.constant 0 : i32
        %scatter3A_396 = tpu.memref_slice %arg7[%scatter3A_393, %scatter3A_394, %scatter3A_395] : memref<2x64x128xf32, #tpu.memory_space<vmem>> -> memref<1x64x128xf32, #tpu.memory_space<vmem>>
        %scatter3A_397 = tpu.memref_squeeze %scatter3A_396 : memref<1x64x128xf32, #tpu.memory_space<vmem>> -> memref<64x128xf32, #tpu.memory_space<vmem>>
        tpu.vector_store_idx %scatter3A_397[%add3A_100, %add3A_386], %gather3A_392 : memref<64x128xf32, #tpu.memory_space<vmem>>[vector<16xi32>, vector<16xi32>], vector<16xf32>,
        %add3A_398 = vector.broadcast %mul3A_282 : i32 to vector<16xi32>
        %add3A_399 = arith.addi %and3A_61, %add3A_398 : vector<16xi32>
        %gather3A_400 = arith.constant 1 : i32
        %gather3A_401 = arith.constant 0 : i32
        %gather3A_402 = arith.constant 0 : i32
        %gather3A_403 = tpu.memref_slice %arg6[%gather3A_400, %gather3A_401, %gather3A_402] : memref<2x128x64xf32, #tpu.memory_space<vmem>> -> memref<1x128x64xf32, #tpu.memory_space<vmem>>
        %gather3A_404 = tpu.memref_squeeze %gather3A_403 : memref<1x128x64xf32, #tpu.memory_space<vmem>> -> memref<128x64xf32, #tpu.memory_space<vmem>>
        %gather3A_405 = tpu.vector_load_idx %gather3A_404[%add3A_399, %add3A_100] : memref<128x64xf32, #tpu.memory_space<vmem>>[vector<16xi32>, vector<16xi32>], vector<16xf32>,
        %scatter3A_406 = arith.constant 1 : i32
        %scatter3A_407 = arith.constant 0 : i32
        %scatter3A_408 = arith.constant 0 : i32
        %scatter3A_409 = tpu.memref_slice %arg7[%scatter3A_406, %scatter3A_407, %scatter3A_408] : memref<2x64x128xf32, #tpu.memory_space<vmem>> -> memref<1x64x128xf32, #tpu.memory_space<vmem>>
        %scatter3A_410 = tpu.memref_squeeze %scatter3A_409 : memref<1x64x128xf32, #tpu.memory_space<vmem>> -> memref<64x128xf32, #tpu.memory_space<vmem>>
        tpu.vector_store_idx %scatter3A_410[%add3A_100, %add3A_399], %gather3A_405 : memref<64x128xf32, #tpu.memory_space<vmem>>[vector<16xi32>, vector<16xi32>], vector<16xf32>,
        %add3A_411 = vector.broadcast %mul3A_282 : i32 to vector<16xi32>
        %add3A_412 = arith.addi %and3A_67, %add3A_411 : vector<16xi32>
        %gather3A_413 = arith.constant 1 : i32
        %gather3A_414 = arith.constant 0 : i32
        %gather3A_415 = arith.constant 0 : i32
        %gather3A_416 = tpu.memref_slice %arg6[%gather3A_413, %gather3A_414, %gather3A_415] : memref<2x128x64xf32, #tpu.memory_space<vmem>> -> memref<1x128x64xf32, #tpu.memory_space<vmem>>
        %gather3A_417 = tpu.memref_squeeze %gather3A_416 : memref<1x128x64xf32, #tpu.memory_space<vmem>> -> memref<128x64xf32, #tpu.memory_space<vmem>>
        %gather3A_418 = tpu.vector_load_idx %gather3A_417[%add3A_412, %add3A_100] : memref<128x64xf32, #tpu.memory_space<vmem>>[vector<16xi32>, vector<16xi32>], vector<16xf32>,
        %scatter3A_419 = arith.constant 1 : i32
        %scatter3A_420 = arith.constant 0 : i32
        %scatter3A_421 = arith.constant 0 : i32
        %scatter3A_422 = tpu.memref_slice %arg7[%scatter3A_419, %scatter3A_420, %scatter3A_421] : memref<2x64x128xf32, #tpu.memory_space<vmem>> -> memref<1x64x128xf32, #tpu.memory_space<vmem>>
        %scatter3A_423 = tpu.memref_squeeze %scatter3A_422 : memref<1x64x128xf32, #tpu.memory_space<vmem>> -> memref<64x128xf32, #tpu.memory_space<vmem>>
        tpu.vector_store_idx %scatter3A_423[%add3A_100, %add3A_412], %gather3A_418 : memref<64x128xf32, #tpu.memory_space<vmem>>[vector<16xi32>, vector<16xi32>], vector<16xf32>,
        %add3A_424 = vector.broadcast %mul3A_282 : i32 to vector<16xi32>
        %add3A_425 = arith.addi %and3A_73, %add3A_424 : vector<16xi32>
        %gather3A_426 = arith.constant 1 : i32
        %gather3A_427 = arith.constant 0 : i32
        %gather3A_428 = arith.constant 0 : i32
        %gather3A_429 = tpu.memref_slice %arg6[%gather3A_426, %gather3A_427, %gather3A_428] : memref<2x128x64xf32, #tpu.memory_space<vmem>> -> memref<1x128x64xf32, #tpu.memory_space<vmem>>
        %gather3A_430 = tpu.memref_squeeze %gather3A_429 : memref<1x128x64xf32, #tpu.memory_space<vmem>> -> memref<128x64xf32, #tpu.memory_space<vmem>>
        %gather3A_431 = tpu.vector_load_idx %gather3A_430[%add3A_425, %add3A_100] : memref<128x64xf32, #tpu.memory_space<vmem>>[vector<16xi32>, vector<16xi32>], vector<16xf32>,
        %scatter3A_432 = arith.constant 1 : i32
        %scatter3A_433 = arith.constant 0 : i32
        %scatter3A_434 = arith.constant 0 : i32
        %scatter3A_435 = tpu.memref_slice %arg7[%scatter3A_432, %scatter3A_433, %scatter3A_434] : memref<2x64x128xf32, #tpu.memory_space<vmem>> -> memref<1x64x128xf32, #tpu.memory_space<vmem>>
        %scatter3A_436 = tpu.memref_squeeze %scatter3A_435 : memref<1x64x128xf32, #tpu.memory_space<vmem>> -> memref<64x128xf32, #tpu.memory_space<vmem>>
        tpu.vector_store_idx %scatter3A_436[%add3A_100, %add3A_425], %gather3A_431 : memref<64x128xf32, #tpu.memory_space<vmem>>[vector<16xi32>, vector<16xi32>], vector<16xf32>,
        %add3A_437 = vector.broadcast %mul3A_282 : i32 to vector<16xi32>
        %add3A_438 = arith.addi %and3A_79, %add3A_437 : vector<16xi32>
        %gather3A_439 = arith.constant 1 : i32
        %gather3A_440 = arith.constant 0 : i32
        %gather3A_441 = arith.constant 0 : i32
        %gather3A_442 = tpu.memref_slice %arg6[%gather3A_439, %gather3A_440, %gather3A_441] : memref<2x128x64xf32, #tpu.memory_space<vmem>> -> memref<1x128x64xf32, #tpu.memory_space<vmem>>
        %gather3A_443 = tpu.memref_squeeze %gather3A_442 : memref<1x128x64xf32, #tpu.memory_space<vmem>> -> memref<128x64xf32, #tpu.memory_space<vmem>>
        %gather3A_444 = tpu.vector_load_idx %gather3A_443[%add3A_438, %add3A_100] : memref<128x64xf32, #tpu.memory_space<vmem>>[vector<16xi32>, vector<16xi32>], vector<16xf32>,
        %scatter3A_445 = arith.constant 1 : i32
        %scatter3A_446 = arith.constant 0 : i32
        %scatter3A_447 = arith.constant 0 : i32
        %scatter3A_448 = tpu.memref_slice %arg7[%scatter3A_445, %scatter3A_446, %scatter3A_447] : memref<2x64x128xf32, #tpu.memory_space<vmem>> -> memref<1x64x128xf32, #tpu.memory_space<vmem>>
        %scatter3A_449 = tpu.memref_squeeze %scatter3A_448 : memref<1x64x128xf32, #tpu.memory_space<vmem>> -> memref<64x128xf32, #tpu.memory_space<vmem>>
        tpu.vector_store_idx %scatter3A_449[%add3A_100, %add3A_438], %gather3A_444 : memref<64x128xf32, #tpu.memory_space<vmem>>[vector<16xi32>, vector<16xi32>], vector<16xf32>,
        %add3A_450 = vector.broadcast %mul3A_282 : i32 to vector<16xi32>
        %add3A_451 = arith.addi %and3A_85, %add3A_450 : vector<16xi32>
        %gather3A_452 = arith.constant 1 : i32
        %gather3A_453 = arith.constant 0 : i32
        %gather3A_454 = arith.constant 0 : i32
        %gather3A_455 = tpu.memref_slice %arg6[%gather3A_452, %gather3A_453, %gather3A_454] : memref<2x128x64xf32, #tpu.memory_space<vmem>> -> memref<1x128x64xf32, #tpu.memory_space<vmem>>
        %gather3A_456 = tpu.memref_squeeze %gather3A_455 : memref<1x128x64xf32, #tpu.memory_space<vmem>> -> memref<128x64xf32, #tpu.memory_space<vmem>>
        %gather3A_457 = tpu.vector_load_idx %gather3A_456[%add3A_451, %add3A_100] : memref<128x64xf32, #tpu.memory_space<vmem>>[vector<16xi32>, vector<16xi32>], vector<16xf32>,
        %scatter3A_458 = arith.constant 1 : i32
        %scatter3A_459 = arith.constant 0 : i32
        %scatter3A_460 = arith.constant 0 : i32
        %scatter3A_461 = tpu.memref_slice %arg7[%scatter3A_458, %scatter3A_459, %scatter3A_460] : memref<2x64x128xf32, #tpu.memory_space<vmem>> -> memref<1x64x128xf32, #tpu.memory_space<vmem>>
        %scatter3A_462 = tpu.memref_squeeze %scatter3A_461 : memref<1x64x128xf32, #tpu.memory_space<vmem>> -> memref<64x128xf32, #tpu.memory_space<vmem>>
        tpu.vector_store_idx %scatter3A_462[%add3A_100, %add3A_451], %gather3A_457 : memref<64x128xf32, #tpu.memory_space<vmem>>[vector<16xi32>, vector<16xi32>], vector<16xf32>,
        %add3A_463 = vector.broadcast %mul3A_282 : i32 to vector<16xi32>
        %add3A_464 = arith.addi %and3A_91, %add3A_463 : vector<16xi32>
        %gather3A_465 = arith.constant 1 : i32
        %gather3A_466 = arith.constant 0 : i32
        %gather3A_467 = arith.constant 0 : i32
        %gather3A_468 = tpu.memref_slice %arg6[%gather3A_465, %gather3A_466, %gather3A_467] : memref<2x128x64xf32, #tpu.memory_space<vmem>> -> memref<1x128x64xf32, #tpu.memory_space<vmem>>
        %gather3A_469 = tpu.memref_squeeze %gather3A_468 : memref<1x128x64xf32, #tpu.memory_space<vmem>> -> memref<128x64xf32, #tpu.memory_space<vmem>>
        %gather3A_470 = tpu.vector_load_idx %gather3A_469[%add3A_464, %add3A_100] : memref<128x64xf32, #tpu.memory_space<vmem>>[vector<16xi32>, vector<16xi32>], vector<16xf32>,
        %scatter3A_471 = arith.constant 1 : i32
        %scatter3A_472 = arith.constant 0 : i32
        %scatter3A_473 = arith.constant 0 : i32
        %scatter3A_474 = tpu.memref_slice %arg7[%scatter3A_471, %scatter3A_472, %scatter3A_473] : memref<2x64x128xf32, #tpu.memory_space<vmem>> -> memref<1x64x128xf32, #tpu.memory_space<vmem>>
        %scatter3A_475 = tpu.memref_squeeze %scatter3A_474 : memref<1x64x128xf32, #tpu.memory_space<vmem>> -> memref<64x128xf32, #tpu.memory_space<vmem>>
        tpu.vector_store_idx %scatter3A_475[%add3A_100, %add3A_464], %gather3A_470 : memref<64x128xf32, #tpu.memory_space<vmem>>[vector<16xi32>, vector<16xi32>], vector<16xf32>,
        %add3A_476 = vector.broadcast %mul3A_282 : i32 to vector<16xi32>
        %add3A_477 = arith.addi %and3A_97, %add3A_476 : vector<16xi32>
        %gather3A_478 = arith.constant 1 : i32
        %gather3A_479 = arith.constant 0 : i32
        %gather3A_480 = arith.constant 0 : i32
        %gather3A_481 = tpu.memref_slice %arg6[%gather3A_478, %gather3A_479, %gather3A_480] : memref<2x128x64xf32, #tpu.memory_space<vmem>> -> memref<1x128x64xf32, #tpu.memory_space<vmem>>
        %gather3A_482 = tpu.memref_squeeze %gather3A_481 : memref<1x128x64xf32, #tpu.memory_space<vmem>> -> memref<128x64xf32, #tpu.memory_space<vmem>>
        %gather3A_483 = tpu.vector_load_idx %gather3A_482[%add3A_477, %add3A_100] : memref<128x64xf32, #tpu.memory_space<vmem>>[vector<16xi32>, vector<16xi32>], vector<16xf32>,
        %scatter3A_484 = arith.constant 1 : i32
        %scatter3A_485 = arith.constant 0 : i32
        %scatter3A_486 = arith.constant 0 : i32
        %scatter3A_487 = tpu.memref_slice %arg7[%scatter3A_484, %scatter3A_485, %scatter3A_486] : memref<2x64x128xf32, #tpu.memory_space<vmem>> -> memref<1x64x128xf32, #tpu.memory_space<vmem>>
        %scatter3A_488 = tpu.memref_squeeze %scatter3A_487 : memref<1x64x128xf32, #tpu.memory_space<vmem>> -> memref<64x128xf32, #tpu.memory_space<vmem>>
        tpu.vector_store_idx %scatter3A_488[%add3A_100, %add3A_477], %gather3A_483 : memref<64x128xf32, #tpu.memory_space<vmem>>[vector<16xi32>, vector<16xi32>], vector<16xf32>,
        %add3A_489 = vector.broadcast %mul3A_282 : i32 to vector<16xi32>
        %add3A_490 = arith.addi %and3A_7, %add3A_489 : vector<16xi32>
        %gather3A_491 = arith.constant 1 : i32
        %gather3A_492 = arith.constant 0 : i32
        %gather3A_493 = arith.constant 0 : i32
        %gather3A_494 = tpu.memref_slice %arg6[%gather3A_491, %gather3A_492, %gather3A_493] : memref<2x128x64xf32, #tpu.memory_space<vmem>> -> memref<1x128x64xf32, #tpu.memory_space<vmem>>
        %gather3A_495 = tpu.memref_squeeze %gather3A_494 : memref<1x128x64xf32, #tpu.memory_space<vmem>> -> memref<128x64xf32, #tpu.memory_space<vmem>>
        %gather3A_496 = tpu.vector_load_idx %gather3A_495[%add3A_490, %add3A_103] : memref<128x64xf32, #tpu.memory_space<vmem>>[vector<16xi32>, vector<16xi32>], vector<16xf32>,
        %scatter3A_497 = arith.constant 1 : i32
        %scatter3A_498 = arith.constant 0 : i32
        %scatter3A_499 = arith.constant 0 : i32
        %scatter3A_500 = tpu.memref_slice %arg7[%scatter3A_497, %scatter3A_498, %scatter3A_499] : memref<2x64x128xf32, #tpu.memory_space<vmem>> -> memref<1x64x128xf32, #tpu.memory_space<vmem>>
        %scatter3A_501 = tpu.memref_squeeze %scatter3A_500 : memref<1x64x128xf32, #tpu.memory_space<vmem>> -> memref<64x128xf32, #tpu.memory_space<vmem>>
        tpu.vector_store_idx %scatter3A_501[%add3A_103, %add3A_490], %gather3A_496 : memref<64x128xf32, #tpu.memory_space<vmem>>[vector<16xi32>, vector<16xi32>], vector<16xf32>,
        %add3A_502 = vector.broadcast %mul3A_282 : i32 to vector<16xi32>
        %add3A_503 = arith.addi %and3A_13, %add3A_502 : vector<16xi32>
        %gather3A_504 = arith.constant 1 : i32
        %gather3A_505 = arith.constant 0 : i32
        %gather3A_506 = arith.constant 0 : i32
        %gather3A_507 = tpu.memref_slice %arg6[%gather3A_504, %gather3A_505, %gather3A_506] : memref<2x128x64xf32, #tpu.memory_space<vmem>> -> memref<1x128x64xf32, #tpu.memory_space<vmem>>
        %gather3A_508 = tpu.memref_squeeze %gather3A_507 : memref<1x128x64xf32, #tpu.memory_space<vmem>> -> memref<128x64xf32, #tpu.memory_space<vmem>>
        %gather3A_509 = tpu.vector_load_idx %gather3A_508[%add3A_503, %add3A_103] : memref<128x64xf32, #tpu.memory_space<vmem>>[vector<16xi32>, vector<16xi32>], vector<16xf32>,
        %scatter3A_510 = arith.constant 1 : i32
        %scatter3A_511 = arith.constant 0 : i32
        %scatter3A_512 = arith.constant 0 : i32
        %scatter3A_513 = tpu.memref_slice %arg7[%scatter3A_510, %scatter3A_511, %scatter3A_512] : memref<2x64x128xf32, #tpu.memory_space<vmem>> -> memref<1x64x128xf32, #tpu.memory_space<vmem>>
        %scatter3A_514 = tpu.memref_squeeze %scatter3A_513 : memref<1x64x128xf32, #tpu.memory_space<vmem>> -> memref<64x128xf32, #tpu.memory_space<vmem>>
        tpu.vector_store_idx %scatter3A_514[%add3A_103, %add3A_503], %gather3A_509 : memref<64x128xf32, #tpu.memory_space<vmem>>[vector<16xi32>, vector<16xi32>], vector<16xf32>,
        %add3A_515 = vector.broadcast %mul3A_282 : i32 to vector<16xi32>
        %add3A_516 = arith.addi %and3A_19, %add3A_515 : vector<16xi32>
        %gather3A_517 = arith.constant 1 : i32
        %gather3A_518 = arith.constant 0 : i32
        %gather3A_519 = arith.constant 0 : i32
        %gather3A_520 = tpu.memref_slice %arg6[%gather3A_517, %gather3A_518, %gather3A_519] : memref<2x128x64xf32, #tpu.memory_space<vmem>> -> memref<1x128x64xf32, #tpu.memory_space<vmem>>
        %gather3A_521 = tpu.memref_squeeze %gather3A_520 : memref<1x128x64xf32, #tpu.memory_space<vmem>> -> memref<128x64xf32, #tpu.memory_space<vmem>>
        %gather3A_522 = tpu.vector_load_idx %gather3A_521[%add3A_516, %add3A_103] : memref<128x64xf32, #tpu.memory_space<vmem>>[vector<16xi32>, vector<16xi32>], vector<16xf32>,
        %scatter3A_523 = arith.constant 1 : i32
        %scatter3A_524 = arith.constant 0 : i32
        %scatter3A_525 = arith.constant 0 : i32
        %scatter3A_526 = tpu.memref_slice %arg7[%scatter3A_523, %scatter3A_524, %scatter3A_525] : memref<2x64x128xf32, #tpu.memory_space<vmem>> -> memref<1x64x128xf32, #tpu.memory_space<vmem>>
        %scatter3A_527 = tpu.memref_squeeze %scatter3A_526 : memref<1x64x128xf32, #tpu.memory_space<vmem>> -> memref<64x128xf32, #tpu.memory_space<vmem>>
        tpu.vector_store_idx %scatter3A_527[%add3A_103, %add3A_516], %gather3A_522 : memref<64x128xf32, #tpu.memory_space<vmem>>[vector<16xi32>, vector<16xi32>], vector<16xf32>,
        %add3A_528 = vector.broadcast %mul3A_282 : i32 to vector<16xi32>
        %add3A_529 = arith.addi %and3A_25, %add3A_528 : vector<16xi32>
        %gather3A_530 = arith.constant 1 : i32
        %gather3A_531 = arith.constant 0 : i32
        %gather3A_532 = arith.constant 0 : i32
        %gather3A_533 = tpu.memref_slice %arg6[%gather3A_530, %gather3A_531, %gather3A_532] : memref<2x128x64xf32, #tpu.memory_space<vmem>> -> memref<1x128x64xf32, #tpu.memory_space<vmem>>
        %gather3A_534 = tpu.memref_squeeze %gather3A_533 : memref<1x128x64xf32, #tpu.memory_space<vmem>> -> memref<128x64xf32, #tpu.memory_space<vmem>>
        %gather3A_535 = tpu.vector_load_idx %gather3A_534[%add3A_529, %add3A_103] : memref<128x64xf32, #tpu.memory_space<vmem>>[vector<16xi32>, vector<16xi32>], vector<16xf32>,
        %scatter3A_536 = arith.constant 1 : i32
        %scatter3A_537 = arith.constant 0 : i32
        %scatter3A_538 = arith.constant 0 : i32
        %scatter3A_539 = tpu.memref_slice %arg7[%scatter3A_536, %scatter3A_537, %scatter3A_538] : memref<2x64x128xf32, #tpu.memory_space<vmem>> -> memref<1x64x128xf32, #tpu.memory_space<vmem>>
        %scatter3A_540 = tpu.memref_squeeze %scatter3A_539 : memref<1x64x128xf32, #tpu.memory_space<vmem>> -> memref<64x128xf32, #tpu.memory_space<vmem>>
        tpu.vector_store_idx %scatter3A_540[%add3A_103, %add3A_529], %gather3A_535 : memref<64x128xf32, #tpu.memory_space<vmem>>[vector<16xi32>, vector<16xi32>], vector<16xf32>,
        %add3A_541 = vector.broadcast %mul3A_282 : i32 to vector<16xi32>
        %add3A_542 = arith.addi %and3A_31, %add3A_541 : vector<16xi32>
        %gather3A_543 = arith.constant 1 : i32
        %gather3A_544 = arith.constant 0 : i32
        %gather3A_545 = arith.constant 0 : i32
        %gather3A_546 = tpu.memref_slice %arg6[%gather3A_543, %gather3A_544, %gather3A_545] : memref<2x128x64xf32, #tpu.memory_space<vmem>> -> memref<1x128x64xf32, #tpu.memory_space<vmem>>
        %gather3A_547 = tpu.memref_squeeze %gather3A_546 : memref<1x128x64xf32, #tpu.memory_space<vmem>> -> memref<128x64xf32, #tpu.memory_space<vmem>>
        %gather3A_548 = tpu.vector_load_idx %gather3A_547[%add3A_542, %add3A_103] : memref<128x64xf32, #tpu.memory_space<vmem>>[vector<16xi32>, vector<16xi32>], vector<16xf32>,
        %scatter3A_549 = arith.constant 1 : i32
        %scatter3A_550 = arith.constant 0 : i32
        %scatter3A_551 = arith.constant 0 : i32
        %scatter3A_552 = tpu.memref_slice %arg7[%scatter3A_549, %scatter3A_550, %scatter3A_551] : memref<2x64x128xf32, #tpu.memory_space<vmem>> -> memref<1x64x128xf32, #tpu.memory_space<vmem>>
        %scatter3A_553 = tpu.memref_squeeze %scatter3A_552 : memref<1x64x128xf32, #tpu.memory_space<vmem>> -> memref<64x128xf32, #tpu.memory_space<vmem>>
        tpu.vector_store_idx %scatter3A_553[%add3A_103, %add3A_542], %gather3A_548 : memref<64x128xf32, #tpu.memory_space<vmem>>[vector<16xi32>, vector<16xi32>], vector<16xf32>,
        %add3A_554 = vector.broadcast %mul3A_282 : i32 to vector<16xi32>
        %add3A_555 = arith.addi %and3A_37, %add3A_554 : vector<16xi32>
        %gather3A_556 = arith.constant 1 : i32
        %gather3A_557 = arith.constant 0 : i32
        %gather3A_558 = arith.constant 0 : i32
        %gather3A_559 = tpu.memref_slice %arg6[%gather3A_556, %gather3A_557, %gather3A_558] : memref<2x128x64xf32, #tpu.memory_space<vmem>> -> memref<1x128x64xf32, #tpu.memory_space<vmem>>
        %gather3A_560 = tpu.memref_squeeze %gather3A_559 : memref<1x128x64xf32, #tpu.memory_space<vmem>> -> memref<128x64xf32, #tpu.memory_space<vmem>>
        %gather3A_561 = tpu.vector_load_idx %gather3A_560[%add3A_555, %add3A_103] : memref<128x64xf32, #tpu.memory_space<vmem>>[vector<16xi32>, vector<16xi32>], vector<16xf32>,
        %scatter3A_562 = arith.constant 1 : i32
        %scatter3A_563 = arith.constant 0 : i32
        %scatter3A_564 = arith.constant 0 : i32
        %scatter3A_565 = tpu.memref_slice %arg7[%scatter3A_562, %scatter3A_563, %scatter3A_564] : memref<2x64x128xf32, #tpu.memory_space<vmem>> -> memref<1x64x128xf32, #tpu.memory_space<vmem>>
        %scatter3A_566 = tpu.memref_squeeze %scatter3A_565 : memref<1x64x128xf32, #tpu.memory_space<vmem>> -> memref<64x128xf32, #tpu.memory_space<vmem>>
        tpu.vector_store_idx %scatter3A_566[%add3A_103, %add3A_555], %gather3A_561 : memref<64x128xf32, #tpu.memory_space<vmem>>[vector<16xi32>, vector<16xi32>], vector<16xf32>,
        %add3A_567 = vector.broadcast %mul3A_282 : i32 to vector<16xi32>
        %add3A_568 = arith.addi %and3A_43, %add3A_567 : vector<16xi32>
        %gather3A_569 = arith.constant 1 : i32
        %gather3A_570 = arith.constant 0 : i32
        %gather3A_571 = arith.constant 0 : i32
        %gather3A_572 = tpu.memref_slice %arg6[%gather3A_569, %gather3A_570, %gather3A_571] : memref<2x128x64xf32, #tpu.memory_space<vmem>> -> memref<1x128x64xf32, #tpu.memory_space<vmem>>
        %gather3A_573 = tpu.memref_squeeze %gather3A_572 : memref<1x128x64xf32, #tpu.memory_space<vmem>> -> memref<128x64xf32, #tpu.memory_space<vmem>>
        %gather3A_574 = tpu.vector_load_idx %gather3A_573[%add3A_568, %add3A_103] : memref<128x64xf32, #tpu.memory_space<vmem>>[vector<16xi32>, vector<16xi32>], vector<16xf32>,
        %scatter3A_575 = arith.constant 1 : i32
        %scatter3A_576 = arith.constant 0 : i32
        %scatter3A_577 = arith.constant 0 : i32
        %scatter3A_578 = tpu.memref_slice %arg7[%scatter3A_575, %scatter3A_576, %scatter3A_577] : memref<2x64x128xf32, #tpu.memory_space<vmem>> -> memref<1x64x128xf32, #tpu.memory_space<vmem>>
        %scatter3A_579 = tpu.memref_squeeze %scatter3A_578 : memref<1x64x128xf32, #tpu.memory_space<vmem>> -> memref<64x128xf32, #tpu.memory_space<vmem>>
        tpu.vector_store_idx %scatter3A_579[%add3A_103, %add3A_568], %gather3A_574 : memref<64x128xf32, #tpu.memory_space<vmem>>[vector<16xi32>, vector<16xi32>], vector<16xf32>,
        %add3A_580 = vector.broadcast %mul3A_282 : i32 to vector<16xi32>
        %add3A_581 = arith.addi %and3A_49, %add3A_580 : vector<16xi32>
        %gather3A_582 = arith.constant 1 : i32
        %gather3A_583 = arith.constant 0 : i32
        %gather3A_584 = arith.constant 0 : i32
        %gather3A_585 = tpu.memref_slice %arg6[%gather3A_582, %gather3A_583, %gather3A_584] : memref<2x128x64xf32, #tpu.memory_space<vmem>> -> memref<1x128x64xf32, #tpu.memory_space<vmem>>
        %gather3A_586 = tpu.memref_squeeze %gather3A_585 : memref<1x128x64xf32, #tpu.memory_space<vmem>> -> memref<128x64xf32, #tpu.memory_space<vmem>>
        %gather3A_587 = tpu.vector_load_idx %gather3A_586[%add3A_581, %add3A_103] : memref<128x64xf32, #tpu.memory_space<vmem>>[vector<16xi32>, vector<16xi32>], vector<16xf32>,
        %scatter3A_588 = arith.constant 1 : i32
        %scatter3A_589 = arith.constant 0 : i32
        %scatter3A_590 = arith.constant 0 : i32
        %scatter3A_591 = tpu.memref_slice %arg7[%scatter3A_588, %scatter3A_589, %scatter3A_590] : memref<2x64x128xf32, #tpu.memory_space<vmem>> -> memref<1x64x128xf32, #tpu.memory_space<vmem>>
        %scatter3A_592 = tpu.memref_squeeze %scatter3A_591 : memref<1x64x128xf32, #tpu.memory_space<vmem>> -> memref<64x128xf32, #tpu.memory_space<vmem>>
        tpu.vector_store_idx %scatter3A_592[%add3A_103, %add3A_581], %gather3A_587 : memref<64x128xf32, #tpu.memory_space<vmem>>[vector<16xi32>, vector<16xi32>], vector<16xf32>,
        %add3A_593 = vector.broadcast %mul3A_282 : i32 to vector<16xi32>
        %add3A_594 = arith.addi %and3A_55, %add3A_593 : vector<16xi32>
        %gather3A_595 = arith.constant 1 : i32
        %gather3A_596 = arith.constant 0 : i32
        %gather3A_597 = arith.constant 0 : i32
        %gather3A_598 = tpu.memref_slice %arg6[%gather3A_595, %gather3A_596, %gather3A_597] : memref<2x128x64xf32, #tpu.memory_space<vmem>> -> memref<1x128x64xf32, #tpu.memory_space<vmem>>
        %gather3A_599 = tpu.memref_squeeze %gather3A_598 : memref<1x128x64xf32, #tpu.memory_space<vmem>> -> memref<128x64xf32, #tpu.memory_space<vmem>>
        %gather3A_600 = tpu.vector_load_idx %gather3A_599[%add3A_594, %add3A_103] : memref<128x64xf32, #tpu.memory_space<vmem>>[vector<16xi32>, vector<16xi32>], vector<16xf32>,
        %scatter3A_601 = arith.constant 1 : i32
        %scatter3A_602 = arith.constant 0 : i32
        %scatter3A_603 = arith.constant 0 : i32
        %scatter3A_604 = tpu.memref_slice %arg7[%scatter3A_601, %scatter3A_602, %scatter3A_603] : memref<2x64x128xf32, #tpu.memory_space<vmem>> -> memref<1x64x128xf32, #tpu.memory_space<vmem>>
        %scatter3A_605 = tpu.memref_squeeze %scatter3A_604 : memref<1x64x128xf32, #tpu.memory_space<vmem>> -> memref<64x128xf32, #tpu.memory_space<vmem>>
        tpu.vector_store_idx %scatter3A_605[%add3A_103, %add3A_594], %gather3A_600 : memref<64x128xf32, #tpu.memory_space<vmem>>[vector<16xi32>, vector<16xi32>], vector<16xf32>,
        %add3A_606 = vector.broadcast %mul3A_282 : i32 to vector<16xi32>
        %add3A_607 = arith.addi %and3A_61, %add3A_606 : vector<16xi32>
        %gather3A_608 = arith.constant 1 : i32
        %gather3A_609 = arith.constant 0 : i32
        %gather3A_610 = arith.constant 0 : i32
        %gather3A_611 = tpu.memref_slice %arg6[%gather3A_608, %gather3A_609, %gather3A_610] : memref<2x128x64xf32, #tpu.memory_space<vmem>> -> memref<1x128x64xf32, #tpu.memory_space<vmem>>
        %gather3A_612 = tpu.memref_squeeze %gather3A_611 : memref<1x128x64xf32, #tpu.memory_space<vmem>> -> memref<128x64xf32, #tpu.memory_space<vmem>>
        %gather3A_613 = tpu.vector_load_idx %gather3A_612[%add3A_607, %add3A_103] : memref<128x64xf32, #tpu.memory_space<vmem>>[vector<16xi32>, vector<16xi32>], vector<16xf32>,
        %scatter3A_614 = arith.constant 1 : i32
        %scatter3A_615 = arith.constant 0 : i32
        %scatter3A_616 = arith.constant 0 : i32
        %scatter3A_617 = tpu.memref_slice %arg7[%scatter3A_614, %scatter3A_615, %scatter3A_616] : memref<2x64x128xf32, #tpu.memory_space<vmem>> -> memref<1x64x128xf32, #tpu.memory_space<vmem>>
        %scatter3A_618 = tpu.memref_squeeze %scatter3A_617 : memref<1x64x128xf32, #tpu.memory_space<vmem>> -> memref<64x128xf32, #tpu.memory_space<vmem>>
        tpu.vector_store_idx %scatter3A_618[%add3A_103, %add3A_607], %gather3A_613 : memref<64x128xf32, #tpu.memory_space<vmem>>[vector<16xi32>, vector<16xi32>], vector<16xf32>,
        %add3A_619 = vector.broadcast %mul3A_282 : i32 to vector<16xi32>
        %add3A_620 = arith.addi %and3A_67, %add3A_619 : vector<16xi32>
        %gather3A_621 = arith.constant 1 : i32
        %gather3A_622 = arith.constant 0 : i32
        %gather3A_623 = arith.constant 0 : i32
        %gather3A_624 = tpu.memref_slice %arg6[%gather3A_621, %gather3A_622, %gather3A_623] : memref<2x128x64xf32, #tpu.memory_space<vmem>> -> memref<1x128x64xf32, #tpu.memory_space<vmem>>
        %gather3A_625 = tpu.memref_squeeze %gather3A_624 : memref<1x128x64xf32, #tpu.memory_space<vmem>> -> memref<128x64xf32, #tpu.memory_space<vmem>>
        %gather3A_626 = tpu.vector_load_idx %gather3A_625[%add3A_620, %add3A_103] : memref<128x64xf32, #tpu.memory_space<vmem>>[vector<16xi32>, vector<16xi32>], vector<16xf32>,
        %scatter3A_627 = arith.constant 1 : i32
        %scatter3A_628 = arith.constant 0 : i32
        %scatter3A_629 = arith.constant 0 : i32
        %scatter3A_630 = tpu.memref_slice %arg7[%scatter3A_627, %scatter3A_628, %scatter3A_629] : memref<2x64x128xf32, #tpu.memory_space<vmem>> -> memref<1x64x128xf32, #tpu.memory_space<vmem>>
        %scatter3A_631 = tpu.memref_squeeze %scatter3A_630 : memref<1x64x128xf32, #tpu.memory_space<vmem>> -> memref<64x128xf32, #tpu.memory_space<vmem>>
        tpu.vector_store_idx %scatter3A_631[%add3A_103, %add3A_620], %gather3A_626 : memref<64x128xf32, #tpu.memory_space<vmem>>[vector<16xi32>, vector<16xi32>], vector<16xf32>,
        %add3A_632 = vector.broadcast %mul3A_282 : i32 to vector<16xi32>
        %add3A_633 = arith.addi %and3A_73, %add3A_632 : vector<16xi32>
        %gather3A_634 = arith.constant 1 : i32
        %gather3A_635 = arith.constant 0 : i32
        %gather3A_636 = arith.constant 0 : i32
        %gather3A_637 = tpu.memref_slice %arg6[%gather3A_634, %gather3A_635, %gather3A_636] : memref<2x128x64xf32, #tpu.memory_space<vmem>> -> memref<1x128x64xf32, #tpu.memory_space<vmem>>
        %gather3A_638 = tpu.memref_squeeze %gather3A_637 : memref<1x128x64xf32, #tpu.memory_space<vmem>> -> memref<128x64xf32, #tpu.memory_space<vmem>>
        %gather3A_639 = tpu.vector_load_idx %gather3A_638[%add3A_633, %add3A_103] : memref<128x64xf32, #tpu.memory_space<vmem>>[vector<16xi32>, vector<16xi32>], vector<16xf32>,
        %scatter3A_640 = arith.constant 1 : i32
        %scatter3A_641 = arith.constant 0 : i32
        %scatter3A_642 = arith.constant 0 : i32
        %scatter3A_643 = tpu.memref_slice %arg7[%scatter3A_640, %scatter3A_641, %scatter3A_642] : memref<2x64x128xf32, #tpu.memory_space<vmem>> -> memref<1x64x128xf32, #tpu.memory_space<vmem>>
        %scatter3A_644 = tpu.memref_squeeze %scatter3A_643 : memref<1x64x128xf32, #tpu.memory_space<vmem>> -> memref<64x128xf32, #tpu.memory_space<vmem>>
        tpu.vector_store_idx %scatter3A_644[%add3A_103, %add3A_633], %gather3A_639 : memref<64x128xf32, #tpu.memory_space<vmem>>[vector<16xi32>, vector<16xi32>], vector<16xf32>,
        %add3A_645 = vector.broadcast %mul3A_282 : i32 to vector<16xi32>
        %add3A_646 = arith.addi %and3A_79, %add3A_645 : vector<16xi32>
        %gather3A_647 = arith.constant 1 : i32
        %gather3A_648 = arith.constant 0 : i32
        %gather3A_649 = arith.constant 0 : i32
        %gather3A_650 = tpu.memref_slice %arg6[%gather3A_647, %gather3A_648, %gather3A_649] : memref<2x128x64xf32, #tpu.memory_space<vmem>> -> memref<1x128x64xf32, #tpu.memory_space<vmem>>
        %gather3A_651 = tpu.memref_squeeze %gather3A_650 : memref<1x128x64xf32, #tpu.memory_space<vmem>> -> memref<128x64xf32, #tpu.memory_space<vmem>>
        %gather3A_652 = tpu.vector_load_idx %gather3A_651[%add3A_646, %add3A_103] : memref<128x64xf32, #tpu.memory_space<vmem>>[vector<16xi32>, vector<16xi32>], vector<16xf32>,
        %scatter3A_653 = arith.constant 1 : i32
        %scatter3A_654 = arith.constant 0 : i32
        %scatter3A_655 = arith.constant 0 : i32
        %scatter3A_656 = tpu.memref_slice %arg7[%scatter3A_653, %scatter3A_654, %scatter3A_655] : memref<2x64x128xf32, #tpu.memory_space<vmem>> -> memref<1x64x128xf32, #tpu.memory_space<vmem>>
        %scatter3A_657 = tpu.memref_squeeze %scatter3A_656 : memref<1x64x128xf32, #tpu.memory_space<vmem>> -> memref<64x128xf32, #tpu.memory_space<vmem>>
        tpu.vector_store_idx %scatter3A_657[%add3A_103, %add3A_646], %gather3A_652 : memref<64x128xf32, #tpu.memory_space<vmem>>[vector<16xi32>, vector<16xi32>], vector<16xf32>,
        %add3A_658 = vector.broadcast %mul3A_282 : i32 to vector<16xi32>
        %add3A_659 = arith.addi %and3A_85, %add3A_658 : vector<16xi32>
        %gather3A_660 = arith.constant 1 : i32
        %gather3A_661 = arith.constant 0 : i32
        %gather3A_662 = arith.constant 0 : i32
        %gather3A_663 = tpu.memref_slice %arg6[%gather3A_660, %gather3A_661, %gather3A_662] : memref<2x128x64xf32, #tpu.memory_space<vmem>> -> memref<1x128x64xf32, #tpu.memory_space<vmem>>
        %gather3A_664 = tpu.memref_squeeze %gather3A_663 : memref<1x128x64xf32, #tpu.memory_space<vmem>> -> memref<128x64xf32, #tpu.memory_space<vmem>>
        %gather3A_665 = tpu.vector_load_idx %gather3A_664[%add3A_659, %add3A_103] : memref<128x64xf32, #tpu.memory_space<vmem>>[vector<16xi32>, vector<16xi32>], vector<16xf32>,
        %scatter3A_666 = arith.constant 1 : i32
        %scatter3A_667 = arith.constant 0 : i32
        %scatter3A_668 = arith.constant 0 : i32
        %scatter3A_669 = tpu.memref_slice %arg7[%scatter3A_666, %scatter3A_667, %scatter3A_668] : memref<2x64x128xf32, #tpu.memory_space<vmem>> -> memref<1x64x128xf32, #tpu.memory_space<vmem>>
        %scatter3A_670 = tpu.memref_squeeze %scatter3A_669 : memref<1x64x128xf32, #tpu.memory_space<vmem>> -> memref<64x128xf32, #tpu.memory_space<vmem>>
        tpu.vector_store_idx %scatter3A_670[%add3A_103, %add3A_659], %gather3A_665 : memref<64x128xf32, #tpu.memory_space<vmem>>[vector<16xi32>, vector<16xi32>], vector<16xf32>,
        %add3A_671 = vector.broadcast %mul3A_282 : i32 to vector<16xi32>
        %add3A_672 = arith.addi %and3A_91, %add3A_671 : vector<16xi32>
        %gather3A_673 = arith.constant 1 : i32
        %gather3A_674 = arith.constant 0 : i32
        %gather3A_675 = arith.constant 0 : i32
        %gather3A_676 = tpu.memref_slice %arg6[%gather3A_673, %gather3A_674, %gather3A_675] : memref<2x128x64xf32, #tpu.memory_space<vmem>> -> memref<1x128x64xf32, #tpu.memory_space<vmem>>
        %gather3A_677 = tpu.memref_squeeze %gather3A_676 : memref<1x128x64xf32, #tpu.memory_space<vmem>> -> memref<128x64xf32, #tpu.memory_space<vmem>>
        %gather3A_678 = tpu.vector_load_idx %gather3A_677[%add3A_672, %add3A_103] : memref<128x64xf32, #tpu.memory_space<vmem>>[vector<16xi32>, vector<16xi32>], vector<16xf32>,
        %scatter3A_679 = arith.constant 1 : i32
        %scatter3A_680 = arith.constant 0 : i32
        %scatter3A_681 = arith.constant 0 : i32
        %scatter3A_682 = tpu.memref_slice %arg7[%scatter3A_679, %scatter3A_680, %scatter3A_681] : memref<2x64x128xf32, #tpu.memory_space<vmem>> -> memref<1x64x128xf32, #tpu.memory_space<vmem>>
        %scatter3A_683 = tpu.memref_squeeze %scatter3A_682 : memref<1x64x128xf32, #tpu.memory_space<vmem>> -> memref<64x128xf32, #tpu.memory_space<vmem>>
        tpu.vector_store_idx %scatter3A_683[%add3A_103, %add3A_672], %gather3A_678 : memref<64x128xf32, #tpu.memory_space<vmem>>[vector<16xi32>, vector<16xi32>], vector<16xf32>,
        %add3A_684 = vector.broadcast %mul3A_282 : i32 to vector<16xi32>
        %add3A_685 = arith.addi %and3A_97, %add3A_684 : vector<16xi32>
        %gather3A_686 = arith.constant 1 : i32
        %gather3A_687 = arith.constant 0 : i32
        %gather3A_688 = arith.constant 0 : i32
        %gather3A_689 = tpu.memref_slice %arg6[%gather3A_686, %gather3A_687, %gather3A_688] : memref<2x128x64xf32, #tpu.memory_space<vmem>> -> memref<1x128x64xf32, #tpu.memory_space<vmem>>
        %gather3A_690 = tpu.memref_squeeze %gather3A_689 : memref<1x128x64xf32, #tpu.memory_space<vmem>> -> memref<128x64xf32, #tpu.memory_space<vmem>>
        %gather3A_691 = tpu.vector_load_idx %gather3A_690[%add3A_685, %add3A_103] : memref<128x64xf32, #tpu.memory_space<vmem>>[vector<16xi32>, vector<16xi32>], vector<16xf32>,
        %scatter3A_692 = arith.constant 1 : i32
        %scatter3A_693 = arith.constant 0 : i32
        %scatter3A_694 = arith.constant 0 : i32
        %scatter3A_695 = tpu.memref_slice %arg7[%scatter3A_692, %scatter3A_693, %scatter3A_694] : memref<2x64x128xf32, #tpu.memory_space<vmem>> -> memref<1x64x128xf32, #tpu.memory_space<vmem>>
        %scatter3A_696 = tpu.memref_squeeze %scatter3A_695 : memref<1x64x128xf32, #tpu.memory_space<vmem>> -> memref<64x128xf32, #tpu.memory_space<vmem>>
        tpu.vector_store_idx %scatter3A_696[%add3A_103, %add3A_685], %gather3A_691 : memref<64x128xf32, #tpu.memory_space<vmem>>[vector<16xi32>, vector<16xi32>], vector<16xf32>,
        %add3A_697 = vector.broadcast %mul3A_282 : i32 to vector<16xi32>
        %add3A_698 = arith.addi %and3A_7, %add3A_697 : vector<16xi32>
        %gather3A_699 = arith.constant 1 : i32
        %gather3A_700 = arith.constant 0 : i32
        %gather3A_701 = arith.constant 0 : i32
        %gather3A_702 = tpu.memref_slice %arg6[%gather3A_699, %gather3A_700, %gather3A_701] : memref<2x128x64xf32, #tpu.memory_space<vmem>> -> memref<1x128x64xf32, #tpu.memory_space<vmem>>
        %gather3A_703 = tpu.memref_squeeze %gather3A_702 : memref<1x128x64xf32, #tpu.memory_space<vmem>> -> memref<128x64xf32, #tpu.memory_space<vmem>>
        %gather3A_704 = tpu.vector_load_idx %gather3A_703[%add3A_698, %add3A_106] : memref<128x64xf32, #tpu.memory_space<vmem>>[vector<16xi32>, vector<16xi32>], vector<16xf32>,
        %scatter3A_705 = arith.constant 1 : i32
        %scatter3A_706 = arith.constant 0 : i32
        %scatter3A_707 = arith.constant 0 : i32
        %scatter3A_708 = tpu.memref_slice %arg7[%scatter3A_705, %scatter3A_706, %scatter3A_707] : memref<2x64x128xf32, #tpu.memory_space<vmem>> -> memref<1x64x128xf32, #tpu.memory_space<vmem>>
        %scatter3A_709 = tpu.memref_squeeze %scatter3A_708 : memref<1x64x128xf32, #tpu.memory_space<vmem>> -> memref<64x128xf32, #tpu.memory_space<vmem>>
        tpu.vector_store_idx %scatter3A_709[%add3A_106, %add3A_698], %gather3A_704 : memref<64x128xf32, #tpu.memory_space<vmem>>[vector<16xi32>, vector<16xi32>], vector<16xf32>,
        %add3A_710 = vector.broadcast %mul3A_282 : i32 to vector<16xi32>
        %add3A_711 = arith.addi %and3A_13, %add3A_710 : vector<16xi32>
        %gather3A_712 = arith.constant 1 : i32
        %gather3A_713 = arith.constant 0 : i32
        %gather3A_714 = arith.constant 0 : i32
        %gather3A_715 = tpu.memref_slice %arg6[%gather3A_712, %gather3A_713, %gather3A_714] : memref<2x128x64xf32, #tpu.memory_space<vmem>> -> memref<1x128x64xf32, #tpu.memory_space<vmem>>
        %gather3A_716 = tpu.memref_squeeze %gather3A_715 : memref<1x128x64xf32, #tpu.memory_space<vmem>> -> memref<128x64xf32, #tpu.memory_space<vmem>>
        %gather3A_717 = tpu.vector_load_idx %gather3A_716[%add3A_711, %add3A_106] : memref<128x64xf32, #tpu.memory_space<vmem>>[vector<16xi32>, vector<16xi32>], vector<16xf32>,
        %scatter3A_718 = arith.constant 1 : i32
        %scatter3A_719 = arith.constant 0 : i32
        %scatter3A_720 = arith.constant 0 : i32
        %scatter3A_721 = tpu.memref_slice %arg7[%scatter3A_718, %scatter3A_719, %scatter3A_720] : memref<2x64x128xf32, #tpu.memory_space<vmem>> -> memref<1x64x128xf32, #tpu.memory_space<vmem>>
        %scatter3A_722 = tpu.memref_squeeze %scatter3A_721 : memref<1x64x128xf32, #tpu.memory_space<vmem>> -> memref<64x128xf32, #tpu.memory_space<vmem>>
        tpu.vector_store_idx %scatter3A_722[%add3A_106, %add3A_711], %gather3A_717 : memref<64x128xf32, #tpu.memory_space<vmem>>[vector<16xi32>, vector<16xi32>], vector<16xf32>,
        %add3A_723 = vector.broadcast %mul3A_282 : i32 to vector<16xi32>
        %add3A_724 = arith.addi %and3A_19, %add3A_723 : vector<16xi32>
        %gather3A_725 = arith.constant 1 : i32
        %gather3A_726 = arith.constant 0 : i32
        %gather3A_727 = arith.constant 0 : i32
        %gather3A_728 = tpu.memref_slice %arg6[%gather3A_725, %gather3A_726, %gather3A_727] : memref<2x128x64xf32, #tpu.memory_space<vmem>> -> memref<1x128x64xf32, #tpu.memory_space<vmem>>
        %gather3A_729 = tpu.memref_squeeze %gather3A_728 : memref<1x128x64xf32, #tpu.memory_space<vmem>> -> memref<128x64xf32, #tpu.memory_space<vmem>>
        %gather3A_730 = tpu.vector_load_idx %gather3A_729[%add3A_724, %add3A_106] : memref<128x64xf32, #tpu.memory_space<vmem>>[vector<16xi32>, vector<16xi32>], vector<16xf32>,
        %scatter3A_731 = arith.constant 1 : i32
        %scatter3A_732 = arith.constant 0 : i32
        %scatter3A_733 = arith.constant 0 : i32
        %scatter3A_734 = tpu.memref_slice %arg7[%scatter3A_731, %scatter3A_732, %scatter3A_733] : memref<2x64x128xf32, #tpu.memory_space<vmem>> -> memref<1x64x128xf32, #tpu.memory_space<vmem>>
        %scatter3A_735 = tpu.memref_squeeze %scatter3A_734 : memref<1x64x128xf32, #tpu.memory_space<vmem>> -> memref<64x128xf32, #tpu.memory_space<vmem>>
        tpu.vector_store_idx %scatter3A_735[%add3A_106, %add3A_724], %gather3A_730 : memref<64x128xf32, #tpu.memory_space<vmem>>[vector<16xi32>, vector<16xi32>], vector<16xf32>,
        %add3A_736 = vector.broadcast %mul3A_282 : i32 to vector<16xi32>
        %add3A_737 = arith.addi %and3A_25, %add3A_736 : vector<16xi32>
        %gather3A_738 = arith.constant 1 : i32
        %gather3A_739 = arith.constant 0 : i32
        %gather3A_740 = arith.constant 0 : i32
        %gather3A_741 = tpu.memref_slice %arg6[%gather3A_738, %gather3A_739, %gather3A_740] : memref<2x128x64xf32, #tpu.memory_space<vmem>> -> memref<1x128x64xf32, #tpu.memory_space<vmem>>
        %gather3A_742 = tpu.memref_squeeze %gather3A_741 : memref<1x128x64xf32, #tpu.memory_space<vmem>> -> memref<128x64xf32, #tpu.memory_space<vmem>>
        %gather3A_743 = tpu.vector_load_idx %gather3A_742[%add3A_737, %add3A_106] : memref<128x64xf32, #tpu.memory_space<vmem>>[vector<16xi32>, vector<16xi32>], vector<16xf32>,
        %scatter3A_744 = arith.constant 1 : i32
        %scatter3A_745 = arith.constant 0 : i32
        %scatter3A_746 = arith.constant 0 : i32
        %scatter3A_747 = tpu.memref_slice %arg7[%scatter3A_744, %scatter3A_745, %scatter3A_746] : memref<2x64x128xf32, #tpu.memory_space<vmem>> -> memref<1x64x128xf32, #tpu.memory_space<vmem>>
        %scatter3A_748 = tpu.memref_squeeze %scatter3A_747 : memref<1x64x128xf32, #tpu.memory_space<vmem>> -> memref<64x128xf32, #tpu.memory_space<vmem>>
        tpu.vector_store_idx %scatter3A_748[%add3A_106, %add3A_737], %gather3A_743 : memref<64x128xf32, #tpu.memory_space<vmem>>[vector<16xi32>, vector<16xi32>], vector<16xf32>,
        %add3A_749 = vector.broadcast %mul3A_282 : i32 to vector<16xi32>
        %add3A_750 = arith.addi %and3A_31, %add3A_749 : vector<16xi32>
        %gather3A_751 = arith.constant 1 : i32
        %gather3A_752 = arith.constant 0 : i32
        %gather3A_753 = arith.constant 0 : i32
        %gather3A_754 = tpu.memref_slice %arg6[%gather3A_751, %gather3A_752, %gather3A_753] : memref<2x128x64xf32, #tpu.memory_space<vmem>> -> memref<1x128x64xf32, #tpu.memory_space<vmem>>
        %gather3A_755 = tpu.memref_squeeze %gather3A_754 : memref<1x128x64xf32, #tpu.memory_space<vmem>> -> memref<128x64xf32, #tpu.memory_space<vmem>>
        %gather3A_756 = tpu.vector_load_idx %gather3A_755[%add3A_750, %add3A_106] : memref<128x64xf32, #tpu.memory_space<vmem>>[vector<16xi32>, vector<16xi32>], vector<16xf32>,
        %scatter3A_757 = arith.constant 1 : i32
        %scatter3A_758 = arith.constant 0 : i32
        %scatter3A_759 = arith.constant 0 : i32
        %scatter3A_760 = tpu.memref_slice %arg7[%scatter3A_757, %scatter3A_758, %scatter3A_759] : memref<2x64x128xf32, #tpu.memory_space<vmem>> -> memref<1x64x128xf32, #tpu.memory_space<vmem>>
        %scatter3A_761 = tpu.memref_squeeze %scatter3A_760 : memref<1x64x128xf32, #tpu.memory_space<vmem>> -> memref<64x128xf32, #tpu.memory_space<vmem>>
        tpu.vector_store_idx %scatter3A_761[%add3A_106, %add3A_750], %gather3A_756 : memref<64x128xf32, #tpu.memory_space<vmem>>[vector<16xi32>, vector<16xi32>], vector<16xf32>,
        %add3A_762 = vector.broadcast %mul3A_282 : i32 to vector<16xi32>
        %add3A_763 = arith.addi %and3A_37, %add3A_762 : vector<16xi32>
        %gather3A_764 = arith.constant 1 : i32
        %gather3A_765 = arith.constant 0 : i32
        %gather3A_766 = arith.constant 0 : i32
        %gather3A_767 = tpu.memref_slice %arg6[%gather3A_764, %gather3A_765, %gather3A_766] : memref<2x128x64xf32, #tpu.memory_space<vmem>> -> memref<1x128x64xf32, #tpu.memory_space<vmem>>
        %gather3A_768 = tpu.memref_squeeze %gather3A_767 : memref<1x128x64xf32, #tpu.memory_space<vmem>> -> memref<128x64xf32, #tpu.memory_space<vmem>>
        %gather3A_769 = tpu.vector_load_idx %gather3A_768[%add3A_763, %add3A_106] : memref<128x64xf32, #tpu.memory_space<vmem>>[vector<16xi32>, vector<16xi32>], vector<16xf32>,
        %scatter3A_770 = arith.constant 1 : i32
        %scatter3A_771 = arith.constant 0 : i32
        %scatter3A_772 = arith.constant 0 : i32
        %scatter3A_773 = tpu.memref_slice %arg7[%scatter3A_770, %scatter3A_771, %scatter3A_772] : memref<2x64x128xf32, #tpu.memory_space<vmem>> -> memref<1x64x128xf32, #tpu.memory_space<vmem>>
        %scatter3A_774 = tpu.memref_squeeze %scatter3A_773 : memref<1x64x128xf32, #tpu.memory_space<vmem>> -> memref<64x128xf32, #tpu.memory_space<vmem>>
        tpu.vector_store_idx %scatter3A_774[%add3A_106, %add3A_763], %gather3A_769 : memref<64x128xf32, #tpu.memory_space<vmem>>[vector<16xi32>, vector<16xi32>], vector<16xf32>,
        %add3A_775 = vector.broadcast %mul3A_282 : i32 to vector<16xi32>
        %add3A_776 = arith.addi %and3A_43, %add3A_775 : vector<16xi32>
        %gather3A_777 = arith.constant 1 : i32
        %gather3A_778 = arith.constant 0 : i32
        %gather3A_779 = arith.constant 0 : i32
        %gather3A_780 = tpu.memref_slice %arg6[%gather3A_777, %gather3A_778, %gather3A_779] : memref<2x128x64xf32, #tpu.memory_space<vmem>> -> memref<1x128x64xf32, #tpu.memory_space<vmem>>
        %gather3A_781 = tpu.memref_squeeze %gather3A_780 : memref<1x128x64xf32, #tpu.memory_space<vmem>> -> memref<128x64xf32, #tpu.memory_space<vmem>>
        %gather3A_782 = tpu.vector_load_idx %gather3A_781[%add3A_776, %add3A_106] : memref<128x64xf32, #tpu.memory_space<vmem>>[vector<16xi32>, vector<16xi32>], vector<16xf32>,
        %scatter3A_783 = arith.constant 1 : i32
        %scatter3A_784 = arith.constant 0 : i32
        %scatter3A_785 = arith.constant 0 : i32
        %scatter3A_786 = tpu.memref_slice %arg7[%scatter3A_783, %scatter3A_784, %scatter3A_785] : memref<2x64x128xf32, #tpu.memory_space<vmem>> -> memref<1x64x128xf32, #tpu.memory_space<vmem>>
        %scatter3A_787 = tpu.memref_squeeze %scatter3A_786 : memref<1x64x128xf32, #tpu.memory_space<vmem>> -> memref<64x128xf32, #tpu.memory_space<vmem>>
        tpu.vector_store_idx %scatter3A_787[%add3A_106, %add3A_776], %gather3A_782 : memref<64x128xf32, #tpu.memory_space<vmem>>[vector<16xi32>, vector<16xi32>], vector<16xf32>,
        %add3A_788 = vector.broadcast %mul3A_282 : i32 to vector<16xi32>
        %add3A_789 = arith.addi %and3A_49, %add3A_788 : vector<16xi32>
        %gather3A_790 = arith.constant 1 : i32
        %gather3A_791 = arith.constant 0 : i32
        %gather3A_792 = arith.constant 0 : i32
        %gather3A_793 = tpu.memref_slice %arg6[%gather3A_790, %gather3A_791, %gather3A_792] : memref<2x128x64xf32, #tpu.memory_space<vmem>> -> memref<1x128x64xf32, #tpu.memory_space<vmem>>
        %gather3A_794 = tpu.memref_squeeze %gather3A_793 : memref<1x128x64xf32, #tpu.memory_space<vmem>> -> memref<128x64xf32, #tpu.memory_space<vmem>>
        %gather3A_795 = tpu.vector_load_idx %gather3A_794[%add3A_789, %add3A_106] : memref<128x64xf32, #tpu.memory_space<vmem>>[vector<16xi32>, vector<16xi32>], vector<16xf32>,
        %scatter3A_796 = arith.constant 1 : i32
        %scatter3A_797 = arith.constant 0 : i32
        %scatter3A_798 = arith.constant 0 : i32
        %scatter3A_799 = tpu.memref_slice %arg7[%scatter3A_796, %scatter3A_797, %scatter3A_798] : memref<2x64x128xf32, #tpu.memory_space<vmem>> -> memref<1x64x128xf32, #tpu.memory_space<vmem>>
        %scatter3A_800 = tpu.memref_squeeze %scatter3A_799 : memref<1x64x128xf32, #tpu.memory_space<vmem>> -> memref<64x128xf32, #tpu.memory_space<vmem>>
        tpu.vector_store_idx %scatter3A_800[%add3A_106, %add3A_789], %gather3A_795 : memref<64x128xf32, #tpu.memory_space<vmem>>[vector<16xi32>, vector<16xi32>], vector<16xf32>,
        %add3A_801 = vector.broadcast %mul3A_282 : i32 to vector<16xi32>
        %add3A_802 = arith.addi %and3A_55, %add3A_801 : vector<16xi32>
        %gather3A_803 = arith.constant 1 : i32
        %gather3A_804 = arith.constant 0 : i32
        %gather3A_805 = arith.constant 0 : i32
        %gather3A_806 = tpu.memref_slice %arg6[%gather3A_803, %gather3A_804, %gather3A_805] : memref<2x128x64xf32, #tpu.memory_space<vmem>> -> memref<1x128x64xf32, #tpu.memory_space<vmem>>
        %gather3A_807 = tpu.memref_squeeze %gather3A_806 : memref<1x128x64xf32, #tpu.memory_space<vmem>> -> memref<128x64xf32, #tpu.memory_space<vmem>>
        %gather3A_808 = tpu.vector_load_idx %gather3A_807[%add3A_802, %add3A_106] : memref<128x64xf32, #tpu.memory_space<vmem>>[vector<16xi32>, vector<16xi32>], vector<16xf32>,
        %scatter3A_809 = arith.constant 1 : i32
        %scatter3A_810 = arith.constant 0 : i32
        %scatter3A_811 = arith.constant 0 : i32
        %scatter3A_812 = tpu.memref_slice %arg7[%scatter3A_809, %scatter3A_810, %scatter3A_811] : memref<2x64x128xf32, #tpu.memory_space<vmem>> -> memref<1x64x128xf32, #tpu.memory_space<vmem>>
        %scatter3A_813 = tpu.memref_squeeze %scatter3A_812 : memref<1x64x128xf32, #tpu.memory_space<vmem>> -> memref<64x128xf32, #tpu.memory_space<vmem>>
        tpu.vector_store_idx %scatter3A_813[%add3A_106, %add3A_802], %gather3A_808 : memref<64x128xf32, #tpu.memory_space<vmem>>[vector<16xi32>, vector<16xi32>], vector<16xf32>,
        %add3A_814 = vector.broadcast %mul3A_282 : i32 to vector<16xi32>
        %add3A_815 = arith.addi %and3A_61, %add3A_814 : vector<16xi32>
        %gather3A_816 = arith.constant 1 : i32
        %gather3A_817 = arith.constant 0 : i32
        %gather3A_818 = arith.constant 0 : i32
        %gather3A_819 = tpu.memref_slice %arg6[%gather3A_816, %gather3A_817, %gather3A_818] : memref<2x128x64xf32, #tpu.memory_space<vmem>> -> memref<1x128x64xf32, #tpu.memory_space<vmem>>
        %gather3A_820 = tpu.memref_squeeze %gather3A_819 : memref<1x128x64xf32, #tpu.memory_space<vmem>> -> memref<128x64xf32, #tpu.memory_space<vmem>>
        %gather3A_821 = tpu.vector_load_idx %gather3A_820[%add3A_815, %add3A_106] : memref<128x64xf32, #tpu.memory_space<vmem>>[vector<16xi32>, vector<16xi32>], vector<16xf32>,
        %scatter3A_822 = arith.constant 1 : i32
        %scatter3A_823 = arith.constant 0 : i32
        %scatter3A_824 = arith.constant 0 : i32
        %scatter3A_825 = tpu.memref_slice %arg7[%scatter3A_822, %scatter3A_823, %scatter3A_824] : memref<2x64x128xf32, #tpu.memory_space<vmem>> -> memref<1x64x128xf32, #tpu.memory_space<vmem>>
        %scatter3A_826 = tpu.memref_squeeze %scatter3A_825 : memref<1x64x128xf32, #tpu.memory_space<vmem>> -> memref<64x128xf32, #tpu.memory_space<vmem>>
        tpu.vector_store_idx %scatter3A_826[%add3A_106, %add3A_815], %gather3A_821 : memref<64x128xf32, #tpu.memory_space<vmem>>[vector<16xi32>, vector<16xi32>], vector<16xf32>,
        %add3A_827 = vector.broadcast %mul3A_282 : i32 to vector<16xi32>
        %add3A_828 = arith.addi %and3A_67, %add3A_827 : vector<16xi32>
        %gather3A_829 = arith.constant 1 : i32
        %gather3A_830 = arith.constant 0 : i32
        %gather3A_831 = arith.constant 0 : i32
        %gather3A_832 = tpu.memref_slice %arg6[%gather3A_829, %gather3A_830, %gather3A_831] : memref<2x128x64xf32, #tpu.memory_space<vmem>> -> memref<1x128x64xf32, #tpu.memory_space<vmem>>
        %gather3A_833 = tpu.memref_squeeze %gather3A_832 : memref<1x128x64xf32, #tpu.memory_space<vmem>> -> memref<128x64xf32, #tpu.memory_space<vmem>>
        %gather3A_834 = tpu.vector_load_idx %gather3A_833[%add3A_828, %add3A_106] : memref<128x64xf32, #tpu.memory_space<vmem>>[vector<16xi32>, vector<16xi32>], vector<16xf32>,
        %scatter3A_835 = arith.constant 1 : i32
        %scatter3A_836 = arith.constant 0 : i32
        %scatter3A_837 = arith.constant 0 : i32
        %scatter3A_838 = tpu.memref_slice %arg7[%scatter3A_835, %scatter3A_836, %scatter3A_837] : memref<2x64x128xf32, #tpu.memory_space<vmem>> -> memref<1x64x128xf32, #tpu.memory_space<vmem>>
        %scatter3A_839 = tpu.memref_squeeze %scatter3A_838 : memref<1x64x128xf32, #tpu.memory_space<vmem>> -> memref<64x128xf32, #tpu.memory_space<vmem>>
        tpu.vector_store_idx %scatter3A_839[%add3A_106, %add3A_828], %gather3A_834 : memref<64x128xf32, #tpu.memory_space<vmem>>[vector<16xi32>, vector<16xi32>], vector<16xf32>,
        %add3A_840 = vector.broadcast %mul3A_282 : i32 to vector<16xi32>
        %add3A_841 = arith.addi %and3A_73, %add3A_840 : vector<16xi32>
        %gather3A_842 = arith.constant 1 : i32
        %gather3A_843 = arith.constant 0 : i32
        %gather3A_844 = arith.constant 0 : i32
        %gather3A_845 = tpu.memref_slice %arg6[%gather3A_842, %gather3A_843, %gather3A_844] : memref<2x128x64xf32, #tpu.memory_space<vmem>> -> memref<1x128x64xf32, #tpu.memory_space<vmem>>
        %gather3A_846 = tpu.memref_squeeze %gather3A_845 : memref<1x128x64xf32, #tpu.memory_space<vmem>> -> memref<128x64xf32, #tpu.memory_space<vmem>>
        %gather3A_847 = tpu.vector_load_idx %gather3A_846[%add3A_841, %add3A_106] : memref<128x64xf32, #tpu.memory_space<vmem>>[vector<16xi32>, vector<16xi32>], vector<16xf32>,
        %scatter3A_848 = arith.constant 1 : i32
        %scatter3A_849 = arith.constant 0 : i32
        %scatter3A_850 = arith.constant 0 : i32
        %scatter3A_851 = tpu.memref_slice %arg7[%scatter3A_848, %scatter3A_849, %scatter3A_850] : memref<2x64x128xf32, #tpu.memory_space<vmem>> -> memref<1x64x128xf32, #tpu.memory_space<vmem>>
        %scatter3A_852 = tpu.memref_squeeze %scatter3A_851 : memref<1x64x128xf32, #tpu.memory_space<vmem>> -> memref<64x128xf32, #tpu.memory_space<vmem>>
        tpu.vector_store_idx %scatter3A_852[%add3A_106, %add3A_841], %gather3A_847 : memref<64x128xf32, #tpu.memory_space<vmem>>[vector<16xi32>, vector<16xi32>], vector<16xf32>,
        %add3A_853 = vector.broadcast %mul3A_282 : i32 to vector<16xi32>
        %add3A_854 = arith.addi %and3A_79, %add3A_853 : vector<16xi32>
        %gather3A_855 = arith.constant 1 : i32
        %gather3A_856 = arith.constant 0 : i32
        %gather3A_857 = arith.constant 0 : i32
        %gather3A_858 = tpu.memref_slice %arg6[%gather3A_855, %gather3A_856, %gather3A_857] : memref<2x128x64xf32, #tpu.memory_space<vmem>> -> memref<1x128x64xf32, #tpu.memory_space<vmem>>
        %gather3A_859 = tpu.memref_squeeze %gather3A_858 : memref<1x128x64xf32, #tpu.memory_space<vmem>> -> memref<128x64xf32, #tpu.memory_space<vmem>>
        %gather3A_860 = tpu.vector_load_idx %gather3A_859[%add3A_854, %add3A_106] : memref<128x64xf32, #tpu.memory_space<vmem>>[vector<16xi32>, vector<16xi32>], vector<16xf32>,
        %scatter3A_861 = arith.constant 1 : i32
        %scatter3A_862 = arith.constant 0 : i32
        %scatter3A_863 = arith.constant 0 : i32
        %scatter3A_864 = tpu.memref_slice %arg7[%scatter3A_861, %scatter3A_862, %scatter3A_863] : memref<2x64x128xf32, #tpu.memory_space<vmem>> -> memref<1x64x128xf32, #tpu.memory_space<vmem>>
        %scatter3A_865 = tpu.memref_squeeze %scatter3A_864 : memref<1x64x128xf32, #tpu.memory_space<vmem>> -> memref<64x128xf32, #tpu.memory_space<vmem>>
        tpu.vector_store_idx %scatter3A_865[%add3A_106, %add3A_854], %gather3A_860 : memref<64x128xf32, #tpu.memory_space<vmem>>[vector<16xi32>, vector<16xi32>], vector<16xf32>,
        %add3A_866 = vector.broadcast %mul3A_282 : i32 to vector<16xi32>
        %add3A_867 = arith.addi %and3A_85, %add3A_866 : vector<16xi32>
        %gather3A_868 = arith.constant 1 : i32
        %gather3A_869 = arith.constant 0 : i32
        %gather3A_870 = arith.constant 0 : i32
        %gather3A_871 = tpu.memref_slice %arg6[%gather3A_868, %gather3A_869, %gather3A_870] : memref<2x128x64xf32, #tpu.memory_space<vmem>> -> memref<1x128x64xf32, #tpu.memory_space<vmem>>
        %gather3A_872 = tpu.memref_squeeze %gather3A_871 : memref<1x128x64xf32, #tpu.memory_space<vmem>> -> memref<128x64xf32, #tpu.memory_space<vmem>>
        %gather3A_873 = tpu.vector_load_idx %gather3A_872[%add3A_867, %add3A_106] : memref<128x64xf32, #tpu.memory_space<vmem>>[vector<16xi32>, vector<16xi32>], vector<16xf32>,
        %scatter3A_874 = arith.constant 1 : i32
        %scatter3A_875 = arith.constant 0 : i32
        %scatter3A_876 = arith.constant 0 : i32
        %scatter3A_877 = tpu.memref_slice %arg7[%scatter3A_874, %scatter3A_875, %scatter3A_876] : memref<2x64x128xf32, #tpu.memory_space<vmem>> -> memref<1x64x128xf32, #tpu.memory_space<vmem>>
        %scatter3A_878 = tpu.memref_squeeze %scatter3A_877 : memref<1x64x128xf32, #tpu.memory_space<vmem>> -> memref<64x128xf32, #tpu.memory_space<vmem>>
        tpu.vector_store_idx %scatter3A_878[%add3A_106, %add3A_867], %gather3A_873 : memref<64x128xf32, #tpu.memory_space<vmem>>[vector<16xi32>, vector<16xi32>], vector<16xf32>,
        %add3A_879 = vector.broadcast %mul3A_282 : i32 to vector<16xi32>
        %add3A_880 = arith.addi %and3A_91, %add3A_879 : vector<16xi32>
        %gather3A_881 = arith.constant 1 : i32
        %gather3A_882 = arith.constant 0 : i32
        %gather3A_883 = arith.constant 0 : i32
        %gather3A_884 = tpu.memref_slice %arg6[%gather3A_881, %gather3A_882, %gather3A_883] : memref<2x128x64xf32, #tpu.memory_space<vmem>> -> memref<1x128x64xf32, #tpu.memory_space<vmem>>
        %gather3A_885 = tpu.memref_squeeze %gather3A_884 : memref<1x128x64xf32, #tpu.memory_space<vmem>> -> memref<128x64xf32, #tpu.memory_space<vmem>>
        %gather3A_886 = tpu.vector_load_idx %gather3A_885[%add3A_880, %add3A_106] : memref<128x64xf32, #tpu.memory_space<vmem>>[vector<16xi32>, vector<16xi32>], vector<16xf32>,
        %scatter3A_887 = arith.constant 1 : i32
        %scatter3A_888 = arith.constant 0 : i32
        %scatter3A_889 = arith.constant 0 : i32
        %scatter3A_890 = tpu.memref_slice %arg7[%scatter3A_887, %scatter3A_888, %scatter3A_889] : memref<2x64x128xf32, #tpu.memory_space<vmem>> -> memref<1x64x128xf32, #tpu.memory_space<vmem>>
        %scatter3A_891 = tpu.memref_squeeze %scatter3A_890 : memref<1x64x128xf32, #tpu.memory_space<vmem>> -> memref<64x128xf32, #tpu.memory_space<vmem>>
        tpu.vector_store_idx %scatter3A_891[%add3A_106, %add3A_880], %gather3A_886 : memref<64x128xf32, #tpu.memory_space<vmem>>[vector<16xi32>, vector<16xi32>], vector<16xf32>,
        %add3A_892 = vector.broadcast %mul3A_282 : i32 to vector<16xi32>
        %add3A_893 = arith.addi %and3A_97, %add3A_892 : vector<16xi32>
        %gather3A_894 = arith.constant 1 : i32
        %gather3A_895 = arith.constant 0 : i32
        %gather3A_896 = arith.constant 0 : i32
        %gather3A_897 = tpu.memref_slice %arg6[%gather3A_894, %gather3A_895, %gather3A_896] : memref<2x128x64xf32, #tpu.memory_space<vmem>> -> memref<1x128x64xf32, #tpu.memory_space<vmem>>
        %gather3A_898 = tpu.memref_squeeze %gather3A_897 : memref<1x128x64xf32, #tpu.memory_space<vmem>> -> memref<128x64xf32, #tpu.memory_space<vmem>>
        %gather3A_899 = tpu.vector_load_idx %gather3A_898[%add3A_893, %add3A_106] : memref<128x64xf32, #tpu.memory_space<vmem>>[vector<16xi32>, vector<16xi32>], vector<16xf32>,
        %scatter3A_900 = arith.constant 1 : i32
        %scatter3A_901 = arith.constant 0 : i32
        %scatter3A_902 = arith.constant 0 : i32
        %scatter3A_903 = tpu.memref_slice %arg7[%scatter3A_900, %scatter3A_901, %scatter3A_902] : memref<2x64x128xf32, #tpu.memory_space<vmem>> -> memref<1x64x128xf32, #tpu.memory_space<vmem>>
        %scatter3A_904 = tpu.memref_squeeze %scatter3A_903 : memref<1x64x128xf32, #tpu.memory_space<vmem>> -> memref<64x128xf32, #tpu.memory_space<vmem>>
        tpu.vector_store_idx %scatter3A_904[%add3A_106, %add3A_893], %gather3A_899 : memref<64x128xf32, #tpu.memory_space<vmem>>[vector<16xi32>, vector<16xi32>], vector<16xf32>,
        %add3A_905 = vector.broadcast %mul3A_282 : i32 to vector<16xi32>
        %add3A_906 = arith.addi %and3A_7, %add3A_905 : vector<16xi32>
        %gather3A_907 = arith.constant 1 : i32
        %gather3A_908 = arith.constant 0 : i32
        %gather3A_909 = arith.constant 0 : i32
        %gather3A_910 = tpu.memref_slice %arg6[%gather3A_907, %gather3A_908, %gather3A_909] : memref<2x128x64xf32, #tpu.memory_space<vmem>> -> memref<1x128x64xf32, #tpu.memory_space<vmem>>
        %gather3A_911 = tpu.memref_squeeze %gather3A_910 : memref<1x128x64xf32, #tpu.memory_space<vmem>> -> memref<128x64xf32, #tpu.memory_space<vmem>>
        %gather3A_912 = tpu.vector_load_idx %gather3A_911[%add3A_906, %add3A_109] : memref<128x64xf32, #tpu.memory_space<vmem>>[vector<16xi32>, vector<16xi32>], vector<16xf32>,
        %scatter3A_913 = arith.constant 1 : i32
        %scatter3A_914 = arith.constant 0 : i32
        %scatter3A_915 = arith.constant 0 : i32
        %scatter3A_916 = tpu.memref_slice %arg7[%scatter3A_913, %scatter3A_914, %scatter3A_915] : memref<2x64x128xf32, #tpu.memory_space<vmem>> -> memref<1x64x128xf32, #tpu.memory_space<vmem>>
        %scatter3A_917 = tpu.memref_squeeze %scatter3A_916 : memref<1x64x128xf32, #tpu.memory_space<vmem>> -> memref<64x128xf32, #tpu.memory_space<vmem>>
        tpu.vector_store_idx %scatter3A_917[%add3A_109, %add3A_906], %gather3A_912 : memref<64x128xf32, #tpu.memory_space<vmem>>[vector<16xi32>, vector<16xi32>], vector<16xf32>,
        %add3A_918 = vector.broadcast %mul3A_282 : i32 to vector<16xi32>
        %add3A_919 = arith.addi %and3A_13, %add3A_918 : vector<16xi32>
        %gather3A_920 = arith.constant 1 : i32
        %gather3A_921 = arith.constant 0 : i32
        %gather3A_922 = arith.constant 0 : i32
        %gather3A_923 = tpu.memref_slice %arg6[%gather3A_920, %gather3A_921, %gather3A_922] : memref<2x128x64xf32, #tpu.memory_space<vmem>> -> memref<1x128x64xf32, #tpu.memory_space<vmem>>
        %gather3A_924 = tpu.memref_squeeze %gather3A_923 : memref<1x128x64xf32, #tpu.memory_space<vmem>> -> memref<128x64xf32, #tpu.memory_space<vmem>>
        %gather3A_925 = tpu.vector_load_idx %gather3A_924[%add3A_919, %add3A_109] : memref<128x64xf32, #tpu.memory_space<vmem>>[vector<16xi32>, vector<16xi32>], vector<16xf32>,
        %scatter3A_926 = arith.constant 1 : i32
        %scatter3A_927 = arith.constant 0 : i32
        %scatter3A_928 = arith.constant 0 : i32
        %scatter3A_929 = tpu.memref_slice %arg7[%scatter3A_926, %scatter3A_927, %scatter3A_928] : memref<2x64x128xf32, #tpu.memory_space<vmem>> -> memref<1x64x128xf32, #tpu.memory_space<vmem>>
        %scatter3A_930 = tpu.memref_squeeze %scatter3A_929 : memref<1x64x128xf32, #tpu.memory_space<vmem>> -> memref<64x128xf32, #tpu.memory_space<vmem>>
        tpu.vector_store_idx %scatter3A_930[%add3A_109, %add3A_919], %gather3A_925 : memref<64x128xf32, #tpu.memory_space<vmem>>[vector<16xi32>, vector<16xi32>], vector<16xf32>,
        %add3A_931 = vector.broadcast %mul3A_282 : i32 to vector<16xi32>
        %add3A_932 = arith.addi %and3A_19, %add3A_931 : vector<16xi32>
        %gather3A_933 = arith.constant 1 : i32
        %gather3A_934 = arith.constant 0 : i32
        %gather3A_935 = arith.constant 0 : i32
        %gather3A_936 = tpu.memref_slice %arg6[%gather3A_933, %gather3A_934, %gather3A_935] : memref<2x128x64xf32, #tpu.memory_space<vmem>> -> memref<1x128x64xf32, #tpu.memory_space<vmem>>
        %gather3A_937 = tpu.memref_squeeze %gather3A_936 : memref<1x128x64xf32, #tpu.memory_space<vmem>> -> memref<128x64xf32, #tpu.memory_space<vmem>>
        %gather3A_938 = tpu.vector_load_idx %gather3A_937[%add3A_932, %add3A_109] : memref<128x64xf32, #tpu.memory_space<vmem>>[vector<16xi32>, vector<16xi32>], vector<16xf32>,
        %scatter3A_939 = arith.constant 1 : i32
        %scatter3A_940 = arith.constant 0 : i32
        %scatter3A_941 = arith.constant 0 : i32
        %scatter3A_942 = tpu.memref_slice %arg7[%scatter3A_939, %scatter3A_940, %scatter3A_941] : memref<2x64x128xf32, #tpu.memory_space<vmem>> -> memref<1x64x128xf32, #tpu.memory_space<vmem>>
        %scatter3A_943 = tpu.memref_squeeze %scatter3A_942 : memref<1x64x128xf32, #tpu.memory_space<vmem>> -> memref<64x128xf32, #tpu.memory_space<vmem>>
        tpu.vector_store_idx %scatter3A_943[%add3A_109, %add3A_932], %gather3A_938 : memref<64x128xf32, #tpu.memory_space<vmem>>[vector<16xi32>, vector<16xi32>], vector<16xf32>,
        %add3A_944 = vector.broadcast %mul3A_282 : i32 to vector<16xi32>
        %add3A_945 = arith.addi %and3A_25, %add3A_944 : vector<16xi32>
        %gather3A_946 = arith.constant 1 : i32
        %gather3A_947 = arith.constant 0 : i32
        %gather3A_948 = arith.constant 0 : i32
        %gather3A_949 = tpu.memref_slice %arg6[%gather3A_946, %gather3A_947, %gather3A_948] : memref<2x128x64xf32, #tpu.memory_space<vmem>> -> memref<1x128x64xf32, #tpu.memory_space<vmem>>
        %gather3A_950 = tpu.memref_squeeze %gather3A_949 : memref<1x128x64xf32, #tpu.memory_space<vmem>> -> memref<128x64xf32, #tpu.memory_space<vmem>>
        %gather3A_951 = tpu.vector_load_idx %gather3A_950[%add3A_945, %add3A_109] : memref<128x64xf32, #tpu.memory_space<vmem>>[vector<16xi32>, vector<16xi32>], vector<16xf32>,
        %scatter3A_952 = arith.constant 1 : i32
        %scatter3A_953 = arith.constant 0 : i32
        %scatter3A_954 = arith.constant 0 : i32
        %scatter3A_955 = tpu.memref_slice %arg7[%scatter3A_952, %scatter3A_953, %scatter3A_954] : memref<2x64x128xf32, #tpu.memory_space<vmem>> -> memref<1x64x128xf32, #tpu.memory_space<vmem>>
        %scatter3A_956 = tpu.memref_squeeze %scatter3A_955 : memref<1x64x128xf32, #tpu.memory_space<vmem>> -> memref<64x128xf32, #tpu.memory_space<vmem>>
        tpu.vector_store_idx %scatter3A_956[%add3A_109, %add3A_945], %gather3A_951 : memref<64x128xf32, #tpu.memory_space<vmem>>[vector<16xi32>, vector<16xi32>], vector<16xf32>,
        %add3A_957 = vector.broadcast %mul3A_282 : i32 to vector<16xi32>
        %add3A_958 = arith.addi %and3A_31, %add3A_957 : vector<16xi32>
        %gather3A_959 = arith.constant 1 : i32
        %gather3A_960 = arith.constant 0 : i32
        %gather3A_961 = arith.constant 0 : i32
        %gather3A_962 = tpu.memref_slice %arg6[%gather3A_959, %gather3A_960, %gather3A_961] : memref<2x128x64xf32, #tpu.memory_space<vmem>> -> memref<1x128x64xf32, #tpu.memory_space<vmem>>
        %gather3A_963 = tpu.memref_squeeze %gather3A_962 : memref<1x128x64xf32, #tpu.memory_space<vmem>> -> memref<128x64xf32, #tpu.memory_space<vmem>>
        %gather3A_964 = tpu.vector_load_idx %gather3A_963[%add3A_958, %add3A_109] : memref<128x64xf32, #tpu.memory_space<vmem>>[vector<16xi32>, vector<16xi32>], vector<16xf32>,
        %scatter3A_965 = arith.constant 1 : i32
        %scatter3A_966 = arith.constant 0 : i32
        %scatter3A_967 = arith.constant 0 : i32
        %scatter3A_968 = tpu.memref_slice %arg7[%scatter3A_965, %scatter3A_966, %scatter3A_967] : memref<2x64x128xf32, #tpu.memory_space<vmem>> -> memref<1x64x128xf32, #tpu.memory_space<vmem>>
        %scatter3A_969 = tpu.memref_squeeze %scatter3A_968 : memref<1x64x128xf32, #tpu.memory_space<vmem>> -> memref<64x128xf32, #tpu.memory_space<vmem>>
        tpu.vector_store_idx %scatter3A_969[%add3A_109, %add3A_958], %gather3A_964 : memref<64x128xf32, #tpu.memory_space<vmem>>[vector<16xi32>, vector<16xi32>], vector<16xf32>,
        %add3A_970 = vector.broadcast %mul3A_282 : i32 to vector<16xi32>
        %add3A_971 = arith.addi %and3A_37, %add3A_970 : vector<16xi32>
        %gather3A_972 = arith.constant 1 : i32
        %gather3A_973 = arith.constant 0 : i32
        %gather3A_974 = arith.constant 0 : i32
        %gather3A_975 = tpu.memref_slice %arg6[%gather3A_972, %gather3A_973, %gather3A_974] : memref<2x128x64xf32, #tpu.memory_space<vmem>> -> memref<1x128x64xf32, #tpu.memory_space<vmem>>
        %gather3A_976 = tpu.memref_squeeze %gather3A_975 : memref<1x128x64xf32, #tpu.memory_space<vmem>> -> memref<128x64xf32, #tpu.memory_space<vmem>>
        %gather3A_977 = tpu.vector_load_idx %gather3A_976[%add3A_971, %add3A_109] : memref<128x64xf32, #tpu.memory_space<vmem>>[vector<16xi32>, vector<16xi32>], vector<16xf32>,
        %scatter3A_978 = arith.constant 1 : i32
        %scatter3A_979 = arith.constant 0 : i32
        %scatter3A_980 = arith.constant 0 : i32
        %scatter3A_981 = tpu.memref_slice %arg7[%scatter3A_978, %scatter3A_979, %scatter3A_980] : memref<2x64x128xf32, #tpu.memory_space<vmem>> -> memref<1x64x128xf32, #tpu.memory_space<vmem>>
        %scatter3A_982 = tpu.memref_squeeze %scatter3A_981 : memref<1x64x128xf32, #tpu.memory_space<vmem>> -> memref<64x128xf32, #tpu.memory_space<vmem>>
        tpu.vector_store_idx %scatter3A_982[%add3A_109, %add3A_971], %gather3A_977 : memref<64x128xf32, #tpu.memory_space<vmem>>[vector<16xi32>, vector<16xi32>], vector<16xf32>,
        %add3A_983 = vector.broadcast %mul3A_282 : i32 to vector<16xi32>
        %add3A_984 = arith.addi %and3A_43, %add3A_983 : vector<16xi32>
        %gather3A_985 = arith.constant 1 : i32
        %gather3A_986 = arith.constant 0 : i32
        %gather3A_987 = arith.constant 0 : i32
        %gather3A_988 = tpu.memref_slice %arg6[%gather3A_985, %gather3A_986, %gather3A_987] : memref<2x128x64xf32, #tpu.memory_space<vmem>> -> memref<1x128x64xf32, #tpu.memory_space<vmem>>
        %gather3A_989 = tpu.memref_squeeze %gather3A_988 : memref<1x128x64xf32, #tpu.memory_space<vmem>> -> memref<128x64xf32, #tpu.memory_space<vmem>>
        %gather3A_990 = tpu.vector_load_idx %gather3A_989[%add3A_984, %add3A_109] : memref<128x64xf32, #tpu.memory_space<vmem>>[vector<16xi32>, vector<16xi32>], vector<16xf32>,
        %scatter3A_991 = arith.constant 1 : i32
        %scatter3A_992 = arith.constant 0 : i32
        %scatter3A_993 = arith.constant 0 : i32
        %scatter3A_994 = tpu.memref_slice %arg7[%scatter3A_991, %scatter3A_992, %scatter3A_993] : memref<2x64x128xf32, #tpu.memory_space<vmem>> -> memref<1x64x128xf32, #tpu.memory_space<vmem>>
        %scatter3A_995 = tpu.memref_squeeze %scatter3A_994 : memref<1x64x128xf32, #tpu.memory_space<vmem>> -> memref<64x128xf32, #tpu.memory_space<vmem>>
        tpu.vector_store_idx %scatter3A_995[%add3A_109, %add3A_984], %gather3A_990 : memref<64x128xf32, #tpu.memory_space<vmem>>[vector<16xi32>, vector<16xi32>], vector<16xf32>,
        %add3A_996 = vector.broadcast %mul3A_282 : i32 to vector<16xi32>
        %add3A_997 = arith.addi %and3A_49, %add3A_996 : vector<16xi32>
        %gather3A_998 = arith.constant 1 : i32
        %gather3A_999 = arith.constant 0 : i32
        %gather3A_1000 = arith.constant 0 : i32
        %gather3A_1001 = tpu.memref_slice %arg6[%gather3A_998, %gather3A_999, %gather3A_1000] : memref<2x128x64xf32, #tpu.memory_space<vmem>> -> memref<1x128x64xf32, #tpu.memory_space<vmem>>
        %gather3A_1002 = tpu.memref_squeeze %gather3A_1001 : memref<1x128x64xf32, #tpu.memory_space<vmem>> -> memref<128x64xf32, #tpu.memory_space<vmem>>
        %gather3A_1003 = tpu.vector_load_idx %gather3A_1002[%add3A_997, %add3A_109] : memref<128x64xf32, #tpu.memory_space<vmem>>[vector<16xi32>, vector<16xi32>], vector<16xf32>,
        %scatter3A_1004 = arith.constant 1 : i32
        %scatter3A_1005 = arith.constant 0 : i32
        %scatter3A_1006 = arith.constant 0 : i32
        %scatter3A_1007 = tpu.memref_slice %arg7[%scatter3A_1004, %scatter3A_1005, %scatter3A_1006] : memref<2x64x128xf32, #tpu.memory_space<vmem>> -> memref<1x64x128xf32, #tpu.memory_space<vmem>>
        %scatter3A_1008 = tpu.memref_squeeze %scatter3A_1007 : memref<1x64x128xf32, #tpu.memory_space<vmem>> -> memref<64x128xf32, #tpu.memory_space<vmem>>
        tpu.vector_store_idx %scatter3A_1008[%add3A_109, %add3A_997], %gather3A_1003 : memref<64x128xf32, #tpu.memory_space<vmem>>[vector<16xi32>, vector<16xi32>], vector<16xf32>,
        %add3A_1009 = vector.broadcast %mul3A_282 : i32 to vector<16xi32>
        %add3A_1010 = arith.addi %and3A_55, %add3A_1009 : vector<16xi32>
        %gather3A_1011 = arith.constant 1 : i32
        %gather3A_1012 = arith.constant 0 : i32
        %gather3A_1013 = arith.constant 0 : i32
        %gather3A_1014 = tpu.memref_slice %arg6[%gather3A_1011, %gather3A_1012, %gather3A_1013] : memref<2x128x64xf32, #tpu.memory_space<vmem>> -> memref<1x128x64xf32, #tpu.memory_space<vmem>>
        %gather3A_1015 = tpu.memref_squeeze %gather3A_1014 : memref<1x128x64xf32, #tpu.memory_space<vmem>> -> memref<128x64xf32, #tpu.memory_space<vmem>>
        %gather3A_1016 = tpu.vector_load_idx %gather3A_1015[%add3A_1010, %add3A_109] : memref<128x64xf32, #tpu.memory_space<vmem>>[vector<16xi32>, vector<16xi32>], vector<16xf32>,
        %scatter3A_1017 = arith.constant 1 : i32
        %scatter3A_1018 = arith.constant 0 : i32
        %scatter3A_1019 = arith.constant 0 : i32
        %scatter3A_1020 = tpu.memref_slice %arg7[%scatter3A_1017, %scatter3A_1018, %scatter3A_1019] : memref<2x64x128xf32, #tpu.memory_space<vmem>> -> memref<1x64x128xf32, #tpu.memory_space<vmem>>
        %scatter3A_1021 = tpu.memref_squeeze %scatter3A_1020 : memref<1x64x128xf32, #tpu.memory_space<vmem>> -> memref<64x128xf32, #tpu.memory_space<vmem>>
        tpu.vector_store_idx %scatter3A_1021[%add3A_109, %add3A_1010], %gather3A_1016 : memref<64x128xf32, #tpu.memory_space<vmem>>[vector<16xi32>, vector<16xi32>], vector<16xf32>,
        %add3A_1022 = vector.broadcast %mul3A_282 : i32 to vector<16xi32>
        %add3A_1023 = arith.addi %and3A_61, %add3A_1022 : vector<16xi32>
        %gather3A_1024 = arith.constant 1 : i32
        %gather3A_1025 = arith.constant 0 : i32
        %gather3A_1026 = arith.constant 0 : i32
        %gather3A_1027 = tpu.memref_slice %arg6[%gather3A_1024, %gather3A_1025, %gather3A_1026] : memref<2x128x64xf32, #tpu.memory_space<vmem>> -> memref<1x128x64xf32, #tpu.memory_space<vmem>>
        %gather3A_1028 = tpu.memref_squeeze %gather3A_1027 : memref<1x128x64xf32, #tpu.memory_space<vmem>> -> memref<128x64xf32, #tpu.memory_space<vmem>>
        %gather3A_1029 = tpu.vector_load_idx %gather3A_1028[%add3A_1023, %add3A_109] : memref<128x64xf32, #tpu.memory_space<vmem>>[vector<16xi32>, vector<16xi32>], vector<16xf32>,
        %scatter3A_1030 = arith.constant 1 : i32
        %scatter3A_1031 = arith.constant 0 : i32
        %scatter3A_1032 = arith.constant 0 : i32
        %scatter3A_1033 = tpu.memref_slice %arg7[%scatter3A_1030, %scatter3A_1031, %scatter3A_1032] : memref<2x64x128xf32, #tpu.memory_space<vmem>> -> memref<1x64x128xf32, #tpu.memory_space<vmem>>
        %scatter3A_1034 = tpu.memref_squeeze %scatter3A_1033 : memref<1x64x128xf32, #tpu.memory_space<vmem>> -> memref<64x128xf32, #tpu.memory_space<vmem>>
        tpu.vector_store_idx %scatter3A_1034[%add3A_109, %add3A_1023], %gather3A_1029 : memref<64x128xf32, #tpu.memory_space<vmem>>[vector<16xi32>, vector<16xi32>], vector<16xf32>,
        %add3A_1035 = vector.broadcast %mul3A_282 : i32 to vector<16xi32>
        %add3A_1036 = arith.addi %and3A_67, %add3A_1035 : vector<16xi32>
        %gather3A_1037 = arith.constant 1 : i32
        %gather3A_1038 = arith.constant 0 : i32
        %gather3A_1039 = arith.constant 0 : i32
        %gather3A_1040 = tpu.memref_slice %arg6[%gather3A_1037, %gather3A_1038, %gather3A_1039] : memref<2x128x64xf32, #tpu.memory_space<vmem>> -> memref<1x128x64xf32, #tpu.memory_space<vmem>>
        %gather3A_1041 = tpu.memref_squeeze %gather3A_1040 : memref<1x128x64xf32, #tpu.memory_space<vmem>> -> memref<128x64xf32, #tpu.memory_space<vmem>>
        %gather3A_1042 = tpu.vector_load_idx %gather3A_1041[%add3A_1036, %add3A_109] : memref<128x64xf32, #tpu.memory_space<vmem>>[vector<16xi32>, vector<16xi32>], vector<16xf32>,
        %scatter3A_1043 = arith.constant 1 : i32
        %scatter3A_1044 = arith.constant 0 : i32
        %scatter3A_1045 = arith.constant 0 : i32
        %scatter3A_1046 = tpu.memref_slice %arg7[%scatter3A_1043, %scatter3A_1044, %scatter3A_1045] : memref<2x64x128xf32, #tpu.memory_space<vmem>> -> memref<1x64x128xf32, #tpu.memory_space<vmem>>
        %scatter3A_1047 = tpu.memref_squeeze %scatter3A_1046 : memref<1x64x128xf32, #tpu.memory_space<vmem>> -> memref<64x128xf32, #tpu.memory_space<vmem>>
        tpu.vector_store_idx %scatter3A_1047[%add3A_109, %add3A_1036], %gather3A_1042 : memref<64x128xf32, #tpu.memory_space<vmem>>[vector<16xi32>, vector<16xi32>], vector<16xf32>,
        %add3A_1048 = vector.broadcast %mul3A_282 : i32 to vector<16xi32>
        %add3A_1049 = arith.addi %and3A_73, %add3A_1048 : vector<16xi32>
        %gather3A_1050 = arith.constant 1 : i32
        %gather3A_1051 = arith.constant 0 : i32
        %gather3A_1052 = arith.constant 0 : i32
        %gather3A_1053 = tpu.memref_slice %arg6[%gather3A_1050, %gather3A_1051, %gather3A_1052] : memref<2x128x64xf32, #tpu.memory_space<vmem>> -> memref<1x128x64xf32, #tpu.memory_space<vmem>>
        %gather3A_1054 = tpu.memref_squeeze %gather3A_1053 : memref<1x128x64xf32, #tpu.memory_space<vmem>> -> memref<128x64xf32, #tpu.memory_space<vmem>>
        %gather3A_1055 = tpu.vector_load_idx %gather3A_1054[%add3A_1049, %add3A_109] : memref<128x64xf32, #tpu.memory_space<vmem>>[vector<16xi32>, vector<16xi32>], vector<16xf32>,
        %scatter3A_1056 = arith.constant 1 : i32
        %scatter3A_1057 = arith.constant 0 : i32
        %scatter3A_1058 = arith.constant 0 : i32
        %scatter3A_1059 = tpu.memref_slice %arg7[%scatter3A_1056, %scatter3A_1057, %scatter3A_1058] : memref<2x64x128xf32, #tpu.memory_space<vmem>> -> memref<1x64x128xf32, #tpu.memory_space<vmem>>
        %scatter3A_1060 = tpu.memref_squeeze %scatter3A_1059 : memref<1x64x128xf32, #tpu.memory_space<vmem>> -> memref<64x128xf32, #tpu.memory_space<vmem>>
        tpu.vector_store_idx %scatter3A_1060[%add3A_109, %add3A_1049], %gather3A_1055 : memref<64x128xf32, #tpu.memory_space<vmem>>[vector<16xi32>, vector<16xi32>], vector<16xf32>,
        %add3A_1061 = vector.broadcast %mul3A_282 : i32 to vector<16xi32>
        %add3A_1062 = arith.addi %and3A_79, %add3A_1061 : vector<16xi32>
        %gather3A_1063 = arith.constant 1 : i32
        %gather3A_1064 = arith.constant 0 : i32
        %gather3A_1065 = arith.constant 0 : i32
        %gather3A_1066 = tpu.memref_slice %arg6[%gather3A_1063, %gather3A_1064, %gather3A_1065] : memref<2x128x64xf32, #tpu.memory_space<vmem>> -> memref<1x128x64xf32, #tpu.memory_space<vmem>>
        %gather3A_1067 = tpu.memref_squeeze %gather3A_1066 : memref<1x128x64xf32, #tpu.memory_space<vmem>> -> memref<128x64xf32, #tpu.memory_space<vmem>>
        %gather3A_1068 = tpu.vector_load_idx %gather3A_1067[%add3A_1062, %add3A_109] : memref<128x64xf32, #tpu.memory_space<vmem>>[vector<16xi32>, vector<16xi32>], vector<16xf32>,
        %scatter3A_1069 = arith.constant 1 : i32
        %scatter3A_1070 = arith.constant 0 : i32
        %scatter3A_1071 = arith.constant 0 : i32
        %scatter3A_1072 = tpu.memref_slice %arg7[%scatter3A_1069, %scatter3A_1070, %scatter3A_1071] : memref<2x64x128xf32, #tpu.memory_space<vmem>> -> memref<1x64x128xf32, #tpu.memory_space<vmem>>
        %scatter3A_1073 = tpu.memref_squeeze %scatter3A_1072 : memref<1x64x128xf32, #tpu.memory_space<vmem>> -> memref<64x128xf32, #tpu.memory_space<vmem>>
        tpu.vector_store_idx %scatter3A_1073[%add3A_109, %add3A_1062], %gather3A_1068 : memref<64x128xf32, #tpu.memory_space<vmem>>[vector<16xi32>, vector<16xi32>], vector<16xf32>,
        %add3A_1074 = vector.broadcast %mul3A_282 : i32 to vector<16xi32>
        %add3A_1075 = arith.addi %and3A_85, %add3A_1074 : vector<16xi32>
        %gather3A_1076 = arith.constant 1 : i32
        %gather3A_1077 = arith.constant 0 : i32
        %gather3A_1078 = arith.constant 0 : i32
        %gather3A_1079 = tpu.memref_slice %arg6[%gather3A_1076, %gather3A_1077, %gather3A_1078] : memref<2x128x64xf32, #tpu.memory_space<vmem>> -> memref<1x128x64xf32, #tpu.memory_space<vmem>>
        %gather3A_1080 = tpu.memref_squeeze %gather3A_1079 : memref<1x128x64xf32, #tpu.memory_space<vmem>> -> memref<128x64xf32, #tpu.memory_space<vmem>>
        %gather3A_1081 = tpu.vector_load_idx %gather3A_1080[%add3A_1075, %add3A_109] : memref<128x64xf32, #tpu.memory_space<vmem>>[vector<16xi32>, vector<16xi32>], vector<16xf32>,
        %scatter3A_1082 = arith.constant 1 : i32
        %scatter3A_1083 = arith.constant 0 : i32
        %scatter3A_1084 = arith.constant 0 : i32
        %scatter3A_1085 = tpu.memref_slice %arg7[%scatter3A_1082, %scatter3A_1083, %scatter3A_1084] : memref<2x64x128xf32, #tpu.memory_space<vmem>> -> memref<1x64x128xf32, #tpu.memory_space<vmem>>
        %scatter3A_1086 = tpu.memref_squeeze %scatter3A_1085 : memref<1x64x128xf32, #tpu.memory_space<vmem>> -> memref<64x128xf32, #tpu.memory_space<vmem>>
        tpu.vector_store_idx %scatter3A_1086[%add3A_109, %add3A_1075], %gather3A_1081 : memref<64x128xf32, #tpu.memory_space<vmem>>[vector<16xi32>, vector<16xi32>], vector<16xf32>,
        %add3A_1087 = vector.broadcast %mul3A_282 : i32 to vector<16xi32>
        %add3A_1088 = arith.addi %and3A_91, %add3A_1087 : vector<16xi32>
        %gather3A_1089 = arith.constant 1 : i32
        %gather3A_1090 = arith.constant 0 : i32
        %gather3A_1091 = arith.constant 0 : i32
        %gather3A_1092 = tpu.memref_slice %arg6[%gather3A_1089, %gather3A_1090, %gather3A_1091] : memref<2x128x64xf32, #tpu.memory_space<vmem>> -> memref<1x128x64xf32, #tpu.memory_space<vmem>>
        %gather3A_1093 = tpu.memref_squeeze %gather3A_1092 : memref<1x128x64xf32, #tpu.memory_space<vmem>> -> memref<128x64xf32, #tpu.memory_space<vmem>>
        %gather3A_1094 = tpu.vector_load_idx %gather3A_1093[%add3A_1088, %add3A_109] : memref<128x64xf32, #tpu.memory_space<vmem>>[vector<16xi32>, vector<16xi32>], vector<16xf32>,
        %scatter3A_1095 = arith.constant 1 : i32
        %scatter3A_1096 = arith.constant 0 : i32
        %scatter3A_1097 = arith.constant 0 : i32
        %scatter3A_1098 = tpu.memref_slice %arg7[%scatter3A_1095, %scatter3A_1096, %scatter3A_1097] : memref<2x64x128xf32, #tpu.memory_space<vmem>> -> memref<1x64x128xf32, #tpu.memory_space<vmem>>
        %scatter3A_1099 = tpu.memref_squeeze %scatter3A_1098 : memref<1x64x128xf32, #tpu.memory_space<vmem>> -> memref<64x128xf32, #tpu.memory_space<vmem>>
        tpu.vector_store_idx %scatter3A_1099[%add3A_109, %add3A_1088], %gather3A_1094 : memref<64x128xf32, #tpu.memory_space<vmem>>[vector<16xi32>, vector<16xi32>], vector<16xf32>,
        %add3A_1100 = vector.broadcast %mul3A_282 : i32 to vector<16xi32>
        %add3A_1101 = arith.addi %and3A_97, %add3A_1100 : vector<16xi32>
        %gather3A_1102 = arith.constant 1 : i32
        %gather3A_1103 = arith.constant 0 : i32
        %gather3A_1104 = arith.constant 0 : i32
        %gather3A_1105 = tpu.memref_slice %arg6[%gather3A_1102, %gather3A_1103, %gather3A_1104] : memref<2x128x64xf32, #tpu.memory_space<vmem>> -> memref<1x128x64xf32, #tpu.memory_space<vmem>>
        %gather3A_1106 = tpu.memref_squeeze %gather3A_1105 : memref<1x128x64xf32, #tpu.memory_space<vmem>> -> memref<128x64xf32, #tpu.memory_space<vmem>>
        %gather3A_1107 = tpu.vector_load_idx %gather3A_1106[%add3A_1101, %add3A_109] : memref<128x64xf32, #tpu.memory_space<vmem>>[vector<16xi32>, vector<16xi32>], vector<16xf32>,
        %scatter3A_1108 = arith.constant 1 : i32
        %scatter3A_1109 = arith.constant 0 : i32
        %scatter3A_1110 = arith.constant 0 : i32
        %scatter3A_1111 = tpu.memref_slice %arg7[%scatter3A_1108, %scatter3A_1109, %scatter3A_1110] : memref<2x64x128xf32, #tpu.memory_space<vmem>> -> memref<1x64x128xf32, #tpu.memory_space<vmem>>
        %scatter3A_1112 = tpu.memref_squeeze %scatter3A_1111 : memref<1x64x128xf32, #tpu.memory_space<vmem>> -> memref<64x128xf32, #tpu.memory_space<vmem>>
        tpu.vector_store_idx %scatter3A_1112[%add3A_109, %add3A_1101], %gather3A_1107 : memref<64x128xf32, #tpu.memory_space<vmem>>[vector<16xi32>, vector<16xi32>], vector<16xf32>,
      }
      %scan3A_256 = arith.constant 8 : i32
      %lt3A_257 = arith.constant 99 : i32
      %lt3A_258 = arith.cmpi slt, %scan3A_181, %lt3A_257 : i32
      %convert_element_type3A_259 = arith.extui %lt3A_258 : i1 to i32
      %cond3A_260 = arith.constant 0 : i32
      %cond3A_261 = arith.cmpi ne, %convert_element_type3A_259, %cond3A_260 : i32
      scf.if %cond3A_261 {
        %add3A_280 = arith.constant 2 : i32
        %add3A_281 = arith.addi %add3A_231, %add3A_280 : i32
        %dma_start3A_282 = arith.constant 1 : i32
        %dma_start3A_283 = arith.constant 1 : i32
        %dma_start3A_284 = arith.constant 0 : i32
        %dma_start3A_285 = arith.constant 0 : i32
        %dma_start3A_286 = tpu.memref_slice %arg6[%dma_start3A_282, %dma_start3A_284, %dma_start3A_285] : memref<2x128x64xf32, #tpu.memory_space<vmem>> -> memref<1x128x64xf32, #tpu.memory_space<vmem>>
        %dma_start3A_287 = tpu.memref_squeeze %dma_start3A_286 : memref<1x128x64xf32, #tpu.memory_space<vmem>> -> memref<128x64xf32, #tpu.memory_space<vmem>>
        %dma_start3A_288 = arith.constant 0 : i32
        %dma_start3A_289 = tpu.memref_slice %arg5[%add3A_281, %dma_start3A_288] : memref<200x128xi32, #tpu.memory_space<vmem>> -> memref<1x128xi32, #tpu.memory_space<vmem>>
        %dma_start3A_290 = tpu.memref_squeeze %dma_start3A_289 : memref<1x128xi32, #tpu.memory_space<vmem>> -> memref<128xi32, #tpu.memory_space<vmem>>
        %dma_start3A_291 = arith.constant 0 : i32
        %dma_start3A_292 = arith.constant 0 : i32
        %dma_start3A_293 = tpu.memref_slice %arg3[%dma_start3A_291, %dma_start3A_292] : memref<1000000x64xf32, #tpu.memory_space<hbm>> -> memref<1000000x64xf32, #tpu.memory_space<hbm>>
        %dma_start3A_294 = tpu.memref_slice %arg8[%dma_start3A_283] : memref<2x!tpu.dma_semaphore, #tpu.memory_space<semaphore_mem>> -> memref<1x!tpu.dma_semaphore, #tpu.memory_space<semaphore_mem>>
        %dma_start3A_295 = tpu.memref_squeeze %dma_start3A_294 : memref<1x!tpu.dma_semaphore, #tpu.memory_space<semaphore_mem>> -> memref<!tpu.dma_semaphore, #tpu.memory_space<semaphore_mem>>
        tpu.enqueue_indirect_dma source(%dma_start3A_293 : memref<1000000x64xf32, #tpu.memory_space<hbm>>) target(%dma_start3A_287 : memref<128x64xf32, #tpu.memory_space<vmem>>) offsets(%dma_start3A_290 : memref<128xi32, #tpu.memory_space<vmem>>) semaphore(%dma_start3A_295 : memref<!tpu.dma_semaphore, #tpu.memory_space<semaphore_mem>>)
      } else {
      }
      %dma_start3A_262 = arith.constant 1 : i32
      %dma_start3A_263 = arith.constant 1 : i32
      %dma_start3A_264 = arith.constant 0 : i32
      %dma_start3A_265 = arith.constant 0 : i32
      %dma_start3A_266 = tpu.memref_slice %arg7[%dma_start3A_262, %dma_start3A_264, %dma_start3A_265] : memref<2x64x128xf32, #tpu.memory_space<vmem>> -> memref<1x64x128xf32, #tpu.memory_space<vmem>>
      %dma_start3A_267 = tpu.memref_squeeze %dma_start3A_266 : memref<1x64x128xf32, #tpu.memory_space<vmem>> -> memref<64x128xf32, #tpu.memory_space<vmem>>
      %dma_start3A_268 = arith.constant 0 : i32
      %dma_start3A_269 = tpu.memref_slice %arg4[%add3A_231, %dma_start3A_268, %mul3A_2] : memref<200x64x4096xf32, #tpu.memory_space<hbm>> -> memref<1x64x128xf32, #tpu.memory_space<hbm>>
      %dma_start3A_270 = tpu.memref_squeeze %dma_start3A_269 : memref<1x64x128xf32, #tpu.memory_space<hbm>> -> memref<64x128xf32, #tpu.memory_space<hbm>>
      %dma_start3A_271 = tpu.memref_slice %arg9[%dma_start3A_263] : memref<2x!tpu.dma_semaphore, #tpu.memory_space<semaphore_mem>> -> memref<1x!tpu.dma_semaphore, #tpu.memory_space<semaphore_mem>>
      %dma_start3A_272 = tpu.memref_squeeze %dma_start3A_271 : memref<1x!tpu.dma_semaphore, #tpu.memory_space<semaphore_mem>> -> memref<!tpu.dma_semaphore, #tpu.memory_space<semaphore_mem>>
      %dma_start3A_273 = arith.constant 0 : i32
      %dma_start3A_274 = tpu.memref_slice %arg4[%add3A_231, %dma_start3A_273, %mul3A_2] : memref<200x64x4096xf32, #tpu.memory_space<hbm>> -> memref<1x64x128xf32, #tpu.memory_space<hbm>>
      %dma_start3A_275 = tpu.memref_squeeze %dma_start3A_274 : memref<1x64x128xf32, #tpu.memory_space<hbm>> -> memref<64x128xf32, #tpu.memory_space<hbm>>
      %dma_start3A_276 = arith.constant 0 : i32
      %dma_start3A_277 = arith.constant 0 : i32
      %dma_start3A_278 = tpu.memref_slice %arg7[%dma_start3A_262, %dma_start3A_276, %dma_start3A_277] : memref<2x64x128xf32, #tpu.memory_space<vmem>> -> memref<1x64x128xf32, #tpu.memory_space<vmem>>
      %dma_start3A_279 = tpu.memref_squeeze %dma_start3A_278 : memref<1x64x128xf32, #tpu.memory_space<vmem>> -> memref<64x128xf32, #tpu.memory_space<vmem>>
      tpu.enqueue_dma source(%dma_start3A_279 : memref<64x128xf32, #tpu.memory_space<vmem>>) target(%dma_start3A_275 : memref<64x128xf32, #tpu.memory_space<hbm>>) target_semaphore(%dma_start3A_272 : memref<!tpu.dma_semaphore, #tpu.memory_space<semaphore_mem>>)
    }
    %scan3A_143 = arith.constant 100 : i32
    %dma_wait3A = arith.constant 0 : i32
    %dma_wait3A_144 = arith.constant 198 : i32
    %dma_wait3A_145 = arith.constant 0 : i32
    %dma_wait3A_146 = arith.constant 0 : i32
    %dma_wait3A_147 = arith.constant 0 : i32
    %dma_wait3A_148 = tpu.memref_slice %arg7[%dma_wait3A, %dma_wait3A_146, %dma_wait3A_147] : memref<2x64x128xf32, #tpu.memory_space<vmem>> -> memref<1x64x128xf32, #tpu.memory_space<vmem>>
    %dma_wait3A_149 = tpu.memref_squeeze %dma_wait3A_148 : memref<1x64x128xf32, #tpu.memory_space<vmem>> -> memref<64x128xf32, #tpu.memory_space<vmem>>
    %dma_wait3A_150 = arith.constant 0 : i32
    %dma_wait3A_151 = tpu.memref_slice %arg4[%dma_wait3A_144, %dma_wait3A_150, %mul3A_2] : memref<200x64x4096xf32, #tpu.memory_space<hbm>> -> memref<1x64x128xf32, #tpu.memory_space<hbm>>
    %dma_wait3A_152 = tpu.memref_squeeze %dma_wait3A_151 : memref<1x64x128xf32, #tpu.memory_space<hbm>> -> memref<64x128xf32, #tpu.memory_space<hbm>>
    %dma_wait3A_153 = tpu.memref_slice %arg9[%dma_wait3A_145] : memref<2x!tpu.dma_semaphore, #tpu.memory_space<semaphore_mem>> -> memref<1x!tpu.dma_semaphore, #tpu.memory_space<semaphore_mem>>
    %dma_wait3A_154 = tpu.memref_squeeze %dma_wait3A_153 : memref<1x!tpu.dma_semaphore, #tpu.memory_space<semaphore_mem>> -> memref<!tpu.dma_semaphore, #tpu.memory_space<semaphore_mem>>
    %dma_wait3A_155 = arith.constant 0 : i32
    %dma_wait3A_156 = tpu.memref_slice %arg4[%dma_wait3A_144, %dma_wait3A_155, %mul3A_2] : memref<200x64x4096xf32, #tpu.memory_space<hbm>> -> memref<1x64x128xf32, #tpu.memory_space<hbm>>
    %dma_wait3A_157 = tpu.memref_squeeze %dma_wait3A_156 : memref<1x64x128xf32, #tpu.memory_space<hbm>> -> memref<64x128xf32, #tpu.memory_space<hbm>>
    %dma_wait3A_158 = arith.constant 0 : i32
    %dma_wait3A_159 = arith.constant 0 : i32
    %dma_wait3A_160 = tpu.memref_slice %arg7[%dma_wait3A, %dma_wait3A_158, %dma_wait3A_159] : memref<2x64x128xf32, #tpu.memory_space<vmem>> -> memref<1x64x128xf32, #tpu.memory_space<vmem>>
    %dma_wait3A_161 = tpu.memref_squeeze %dma_wait3A_160 : memref<1x64x128xf32, #tpu.memory_space<vmem>> -> memref<64x128xf32, #tpu.memory_space<vmem>>
    tpu.wait_dma2 semaphore(%dma_wait3A_154 : memref<!tpu.dma_semaphore, #tpu.memory_space<semaphore_mem>>) src(%dma_wait3A_161 : memref<64x128xf32, #tpu.memory_space<vmem>>) dst(%dma_wait3A_157 : memref<64x128xf32, #tpu.memory_space<hbm>>)
    %dma_wait3A_162 = arith.constant 1 : i32
    %dma_wait3A_163 = arith.constant 199 : i32
    %dma_wait3A_164 = arith.constant 1 : i32
    %dma_wait3A_165 = arith.constant 0 : i32
    %dma_wait3A_166 = arith.constant 0 : i32
    %dma_wait3A_167 = tpu.memref_slice %arg7[%dma_wait3A_162, %dma_wait3A_165, %dma_wait3A_166] : memref<2x64x128xf32, #tpu.memory_space<vmem>> -> memref<1x64x128xf32, #tpu.memory_space<vmem>>
    %dma_wait3A_168 = tpu.memref_squeeze %dma_wait3A_167 : memref<1x64x128xf32, #tpu.memory_space<vmem>> -> memref<64x128xf32, #tpu.memory_space<vmem>>
    %dma_wait3A_169 = arith.constant 0 : i32
    %dma_wait3A_170 = tpu.memref_slice %arg4[%dma_wait3A_163, %dma_wait3A_169, %mul3A_2] : memref<200x64x4096xf32, #tpu.memory_space<hbm>> -> memref<1x64x128xf32, #tpu.memory_space<hbm>>
    %dma_wait3A_171 = tpu.memref_squeeze %dma_wait3A_170 : memref<1x64x128xf32, #tpu.memory_space<hbm>> -> memref<64x128xf32, #tpu.memory_space<hbm>>
    %dma_wait3A_172 = tpu.memref_slice %arg9[%dma_wait3A_164] : memref<2x!tpu.dma_semaphore, #tpu.memory_space<semaphore_mem>> -> memref<1x!tpu.dma_semaphore, #tpu.memory_space<semaphore_mem>>
    %dma_wait3A_173 = tpu.memref_squeeze %dma_wait3A_172 : memref<1x!tpu.dma_semaphore, #tpu.memory_space<semaphore_mem>> -> memref<!tpu.dma_semaphore, #tpu.memory_space<semaphore_mem>>
    %dma_wait3A_174 = arith.constant 0 : i32
    %dma_wait3A_175 = tpu.memref_slice %arg4[%dma_wait3A_163, %dma_wait3A_174, %mul3A_2] : memref<200x64x4096xf32, #tpu.memory_space<hbm>> -> memref<1x64x128xf32, #tpu.memory_space<hbm>>
    %dma_wait3A_176 = tpu.memref_squeeze %dma_wait3A_175 : memref<1x64x128xf32, #tpu.memory_space<hbm>> -> memref<64x128xf32, #tpu.memory_space<hbm>>
    %dma_wait3A_177 = arith.constant 0 : i32
    %dma_wait3A_178 = arith.constant 0 : i32
    %dma_wait3A_179 = tpu.memref_slice %arg7[%dma_wait3A_162, %dma_wait3A_177, %dma_wait3A_178] : memref<2x64x128xf32, #tpu.memory_space<vmem>> -> memref<1x64x128xf32, #tpu.memory_space<vmem>>
    %dma_wait3A_180 = tpu.memref_squeeze %dma_wait3A_179 : memref<1x64x128xf32, #tpu.memory_space<vmem>> -> memref<64x128xf32, #tpu.memory_space<vmem>>
    tpu.wait_dma2 semaphore(%dma_wait3A_173 : memref<!tpu.dma_semaphore, #tpu.memory_space<semaphore_mem>>) src(%dma_wait3A_180 : memref<64x128xf32, #tpu.memory_space<vmem>>) dst(%dma_wait3A_176 : memref<64x128xf32, #tpu.memory_space<hbm>>)
    return
  }
}

</mosaic_0001>

<sc_bundles>
// kernel: kernel.3.cloned.1.call-start
scs
__scs_entry_jumppad:
0x0: {  	(pc) =	sbr.rel $0x88, $3  }
0x1: {  	(tag) =	ssettag $0x0;
	lr =	simm.s32 $0x1  }
0x2: {  	[smem:$0x3F9F] =	sst lr;
	_ =	strace $0xD0000000  }
0x3: {  	_ = 	snop  }
0x4: {  	_ = 	snop  }
0x5: {  	_ = 	snop  }
0x6: {  	_ = 	snop  }
0x7: {  	_ = 	snop  }
__scs_overlays_trampoline_lowered:
0x8: {  	[smem:$0x3FAE] =	sst s0  }
0x9: {  	[smem:$0x3FAF] =	sst s1  }
0xa: {  	[smem:$0x3FB0] =	sst s2  }
0xb: {  	[smem:$0x3FB1] =	sst s3  }
0xc: {  	[smem:$0x3FB2] =	sst s4  }
0xd: {  	[smem:$0x3FB3] =	sst s5  }
0xe: {  	[smem:$0x3FB4] =	sst s6  }
0xf: {  	[smem:$0x3FB5] =	sst s7  }
0x10: {  	[smem:$0x3FB6] =	sst s8  }
0x11: {  	[smem:$0x3FB7] =	sst s9;
	s0 =	simm.s32 @!p0 $0x0  }
0x12: {  	s1 =	sld [smem:$0x3F9D];
	s0 =	simm.s32 @p0 $0x1  }
0x13: {  	[smem:$0x3FB8] =	sst s0;
	s0 =	simm.s32 @!p1 $0x0  }
0x14: {  	s2 =	sld [smem:$0x3F9C];
	s0 =	simm.s32 @p1 $0x1  }
0x15: {  	[smem:$0x3FB9] =	sst s0;
	s0 =	simm.s32 @!p2 $0x0  }
0x16: {  	s3 =	sld [smem:$0x3FDB];
	s0 =	simm.s32 @p2 $0x1  }
0x17: {  	s4 =	simm.s32 $0x1BF5;
	[smem:$0x3FBB] =	sst s0  }
0x18: {  	s0 =	sld [smem:$0x3F9E];
	_ =	swait.ge [sflag:s4], $0x0  }
0x19: {  	s7 =	sld [smem:$0x3F9F]  }
0x1a: {  	s8 =	sadd.s32 $0xFFFFE003, lr  }
0x1b: {  	s9 =	sadd.s32 $0xFFFFFEF7, lr;
	s5 =	simm.s32 $0xFFFFFFFF;
	p2 =	slt.u32 s8, $0xFFFFF086  }
0x1c: {  	p1 =	slt.u32 s9, $0xF7A;
	s5 =	simm.s32 @!p2 $0x0  }
0x1d: {  	s5 =	simm.s32 @p1 $0x1;
	p0 =	seq.s32 s7, s2  }
0x1e: {  	s7 =	smul.u32 @!p0 $0xF7A, s2;
	p2 =	seq.s32 @!p0 s5, $0x0  }
0x1f: {  	s9 =	smul.u32 $0xF7A, s1;
	s8 =	simm.s32 @!p0 $0x1BF5;
	p2 =	por !p2, p0  }
0x20: {  	[sflag:s8] =	ssyncset.s32 @!p0 $0xFFFFF086;
	s6 =	sadd.s32 @!p0 s3, s7;
	s7 =	simm.s32 @!p0 $0x108  }
0x21: {  	s3 =	sadd.s32 s3, s9;
	s6 =	sadd.s32 @!p0 $0x88, s6;
	s7 =	simm.s32 @p2 $0x1082  }
0x22: {  	[simem:s7], [sflag:s8] =	dma.local @!p0 [hbm:s6], $0xF7A  }
0x23: {  	s9 =	sor.u32 $0xD0000000, s2;
	s6 =	simm.s32 $0x108;
	_ =	swait.ge @!p0 [sflag:s8], $0x0  }
0x24: {  	s3 =	sadd.s32 $0x88, s3;
	s6 =	simm.s32 @!p1 $0x1082;
	[sflag:s4] =	ssyncset.s32 $0xFFFFF086  }
0x25: {  	[simem:s6], [sflag:s4] =	dma.local [hbm:s3], $0xF7A  }
0x26: {  	[smem:$0x3F9F] =	sst s1;
	(tag) =	ssettag s2;
	_ =	strace s9  }
0x27: {  	s1 =	sld [smem:$0x3FAF]  }
0x28: {  	s2 =	sld [smem:$0x3FB0]  }
0x29: {  	s4 =	sld [smem:$0x3FB2]  }
0x2a: {  	p0 =	seq.s32 s5, $0x0;
	s5 =	sld [smem:$0x3FB3]  }
0x2b: {  	s6 =	sld [smem:$0x3FB4]  }
0x2c: {  	s7 =	sld [smem:$0x3FB5]  }
0x2d: {  	s3 =	simm.s32 $0x108;
	s8 =	sld [smem:$0x3FB6]  }
0x2e: {  	s3 =	simm.s32 @!p0 $0x1082;
	s9 =	sld [smem:$0x3FB7]  }
0x2f: {  	lr =	sadd.s32 s0, s3;
	s0 =	sld [smem:$0x3FAE]  }
0x30: {  	s3 =	sld [smem:$0x3FB1]  }
0x31: {  	[smem:$0x3FBA] =	sst s10  }
0x32: {  	s10 =	sld [smem:$0x3FB8];
	_ =	sdelay $0x3  }
0x33: {  	p0 =	seq.s32 s10, $0x1;
	s10 =	sld [smem:$0x3FBA];
	_ =	sdelay $0x3  }
0x34: {  	[smem:$0x3FBA] =	sst s10  }
0x35: {  	s10 =	sld [smem:$0x3FB9];
	_ =	sdelay $0x3  }
0x36: {  	p1 =	seq.s32 s10, $0x1;
	s10 =	sld [smem:$0x3FBA];
	_ =	sdelay $0x3  }
0x37: {  	[smem:$0x3FBA] =	sst s10  }
0x38: {  	s10 =	sld [smem:$0x3FBB]  }
0x39: {  	_ = 	snop;
	(pc) =	sbr.ind lr, $3  }
0x3a: {  	_ = 	snop  }
0x3b: {  	_ = 	snop  }
0x3c: {  	p2 =	seq.s32 s10, $0x1;
	s10 =	sld [smem:$0x3FBA]  }
0x3d: {  	_ =	shalt  }
0x3e: {  	_ =	shalt  }
0x3f: {  	_ =	shalt  }
0x40: {  	_ =	shalt  }
0x41: {  	_ =	shalt  }
0x42: {  	_ =	shalt  }
0x43: {  	_ =	shalt  }
0x44: {  	_ =	shalt  }
0x45: {  	_ =	shalt  }
0x46: {  	_ =	shalt  }
0x47: {  	_ =	shalt  }
0x48: {  	_ =	shalt  }
0x49: {  	_ =	shalt  }
0x4a: {  	_ =	shalt  }
0x4b: {  	_ =	shalt  }
0x4c: {  	_ =	shalt  }
0x4d: {  	_ =	shalt  }
0x4e: {  	_ =	shalt  }
0x4f: {  	_ =	shalt  }
0x50: {  	_ =	shalt  }
0x51: {  	_ =	shalt  }
0x52: {  	_ =	shalt  }
0x53: {  	_ =	shalt  }
0x54: {  	_ =	shalt  }
0x55: {  	_ =	shalt  }
0x56: {  	_ =	shalt  }
0x57: {  	_ =	shalt  }
0x58: {  	_ =	shalt  }
0x59: {  	_ =	shalt  }
0x5a: {  	_ =	shalt  }
0x5b: {  	_ =	shalt  }
0x5c: {  	_ =	shalt  }
0x5d: {  	_ =	shalt  }
0x5e: {  	_ =	shalt  }
0x5f: {  	_ =	shalt  }
0x60: {  	_ =	shalt  }
0x61: {  	_ =	shalt  }
0x62: {  	_ =	shalt  }
0x63: {  	_ =	shalt  }
0x64: {  	_ =	shalt  }
0x65: {  	_ =	shalt  }
0x66: {  	_ =	shalt  }
0x67: {  	_ =	shalt  }
0x68: {  	_ =	shalt  }
0x69: {  	_ =	shalt  }
0x6a: {  	_ =	shalt  }
0x6b: {  	_ =	shalt  }
0x6c: {  	_ =	shalt  }
0x6d: {  	_ =	shalt  }
0x6e: {  	_ =	shalt  }
0x6f: {  	_ =	shalt  }
0x70: {  	_ =	shalt  }
0x71: {  	_ =	shalt  }
0x72: {  	_ =	shalt  }
0x73: {  	_ =	shalt  }
0x74: {  	_ =	shalt  }
0x75: {  	_ =	shalt  }
0x76: {  	_ =	shalt  }
0x77: {  	_ =	shalt  }
0x78: {  	_ =	shalt  }
0x79: {  	_ =	shalt  }
0x7a: {  	_ =	shalt  }
0x7b: {  	_ =	shalt  }
0x7c: {  	_ =	shalt  }
0x7d: {  	_ =	shalt  }
0x7e: {  	_ =	shalt  }
0x7f: {  	_ =	shalt  }
0x80: {  	_ =	shalt  }
0x81: {  	_ =	shalt  }
0x82: {  	_ =	shalt  }
0x83: {  	_ =	shalt  }
0x84: {  	_ =	shalt  }
0x85: {  	_ =	shalt  }
0x86: {  	_ =	shalt  }
0x87: {  	_ =	shalt  }
.Lfunc_end0:
.L_simem_size_0:
called_computation_lowered:
.L_overlay_start_0:
0x88: {  	s2 =	sld [smem:$0x3FD9]  }
0x89: {  	s3 =	sld [smem:$0x3FFE];
	_ =	sdelay $0x1  }
0x8a: {  	s1 =	srdreg.scid  }
0x8b: {  	s0 =	sand.u32 $0x1, s1  }
0x8c: {  	s17 =	sshll.u32 s0, $0xA;
	s2 =	sadd.s32 s3, s2  }
0x8d: {  	s2 =	sadd.s32 s2, s17  }
0x8e: {  	[smem:$0x3FC6] =	sst s2  }
0x8f: {  	_ = 	snop  }
0x90: {  	s2 =	sld [smem:$0x3FD0];
	(tm) =	ssettm $0x1  }
0x91: {  	s18 =	sld [smem:$0x3FFB];
	_ =	sdelay $0x3  }
0x92: {  	_ =	strace s18  }
0x93: {  	s3 =	sld [smem:$0x3FFC];
	_ =	sdelay $0x3  }
0x94: {  	_ =	strace s3  }
0x95: {  	s3 =	sld [smem:$0x3FFD];
	_ =	sdelay $0x3  }
0x96: {  	_ =	strace s3  }
0x97: {  	_ =	strace $0x8FFFFFFF  }
0x98: {  	s19 =	sld [smem:$0x3FDB];
	_ =	sdelay $0x1  }
0x99: {  	s4 =	simm.s32 $_scs_section_size  }
0x9a: {  	s5 =	simm.s32 $_size__tile_overlayer_lowered;
	s6 =	simm.s32 $_tile_overlayer_lowered  }
0x9b: {  	s22 =	simm.s32 $0x1BFF;
	s21 =	sshll.u32 s6, $0x1;
	s3 =	sadd.s32 s4, s19  }
0x9c: {  	s7 =	simm.s32 $0x0;
	s20 =	sshll.u32 s5, $0x1;
	s5 =	sadd.s32 s21, s3  }
0x9d: {  	[timem:s7], [sflag:s22] =	dma.local [hbm:s5], s20  }
0x9e: {  	_ =	swait.ge [sflag:s22], s20  }
0x9f: {  	s4 =	ssub.s32 $0x0, s20;
	[sflag:s22] =	ssyncset.done $0x0  }
0xa0: {  	[sflag:s22] =	ssyncadd.s32 s4;
	_ =	sdelay $0x1  }
0xa1: {  	s23 =	simm.s32 $0x1B8B  }
0xa2: {  	_ =	swait.ge [sflag:s23], $0x1  }
0xa3: {  	[sflag:s23] =	ssyncset.done $0x0  }
0xa4: {  	s25 =	simm.s32 $0x1B8E;
	s24 =	sld [smem:$0x3FFE];
	[sflag:s23] =	ssyncadd.s32 $0xFFFFFFFF  }
0xa5: {  	s26 =	simm.s32 $execute0_lowered;
	[smem:$0x3FD2] =	sst s25  }
0xa6: {  	s5 =	sshll.u32 s26, $0x1;
	_ =	strace $0x80000046;
	[dreg:$0x1] =	wrdreg $0xFFFFFFFF  }
0xa7: {  	s28 =	simm.s32 $_size_execute0_lowered;
	s3 =	sadd.s32 s3, s5;
	[dreg:$0x0] =	wrdreg $0x0  }
0xa8: {  	s5 =	sshll.u32 s28, $0x1;
	[dreg:$0x2] =	wrdreg s3  }
0xa9: {  	[dreg:$0x3] =	wrdreg s5  }
0xaa: {  	[dreg:$0x4] =	wrdreg $0xC0  }
0xab: {  	_ =	task [dreg:s7], $0x5FFFF  }
0xac: {  	[dreg:$0x1] =	wrdreg $0xFFFFFFFF  }
0xad: {  	[dreg:$0x0] =	wrdreg $0x60  }
0xae: {  	[dreg:$0x2] =	wrdreg s2  }
0xaf: {  	[dreg:$0x3] =	wrdreg s24  }
0xb0: {  	[dreg:$0x4] =	wrdreg $0x9  }
0xb1: {  	_ =	task.clear_ibuf [dreg:s7], $0x5FFFF;
	_ =	strace $0x90000046  }
0xb2: {  	s29 =	simm.s32 $0x9;
	_ =	strace $0x80000048  }
0xb3: {  	_ =	swait.ge [sflag:s29], $0x1  }
0xb4: {  	[sflag:s29] =	ssyncadd.s32 $0xFFFFFFFF  }
0xb5: {  	_ =	strace $0x90000048  }
0xb6: {  	_ =	sfence  }
0xb7: {  	s30 =	sld [smem:$0x0];
	_ =	sdelay $0x2  }
0xb8: {  	s31 =	sshll.u32 s1, $0xD;
	s1 =	sshrl.u32 s1, $0x2  }
0xb9: {  	s3 =	sand.u32 $0x4000, s31;
	s1 =	sadd.s32 s1, s30  }
0xba: {  	s0 =	sor.u32 s3, s0;
	s1 =	sshll.u32 s1, $0x11  }
0xbb: {  	s0 =	sor.u32 s1, s0  }
0xbc: {  	s0 =	sadd.s32 $0x8F2B, s0  }
0xbd: {  	[sflag:s0] =	ssyncadd.remote.s32 $0x1  }
0xbe: {  	_ =	sfence.sel $0xFFFF  }
0xbf: {  	[dreg:$0x0] =	wrdreg $0xFFFFFFFF;
	(pc) =	sbr.abs _section_cstart, $3  }
0xc0: {  	[dreg:$0x1] =	wrdreg $0xFFFFFFFF  }
0xc1: {  	_ =	task.clear_ibuf [dreg:s7], $0x2FFFF;
	_ =	strace $0x9FFFFFFF  }
0xc2: {  	(tm) =	ssettm $0x7FFFFFFF  }
0xc3: {  	_ =	shalt  }
tec
execute0_lowered:
.L_overlay_start_1:
0x0: {  	(tag) =	ssettag $0x1  }
0x1: {  	v0 =	vimm.s32 $0x787  }
0x2: {  	vm14 =	vcmask $0x300;
	vm13 =	vcmask $0x704;
	vm12 =	vcmask $0xB08  }
0x3: {  	vm11 =	vcmask $0xF0C;
	vm10 =	vcmask $0x1310;
	vm9 =	vcmask $0x1714  }
0x4: {  	vm8 =	vcmask $0x1B18;
	vm7 =	vcmask $0x1F1C;
	v2 =	vimm.s32 $0x780  }
0x5: {  	vm6 =	vcmask $0x2320;
	vm5 =	vcmask $0x2724;
	vm4 =	vcmask $0x2B28  }
0x6: {  	vm3 =	vcmask $0x2F2C;
	vm2 =	vcmask $0x3330;
	vm1 =	vcmask $0x3734  }
0x7: {  	vm0 =	vcmask $0x3B38;
	v3 =	vimm.s32 $0x87654321;
	v4 =	vimm.s32 $0x781  }
0x8: {  	v39 =	vimm.s32 $0x10FEDCBA;
	v6 =	vimm.s32 $0x98765432;
	v46 =	vimm.s32 $0x210FEDCB  }
0x9: {  	v11 =	vimm.s32 $0x784;
	v56 =	vimm.s32 $0x43210FED;
	v13 =	vimm.s32 $0x785  }
0xa: {  	v58 =	vimm.s32 $0x543210FE;
	v15 =	vimm.s32 $0xDCBA9876;
	v0 =	vsel vm14, $0x0, v0  }
0xb: {  	v18 =	vimm.s32 $0x786;
	v2 =	vsel vm14, $0x1, v2;
	v0 =	vsel vm13, $0x81, v0  }
0xc: {  	v3 =	vunpack.c.l.s4.s8 v3;
	v4 =	vsel vm14, $0x2, v4;
	v0 =	vsel vm12, $0x102, v0  }
0xd: {  	v6 =	vunpack.c.l.s4.s8 v6;
	v11 =	vsel vm14, $0x5, v11;
	v0 =	vsel vm11, $0x183, v0  }
0xe: {  	v13 =	vsel vm14, $0x6, v13;
	v2 =	vsel vm13, $0x82, v2;
	v1 =	vsel vm10, $0x204, v0  }
0xf: {  	v4 =	vsel vm13, $0x83, v4;
	v2 =	vsel vm12, $0x103, v2;
	v1 =	vsel vm9, $0x285, v1  }
0x10: {  	v4 =	vsel vm12, $0x104, v4;
	v2 =	vsel vm11, $0x184, v2;
	v1 =	vsel vm8, $0x306, v1  }
0x11: {  	v40 =	vunpack.c.0.s8.s32 v6;
	v2 =	vsel vm10, $0x205, v2;
	v1 =	vsel vm7, $0x387, v1  }
0x12: {  	v4 =	vsel vm11, $0x185, v4;
	v2 =	vsel vm9, $0x286, v2;
	v1 =	vsel vm6, $0x400, v1  }
0x13: {  	v9 =	vsel vm10, $0x206, v4;
	v2 =	vsel vm8, $0x307, v2;
	v1 =	vsel vm5, $0x481, v1  }
0x14: {  	v41 =	vsel vm9, $0x287, v9;
	v2 =	vsel vm7, $0x380, v2;
	v1 =	vsel vm4, $0x502, v1  }
0x15: {  	v9 =	vimm.s32 $0x783;
	v2 =	vsel vm6, $0x401, v2;
	v1 =	vsel vm3, $0x583, v1  }
0x16: {  	v9 =	vsel vm14, $0x4, v9;
	v2 =	vsel vm5, $0x482, v2;
	v1 =	vsel vm2, $0x604, v1  }
0x17: {  	v9 =	vsel vm13, $0x85, v9;
	v5 =	vsel vm4, $0x503, v2;
	v1 =	vsel vm1, $0x685, v1  }
0x18: {  	v2 =	vunpack.c.0.s8.s32 v3;
	v3 =	vsel vm3, $0x584, v5;
	v1 =	vsel vm0, $0x706, v1  }
0x19: {  	v5 =	vunpack.c.l.s4.s8 v39;
	v8 =	vsel vm2, $0x605, v3;
	[tilespmem:$0x1FDD0] =	vst v1;
	v1 =	vimm.s32 $0xFEDCBA9  }
0x1a: {  	v43 =	vsel vm1, $0x686, v8;
	v8 =	vimm.s32 $0x782;
	v1 =	vunpack.c.l.s4.s8 v1  }
0x1b: {  	v3 =	vunpack.c.0.s8.s32 v5;
	v6 =	vsel vm0, $0x707, v43;
	v45 =	vsel vm14, $0x3, v8  }
0x1c: {  	v5 =	vsel vm8, $0x300, v41;
	[tilespmem:$0x1FDF0] =	vst v6;
	v6 =	vsel vm13, $0x84, v45;
	v1 =	vunpack.c.0.s8.s32 v1  }
0x1d: {  	v5 =	vsel vm7, $0x381, v5;
	v8 =	vimm.s32 $0xA9876543;
	v6 =	vsel vm12, $0x105, v6  }
0x1e: {  	v5 =	vsel vm6, $0x402, v5;
	v6 =	vsel vm11, $0x186, v6;
	v7 =	vcombine.low v2, v1  }
0x1f: {  	v8 =	vunpack.c.l.s4.s8 v8;
	v5 =	vsel vm5, $0x483, v5;
	v6 =	vsel vm10, $0x207, v6  }
0x20: {  	v6 =	vsel vm9, $0x280, v6;
	v42 =	vand.u32 $0xF, v7;
	v7 =	vunpack.c.l.s4.s8 v46  }
0x21: {  	v48 =	vsel vm12, $0x106, v9;
	v5 =	vsel vm4, $0x504, v5;
	v6 =	vsel vm8, $0x301, v6  }
0x22: {  	v8 =	vunpack.c.0.s8.s32 v8;
	v6 =	vsel vm7, $0x382, v6;
	v7 =	vunpack.c.0.s8.s32 v7  }
0x23: {  	v9 =	vimm.s32 $0x3210FEDC;
	v5 =	vsel vm3, $0x585, v5;
	v6 =	vsel vm6, $0x403, v6  }
0x24: {  	v47 =	vsel vm5, $0x484, v6;
	v6 =	vsel vm11, $0x187, v48;
	v10 =	vcombine.low v8, v7  }
0x25: {  	v9 =	vunpack.c.l.s4.s8 v9;
	v5 =	vsel vm2, $0x606, v5;
	v6 =	vsel vm10, $0x200, v6  }
0x26: {  	v6 =	vsel vm9, $0x281, v6;
	v23 =	vand.u32 $0xF, v10;
	v10 =	vimm.s32 $0xBA987654  }
0x27: {  	v5 =	vsel vm1, $0x687, v5;
	v6 =	vsel vm8, $0x302, v6;
	v10 =	vunpack.c.l.s4.s8 v10  }
0x28: {  	v12 =	vunpack.c.0.s8.s32 v9;
	v57 =	vsel vm0, $0x700, v5;
	v6 =	vsel vm7, $0x383, v6  }
0x29: {  	v5 =	vsel vm4, $0x505, v47;
	v6 =	vsel vm6, $0x404, v6;
	v10 =	vunpack.c.0.s8.s32 v10  }
0x2a: {  	v9 =	vsel vm13, $0x86, v11;
	v5 =	vsel vm3, $0x586, v5;
	v6 =	vsel vm5, $0x485, v6  }
0x2b: {  	v5 =	vsel vm2, $0x607, v5;
	v6 =	vsel vm4, $0x506, v6;
	v11 =	vcombine.low v10, v12  }
0x2c: {  	v9 =	vsel vm12, $0x107, v9;
	v5 =	vsel vm1, $0x680, v5;
	v6 =	vsel vm3, $0x587, v6  }
0x2d: {  	v49 =	vsel vm2, $0x600, v6;
	v52 =	vand.u32 $0xF, v11;
	v11 =	vimm.s32 $0xCBA98765  }
0x2e: {  	v25 =	vsel vm0, $0x701, v5;
	v5 =	vsel vm1, $0x681, v49;
	v11 =	vunpack.c.l.s4.s8 v11  }
0x2f: {  	v15 =	vunpack.c.l.s4.s8 v15;
	v9 =	vsel vm11, $0x180, v9;
	v26 =	vsel vm0, $0x702, v5  }
0x30: {  	v5 =	vunpack.c.l.s4.s8 v56;
	v14 =	vunpack.c.0.s8.s32 v11;
	v11 =	vsel vm13, $0x87, v13  }
0x31: {  	v15 =	vunpack.c.0.s8.s32 v15;
	v9 =	vsel vm10, $0x201, v9;
	v11 =	vsel vm12, $0x100, v11  }
0x32: {  	v50 =	vsel vm9, $0x282, v9;
	v5 =	vunpack.c.0.s8.s32 v5;
	v11 =	vsel vm11, $0x181, v11  }
0x33: {  	v6 =	vsel vm8, $0x303, v50;
	v13 =	vunpack.c.l.s4.s8 v58;
	v11 =	vsel vm10, $0x202, v11  }
0x34: {  	v6 =	vsel vm7, $0x384, v6;
	v16 =	vcombine.low v14, v5;
	v11 =	vsel vm9, $0x283, v11  }
0x35: {  	v6 =	vsel vm6, $0x405, v6;
	v17 =	vunpack.c.0.s8.s32 v13;
	v11 =	vsel vm8, $0x304, v11  }
0x36: {  	v6 =	vsel vm5, $0x486, v6;
	v9 =	vand.u32 $0xF, v16;
	v16 =	vsel vm7, $0x385, v11  }
0x37: {  	v13 =	vcombine.low v15, v17;
	v59 =	vsel vm6, $0x406, v16;
	v16 =	vsel vm14, $0x7, v18  }
0x38: {  	v1 =	vcombine.low v1, v2;
	v6 =	vsel vm4, $0x507, v6;
	v60 =	vsel vm13, $0x80, v16  }
0x39: {  	v6 =	vsel vm3, $0x580, v6;
	v51 =	vand.u32 $0xF, v13;
	v13 =	vsel vm12, $0x101, v60  }
0x3a: {  	v6 =	vsel vm2, $0x601, v6;
	v13 =	vsel vm11, $0x182, v13  }
0x3b: {  	v37 =	vand.u32 $0xF, v1;
	v6 =	vsel vm1, $0x682, v6;
	v13 =	vsel vm10, $0x203, v13  }
0x3c: {  	v53 =	vsel vm0, $0x703, v6;
	v18 =	vimm.s32 $0xEDCBA987;
	v13 =	vsel vm9, $0x284, v13  }
0x3d: {  	v6 =	vsel vm5, $0x487, v59;
	v16 =	vimm.s32 $0x6543210F;
	v13 =	vsel vm8, $0x305, v13  }
0x3e: {  	v18 =	vunpack.c.l.s4.s8 v18;
	v6 =	vsel vm4, $0x500, v6;
	v13 =	vsel vm7, $0x386, v13  }
0x3f: {  	v16 =	vunpack.c.l.s4.s8 v16;
	v6 =	vsel vm3, $0x581, v6;
	v13 =	vsel vm6, $0x407, v13  }
0x40: {  	v18 =	vunpack.c.0.s8.s32 v18;
	v6 =	vsel vm2, $0x602, v6;
	v22 =	vsel vm5, $0x480, v13  }
0x41: {  	v19 =	vunpack.c.0.s8.s32 v16;
	v6 =	vsel vm1, $0x683, v6;
	v61 =	vsel vm4, $0x501, v22  }
0x42: {  	v1 =	vcombine.low v17, v15;
	v54 =	vsel vm0, $0x704, v6;
	v6 =	vsel vm3, $0x582, v61  }
0x43: {  	v63 =	vcombine.low v19, v18;
	v6 =	vsel vm2, $0x603, v6  }
0x44: {  	v43 =	vand.u32 $0xF, v1;
	v2 =	vsel vm1, $0x684, v6  }
0x45: {  	v1 =	vand.u32 $0xF, v63;
	v29 =	vsel vm0, $0x705, v2;
	v2 =	vcombine.low v12, v10  }
0x46: {  	v44 =	vcombine.low v40, v3;
	v3 =	vcombine.low v3, v40;
	[tilespmem:$0x1FE00] =	vst v1;
	v1 =	vimm.s32 $0xF87  }
0x47: {  	v1 =	vsel vm14, $0x800, v1;
	v40 =	vand.u32 $0xF, v2;
	v2 =	vimm.s32 $0xF80  }
0x48: {  	v38 =	vand.u32 $0xF, v3;
	v1 =	vsel vm13, $0x881, v1;
	v2 =	vsel vm14, $0x801, v2  }
0x49: {  	v3 =	vimm.s32 $0xF81;
	v1 =	vsel vm12, $0x902, v1;
	v2 =	vsel vm13, $0x882, v2  }
0x4a: {  	v3 =	vsel vm14, $0x802, v3;
	v1 =	vsel vm11, $0x983, v1;
	v2 =	vsel vm12, $0x903, v2  }
0x4b: {  	v3 =	vsel vm13, $0x883, v3;
	v1 =	vsel vm10, $0xA04, v1;
	v2 =	vsel vm11, $0x984, v2  }
0x4c: {  	v3 =	vsel vm12, $0x904, v3;
	v1 =	vsel vm9, $0xA85, v1;
	v2 =	vsel vm10, $0xA05, v2  }
0x4d: {  	v3 =	vsel vm11, $0x985, v3;
	v1 =	vsel vm8, $0xB06, v1;
	v2 =	vsel vm9, $0xA86, v2  }
0x4e: {  	v3 =	vsel vm10, $0xA06, v3;
	v1 =	vsel vm7, $0xB87, v1;
	v2 =	vsel vm8, $0xB07, v2  }
0x4f: {  	v3 =	vsel vm9, $0xA87, v3;
	v1 =	vsel vm6, $0xC00, v1;
	v2 =	vsel vm7, $0xB80, v2  }
0x50: {  	v3 =	vsel vm8, $0xB00, v3;
	v1 =	vsel vm5, $0xC81, v1;
	v2 =	vsel vm6, $0xC01, v2  }
0x51: {  	v3 =	vsel vm7, $0xB81, v3;
	v1 =	vsel vm4, $0xD02, v1;
	v2 =	vsel vm5, $0xC82, v2  }
0x52: {  	v3 =	vsel vm6, $0xC02, v3;
	v1 =	vsel vm3, $0xD83, v1;
	v2 =	vsel vm4, $0xD03, v2  }
0x53: {  	v3 =	vsel vm5, $0xC83, v3;
	v1 =	vsel vm2, $0xE04, v1;
	v2 =	vsel vm3, $0xD84, v2  }
0x54: {  	v3 =	vsel vm4, $0xD04, v3;
	v1 =	vsel vm1, $0xE85, v1;
	v2 =	vsel vm2, $0xE05, v2  }
0x55: {  	v3 =	vsel vm3, $0xD85, v3;
	v1 =	vsel vm0, $0xF06, v1;
	v2 =	vsel vm1, $0xE86, v2  }
0x56: {  	v3 =	vsel vm2, $0xE06, v3;
	[tilespmem:$0x1FE10] =	vst v1;
	v1 =	vsel vm0, $0xF07, v2  }
0x57: {  	[tilespmem:$0x1FE20] =	vst v1;
	v1 =	vsel vm1, $0xE87, v3  }
0x58: {  	v1 =	vsel vm0, $0xF00, v1  }
0x59: {  	[tilespmem:$0x1FE30] =	vst v1;
	v1 =	vimm.s32 $0xF82  }
0x5a: {  	v2 =	vimm.s32 $0xF83;
	v1 =	vsel vm14, $0x803, v1  }
0x5b: {  	v2 =	vsel vm14, $0x804, v2;
	v1 =	vsel vm13, $0x884, v1  }
0x5c: {  	v3 =	vimm.s32 $0xF84;
	v2 =	vsel vm13, $0x885, v2;
	v1 =	vsel vm12, $0x905, v1  }
0x5d: {  	v3 =	vsel vm14, $0x805, v3;
	v2 =	vsel vm12, $0x906, v2;
	v1 =	vsel vm11, $0x986, v1  }
0x5e: {  	v3 =	vsel vm13, $0x886, v3;
	v2 =	vsel vm11, $0x987, v2;
	v1 =	vsel vm10, $0xA07, v1  }
0x5f: {  	v3 =	vsel vm12, $0x907, v3;
	v2 =	vsel vm10, $0xA00, v2;
	v1 =	vsel vm9, $0xA80, v1  }
0x60: {  	v3 =	vsel vm11, $0x980, v3;
	v2 =	vsel vm9, $0xA81, v2;
	v1 =	vsel vm8, $0xB01, v1  }
0x61: {  	v3 =	vsel vm10, $0xA01, v3;
	v2 =	vsel vm8, $0xB02, v2;
	v1 =	vsel vm7, $0xB82, v1  }
0x62: {  	v3 =	vsel vm9, $0xA82, v3;
	v2 =	vsel vm7, $0xB83, v2;
	v1 =	vsel vm6, $0xC03, v1  }
0x63: {  	v3 =	vsel vm8, $0xB03, v3;
	v2 =	vsel vm6, $0xC04, v2;
	v1 =	vsel vm5, $0xC84, v1  }
0x64: {  	v3 =	vsel vm7, $0xB84, v3;
	v2 =	vsel vm5, $0xC85, v2;
	v1 =	vsel vm4, $0xD05, v1  }
0x65: {  	v3 =	vsel vm6, $0xC05, v3;
	v2 =	vsel vm4, $0xD06, v2;
	v1 =	vsel vm3, $0xD86, v1  }
0x66: {  	v3 =	vsel vm5, $0xC86, v3;
	v2 =	vsel vm3, $0xD87, v2;
	v1 =	vsel vm2, $0xE07, v1  }
0x67: {  	v3 =	vsel vm4, $0xD07, v3;
	v2 =	vsel vm2, $0xE00, v2;
	v1 =	vsel vm1, $0xE80, v1  }
0x68: {  	v3 =	vsel vm3, $0xD80, v3;
	v2 =	vsel vm1, $0xE81, v2;
	v1 =	vsel vm0, $0xF01, v1  }
0x69: {  	v3 =	vsel vm2, $0xE01, v3;
	[tilespmem:$0x1FE40] =	vst v1;
	v1 =	vsel vm0, $0xF02, v2  }
0x6a: {  	[tilespmem:$0x1FE50] =	vst v1;
	v1 =	vsel vm1, $0xE82, v3  }
0x6b: {  	v1 =	vsel vm0, $0xF03, v1  }
0x6c: {  	[tilespmem:$0x1FE60] =	vst v1;
	v1 =	vimm.s32 $0xF85  }
0x6d: {  	v2 =	vimm.s32 $0xF86;
	v1 =	vsel vm14, $0x806, v1  }
0x6e: {  	v2 =	vsel vm14, $0x807, v2;
	v1 =	vsel vm13, $0x887, v1  }
0x6f: {  	v3 =	vimm.s32 $0x1787;
	v2 =	vsel vm13, $0x880, v2;
	v1 =	vsel vm12, $0x900, v1  }
0x70: {  	v3 =	vsel vm14, $0x1000, v3;
	v2 =	vsel vm12, $0x901, v2;
	v1 =	vsel vm11, $0x981, v1  }
0x71: {  	v3 =	vsel vm13, $0x1081, v3;
	v2 =	vsel vm11, $0x982, v2;
	v1 =	vsel vm10, $0xA02, v1  }
0x72: {  	v3 =	vsel vm12, $0x1102, v3;
	v2 =	vsel vm10, $0xA03, v2;
	v1 =	vsel vm9, $0xA83, v1  }
0x73: {  	v3 =	vsel vm11, $0x1183, v3;
	v2 =	vsel vm9, $0xA84, v2;
	v1 =	vsel vm8, $0xB04, v1  }
0x74: {  	v3 =	vsel vm10, $0x1204, v3;
	v2 =	vsel vm8, $0xB05, v2;
	v1 =	vsel vm7, $0xB85, v1  }
0x75: {  	v3 =	vsel vm9, $0x1285, v3;
	v2 =	vsel vm7, $0xB86, v2;
	v1 =	vsel vm6, $0xC06, v1  }
0x76: {  	v3 =	vsel vm8, $0x1306, v3;
	v2 =	vsel vm6, $0xC07, v2;
	v1 =	vsel vm5, $0xC87, v1  }
0x77: {  	v3 =	vsel vm7, $0x1387, v3;
	v2 =	vsel vm5, $0xC80, v2;
	v1 =	vsel vm4, $0xD00, v1  }
0x78: {  	v3 =	vsel vm6, $0x1400, v3;
	v2 =	vsel vm4, $0xD01, v2;
	v1 =	vsel vm3, $0xD81, v1  }
0x79: {  	v3 =	vsel vm5, $0x1481, v3;
	v2 =	vsel vm3, $0xD82, v2;
	v1 =	vsel vm2, $0xE02, v1  }
0x7a: {  	v3 =	vsel vm4, $0x1502, v3;
	v2 =	vsel vm2, $0xE03, v2;
	v1 =	vsel vm1, $0xE83, v1  }
0x7b: {  	v3 =	vsel vm3, $0x1583, v3;
	v2 =	vsel vm1, $0xE84, v2;
	v1 =	vsel vm0, $0xF04, v1  }
0x7c: {  	v3 =	vsel vm2, $0x1604, v3;
	[tilespmem:$0x1FE70] =	vst v1;
	v1 =	vsel vm0, $0xF05, v2  }
0x7d: {  	[tilespmem:$0x1FE80] =	vst v1;
	v1 =	vsel vm1, $0x1685, v3  }
0x7e: {  	v1 =	vsel vm0, $0x1706, v1  }
0x7f: {  	[tilespmem:$0x1FE90] =	vst v1;
	v1 =	vimm.s32 $0x1780  }
0x80: {  	v1 =	vsel vm14, $0x1001, v1  }
0x81: {  	v20 =	vimm.s32 $0x76543210;
	v2 =	vimm.s32 $0x1781;
	v1 =	vsel vm13, $0x1082, v1  }
0x82: {  	v3 =	vimm.s32 $0x1782;
	v2 =	vsel vm14, $0x1002, v2;
	v1 =	vsel vm12, $0x1103, v1  }
0x83: {  	v3 =	vsel vm14, $0x1003, v3;
	v2 =	vsel vm13, $0x1083, v2;
	v1 =	vsel vm11, $0x1184, v1  }
0x84: {  	v3 =	vsel vm13, $0x1084, v3;
	v2 =	vsel vm12, $0x1104, v2;
	v1 =	vsel vm10, $0x1205, v1  }
0x85: {  	v3 =	vsel vm12, $0x1105, v3;
	v2 =	vsel vm11, $0x1185, v2;
	v1 =	vsel vm9, $0x1286, v1  }
0x86: {  	v3 =	vsel vm11, $0x1186, v3;
	v2 =	vsel vm10, $0x1206, v2;
	v1 =	vsel vm8, $0x1307, v1  }
0x87: {  	v3 =	vsel vm10, $0x1207, v3;
	v2 =	vsel vm9, $0x1287, v2;
	v1 =	vsel vm7, $0x1380, v1  }
0x88: {  	v3 =	vsel vm9, $0x1280, v3;
	v2 =	vsel vm8, $0x1300, v2;
	v1 =	vsel vm6, $0x1401, v1  }
0x89: {  	v3 =	vsel vm8, $0x1301, v3;
	v2 =	vsel vm7, $0x1381, v2;
	v1 =	vsel vm5, $0x1482, v1  }
0x8a: {  	v3 =	vsel vm7, $0x1382, v3;
	v2 =	vsel vm6, $0x1402, v2;
	v1 =	vsel vm4, $0x1503, v1  }
0x8b: {  	v3 =	vsel vm6, $0x1403, v3;
	v2 =	vsel vm5, $0x1483, v2;
	v1 =	vsel vm3, $0x1584, v1  }
0x8c: {  	v3 =	vsel vm5, $0x1484, v3;
	v2 =	vsel vm4, $0x1504, v2;
	v1 =	vsel vm2, $0x1605, v1  }
0x8d: {  	v3 =	vsel vm4, $0x1505, v3;
	v2 =	vsel vm3, $0x1585, v2;
	v1 =	vsel vm1, $0x1686, v1  }
0x8e: {  	v3 =	vsel vm3, $0x1586, v3;
	v2 =	vsel vm2, $0x1606, v2;
	v1 =	vsel vm0, $0x1707, v1  }
0x8f: {  	v20 =	vunpack.c.l.s4.s8 v20;
	v3 =	vsel vm2, $0x1607, v3;
	[tilespmem:$0x1FEA0] =	vst v1;
	v1 =	vsel vm1, $0x1687, v2  }
0x90: {  	v2 =	vsel vm1, $0x1680, v3;
	v1 =	vsel vm0, $0x1700, v1  }
0x91: {  	v20 =	vunpack.c.0.s8.s32 v20;
	v0 =	vlaneseq.u32;
	[tilespmem:$0x1FEB0] =	vst v1;
	v1 =	vsel vm0, $0x1701, v2  }
0x92: {  	v24 =	vor.u32 $0x10, v0;
	v33 =	vor.u32 $0x20, v0;
	[tilespmem:$0x1FEC0] =	vst v1;
	v1 =	vimm.s32 $0x1783  }
0x93: {  	v36 =	vand.u32 $0xF, v44;
	[tilespmem:$0x1FDE0] =	vst v42;
	v42 =	vor.u32 $0x30, v0;
	v1 =	vsel vm14, $0x1004, v1  }
0x94: {  	v16 =	vimm.s32 $0xFEDCBA98;
	v2 =	vimm.s32 $0x1784;
	v1 =	vsel vm13, $0x1085, v1  }
0x95: {  	v3 =	vimm.s32 $0x1785;
	v2 =	vsel vm14, $0x1005, v2;
	v1 =	vsel vm12, $0x1106, v1  }
0x96: {  	v3 =	vsel vm14, $0x1006, v3;
	v2 =	vsel vm13, $0x1086, v2;
	v1 =	vsel vm11, $0x1187, v1  }
0x97: {  	v3 =	vsel vm13, $0x1087, v3;
	v2 =	vsel vm12, $0x1107, v2;
	v1 =	vsel vm10, $0x1200, v1  }
0x98: {  	v3 =	vsel vm12, $0x1100, v3;
	v2 =	vsel vm11, $0x1180, v2;
	v1 =	vsel vm9, $0x1281, v1  }
0x99: {  	v3 =	vsel vm11, $0x1181, v3;
	v2 =	vsel vm10, $0x1201, v2;
	v1 =	vsel vm8, $0x1302, v1  }
0x9a: {  	v3 =	vsel vm10, $0x1202, v3;
	v2 =	vsel vm9, $0x1282, v2;
	v1 =	vsel vm7, $0x1383, v1  }
0x9b: {  	v3 =	vsel vm9, $0x1283, v3;
	v2 =	vsel vm8, $0x1303, v2;
	v1 =	vsel vm6, $0x1404, v1  }
0x9c: {  	v3 =	vsel vm8, $0x1304, v3;
	v2 =	vsel vm7, $0x1384, v2;
	v1 =	vsel vm5, $0x1485, v1  }
0x9d: {  	v3 =	vsel vm7, $0x1385, v3;
	v2 =	vsel vm6, $0x1405, v2;
	v1 =	vsel vm4, $0x1506, v1  }
0x9e: {  	v3 =	vsel vm6, $0x1406, v3;
	v2 =	vsel vm5, $0x1486, v2;
	v1 =	vsel vm3, $0x1587, v1  }
0x9f: {  	v3 =	vsel vm5, $0x1487, v3;
	v2 =	vsel vm4, $0x1507, v2;
	v1 =	vsel vm2, $0x1600, v1  }
0xa0: {  	v3 =	vsel vm4, $0x1500, v3;
	v2 =	vsel vm3, $0x1580, v2;
	v1 =	vsel vm1, $0x1681, v1  }
0xa1: {  	v3 =	vsel vm3, $0x1581, v3;
	v2 =	vsel vm2, $0x1601, v2;
	v1 =	vsel vm0, $0x1702, v1  }
0xa2: {  	v16 =	vunpack.c.l.s4.s8 v16;
	v3 =	vsel vm2, $0x1602, v3;
	[tilespmem:$0x1FED0] =	vst v1;
	v1 =	vsel vm1, $0x1682, v2  }
0xa3: {  	v62 =	vcombine.low v7, v8;
	v2 =	vsel vm1, $0x1683, v3;
	v1 =	vsel vm0, $0x1703, v1  }
0xa4: {  	v5 =	vcombine.low v5, v14;
	v16 =	vunpack.c.0.s8.s32 v16;
	[tilespmem:$0x1FEE0] =	vst v1;
	v1 =	vsel vm0, $0x1704, v2  }
0xa5: {  	v39 =	vand.u32 $0xF, v62;
	v21 =	vcombine.low v18, v19;
	[tilespmem:$0x1FEF0] =	vst v1;
	v1 =	vimm.s32 $0x1786  }
0xa6: {  	v41 =	vand.u32 $0xF, v5;
	v16 =	vand.u32 $0xF, v16;
	v1 =	vsel vm14, $0x1007, v1  }
0xa7: {  	v22 =	vand.u32 $0xF, v21;
	v2 =	vimm.s32 $0x1F87;
	v1 =	vsel vm13, $0x1080, v1  }
0xa8: {  	v3 =	vimm.s32 $0x1F80;
	v2 =	vsel vm14, $0x1800, v2;
	v1 =	vsel vm12, $0x1101, v1  }
0xa9: {  	v3 =	vsel vm14, $0x1801, v3;
	v2 =	vsel vm13, $0x1881, v2;
	v1 =	vsel vm11, $0x1182, v1  }
0xaa: {  	v3 =	vsel vm13, $0x1882, v3;
	v2 =	vsel vm12, $0x1902, v2;
	v1 =	vsel vm10, $0x1203, v1  }
0xab: {  	v3 =	vsel vm12, $0x1903, v3;
	v2 =	vsel vm11, $0x1983, v2;
	v1 =	vsel vm9, $0x1284, v1  }
0xac: {  	v3 =	vsel vm11, $0x1984, v3;
	v2 =	vsel vm10, $0x1A04, v2;
	v1 =	vsel vm8, $0x1305, v1  }
0xad: {  	v3 =	vsel vm10, $0x1A05, v3;
	v2 =	vsel vm9, $0x1A85, v2;
	v1 =	vsel vm7, $0x1386, v1  }
0xae: {  	v3 =	vsel vm9, $0x1A86, v3;
	v2 =	vsel vm8, $0x1B06, v2;
	v1 =	vsel vm6, $0x1407, v1  }
0xaf: {  	v3 =	vsel vm8, $0x1B07, v3;
	v2 =	vsel vm7, $0x1B87, v2;
	v1 =	vsel vm5, $0x1480, v1  }
0xb0: {  	v3 =	vsel vm7, $0x1B80, v3;
	v2 =	vsel vm6, $0x1C00, v2;
	v1 =	vsel vm4, $0x1501, v1  }
0xb1: {  	v3 =	vsel vm6, $0x1C01, v3;
	v2 =	vsel vm5, $0x1C81, v2;
	v1 =	vsel vm3, $0x1582, v1  }
0xb2: {  	v3 =	vsel vm5, $0x1C82, v3;
	v2 =	vsel vm4, $0x1D02, v2;
	v1 =	vsel vm2, $0x1603, v1  }
0xb3: {  	v3 =	vsel vm4, $0x1D03, v3;
	v2 =	vsel vm3, $0x1D83, v2;
	v1 =	vsel vm1, $0x1684, v1  }
0xb4: {  	v3 =	vsel vm3, $0x1D84, v3;
	v2 =	vsel vm2, $0x1E04, v2;
	v1 =	vsel vm0, $0x1705, v1  }
0xb5: {  	v16 =	vcombine.low v16, v20;
	v3 =	vsel vm2, $0x1E05, v3;
	[tilespmem:$0x1FF00] =	vst v1;
	v1 =	vsel vm1, $0x1E85, v2  }
0xb6: {  	v2 =	vsel vm1, $0x1E86, v3;
	v3 =	vimm.s32 $0x1F83;
	v48 =	vsel vm0, $0x1F06, v1  }
0xb7: {  	v49 =	vsel vm0, $0x1F07, v2;
	v1 =	vimm.s32 $0x1F81;
	v2 =	vimm.s32 $0x1F82  }
0xb8: {  	v3 =	vsel vm14, $0x1804, v3;
	v1 =	vsel vm14, $0x1802, v1;
	v2 =	vsel vm14, $0x1803, v2  }
0xb9: {  	v3 =	vsel vm13, $0x1885, v3;
	v1 =	vsel vm13, $0x1883, v1;
	v2 =	vsel vm13, $0x1884, v2  }
0xba: {  	v3 =	vsel vm12, $0x1906, v3;
	v1 =	vsel vm12, $0x1904, v1;
	v2 =	vsel vm12, $0x1905, v2  }
0xbb: {  	v3 =	vsel vm11, $0x1987, v3;
	v1 =	vsel vm11, $0x1985, v1;
	v2 =	vsel vm11, $0x1986, v2  }
0xbc: {  	v3 =	vsel vm10, $0x1A00, v3;
	v1 =	vsel vm10, $0x1A06, v1;
	v2 =	vsel vm10, $0x1A07, v2  }
0xbd: {  	v3 =	vsel vm9, $0x1A81, v3;
	v1 =	vsel vm9, $0x1A87, v1;
	v2 =	vsel vm9, $0x1A80, v2  }
0xbe: {  	v3 =	vsel vm8, $0x1B02, v3;
	v1 =	vsel vm8, $0x1B00, v1;
	v2 =	vsel vm8, $0x1B01, v2  }
0xbf: {  	v3 =	vsel vm7, $0x1B83, v3;
	v1 =	vsel vm7, $0x1B81, v1;
	v2 =	vsel vm7, $0x1B82, v2  }
0xc0: {  	v3 =	vsel vm6, $0x1C04, v3;
	v1 =	vsel vm6, $0x1C02, v1;
	v2 =	vsel vm6, $0x1C03, v2  }
0xc1: {  	v3 =	vsel vm5, $0x1C85, v3;
	v1 =	vsel vm5, $0x1C83, v1;
	v2 =	vsel vm5, $0x1C84, v2  }
0xc2: {  	v3 =	vsel vm4, $0x1D06, v3;
	v1 =	vsel vm4, $0x1D04, v1;
	v2 =	vsel vm4, $0x1D05, v2  }
0xc3: {  	v3 =	vsel vm3, $0x1D87, v3;
	v1 =	vsel vm3, $0x1D85, v1;
	v2 =	vsel vm3, $0x1D86, v2  }
0xc4: {  	v3 =	vsel vm2, $0x1E00, v3;
	v1 =	vsel vm2, $0x1E06, v1;
	v2 =	vsel vm2, $0x1E07, v2  }
0xc5: {  	s6 =	rddreg [dreg:$0x0];
	v3 =	vsel vm1, $0x1E81, v3;
	v1 =	vsel vm1, $0x1E87, v1;
	v2 =	vsel vm1, $0x1E80, v2  }
0xc6: {  	s7 =	rddreg [dreg:$0x1];
	s1 =	simm.s32 $0x0;
	v31 =	vsel vm0, $0x1F02, v3;
	v3 =	vimm.s32 $0x1F86;
	v50 =	vsel vm0, $0x1F00, v1  }
0xc7: {  	[smem:$0x7FF] =	sst s1;
	v30 =	vsel vm0, $0x1F01, v2;
	v1 =	vimm.s32 $0x1F84;
	v2 =	vimm.s32 $0x1F85  }
0xc8: {  	s0 =	rddreg [dreg:$0x2];
	_ =	strace $0x80000047;
	[tilespmem:$0x1FF10] =	vst v23;
	v3 =	vsel vm14, $0x1807, v3;
	v1 =	vsel vm14, $0x1805, v1;
	v2 =	vsel vm14, $0x1806, v2  }
0xc9: {  	[tilespmem:$0x1FF20] =	vst v9;
	v3 =	vsel vm13, $0x1880, v3;
	v1 =	vsel vm13, $0x1886, v1;
	v2 =	vsel vm13, $0x1887, v2  }
0xca: {  	[tilespmem:$0x1FF30] =	vst v36;
	v3 =	vsel vm12, $0x1901, v3;
	v1 =	vsel vm12, $0x1907, v1;
	v2 =	vsel vm12, $0x1900, v2  }
0xcb: {  	[tilespmem:$0x1FF40] =	vst v37;
	v3 =	vsel vm11, $0x1982, v3;
	v1 =	vsel vm11, $0x1980, v1;
	v2 =	vsel vm11, $0x1981, v2  }
0xcc: {  	[tilespmem:$0x1FF50] =	vst v38;
	v3 =	vsel vm10, $0x1A03, v3;
	v1 =	vsel vm10, $0x1A01, v1;
	v2 =	vsel vm10, $0x1A02, v2  }
0xcd: {  	[tilespmem:$0x1FF60] =	vst v16;
	v3 =	vsel vm9, $0x1A84, v3;
	v1 =	vsel vm9, $0x1A82, v1;
	v2 =	vsel vm9, $0x1A83, v2  }
0xce: {  	s3 =	srdreg.scid;
	s2 =	stileid.u32;
	s10 =	simm.s32 $0x1000;
	[tilespmem:$0x1FF70] =	vst v39;
	v3 =	vsel vm8, $0x1B05, v3;
	v1 =	vsel vm8, $0x1B03, v1;
	v2 =	vsel vm8, $0x1B04, v2  }
0xcf: {  	s11 =	simm.s32 $0x5;
	s12 =	simm.s32 $0x6400;
	s13 =	simm.s32 $0x8400;
	[tilespmem:$0x1FF80] =	vst v40;
	v3 =	vsel vm7, $0x1B86, v3;
	v1 =	vsel vm7, $0x1B84, v1;
	v2 =	vsel vm7, $0x1B85, v2  }
0xd0: {  	s14 =	simm.s32 $0x1;
	s15 =	simm.s32 $0xA400;
	s16 =	simm.s32 $0x2;
	[tilespmem:$0x1FF90] =	vst v41;
	v3 =	vsel vm6, $0x1C07, v3;
	v1 =	vsel vm6, $0x1C05, v1;
	v2 =	vsel vm6, $0x1C06, v2  }
0xd1: {  	s17 =	simm.s32 $0xC400;
	s18 =	simm.s32 $0x3;
	s19 =	simm.s32 $0x4;
	[tilespmem:$0x1FFA0] =	vst v43;
	v3 =	vsel vm5, $0x1C80, v3;
	v1 =	vsel vm5, $0x1C86, v1;
	v2 =	vsel vm5, $0x1C87, v2  }
0xd2: {  	s20 =	simm.s32 $0x0;
	s3 =	sand.u32 $0x1, s3;
	s4 =	sshll.u32 s2, $0x8;
	[tilespmem:$0x1FFB0] =	vst v51;
	v3 =	vsel vm4, $0x1D01, v3;
	v1 =	vsel vm4, $0x1D07, v1;
	v2 =	vsel vm4, $0x1D00, v2  }
0xd3: {  	s8 =	ssub.s32 $0x2, s3;
	s5 =	sshll.u32 s3, $0x7;
	s3 =	sadd.s32 $0xF42A00, s7;
	[tilespmem:$0x1FFC0] =	vst v22;
	v3 =	vsel vm3, $0x1D82, v3;
	v1 =	vsel vm3, $0x1D80, v1;
	v2 =	vsel vm3, $0x1D81, v2  }
0xd4: {  	s9 =	sshrl.u32 s8, $0x1;
	s4 =	sor.u32 s5, s4;
	s5 =	sadd.s32 $0x600, s7;
	[tilespmem:$0x1FFD0] =	vst v52;
	v3 =	vsel vm2, $0x1E03, v3;
	v1 =	vsel vm2, $0x1E01, v1;
	v2 =	vsel vm2, $0x1E02, v2  }
0xd5: {  	s7 =	sadd.s32 $0x8600, s7;
	s8 =	ssub.s32 s8, s9;
	s31 =	sshrl.u32 s4, $0x3;
	[tilespmem:$0x1FFE0] =	vst v53;
	v3 =	vsel vm1, $0x1E84, v3;
	v1 =	vsel vm1, $0x1E82, v1;
	v2 =	vsel vm1, $0x1E83, v2  }
0xd6: {  	s9 =	simm.s32 $0x80;
	s6 =	sadd.s32 s6, s31;
	s8 =	smax.u32 s8, $0x1;
	[tilespmem:$0x1FFF0] =	vst v54;
	v35 =	vsel vm0, $0x1F05, v3;
	v34 =	vsel vm0, $0x1F03, v1;
	v32 =	vsel vm0, $0x1F04, v2  }
.LBB2_1:
0xd7: {  	[tilespmem:s1], [sflag:$0x5] =	stream.strided.gather [hbm4b:s6+s9], $0x6400, s10, s9, $0x38;
	[tilespmem:$0xE400] =	vst v63  }
0xd8: {  	_ =	swait.ge [sflag:s11], $0x6400  }
0xd9: {  	[sflag:s11] =	ssyncset.done $0x0  }
0xda: {  	[sflag:s11] =	ssyncadd.s32 $0xFFFF9C00  }
0xdb: {  	v45 =	vld [tilespmem:$0x1FEE0];
	[tilespmem:s12], [sflag:$0x1] =	stream.indirect.gather [hbm4b:s3+s9], $0x40, s1, s9, $0xb8  }
0xdc: {  	s21 =	simm.s32 $0x0;
	v46 =	vld [tilespmem:$0x1FEF0]  }
0xdd: {  	v47 =	vld [tilespmem:$0x1FF00];
	[tilespmem:s13], [sflag:$0x2] =	stream.indirect.gather [hbm4b:s3+s9], $0x40, s9, s9, $0xb8  }
.LBB2_2:
0xde: {  	_ =	swait.ge [sflag:s14], $0x2000  }
0xdf: {  	p0 =	seq.s32 s21, $0x0;
	[sflag:s14] =	ssyncset.done $0x0  }
0xe0: {  	s22 =	simm.s32 $0x0;
	s23 =	simm.s32 @!p0 $0x3;
	[sflag:s14] =	ssyncadd.s32 $0xFFFFE000  }
0xe1: {  	v2 =	vor.u32 s22, v0;
	_ =	swait.ge @!p0 [sflag:s23], $0x2000  }
0xe2: {  	v27 =	vshll.u32 v2, $0x6;
	v1 =	vld [tilespmem:$0x1FDE0]  }
0xe3: {  	v3 =	vor.u32 v0, v27;
	v28 =	vld [tilespmem:$0x1FDD0];
	_ =	sdelay $0x2  }
0xe4: {  	[sflag:s23] =	ssyncset.done @!p0 $0x0  }
0xe5: {  	v13 =	vand.u32 $0x78, v2;
	[sflag:s23] =	ssyncadd.s32 @!p0 $0xFFFFE000;
	v4 =	vor.u32 s22, v1  }
0xe6: {  	v5 =	vld.idx.msk [tilespmem:v3+s12+$0x0], $0xffff;
	v6 =	vor.u32 v28, v13;
	v11 =	vshll.u32 v4, $0x6  }
0xe7: {  	v44 =	vld [tilespmem:$0x1FDF0];
	v7 =	vor.u32 v0, v11;
	_ =	sdelay $0x3  }
0xe8: {  	v4 =	vand.u32 $0x78, v4;
	[tilespmem:v6+s15+$0x0] =	vst.idx.msk $0xffff, v5;
	v6 =	vor.u32 s22, v36  }
0xe9: {  	v8 =	vor.u32 v44, v4;
	v5 =	vshll.u32 v6, $0x6;
	v7 =	vld.idx.msk [tilespmem:v7+s12+$0x0], $0xffff  }
0xea: {  	v10 =	vor.u32 v0, v5;
	_ =	sdelay $0x3  }
0xeb: {  	v6 =	vand.u32 $0x78, v6;
	[tilespmem:v8+s15+$0x0] =	vst.idx.msk $0xffff, v7;
	v8 =	vor.u32 s22, v23  }
0xec: {  	v12 =	vor.u32 v57, v6;
	v10 =	vld.idx.msk [tilespmem:v10+s12+$0x0], $0xffff;
	v7 =	vshll.u32 v8, $0x6  }
0xed: {  	v14 =	vor.u32 v0, v7;
	_ =	sdelay $0x3  }
0xee: {  	v8 =	vand.u32 $0x78, v8;
	[tilespmem:v12+s15+$0x0] =	vst.idx.msk $0xffff, v10;
	v12 =	vor.u32 s22, v52  }
0xef: {  	v15 =	vor.u32 v25, v8;
	v14 =	vld.idx.msk [tilespmem:v14+s12+$0x0], $0xffff;
	v10 =	vshll.u32 v12, $0x6  }
0xf0: {  	v17 =	vor.u32 v0, v10;
	_ =	sdelay $0x3  }
0xf1: {  	v12 =	vand.u32 $0x78, v12;
	[tilespmem:v15+s15+$0x0] =	vst.idx.msk $0xffff, v14;
	v15 =	vor.u32 s22, v9  }
0xf2: {  	v18 =	vor.u32 v26, v12;
	v17 =	vld.idx.msk [tilespmem:v17+s12+$0x0], $0xffff;
	v14 =	vshll.u32 v15, $0x6  }
0xf3: {  	v19 =	vor.u32 v0, v14;
	_ =	sdelay $0x3  }
0xf4: {  	v15 =	vand.u32 $0x78, v15;
	[tilespmem:v18+s15+$0x0] =	vst.idx.msk $0xffff, v17;
	v18 =	vor.u32 s22, v51  }
0xf5: {  	v20 =	vor.u32 v53, v15;
	v19 =	vld.idx.msk [tilespmem:v19+s12+$0x0], $0xffff;
	v17 =	vshll.u32 v18, $0x6  }
0xf6: {  	v21 =	vor.u32 v0, v17;
	_ =	sdelay $0x3  }
0xf7: {  	v51 =	vor.u32 s22, v22;
	v18 =	vand.u32 $0x78, v18;
	[tilespmem:v20+s15+$0x0] =	vst.idx.msk $0xffff, v19  }
0xf8: {  	v52 =	vor.u32 v54, v18;
	v19 =	vshll.u32 v51, $0x6;
	v21 =	vld.idx.msk [tilespmem:v21+s12+$0x0], $0xffff  }
0xf9: {  	v55 =	vor.u32 v0, v19;
	_ =	sdelay $0x3  }
0xfa: {  	v56 =	vor.u32 s22, v16;
	v20 =	vand.u32 $0x78, v51;
	[tilespmem:v52+s15+$0x0] =	vst.idx.msk $0xffff, v21  }
0xfb: {  	v58 =	vor.u32 v29, v20;
	v21 =	vshll.u32 v56, $0x6;
	v23 =	vld.idx.msk [tilespmem:v55+s12+$0x0], $0xffff  }
0xfc: {  	v59 =	vor.u32 v0, v21;
	_ =	sdelay $0x3  }
0xfd: {  	v60 =	vor.u32 s22, v37;
	v22 =	vand.u32 $0x78, v56;
	[tilespmem:v58+s15+$0x0] =	vst.idx.msk $0xffff, v23  }
0xfe: {  	v61 =	vor.u32 v28, v22;
	v23 =	vshll.u32 v60, $0x6;
	v52 =	vld.idx.msk [tilespmem:v59+s12+$0x0], $0xffff  }
0xff: {  	v62 =	vor.u32 v0, v23;
	_ =	sdelay $0x3  }
0x100: {  	v63 =	vor.u32 s22, v38;
	[tilespmem:v61+s15+$0x0] =	vst.idx.msk $0xffff, v52;
	v52 =	vand.u32 $0x78, v60  }
0x101: {  	v1 =	vmovc v53;
	v9 =	vmov v54;
	v53 =	vshll.u32 v63, $0x6;
	v54 =	vld.idx.msk [tilespmem:v62+s12+$0x0], $0xffff;
	v55 =	vor.u32 v44, v52  }
0x102: {  	v56 =	vor.u32 v0, v53;
	_ =	sdelay $0x3  }
0x103: {  	v36 =	vor.u32 s22, v39;
	[tilespmem:v55+s15+$0x0] =	vst.idx.msk $0xffff, v54;
	v54 =	vand.u32 $0x78, v63  }
0x104: {  	v55 =	vshll.u32 v36, $0x6;
	v56 =	vld.idx.msk [tilespmem:v56+s12+$0x0], $0xffff;
	v37 =	vor.u32 v57, v54  }
0x105: {  	v58 =	vor.u32 v0, v55;
	_ =	sdelay $0x3  }
0x106: {  	v38 =	vor.u32 s22, v40;
	[tilespmem:v37+s15+$0x0] =	vst.idx.msk $0xffff, v56;
	v56 =	vand.u32 $0x78, v36  }
0x107: {  	v16 =	vmov v57;
	v57 =	vshll.u32 v38, $0x6;
	v58 =	vld.idx.msk [tilespmem:v58+s12+$0x0], $0xffff;
	v59 =	vor.u32 v25, v56  }
0x108: {  	v60 =	vor.u32 v0, v57;
	_ =	sdelay $0x3  }
0x109: {  	v39 =	vor.u32 s22, v41;
	[tilespmem:v59+s15+$0x0] =	vst.idx.msk $0xffff, v58;
	v58 =	vand.u32 $0x78, v38  }
0x10a: {  	v59 =	vshll.u32 v39, $0x6;
	v60 =	vld.idx.msk [tilespmem:v60+s12+$0x0], $0xffff;
	v61 =	vor.u32 v26, v58  }
0x10b: {  	v62 =	vor.u32 v0, v59;
	_ =	sdelay $0x3  }
0x10c: {  	v40 =	vor.u32 s22, v43;
	v2 =	vld [tilespmem:$0x1FE00];
	[tilespmem:v61+s15+$0x0] =	vst.idx.msk $0xffff, v60;
	v60 =	vand.u32 $0x78, v39  }
0x10d: {  	v61 =	vshll.u32 v40, $0x6;
	v62 =	vld.idx.msk [tilespmem:v62+s12+$0x0], $0xffff;
	v63 =	vor.u32 v1, v60  }
0x10e: {  	v1 =	vor.u32 v0, v61;
	_ =	sdelay $0x3  }
0x10f: {  	v41 =	vor.u32 s22, v2;
	[tilespmem:v63+s15+$0x0] =	vst.idx.msk $0xffff, v62;
	v62 =	vand.u32 $0x78, v40  }
0x110: {  	v63 =	vshll.u32 v41, $0x6;
	v3 =	vld.idx.msk [tilespmem:v1+s12+$0x0], $0xffff;
	v1 =	vor.u32 v9, v62  }
0x111: {  	v2 =	vor.u32 v0, v63;
	_ =	sdelay $0x3  }
0x112: {  	v51 =	vand.u32 $0x78, v41;
	[tilespmem:v1+s15+$0x0] =	vst.idx.msk $0xffff, v3  }
0x113: {  	v1 =	vld.idx.msk [tilespmem:v2+s12+$0x0], $0xffff;
	v2 =	vor.u32 v29, v51  }
0x114: {  	v9 =	vld [tilespmem:$0x1FE10];
	v3 =	vor.u32 v24, v27;
	_ =	sdelay $0x3  }
0x115: {  	[tilespmem:v2+s15+$0x0] =	vst.idx.msk $0xffff, v1  }
0x116: {  	v2 =	vor.u32 v9, v13;
	v1 =	vld.idx.msk [tilespmem:v3+s12+$0x0], $0xffff  }
0x117: {  	v37 =	vld [tilespmem:$0x1FE20];
	v3 =	vor.u32 v24, v11;
	_ =	sdelay $0x3  }
0x118: {  	[tilespmem:v2+s15+$0x0] =	vst.idx.msk $0xffff, v1  }
0x119: {  	v2 =	vor.u32 v37, v4;
	v1 =	vld.idx.msk [tilespmem:v3+s12+$0x0], $0xffff  }
0x11a: {  	v36 =	vld [tilespmem:$0x1FE30];
	v3 =	vor.u32 v24, v5;
	_ =	sdelay $0x3  }
0x11b: {  	[tilespmem:v2+s15+$0x0] =	vst.idx.msk $0xffff, v1  }
0x11c: {  	v2 =	vor.u32 v36, v6;
	v1 =	vld.idx.msk [tilespmem:v3+s12+$0x0], $0xffff  }
0x11d: {  	v38 =	vld [tilespmem:$0x1FE40];
	v3 =	vor.u32 v24, v7;
	_ =	sdelay $0x3  }
0x11e: {  	[tilespmem:v2+s15+$0x0] =	vst.idx.msk $0xffff, v1  }
0x11f: {  	v2 =	vor.u32 v38, v8;
	v1 =	vld.idx.msk [tilespmem:v3+s12+$0x0], $0xffff  }
0x120: {  	v40 =	vld [tilespmem:$0x1FE50];
	v3 =	vor.u32 v24, v10;
	_ =	sdelay $0x3  }
0x121: {  	[tilespmem:v2+s15+$0x0] =	vst.idx.msk $0xffff, v1  }
0x122: {  	v2 =	vor.u32 v40, v12;
	v1 =	vld.idx.msk [tilespmem:v3+s12+$0x0], $0xffff  }
0x123: {  	v39 =	vld [tilespmem:$0x1FE60];
	v3 =	vor.u32 v24, v14;
	_ =	sdelay $0x3  }
0x124: {  	[tilespmem:v2+s15+$0x0] =	vst.idx.msk $0xffff, v1  }
0x125: {  	v2 =	vor.u32 v39, v15;
	v1 =	vld.idx.msk [tilespmem:v3+s12+$0x0], $0xffff  }
0x126: {  	v41 =	vld [tilespmem:$0x1FE70];
	v3 =	vor.u32 v24, v17;
	_ =	sdelay $0x3  }
0x127: {  	[tilespmem:v2+s15+$0x0] =	vst.idx.msk $0xffff, v1  }
0x128: {  	v2 =	vor.u32 v41, v18;
	v1 =	vld.idx.msk [tilespmem:v3+s12+$0x0], $0xffff  }
0x129: {  	v43 =	vld [tilespmem:$0x1FE80];
	v3 =	vor.u32 v24, v19;
	_ =	sdelay $0x3  }
0x12a: {  	[tilespmem:v2+s15+$0x0] =	vst.idx.msk $0xffff, v1  }
0x12b: {  	v2 =	vor.u32 v43, v20;
	v1 =	vld.idx.msk [tilespmem:v3+s12+$0x0], $0xffff  }
0x12c: {  	v3 =	vor.u32 v24, v21;
	_ =	sdelay $0x3  }
0x12d: {  	[tilespmem:v2+s15+$0x0] =	vst.idx.msk $0xffff, v1  }
0x12e: {  	v2 =	vor.u32 v9, v22;
	v1 =	vld.idx.msk [tilespmem:v3+s12+$0x0], $0xffff  }
0x12f: {  	v3 =	vor.u32 v24, v23;
	_ =	sdelay $0x3  }
0x130: {  	[tilespmem:v2+s15+$0x0] =	vst.idx.msk $0xffff, v1  }
0x131: {  	v2 =	vor.u32 v37, v52;
	v1 =	vld.idx.msk [tilespmem:v3+s12+$0x0], $0xffff  }
0x132: {  	v3 =	vor.u32 v24, v53;
	_ =	sdelay $0x3  }
0x133: {  	[tilespmem:v2+s15+$0x0] =	vst.idx.msk $0xffff, v1  }
0x134: {  	v2 =	vor.u32 v36, v54;
	v1 =	vld.idx.msk [tilespmem:v3+s12+$0x0], $0xffff  }
0x135: {  	v3 =	vor.u32 v24, v55;
	_ =	sdelay $0x3  }
0x136: {  	[tilespmem:v2+s15+$0x0] =	vst.idx.msk $0xffff, v1  }
0x137: {  	v2 =	vor.u32 v38, v56;
	v1 =	vld.idx.msk [tilespmem:v3+s12+$0x0], $0xffff  }
0x138: {  	v3 =	vor.u32 v24, v57;
	_ =	sdelay $0x3  }
0x139: {  	[tilespmem:v2+s15+$0x0] =	vst.idx.msk $0xffff, v1  }
0x13a: {  	v2 =	vor.u32 v40, v58;
	v1 =	vld.idx.msk [tilespmem:v3+s12+$0x0], $0xffff  }
0x13b: {  	v3 =	vor.u32 v24, v59;
	_ =	sdelay $0x3  }
0x13c: {  	[tilespmem:v2+s15+$0x0] =	vst.idx.msk $0xffff, v1  }
0x13d: {  	v2 =	vor.u32 v39, v60;
	v1 =	vld.idx.msk [tilespmem:v3+s12+$0x0], $0xffff  }
0x13e: {  	v3 =	vor.u32 v24, v61;
	_ =	sdelay $0x3  }
0x13f: {  	[tilespmem:v2+s15+$0x0] =	vst.idx.msk $0xffff, v1  }
0x140: {  	v2 =	vor.u32 v41, v62;
	v1 =	vld.idx.msk [tilespmem:v3+s12+$0x0], $0xffff  }
0x141: {  	v3 =	vor.u32 v24, v63;
	_ =	sdelay $0x3  }
0x142: {  	[tilespmem:v2+s15+$0x0] =	vst.idx.msk $0xffff, v1  }
0x143: {  	v2 =	vor.u32 v43, v51;
	v1 =	vld.idx.msk [tilespmem:v3+s12+$0x0], $0xffff  }
0x144: {  	v9 =	vld [tilespmem:$0x1FE90];
	v3 =	vor.u32 v33, v27;
	_ =	sdelay $0x3  }
0x145: {  	[tilespmem:v2+s15+$0x0] =	vst.idx.msk $0xffff, v1  }
0x146: {  	v2 =	vor.u32 v9, v13;
	v1 =	vld.idx.msk [tilespmem:v3+s12+$0x0], $0xffff  }
0x147: {  	v36 =	vld [tilespmem:$0x1FEA0];
	v3 =	vor.u32 v33, v11;
	_ =	sdelay $0x3  }
0x148: {  	[tilespmem:v2+s15+$0x0] =	vst.idx.msk $0xffff, v1  }
0x149: {  	v2 =	vor.u32 v36, v4;
	v1 =	vld.idx.msk [tilespmem:v3+s12+$0x0], $0xffff  }
0x14a: {  	v37 =	vld [tilespmem:$0x1FEB0];
	v3 =	vor.u32 v33, v5;
	_ =	sdelay $0x3  }
0x14b: {  	[tilespmem:v2+s15+$0x0] =	vst.idx.msk $0xffff, v1  }
0x14c: {  	v2 =	vor.u32 v37, v6;
	v1 =	vld.idx.msk [tilespmem:v3+s12+$0x0], $0xffff  }
0x14d: {  	v38 =	vld [tilespmem:$0x1FEC0];
	v3 =	vor.u32 v33, v7;
	_ =	sdelay $0x3  }
0x14e: {  	[tilespmem:v2+s15+$0x0] =	vst.idx.msk $0xffff, v1  }
0x14f: {  	v2 =	vor.u32 v38, v8;
	v1 =	vld.idx.msk [tilespmem:v3+s12+$0x0], $0xffff  }
0x150: {  	v43 =	vld [tilespmem:$0x1FED0];
	v3 =	vor.u32 v33, v10;
	_ =	sdelay $0x3  }
0x151: {  	[tilespmem:v2+s15+$0x0] =	vst.idx.msk $0xffff, v1  }
0x152: {  	v2 =	vor.u32 v43, v12;
	v1 =	vld.idx.msk [tilespmem:v3+s12+$0x0], $0xffff  }
0x153: {  	v3 =	vor.u32 v33, v14;
	_ =	sdelay $0x3  }
0x154: {  	[tilespmem:v2+s15+$0x0] =	vst.idx.msk $0xffff, v1  }
0x155: {  	v2 =	vor.u32 v45, v15;
	v1 =	vld.idx.msk [tilespmem:v3+s12+$0x0], $0xffff  }
0x156: {  	v3 =	vor.u32 v33, v17;
	_ =	sdelay $0x3  }
0x157: {  	[tilespmem:v2+s15+$0x0] =	vst.idx.msk $0xffff, v1  }
0x158: {  	v2 =	vor.u32 v46, v18;
	v1 =	vld.idx.msk [tilespmem:v3+s12+$0x0], $0xffff  }
0x159: {  	v3 =	vor.u32 v33, v19;
	_ =	sdelay $0x3  }
0x15a: {  	[tilespmem:v2+s15+$0x0] =	vst.idx.msk $0xffff, v1  }
0x15b: {  	v2 =	vor.u32 v47, v20;
	v1 =	vld.idx.msk [tilespmem:v3+s12+$0x0], $0xffff  }
0x15c: {  	v3 =	vor.u32 v33, v21;
	_ =	sdelay $0x3  }
0x15d: {  	[tilespmem:v2+s15+$0x0] =	vst.idx.msk $0xffff, v1  }
0x15e: {  	v2 =	vor.u32 v9, v22;
	v1 =	vld.idx.msk [tilespmem:v3+s12+$0x0], $0xffff  }
0x15f: {  	v3 =	vor.u32 v33, v23;
	_ =	sdelay $0x3  }
0x160: {  	[tilespmem:v2+s15+$0x0] =	vst.idx.msk $0xffff, v1  }
0x161: {  	v2 =	vor.u32 v36, v52;
	v1 =	vld.idx.msk [tilespmem:v3+s12+$0x0], $0xffff  }
0x162: {  	v3 =	vor.u32 v33, v53;
	_ =	sdelay $0x3  }
0x163: {  	[tilespmem:v2+s15+$0x0] =	vst.idx.msk $0xffff, v1  }
0x164: {  	v2 =	vor.u32 v37, v54;
	v1 =	vld.idx.msk [tilespmem:v3+s12+$0x0], $0xffff  }
0x165: {  	v3 =	vor.u32 v33, v55;
	_ =	sdelay $0x3  }
0x166: {  	[tilespmem:v2+s15+$0x0] =	vst.idx.msk $0xffff, v1  }
0x167: {  	v2 =	vor.u32 v38, v56;
	v1 =	vld.idx.msk [tilespmem:v3+s12+$0x0], $0xffff  }
0x168: {  	v3 =	vor.u32 v33, v57;
	_ =	sdelay $0x3  }
0x169: {  	[tilespmem:v2+s15+$0x0] =	vst.idx.msk $0xffff, v1  }
0x16a: {  	v2 =	vor.u32 v43, v58;
	v1 =	vld.idx.msk [tilespmem:v3+s12+$0x0], $0xffff  }
0x16b: {  	v3 =	vor.u32 v33, v59;
	_ =	sdelay $0x3  }
0x16c: {  	[tilespmem:v2+s15+$0x0] =	vst.idx.msk $0xffff, v1  }
0x16d: {  	v2 =	vor.u32 v45, v60;
	v1 =	vld.idx.msk [tilespmem:v3+s12+$0x0], $0xffff  }
0x16e: {  	v3 =	vor.u32 v33, v61;
	_ =	sdelay $0x3  }
0x16f: {  	[tilespmem:v2+s15+$0x0] =	vst.idx.msk $0xffff, v1  }
0x170: {  	v2 =	vor.u32 v46, v62;
	v1 =	vld.idx.msk [tilespmem:v3+s12+$0x0], $0xffff  }
0x171: {  	v3 =	vor.u32 v33, v63;
	_ =	sdelay $0x3  }
0x172: {  	[tilespmem:v2+s15+$0x0] =	vst.idx.msk $0xffff, v1  }
0x173: {  	v2 =	vor.u32 v47, v51;
	v1 =	vld.idx.msk [tilespmem:v3+s12+$0x0], $0xffff  }
0x174: {  	v3 =	vor.u32 v42, v27;
	_ =	sdelay $0x3  }
0x175: {  	[tilespmem:v2+s15+$0x0] =	vst.idx.msk $0xffff, v1  }
0x176: {  	v2 =	vor.u32 v48, v13;
	v1 =	vld.idx.msk [tilespmem:v3+s12+$0x0], $0xffff  }
0x177: {  	v3 =	vor.u32 v42, v11;
	_ =	sdelay $0x3  }
0x178: {  	[tilespmem:v2+s15+$0x0] =	vst.idx.msk $0xffff, v1  }
0x179: {  	v2 =	vor.u32 v49, v4;
	v1 =	vld.idx.msk [tilespmem:v3+s12+$0x0], $0xffff  }
0x17a: {  	v3 =	vor.u32 v42, v5;
	_ =	sdelay $0x3  }
0x17b: {  	[tilespmem:v2+s15+$0x0] =	vst.idx.msk $0xffff, v1  }
0x17c: {  	v2 =	vor.u32 v50, v6;
	v1 =	vld.idx.msk [tilespmem:v3+s12+$0x0], $0xffff  }
0x17d: {  	v3 =	vor.u32 v42, v7;
	_ =	sdelay $0x3  }
0x17e: {  	[tilespmem:v2+s15+$0x0] =	vst.idx.msk $0xffff, v1  }
0x17f: {  	v2 =	vor.u32 v30, v8;
	v1 =	vld.idx.msk [tilespmem:v3+s12+$0x0], $0xffff  }
0x180: {  	v3 =	vor.u32 v42, v10;
	_ =	sdelay $0x3  }
0x181: {  	[tilespmem:v2+s15+$0x0] =	vst.idx.msk $0xffff, v1  }
0x182: {  	v2 =	vor.u32 v31, v12;
	v1 =	vld.idx.msk [tilespmem:v3+s12+$0x0], $0xffff  }
0x183: {  	v3 =	vor.u32 v42, v14;
	_ =	sdelay $0x3  }
0x184: {  	[tilespmem:v2+s15+$0x0] =	vst.idx.msk $0xffff, v1  }
0x185: {  	v2 =	vor.u32 v34, v15;
	v1 =	vld.idx.msk [tilespmem:v3+s12+$0x0], $0xffff  }
0x186: {  	v3 =	vor.u32 v42, v17;
	_ =	sdelay $0x3  }
0x187: {  	[tilespmem:v2+s15+$0x0] =	vst.idx.msk $0xffff, v1  }
0x188: {  	v2 =	vor.u32 v32, v18;
	v1 =	vld.idx.msk [tilespmem:v3+s12+$0x0], $0xffff  }
0x189: {  	v3 =	vor.u32 v42, v19;
	_ =	sdelay $0x3  }
0x18a: {  	[tilespmem:v2+s15+$0x0] =	vst.idx.msk $0xffff, v1  }
0x18b: {  	v2 =	vor.u32 v35, v20;
	v1 =	vld.idx.msk [tilespmem:v3+s12+$0x0], $0xffff  }
0x18c: {  	v3 =	vor.u32 v42, v21;
	_ =	sdelay $0x3  }
0x18d: {  	[tilespmem:v2+s15+$0x0] =	vst.idx.msk $0xffff, v1  }
0x18e: {  	v2 =	vor.u32 v48, v22;
	v1 =	vld.idx.msk [tilespmem:v3+s12+$0x0], $0xffff  }
0x18f: {  	v3 =	vor.u32 v42, v23;
	_ =	sdelay $0x3  }
0x190: {  	[tilespmem:v2+s15+$0x0] =	vst.idx.msk $0xffff, v1  }
0x191: {  	v2 =	vor.u32 v49, v52;
	v1 =	vld.idx.msk [tilespmem:v3+s12+$0x0], $0xffff  }
0x192: {  	v3 =	vor.u32 v42, v53;
	_ =	sdelay $0x3  }
0x193: {  	[tilespmem:v2+s15+$0x0] =	vst.idx.msk $0xffff, v1  }
0x194: {  	v2 =	vor.u32 v50, v54;
	v1 =	vld.idx.msk [tilespmem:v3+s12+$0x0], $0xffff  }
0x195: {  	v3 =	vor.u32 v42, v55;
	_ =	sdelay $0x3  }
0x196: {  	[tilespmem:v2+s15+$0x0] =	vst.idx.msk $0xffff, v1  }
0x197: {  	v2 =	vor.u32 v30, v56;
	v1 =	vld.idx.msk [tilespmem:v3+s12+$0x0], $0xffff  }
0x198: {  	v3 =	vor.u32 v42, v57;
	_ =	sdelay $0x3  }
0x199: {  	[tilespmem:v2+s15+$0x0] =	vst.idx.msk $0xffff, v1  }
0x19a: {  	v2 =	vor.u32 v31, v58;
	v1 =	vld.idx.msk [tilespmem:v3+s12+$0x0], $0xffff  }
0x19b: {  	v3 =	vor.u32 v42, v59;
	_ =	sdelay $0x3  }
0x19c: {  	[tilespmem:v2+s15+$0x0] =	vst.idx.msk $0xffff, v1  }
0x19d: {  	v2 =	vor.u32 v34, v60;
	v1 =	vld.idx.msk [tilespmem:v3+s12+$0x0], $0xffff  }
0x19e: {  	v3 =	vor.u32 v42, v61;
	_ =	sdelay $0x3  }
0x19f: {  	[tilespmem:v2+s15+$0x0] =	vst.idx.msk $0xffff, v1  }
0x1a0: {  	v2 =	vor.u32 v32, v62;
	v1 =	vld.idx.msk [tilespmem:v3+s12+$0x0], $0xffff  }
0x1a1: {  	v3 =	vor.u32 v42, v63;
	_ =	sdelay $0x1  }
0x1a2: {  	v9 =	vmov v28;
	v28 =	vld [tilespmem:$0x1FFF0]  }
0x1a3: {  	v27 =	vld [tilespmem:$0x1FFE0]  }
0x1a4: {  	s22 =	simm.s32 $0x10;
	v11 =	vld [tilespmem:$0x1FDE0];
	[tilespmem:v2+s15+$0x0] =	vst.idx.msk $0xffff, v1  }
0x1a5: {  	s24 =	simm.s32 $0x20;
	s23 =	sshll.u32 s21, $0x13;
	v13 =	vmov v44;
	v8 =	vmov v35;
	v2 =	vor.u32 s22, v0;
	v3 =	vld.idx.msk [tilespmem:v3+s12+$0x0], $0xffff  }
.LBB2_3:
0x1a6: {  	v52 =	vshll.u32 v2, $0x6;
	v1 =	vor.u32 v8, v51  }
0x1a7: {  	v4 =	vor.u32 v0, v52;
	_ =	sdelay $0x2  }
0x1a8: {  	v53 =	vand.u32 $0x78, v2;
	v2 =	vor.u32 s22, v11  }
0x1a9: {  	[tilespmem:v1+s15+$0x0] =	vst.idx.msk $0xffff, v3;
	v54 =	vshll.u32 v2, $0x6;
	v55 =	vand.u32 $0x78, v2;
	v2 =	vld [tilespmem:$0x1FF30]  }
0x1aa: {  	v3 =	vor.u32 v9, v53;
	v1 =	vld.idx.msk [tilespmem:v4+s12+$0x0], $0xffff  }
0x1ab: {  	v4 =	vor.u32 v0, v54;
	_ =	sdelay $0x2  }
0x1ac: {  	v2 =	vor.u32 s22, v2  }
0x1ad: {  	[tilespmem:v3+s15+$0x0] =	vst.idx.msk $0xffff, v1;
	v56 =	vshll.u32 v2, $0x6;
	v57 =	vand.u32 $0x78, v2;
	v2 =	vld [tilespmem:$0x1FF10]  }
0x1ae: {  	v3 =	vor.u32 v13, v55;
	v1 =	vld.idx.msk [tilespmem:v4+s12+$0x0], $0xffff  }
0x1af: {  	v4 =	vor.u32 v0, v56;
	_ =	sdelay $0x2  }
0x1b0: {  	v2 =	vor.u32 s22, v2  }
0x1b1: {  	[tilespmem:v3+s15+$0x0] =	vst.idx.msk $0xffff, v1;
	v58 =	vshll.u32 v2, $0x6;
	v59 =	vand.u32 $0x78, v2;
	v2 =	vld [tilespmem:$0x1FFD0]  }
0x1b2: {  	v3 =	vor.u32 v16, v57;
	v1 =	vld.idx.msk [tilespmem:v4+s12+$0x0], $0xffff  }
0x1b3: {  	v4 =	vor.u32 v0, v58;
	_ =	sdelay $0x2  }
0x1b4: {  	v2 =	vor.u32 s22, v2  }
0x1b5: {  	[tilespmem:v3+s15+$0x0] =	vst.idx.msk $0xffff, v1;
	v60 =	vshll.u32 v2, $0x6;
	v61 =	vand.u32 $0x78, v2;
	v2 =	vld [tilespmem:$0x1FF20]  }
0x1b6: {  	v3 =	vor.u32 v25, v59;
	v1 =	vld.idx.msk [tilespmem:v4+s12+$0x0], $0xffff  }
0x1b7: {  	v4 =	vor.u32 v0, v60;
	_ =	sdelay $0x3  }
0x1b8: {  	v2 =	vor.u32 s22, v2;
	[tilespmem:v3+s15+$0x0] =	vst.idx.msk $0xffff, v1  }
0x1b9: {  	v3 =	vor.u32 v26, v61;
	v62 =	vshll.u32 v2, $0x6;
	v1 =	vld.idx.msk [tilespmem:v4+s12+$0x0], $0xffff  }
0x1ba: {  	v4 =	vor.u32 v0, v62;
	_ =	sdelay $0x3  }
0x1bb: {  	v63 =	vand.u32 $0x78, v2;
	v2 =	vld [tilespmem:$0x1FFB0];
	[tilespmem:v3+s15+$0x0] =	vst.idx.msk $0xffff, v1  }
0x1bc: {  	v1 =	vld.idx.msk [tilespmem:v4+s12+$0x0], $0xffff;
	v4 =	vor.u32 v27, v63;
	_ =	sdelay $0x3  }
0x1bd: {  	v3 =	vor.u32 s22, v2  }
0x1be: {  	v2 =	vshll.u32 v3, $0x6;
	[tilespmem:v4+s15+$0x0] =	vst.idx.msk $0xffff, v1;
	v4 =	vand.u32 $0x78, v3;
	v3 =	vld [tilespmem:$0x1FFC0]  }
0x1bf: {  	v5 =	vor.u32 v0, v2;
	_ =	sdelay $0x3  }
0x1c0: {  	v3 =	vor.u32 s22, v3  }
0x1c1: {  	v1 =	vld.idx.msk [tilespmem:v5+s12+$0x0], $0xffff;
	v5 =	vor.u32 v28, v4;
	v6 =	vshll.u32 v3, $0x6  }
0x1c2: {  	v8 =	vand.u32 $0x78, v3;
	v3 =	vld [tilespmem:$0x1FF60];
	v7 =	vor.u32 v0, v6;
	_ =	sdelay $0x3  }
0x1c3: {  	[tilespmem:v5+s15+$0x0] =	vst.idx.msk $0xffff, v1  }
0x1c4: {  	v3 =	vor.u32 s22, v3;
	v1 =	vld.idx.msk [tilespmem:v7+s12+$0x0], $0xffff  }
0x1c5: {  	v5 =	vor.u32 v29, v8;
	v10 =	vshll.u32 v3, $0x6;
	v12 =	vand.u32 $0x78, v3;
	v3 =	vld [tilespmem:$0x1FF40]  }
0x1c6: {  	v7 =	vor.u32 v0, v10;
	_ =	sdelay $0x3  }
0x1c7: {  	[tilespmem:v5+s15+$0x0] =	vst.idx.msk $0xffff, v1;
	v3 =	vor.u32 s22, v3  }
0x1c8: {  	v5 =	vor.u32 v9, v12;
	v1 =	vld.idx.msk [tilespmem:v7+s12+$0x0], $0xffff;
	v14 =	vshll.u32 v3, $0x6  }
0x1c9: {  	v15 =	vand.u32 $0x78, v3;
	v3 =	vld [tilespmem:$0x1FF50];
	v7 =	vor.u32 v0, v14;
	_ =	sdelay $0x3  }
0x1ca: {  	[tilespmem:v5+s15+$0x0] =	vst.idx.msk $0xffff, v1  }
0x1cb: {  	v3 =	vor.u32 s22, v3;
	v1 =	vld.idx.msk [tilespmem:v7+s12+$0x0], $0xffff  }
0x1cc: {  	v5 =	vor.u32 v13, v15;
	v17 =	vshll.u32 v3, $0x6;
	v18 =	vand.u32 $0x78, v3;
	v3 =	vld [tilespmem:$0x1FF70]  }
0x1cd: {  	v7 =	vor.u32 v0, v17;
	_ =	sdelay $0x3  }
0x1ce: {  	[tilespmem:v5+s15+$0x0] =	vst.idx.msk $0xffff, v1;
	v3 =	vor.u32 s22, v3  }
0x1cf: {  	v5 =	vor.u32 v16, v18;
	v1 =	vld.idx.msk [tilespmem:v7+s12+$0x0], $0xffff;
	v19 =	vshll.u32 v3, $0x6  }
0x1d0: {  	v20 =	vand.u32 $0x78, v3;
	v3 =	vld [tilespmem:$0x1FF80];
	v7 =	vor.u32 v0, v19;
	_ =	sdelay $0x3  }
0x1d1: {  	[tilespmem:v5+s15+$0x0] =	vst.idx.msk $0xffff, v1  }
0x1d2: {  	v3 =	vor.u32 s22, v3;
	v1 =	vld.idx.msk [tilespmem:v7+s12+$0x0], $0xffff  }
0x1d3: {  	v5 =	vor.u32 v25, v20;
	v21 =	vshll.u32 v3, $0x6;
	v22 =	vand.u32 $0x78, v3;
	v3 =	vld [tilespmem:$0x1FF90]  }
0x1d4: {  	v7 =	vor.u32 v0, v21;
	_ =	sdelay $0x3  }
0x1d5: {  	[tilespmem:v5+s15+$0x0] =	vst.idx.msk $0xffff, v1;
	v3 =	vor.u32 s22, v3  }
0x1d6: {  	v5 =	vor.u32 v26, v22;
	v1 =	vld.idx.msk [tilespmem:v7+s12+$0x0], $0xffff;
	v23 =	vshll.u32 v3, $0x6  }
0x1d7: {  	v7 =	vor.u32 v0, v23;
	_ =	sdelay $0x3  }
0x1d8: {  	[tilespmem:v5+s15+$0x0] =	vst.idx.msk $0xffff, v1;
	v1 =	vand.u32 $0x78, v3;
	v3 =	vld [tilespmem:$0x1FFA0]  }
0x1d9: {  	v5 =	vld.idx.msk [tilespmem:v7+s12+$0x0], $0xffff;
	v41 =	vor.u32 v27, v1;
	_ =	sdelay $0x3  }
0x1da: {  	v7 =	vor.u32 s22, v3  }
0x1db: {  	v3 =	vshll.u32 v7, $0x6;
	[tilespmem:v41+s15+$0x0] =	vst.idx.msk $0xffff, v5;
	v5 =	vand.u32 $0x78, v7;
	v7 =	vld [tilespmem:$0x1FE00]  }
0x1dc: {  	v9 =	vor.u32 v0, v3;
	_ =	sdelay $0x3  }
0x1dd: {  	v43 =	vor.u32 s22, v7  }
0x1de: {  	v11 =	vor.u32 v28, v5;
	v9 =	vld.idx.msk [tilespmem:v9+s12+$0x0], $0xffff;
	v7 =	vshll.u32 v43, $0x6  }
0x1df: {  	v13 =	vor.u32 v0, v7;
	_ =	sdelay $0x3  }
0x1e0: {  	v51 =	vand.u32 $0x78, v43;
	[tilespmem:v11+s15+$0x0] =	vst.idx.msk $0xffff, v9  }
0x1e1: {  	v11 =	vor.u32 v29, v51;
	v9 =	vld.idx.msk [tilespmem:v13+s12+$0x0], $0xffff  }
0x1e2: {  	v36 =	vld [tilespmem:$0x1FE10];
	v13 =	vor.u32 v24, v52;
	_ =	sdelay $0x3  }
0x1e3: {  	[tilespmem:v11+s15+$0x0] =	vst.idx.msk $0xffff, v9  }
0x1e4: {  	v11 =	vor.u32 v36, v53;
	v9 =	vld.idx.msk [tilespmem:v13+s12+$0x0], $0xffff  }
0x1e5: {  	v38 =	vld [tilespmem:$0x1FE20];
	v13 =	vor.u32 v24, v54;
	_ =	sdelay $0x3  }
0x1e6: {  	[tilespmem:v11+s15+$0x0] =	vst.idx.msk $0xffff, v9  }
0x1e7: {  	v11 =	vor.u32 v38, v55;
	v9 =	vld.idx.msk [tilespmem:v13+s12+$0x0], $0xffff  }
0x1e8: {  	v37 =	vld [tilespmem:$0x1FE30];
	v13 =	vor.u32 v24, v56;
	_ =	sdelay $0x3  }
0x1e9: {  	[tilespmem:v11+s15+$0x0] =	vst.idx.msk $0xffff, v9  }
0x1ea: {  	v11 =	vor.u32 v37, v57;
	v9 =	vld.idx.msk [tilespmem:v13+s12+$0x0], $0xffff  }
0x1eb: {  	v39 =	vld [tilespmem:$0x1FE40];
	v13 =	vor.u32 v24, v58;
	_ =	sdelay $0x3  }
0x1ec: {  	[tilespmem:v11+s15+$0x0] =	vst.idx.msk $0xffff, v9  }
0x1ed: {  	v11 =	vor.u32 v39, v59;
	v9 =	vld.idx.msk [tilespmem:v13+s12+$0x0], $0xffff  }
0x1ee: {  	v41 =	vld [tilespmem:$0x1FE50];
	v13 =	vor.u32 v24, v60;
	_ =	sdelay $0x3  }
0x1ef: {  	[tilespmem:v11+s15+$0x0] =	vst.idx.msk $0xffff, v9  }
0x1f0: {  	v11 =	vor.u32 v41, v61;
	v9 =	vld.idx.msk [tilespmem:v13+s12+$0x0], $0xffff  }
0x1f1: {  	v40 =	vld [tilespmem:$0x1FE60];
	v13 =	vor.u32 v24, v62;
	_ =	sdelay $0x3  }
0x1f2: {  	[tilespmem:v11+s15+$0x0] =	vst.idx.msk $0xffff, v9  }
0x1f3: {  	v11 =	vor.u32 v40, v63;
	v9 =	vld.idx.msk [tilespmem:v13+s12+$0x0], $0xffff  }
0x1f4: {  	v43 =	vld [tilespmem:$0x1FE70];
	v13 =	vor.u32 v24, v2;
	_ =	sdelay $0x3  }
0x1f5: {  	[tilespmem:v11+s15+$0x0] =	vst.idx.msk $0xffff, v9  }
0x1f6: {  	v11 =	vor.u32 v43, v4;
	v9 =	vld.idx.msk [tilespmem:v13+s12+$0x0], $0xffff  }
0x1f7: {  	v44 =	vld [tilespmem:$0x1FE80];
	v13 =	vor.u32 v24, v6;
	_ =	sdelay $0x3  }
0x1f8: {  	[tilespmem:v11+s15+$0x0] =	vst.idx.msk $0xffff, v9  }
0x1f9: {  	v11 =	vor.u32 v44, v8;
	v9 =	vld.idx.msk [tilespmem:v13+s12+$0x0], $0xffff  }
0x1fa: {  	v13 =	vor.u32 v24, v10;
	_ =	sdelay $0x3  }
0x1fb: {  	[tilespmem:v11+s15+$0x0] =	vst.idx.msk $0xffff, v9  }
0x1fc: {  	v11 =	vor.u32 v36, v12;
	v9 =	vld.idx.msk [tilespmem:v13+s12+$0x0], $0xffff  }
0x1fd: {  	v13 =	vor.u32 v24, v14;
	_ =	sdelay $0x3  }
0x1fe: {  	[tilespmem:v11+s15+$0x0] =	vst.idx.msk $0xffff, v9  }
0x1ff: {  	v11 =	vor.u32 v38, v15;
	v9 =	vld.idx.msk [tilespmem:v13+s12+$0x0], $0xffff  }
0x200: {  	v13 =	vor.u32 v24, v17;
	_ =	sdelay $0x3  }
0x201: {  	[tilespmem:v11+s15+$0x0] =	vst.idx.msk $0xffff, v9  }
0x202: {  	v11 =	vor.u32 v37, v18;
	v9 =	vld.idx.msk [tilespmem:v13+s12+$0x0], $0xffff  }
0x203: {  	v13 =	vor.u32 v24, v19;
	_ =	sdelay $0x3  }
0x204: {  	[tilespmem:v11+s15+$0x0] =	vst.idx.msk $0xffff, v9  }
0x205: {  	v11 =	vor.u32 v39, v20;
	v9 =	vld.idx.msk [tilespmem:v13+s12+$0x0], $0xffff  }
0x206: {  	v13 =	vor.u32 v24, v21;
	_ =	sdelay $0x3  }
0x207: {  	[tilespmem:v11+s15+$0x0] =	vst.idx.msk $0xffff, v9  }
0x208: {  	v11 =	vor.u32 v41, v22;
	v9 =	vld.idx.msk [tilespmem:v13+s12+$0x0], $0xffff  }
0x209: {  	v13 =	vor.u32 v24, v23;
	_ =	sdelay $0x3  }
0x20a: {  	[tilespmem:v11+s15+$0x0] =	vst.idx.msk $0xffff, v9  }
0x20b: {  	v11 =	vor.u32 v40, v1;
	v9 =	vld.idx.msk [tilespmem:v13+s12+$0x0], $0xffff  }
0x20c: {  	v13 =	vor.u32 v24, v3;
	_ =	sdelay $0x3  }
0x20d: {  	[tilespmem:v11+s15+$0x0] =	vst.idx.msk $0xffff, v9  }
0x20e: {  	v11 =	vor.u32 v43, v5;
	v9 =	vld.idx.msk [tilespmem:v13+s12+$0x0], $0xffff  }
0x20f: {  	v13 =	vor.u32 v24, v7;
	_ =	sdelay $0x3  }
0x210: {  	[tilespmem:v11+s15+$0x0] =	vst.idx.msk $0xffff, v9  }
0x211: {  	v11 =	vor.u32 v44, v51;
	v9 =	vld.idx.msk [tilespmem:v13+s12+$0x0], $0xffff  }
0x212: {  	v36 =	vld [tilespmem:$0x1FE90];
	v13 =	vor.u32 v33, v52;
	_ =	sdelay $0x3  }
0x213: {  	[tilespmem:v11+s15+$0x0] =	vst.idx.msk $0xffff, v9  }
0x214: {  	v11 =	vor.u32 v36, v53;
	v9 =	vld.idx.msk [tilespmem:v13+s12+$0x0], $0xffff  }
0x215: {  	v37 =	vld [tilespmem:$0x1FEA0];
	v13 =	vor.u32 v33, v54;
	_ =	sdelay $0x3  }
0x216: {  	[tilespmem:v11+s15+$0x0] =	vst.idx.msk $0xffff, v9  }
0x217: {  	v11 =	vor.u32 v37, v55;
	v9 =	vld.idx.msk [tilespmem:v13+s12+$0x0], $0xffff  }
0x218: {  	v38 =	vld [tilespmem:$0x1FEB0];
	v13 =	vor.u32 v33, v56;
	_ =	sdelay $0x3  }
0x219: {  	[tilespmem:v11+s15+$0x0] =	vst.idx.msk $0xffff, v9  }
0x21a: {  	v11 =	vor.u32 v38, v57;
	v9 =	vld.idx.msk [tilespmem:v13+s12+$0x0], $0xffff  }
0x21b: {  	v39 =	vld [tilespmem:$0x1FEC0];
	v13 =	vor.u32 v33, v58;
	_ =	sdelay $0x3  }
0x21c: {  	[tilespmem:v11+s15+$0x0] =	vst.idx.msk $0xffff, v9  }
0x21d: {  	v11 =	vor.u32 v39, v59;
	v9 =	vld.idx.msk [tilespmem:v13+s12+$0x0], $0xffff  }
0x21e: {  	v44 =	vld [tilespmem:$0x1FED0];
	v13 =	vor.u32 v33, v60;
	_ =	sdelay $0x3  }
0x21f: {  	[tilespmem:v11+s15+$0x0] =	vst.idx.msk $0xffff, v9  }
0x220: {  	v11 =	vor.u32 v44, v61;
	v9 =	vld.idx.msk [tilespmem:v13+s12+$0x0], $0xffff  }
0x221: {  	v13 =	vor.u32 v33, v62;
	_ =	sdelay $0x3  }
0x222: {  	[tilespmem:v11+s15+$0x0] =	vst.idx.msk $0xffff, v9  }
0x223: {  	v11 =	vor.u32 v45, v63;
	v9 =	vld.idx.msk [tilespmem:v13+s12+$0x0], $0xffff  }
0x224: {  	v13 =	vor.u32 v33, v2;
	_ =	sdelay $0x3  }
0x225: {  	[tilespmem:v11+s15+$0x0] =	vst.idx.msk $0xffff, v9  }
0x226: {  	v11 =	vor.u32 v46, v4;
	v9 =	vld.idx.msk [tilespmem:v13+s12+$0x0], $0xffff  }
0x227: {  	v13 =	vor.u32 v33, v6;
	_ =	sdelay $0x3  }
0x228: {  	[tilespmem:v11+s15+$0x0] =	vst.idx.msk $0xffff, v9  }
0x229: {  	v11 =	vor.u32 v47, v8;
	v9 =	vld.idx.msk [tilespmem:v13+s12+$0x0], $0xffff  }
0x22a: {  	v13 =	vor.u32 v33, v10;
	_ =	sdelay $0x3  }
0x22b: {  	[tilespmem:v11+s15+$0x0] =	vst.idx.msk $0xffff, v9  }
0x22c: {  	v11 =	vor.u32 v36, v12;
	v9 =	vld.idx.msk [tilespmem:v13+s12+$0x0], $0xffff  }
0x22d: {  	v13 =	vor.u32 v33, v14;
	_ =	sdelay $0x3  }
0x22e: {  	[tilespmem:v11+s15+$0x0] =	vst.idx.msk $0xffff, v9  }
0x22f: {  	v11 =	vor.u32 v37, v15;
	v9 =	vld.idx.msk [tilespmem:v13+s12+$0x0], $0xffff  }
0x230: {  	v13 =	vor.u32 v33, v17;
	_ =	sdelay $0x3  }
0x231: {  	[tilespmem:v11+s15+$0x0] =	vst.idx.msk $0xffff, v9  }
0x232: {  	v11 =	vor.u32 v38, v18;
	v9 =	vld.idx.msk [tilespmem:v13+s12+$0x0], $0xffff  }
0x233: {  	v13 =	vor.u32 v33, v19;
	_ =	sdelay $0x3  }
0x234: {  	[tilespmem:v11+s15+$0x0] =	vst.idx.msk $0xffff, v9  }
0x235: {  	v11 =	vor.u32 v39, v20;
	v9 =	vld.idx.msk [tilespmem:v13+s12+$0x0], $0xffff  }
0x236: {  	v13 =	vor.u32 v33, v21;
	_ =	sdelay $0x3  }
0x237: {  	[tilespmem:v11+s15+$0x0] =	vst.idx.msk $0xffff, v9  }
0x238: {  	v11 =	vor.u32 v44, v22;
	v9 =	vld.idx.msk [tilespmem:v13+s12+$0x0], $0xffff  }
0x239: {  	v13 =	vor.u32 v33, v23;
	_ =	sdelay $0x3  }
0x23a: {  	[tilespmem:v11+s15+$0x0] =	vst.idx.msk $0xffff, v9  }
0x23b: {  	v11 =	vor.u32 v45, v1;
	v9 =	vld.idx.msk [tilespmem:v13+s12+$0x0], $0xffff  }
0x23c: {  	v13 =	vor.u32 v33, v3;
	_ =	sdelay $0x3  }
0x23d: {  	[tilespmem:v11+s15+$0x0] =	vst.idx.msk $0xffff, v9  }
0x23e: {  	v11 =	vor.u32 v46, v5;
	v9 =	vld.idx.msk [tilespmem:v13+s12+$0x0], $0xffff  }
0x23f: {  	v13 =	vor.u32 v33, v7;
	_ =	sdelay $0x3  }
0x240: {  	[tilespmem:v11+s15+$0x0] =	vst.idx.msk $0xffff, v9  }
0x241: {  	v11 =	vor.u32 v47, v51;
	v9 =	vld.idx.msk [tilespmem:v13+s12+$0x0], $0xffff  }
0x242: {  	v13 =	vor.u32 v42, v52;
	_ =	sdelay $0x3  }
0x243: {  	[tilespmem:v11+s15+$0x0] =	vst.idx.msk $0xffff, v9  }
0x244: {  	v11 =	vor.u32 v48, v53;
	v9 =	vld.idx.msk [tilespmem:v13+s12+$0x0], $0xffff  }
0x245: {  	v13 =	vor.u32 v42, v54;
	_ =	sdelay $0x3  }
0x246: {  	[tilespmem:v11+s15+$0x0] =	vst.idx.msk $0xffff, v9  }
0x247: {  	v11 =	vor.u32 v49, v55;
	v9 =	vld.idx.msk [tilespmem:v13+s12+$0x0], $0xffff  }
0x248: {  	v13 =	vor.u32 v42, v56;
	_ =	sdelay $0x3  }
0x249: {  	[tilespmem:v11+s15+$0x0] =	vst.idx.msk $0xffff, v9  }
0x24a: {  	v11 =	vor.u32 v50, v57;
	v9 =	vld.idx.msk [tilespmem:v13+s12+$0x0], $0xffff  }
0x24b: {  	v13 =	vor.u32 v42, v58;
	_ =	sdelay $0x3  }
0x24c: {  	[tilespmem:v11+s15+$0x0] =	vst.idx.msk $0xffff, v9  }
0x24d: {  	v11 =	vor.u32 v30, v59;
	v9 =	vld.idx.msk [tilespmem:v13+s12+$0x0], $0xffff  }
0x24e: {  	v13 =	vor.u32 v42, v60;
	_ =	sdelay $0x3  }
0x24f: {  	[tilespmem:v11+s15+$0x0] =	vst.idx.msk $0xffff, v9  }
0x250: {  	v11 =	vor.u32 v31, v61;
	v9 =	vld.idx.msk [tilespmem:v13+s12+$0x0], $0xffff  }
0x251: {  	v13 =	vor.u32 v42, v62;
	_ =	sdelay $0x3  }
0x252: {  	[tilespmem:v11+s15+$0x0] =	vst.idx.msk $0xffff, v9  }
0x253: {  	v11 =	vor.u32 v34, v63;
	v9 =	vld.idx.msk [tilespmem:v13+s12+$0x0], $0xffff  }
0x254: {  	v2 =	vor.u32 v42, v2;
	_ =	sdelay $0x3  }
0x255: {  	[tilespmem:v11+s15+$0x0] =	vst.idx.msk $0xffff, v9  }
0x256: {  	v4 =	vor.u32 v32, v4;
	v2 =	vld.idx.msk [tilespmem:v2+s12+$0x0], $0xffff  }
0x257: {  	v6 =	vor.u32 v42, v6;
	_ =	sdelay $0x3  }
0x258: {  	[tilespmem:v4+s15+$0x0] =	vst.idx.msk $0xffff, v2  }
0x259: {  	v4 =	vor.u32 v35, v8;
	v2 =	vld.idx.msk [tilespmem:v6+s12+$0x0], $0xffff  }
0x25a: {  	v6 =	vor.u32 v42, v10;
	_ =	sdelay $0x3  }
0x25b: {  	[tilespmem:v4+s15+$0x0] =	vst.idx.msk $0xffff, v2  }
0x25c: {  	v4 =	vor.u32 v48, v12;
	v2 =	vld.idx.msk [tilespmem:v6+s12+$0x0], $0xffff  }
0x25d: {  	v6 =	vor.u32 v42, v14;
	_ =	sdelay $0x3  }
0x25e: {  	[tilespmem:v4+s15+$0x0] =	vst.idx.msk $0xffff, v2  }
0x25f: {  	v4 =	vor.u32 v49, v15;
	v2 =	vld.idx.msk [tilespmem:v6+s12+$0x0], $0xffff  }
0x260: {  	v6 =	vor.u32 v42, v17;
	_ =	sdelay $0x3  }
0x261: {  	[tilespmem:v4+s15+$0x0] =	vst.idx.msk $0xffff, v2  }
0x262: {  	v4 =	vor.u32 v50, v18;
	v2 =	vld.idx.msk [tilespmem:v6+s12+$0x0], $0xffff  }
0x263: {  	v6 =	vor.u32 v42, v19;
	_ =	sdelay $0x3  }
0x264: {  	[tilespmem:v4+s15+$0x0] =	vst.idx.msk $0xffff, v2  }
0x265: {  	v4 =	vor.u32 v30, v20;
	v2 =	vld.idx.msk [tilespmem:v6+s12+$0x0], $0xffff  }
0x266: {  	v6 =	vor.u32 v42, v21;
	_ =	sdelay $0x3  }
0x267: {  	[tilespmem:v4+s15+$0x0] =	vst.idx.msk $0xffff, v2  }
0x268: {  	v4 =	vor.u32 v31, v22;
	v2 =	vld.idx.msk [tilespmem:v6+s12+$0x0], $0xffff  }
0x269: {  	v6 =	vor.u32 v42, v23;
	_ =	sdelay $0x3  }
0x26a: {  	[tilespmem:v4+s15+$0x0] =	vst.idx.msk $0xffff, v2  }
0x26b: {  	v1 =	vor.u32 v34, v1;
	v2 =	vld.idx.msk [tilespmem:v6+s12+$0x0], $0xffff  }
0x26c: {  	v3 =	vor.u32 v42, v3;
	_ =	sdelay $0x3  }
0x26d: {  	[tilespmem:v1+s15+$0x0] =	vst.idx.msk $0xffff, v2  }
0x26e: {  	v2 =	vor.u32 v32, v5;
	v1 =	vld.idx.msk [tilespmem:v3+s12+$0x0], $0xffff  }
0x26f: {  	p1 =	sne.s32 s24, $0x70;
	v3 =	vor.u32 v42, v7  }
.Ltmp0:
0x270: {  	_ = 	snop;
	(pc) =	sbr.rel @p1 .LBB2_3-.Ltmp0, $4  }
0x271: {  	v13 =	vld [tilespmem:$0x1FDF0]  }
0x272: {  	v11 =	vld [tilespmem:$0x1FDE0]  }
0x273: {  	s22 =	smov.u32 s24;
	v9 =	vld [tilespmem:$0x1FDD0];
	[tilespmem:v2+s15+$0x0] =	vst.idx.msk $0xffff, v1  }
0x274: {  	s24 =	sadd.s32 $0x10, s24;
	v8 =	vmov v35;
	v2 =	vor.u32 s22, v0;
	v3 =	vld.idx.msk [tilespmem:v3+s12+$0x0], $0xffff  }
0x275: {  	v44 =	vshll.u32 v2, $0x6;
	v4 =	vor.u32 v8, v51  }
0x276: {  	v5 =	vor.u32 v0, v44;
	_ =	sdelay $0x3  }
0x277: {  	v39 =	vand.u32 $0x78, v2;
	[tilespmem:v4+s15+$0x0] =	vst.idx.msk $0xffff, v3;
	v4 =	vor.u32 s22, v11  }
0x278: {  	v6 =	vor.u32 v9, v39;
	v5 =	vld.idx.msk [tilespmem:v5+s12+$0x0], $0xffff;
	v37 =	vshll.u32 v4, $0x6  }
0x279: {  	v7 =	vor.u32 v0, v37;
	_ =	sdelay $0x3  }
0x27a: {  	v1 =	vld [tilespmem:$0x1FF30];
	v38 =	vand.u32 $0x78, v4;
	[tilespmem:v6+s15+$0x0] =	vst.idx.msk $0xffff, v5  }
0x27b: {  	v8 =	vor.u32 v13, v38;
	v7 =	vld.idx.msk [tilespmem:v7+s12+$0x0], $0xffff;
	_ =	sdelay $0x3  }
0x27c: {  	v6 =	vor.u32 s22, v1  }
0x27d: {  	v5 =	vshll.u32 v6, $0x6;
	[tilespmem:v8+s15+$0x0] =	vst.idx.msk $0xffff, v7;
	v7 =	vld [tilespmem:$0x1FF10]  }
0x27e: {  	v1 =	vmov v9;
	v9 =	vor.u32 v0, v5;
	_ =	sdelay $0x3  }
0x27f: {  	v6 =	vand.u32 $0x78, v6;
	v8 =	vor.u32 s22, v7  }
0x280: {  	v10 =	vor.u32 v16, v6;
	v9 =	vld.idx.msk [tilespmem:v9+s12+$0x0], $0xffff;
	v7 =	vshll.u32 v8, $0x6  }
0x281: {  	v11 =	vor.u32 v0, v7;
	_ =	sdelay $0x3  }
0x282: {  	[tilespmem:v10+s15+$0x0] =	vst.idx.msk $0xffff, v9;
	v8 =	vand.u32 $0x78, v8;
	v9 =	vld [tilespmem:$0x1FFD0]  }
0x283: {  	v12 =	vor.u32 v25, v8;
	v11 =	vld.idx.msk [tilespmem:v11+s12+$0x0], $0xffff;
	_ =	sdelay $0x3  }
0x284: {  	v9 =	vor.u32 s22, v9  }
0x285: {  	v10 =	vshll.u32 v9, $0x6;
	[tilespmem:v12+s15+$0x0] =	vst.idx.msk $0xffff, v11;
	v12 =	vand.u32 $0x78, v9;
	v9 =	vld [tilespmem:$0x1FF20]  }
0x286: {  	v55 =	vor.u32 v0, v10;
	_ =	sdelay $0x3  }
0x287: {  	v9 =	vor.u32 s22, v9  }
0x288: {  	v11 =	vld.idx.msk [tilespmem:v55+s12+$0x0], $0xffff;
	v56 =	vor.u32 v26, v12;
	v14 =	vshll.u32 v9, $0x6  }
0x289: {  	v15 =	vand.u32 $0x78, v9;
	v9 =	vld [tilespmem:$0x1FFB0];
	v17 =	vor.u32 v0, v14;
	_ =	sdelay $0x3  }
0x28a: {  	[tilespmem:v56+s15+$0x0] =	vst.idx.msk $0xffff, v11  }
0x28b: {  	v9 =	vor.u32 s22, v9;
	v11 =	vld.idx.msk [tilespmem:v17+s12+$0x0], $0xffff  }
0x28c: {  	v57 =	vor.u32 v27, v15;
	v17 =	vshll.u32 v9, $0x6;
	v18 =	vand.u32 $0x78, v9;
	v9 =	vld [tilespmem:$0x1FFC0]  }
0x28d: {  	v19 =	vor.u32 v0, v17;
	_ =	sdelay $0x3  }
0x28e: {  	[tilespmem:v57+s15+$0x0] =	vst.idx.msk $0xffff, v11;
	v9 =	vor.u32 s22, v9  }
0x28f: {  	v58 =	vor.u32 v28, v18;
	v11 =	vld.idx.msk [tilespmem:v19+s12+$0x0], $0xffff;
	v19 =	vshll.u32 v9, $0x6  }
0x290: {  	v20 =	vand.u32 $0x78, v9;
	v9 =	vld [tilespmem:$0x1FF60];
	v21 =	vor.u32 v0, v19;
	_ =	sdelay $0x3  }
0x291: {  	[tilespmem:v58+s15+$0x0] =	vst.idx.msk $0xffff, v11  }
0x292: {  	v9 =	vor.u32 s22, v9;
	v11 =	vld.idx.msk [tilespmem:v21+s12+$0x0], $0xffff  }
0x293: {  	v59 =	vor.u32 v29, v20;
	v21 =	vshll.u32 v9, $0x6;
	v22 =	vand.u32 $0x78, v9;
	v9 =	vld [tilespmem:$0x1FF40]  }
0x294: {  	v23 =	vor.u32 v0, v21;
	_ =	sdelay $0x3  }
0x295: {  	v60 =	vor.u32 v1, v22;
	v1 =	vld [tilespmem:$0x1FF50];
	[tilespmem:v59+s15+$0x0] =	vst.idx.msk $0xffff, v11;
	v9 =	vor.u32 s22, v9  }
0x296: {  	v11 =	vld.idx.msk [tilespmem:v23+s12+$0x0], $0xffff;
	v23 =	vshll.u32 v9, $0x6  }
0x297: {  	v52 =	vor.u32 v0, v23;
	_ =	sdelay $0x3  }
0x298: {  	v2 =	vmov v13;
	v51 =	vand.u32 $0x78, v9;
	v9 =	vor.u32 s22, v1;
	v1 =	vld [tilespmem:$0x1FF70];
	[tilespmem:v60+s15+$0x0] =	vst.idx.msk $0xffff, v11  }
0x299: {  	v61 =	vor.u32 v2, v51;
	v11 =	vld.idx.msk [tilespmem:v52+s12+$0x0], $0xffff;
	v52 =	vshll.u32 v9, $0x6  }
0x29a: {  	v54 =	vor.u32 v0, v52;
	_ =	sdelay $0x3  }
0x29b: {  	v53 =	vand.u32 $0x78, v9;
	v9 =	vor.u32 s22, v1;
	v1 =	vld [tilespmem:$0x1FF80];
	[tilespmem:v61+s15+$0x0] =	vst.idx.msk $0xffff, v11  }
0x29c: {  	v62 =	vor.u32 v16, v53;
	v11 =	vld.idx.msk [tilespmem:v54+s12+$0x0], $0xffff;
	v54 =	vshll.u32 v9, $0x6  }
0x29d: {  	v56 =	vor.u32 v0, v54;
	_ =	sdelay $0x3  }
0x29e: {  	v55 =	vand.u32 $0x78, v9;
	v9 =	vor.u32 s22, v1;
	v1 =	vld [tilespmem:$0x1FF90];
	[tilespmem:v62+s15+$0x0] =	vst.idx.msk $0xffff, v11  }
0x29f: {  	v63 =	vor.u32 v25, v55;
	v11 =	vld.idx.msk [tilespmem:v56+s12+$0x0], $0xffff;
	v56 =	vshll.u32 v9, $0x6  }
0x2a0: {  	v58 =	vor.u32 v0, v56;
	_ =	sdelay $0x3  }
0x2a1: {  	v57 =	vand.u32 $0x78, v9;
	v9 =	vor.u32 s22, v1;
	v1 =	vld [tilespmem:$0x1FFA0];
	[tilespmem:v63+s15+$0x0] =	vst.idx.msk $0xffff, v11  }
0x2a2: {  	v36 =	vor.u32 v26, v57;
	v11 =	vld.idx.msk [tilespmem:v58+s12+$0x0], $0xffff;
	v58 =	vshll.u32 v9, $0x6  }
0x2a3: {  	v60 =	vor.u32 v0, v58;
	_ =	sdelay $0x3  }
0x2a4: {  	v59 =	vand.u32 $0x78, v9;
	v9 =	vor.u32 s22, v1;
	v1 =	vld [tilespmem:$0x1FE00];
	[tilespmem:v36+s15+$0x0] =	vst.idx.msk $0xffff, v11  }
0x2a5: {  	v40 =	vor.u32 v27, v59;
	v11 =	vld.idx.msk [tilespmem:v60+s12+$0x0], $0xffff;
	v60 =	vshll.u32 v9, $0x6  }
0x2a6: {  	v62 =	vor.u32 v0, v60;
	_ =	sdelay $0x3  }
0x2a7: {  	v61 =	vand.u32 $0x78, v9;
	v9 =	vor.u32 s22, v1;
	[tilespmem:v40+s15+$0x0] =	vst.idx.msk $0xffff, v11  }
0x2a8: {  	v41 =	vor.u32 v28, v61;
	v11 =	vld.idx.msk [tilespmem:v62+s12+$0x0], $0xffff;
	v62 =	vshll.u32 v9, $0x6  }
0x2a9: {  	v1 =	vor.u32 v0, v62;
	_ =	sdelay $0x3  }
0x2aa: {  	v63 =	vand.u32 $0x78, v9;
	[tilespmem:v41+s15+$0x0] =	vst.idx.msk $0xffff, v11  }
0x2ab: {  	v9 =	vor.u32 v29, v63;
	v1 =	vld.idx.msk [tilespmem:v1+s12+$0x0], $0xffff  }
0x2ac: {  	v13 =	vld [tilespmem:$0x1FE10];
	v11 =	vor.u32 v24, v44;
	_ =	sdelay $0x3  }
0x2ad: {  	[tilespmem:v9+s15+$0x0] =	vst.idx.msk $0xffff, v1  }
0x2ae: {  	v9 =	vor.u32 v13, v39;
	v1 =	vld.idx.msk [tilespmem:v11+s12+$0x0], $0xffff  }
0x2af: {  	v2 =	vld [tilespmem:$0x1FE20];
	v11 =	vor.u32 v24, v37;
	_ =	sdelay $0x3  }
0x2b0: {  	[tilespmem:v9+s15+$0x0] =	vst.idx.msk $0xffff, v1  }
0x2b1: {  	v9 =	vor.u32 v2, v38;
	v1 =	vld.idx.msk [tilespmem:v11+s12+$0x0], $0xffff  }
0x2b2: {  	v36 =	vld [tilespmem:$0x1FE30];
	v11 =	vor.u32 v24, v5;
	_ =	sdelay $0x3  }
0x2b3: {  	[tilespmem:v9+s15+$0x0] =	vst.idx.msk $0xffff, v1  }
0x2b4: {  	v9 =	vor.u32 v36, v6;
	v1 =	vld.idx.msk [tilespmem:v11+s12+$0x0], $0xffff  }
0x2b5: {  	v3 =	vld [tilespmem:$0x1FE40];
	v11 =	vor.u32 v24, v7;
	_ =	sdelay $0x3  }
0x2b6: {  	[tilespmem:v9+s15+$0x0] =	vst.idx.msk $0xffff, v1  }
0x2b7: {  	v9 =	vor.u32 v3, v8;
	v1 =	vld.idx.msk [tilespmem:v11+s12+$0x0], $0xffff  }
0x2b8: {  	v40 =	vld [tilespmem:$0x1FE50];
	v11 =	vor.u32 v24, v10;
	_ =	sdelay $0x3  }
0x2b9: {  	[tilespmem:v9+s15+$0x0] =	vst.idx.msk $0xffff, v1  }
0x2ba: {  	v9 =	vor.u32 v40, v12;
	v1 =	vld.idx.msk [tilespmem:v11+s12+$0x0], $0xffff  }
0x2bb: {  	v4 =	vld [tilespmem:$0x1FE60];
	v11 =	vor.u32 v24, v14;
	_ =	sdelay $0x3  }
0x2bc: {  	[tilespmem:v9+s15+$0x0] =	vst.idx.msk $0xffff, v1  }
0x2bd: {  	v9 =	vor.u32 v4, v15;
	v1 =	vld.idx.msk [tilespmem:v11+s12+$0x0], $0xffff  }
0x2be: {  	v41 =	vld [tilespmem:$0x1FE70];
	v11 =	vor.u32 v24, v17;
	_ =	sdelay $0x3  }
0x2bf: {  	[tilespmem:v9+s15+$0x0] =	vst.idx.msk $0xffff, v1  }
0x2c0: {  	v9 =	vor.u32 v41, v18;
	v1 =	vld.idx.msk [tilespmem:v11+s12+$0x0], $0xffff  }
0x2c1: {  	v43 =	vld [tilespmem:$0x1FE80];
	v11 =	vor.u32 v24, v19;
	_ =	sdelay $0x3  }
0x2c2: {  	[tilespmem:v9+s15+$0x0] =	vst.idx.msk $0xffff, v1  }
0x2c3: {  	v9 =	vor.u32 v43, v20;
	v1 =	vld.idx.msk [tilespmem:v11+s12+$0x0], $0xffff  }
0x2c4: {  	v11 =	vor.u32 v24, v21;
	_ =	sdelay $0x3  }
0x2c5: {  	[tilespmem:v9+s15+$0x0] =	vst.idx.msk $0xffff, v1  }
0x2c6: {  	v9 =	vor.u32 v13, v22;
	v1 =	vld.idx.msk [tilespmem:v11+s12+$0x0], $0xffff  }
0x2c7: {  	v11 =	vor.u32 v24, v23;
	_ =	sdelay $0x3  }
0x2c8: {  	[tilespmem:v9+s15+$0x0] =	vst.idx.msk $0xffff, v1  }
0x2c9: {  	v9 =	vor.u32 v2, v51;
	v1 =	vld.idx.msk [tilespmem:v11+s12+$0x0], $0xffff  }
0x2ca: {  	v11 =	vor.u32 v24, v52;
	_ =	sdelay $0x3  }
0x2cb: {  	[tilespmem:v9+s15+$0x0] =	vst.idx.msk $0xffff, v1  }
0x2cc: {  	v9 =	vor.u32 v36, v53;
	v1 =	vld.idx.msk [tilespmem:v11+s12+$0x0], $0xffff  }
0x2cd: {  	v11 =	vor.u32 v24, v54;
	_ =	sdelay $0x3  }
0x2ce: {  	[tilespmem:v9+s15+$0x0] =	vst.idx.msk $0xffff, v1  }
0x2cf: {  	v9 =	vor.u32 v3, v55;
	v1 =	vld.idx.msk [tilespmem:v11+s12+$0x0], $0xffff  }
0x2d0: {  	v11 =	vor.u32 v24, v56;
	_ =	sdelay $0x3  }
0x2d1: {  	[tilespmem:v9+s15+$0x0] =	vst.idx.msk $0xffff, v1  }
0x2d2: {  	v9 =	vor.u32 v40, v57;
	v1 =	vld.idx.msk [tilespmem:v11+s12+$0x0], $0xffff  }
0x2d3: {  	v11 =	vor.u32 v24, v58;
	_ =	sdelay $0x3  }
0x2d4: {  	[tilespmem:v9+s15+$0x0] =	vst.idx.msk $0xffff, v1  }
0x2d5: {  	v9 =	vor.u32 v4, v59;
	v1 =	vld.idx.msk [tilespmem:v11+s12+$0x0], $0xffff  }
0x2d6: {  	v11 =	vor.u32 v24, v60;
	_ =	sdelay $0x3  }
0x2d7: {  	[tilespmem:v9+s15+$0x0] =	vst.idx.msk $0xffff, v1  }
0x2d8: {  	v9 =	vor.u32 v41, v61;
	v1 =	vld.idx.msk [tilespmem:v11+s12+$0x0], $0xffff  }
0x2d9: {  	v11 =	vor.u32 v24, v62;
	_ =	sdelay $0x3  }
0x2da: {  	[tilespmem:v9+s15+$0x0] =	vst.idx.msk $0xffff, v1  }
0x2db: {  	v9 =	vor.u32 v43, v63;
	v1 =	vld.idx.msk [tilespmem:v11+s12+$0x0], $0xffff  }
0x2dc: {  	v40 =	vld [tilespmem:$0x1FE90];
	v11 =	vor.u32 v33, v44;
	_ =	sdelay $0x3  }
0x2dd: {  	[tilespmem:v9+s15+$0x0] =	vst.idx.msk $0xffff, v1  }
0x2de: {  	v9 =	vor.u32 v40, v39;
	v1 =	vld.idx.msk [tilespmem:v11+s12+$0x0], $0xffff  }
0x2df: {  	v43 =	vld [tilespmem:$0x1FEA0];
	v11 =	vor.u32 v33, v37;
	_ =	sdelay $0x3  }
0x2e0: {  	[tilespmem:v9+s15+$0x0] =	vst.idx.msk $0xffff, v1  }
0x2e1: {  	v9 =	vor.u32 v43, v38;
	v1 =	vld.idx.msk [tilespmem:v11+s12+$0x0], $0xffff  }
0x2e2: {  	v2 =	vld [tilespmem:$0x1FEB0];
	v11 =	vor.u32 v33, v5;
	_ =	sdelay $0x3  }
0x2e3: {  	[tilespmem:v9+s15+$0x0] =	vst.idx.msk $0xffff, v1  }
0x2e4: {  	v9 =	vor.u32 v2, v6;
	v1 =	vld.idx.msk [tilespmem:v11+s12+$0x0], $0xffff  }
0x2e5: {  	v3 =	vld [tilespmem:$0x1FEC0];
	v11 =	vor.u32 v33, v7;
	_ =	sdelay $0x3  }
0x2e6: {  	[tilespmem:v9+s15+$0x0] =	vst.idx.msk $0xffff, v1  }
0x2e7: {  	v9 =	vor.u32 v3, v8;
	v1 =	vld.idx.msk [tilespmem:v11+s12+$0x0], $0xffff  }
0x2e8: {  	v4 =	vld [tilespmem:$0x1FED0];
	v11 =	vor.u32 v33, v10;
	_ =	sdelay $0x3  }
0x2e9: {  	[tilespmem:v9+s15+$0x0] =	vst.idx.msk $0xffff, v1  }
0x2ea: {  	v9 =	vor.u32 v4, v12;
	v1 =	vld.idx.msk [tilespmem:v11+s12+$0x0], $0xffff  }
0x2eb: {  	v11 =	vor.u32 v33, v14;
	_ =	sdelay $0x3  }
0x2ec: {  	[tilespmem:v9+s15+$0x0] =	vst.idx.msk $0xffff, v1  }
0x2ed: {  	v9 =	vor.u32 v45, v15;
	v1 =	vld.idx.msk [tilespmem:v11+s12+$0x0], $0xffff  }
0x2ee: {  	v11 =	vor.u32 v33, v17;
	_ =	sdelay $0x3  }
0x2ef: {  	[tilespmem:v9+s15+$0x0] =	vst.idx.msk $0xffff, v1  }
0x2f0: {  	v9 =	vor.u32 v46, v18;
	v1 =	vld.idx.msk [tilespmem:v11+s12+$0x0], $0xffff  }
0x2f1: {  	v11 =	vor.u32 v33, v19;
	_ =	sdelay $0x3  }
0x2f2: {  	[tilespmem:v9+s15+$0x0] =	vst.idx.msk $0xffff, v1  }
0x2f3: {  	v9 =	vor.u32 v47, v20;
	v1 =	vld.idx.msk [tilespmem:v11+s12+$0x0], $0xffff  }
0x2f4: {  	v11 =	vor.u32 v33, v21;
	_ =	sdelay $0x3  }
0x2f5: {  	[tilespmem:v9+s15+$0x0] =	vst.idx.msk $0xffff, v1  }
0x2f6: {  	v9 =	vor.u32 v40, v22;
	v1 =	vld.idx.msk [tilespmem:v11+s12+$0x0], $0xffff  }
0x2f7: {  	v11 =	vor.u32 v33, v23;
	_ =	sdelay $0x3  }
0x2f8: {  	[tilespmem:v9+s15+$0x0] =	vst.idx.msk $0xffff, v1  }
0x2f9: {  	v9 =	vor.u32 v43, v51;
	v1 =	vld.idx.msk [tilespmem:v11+s12+$0x0], $0xffff  }
0x2fa: {  	v11 =	vor.u32 v33, v52;
	_ =	sdelay $0x3  }
0x2fb: {  	[tilespmem:v9+s15+$0x0] =	vst.idx.msk $0xffff, v1  }
0x2fc: {  	v9 =	vor.u32 v2, v53;
	v1 =	vld.idx.msk [tilespmem:v11+s12+$0x0], $0xffff  }
0x2fd: {  	v11 =	vor.u32 v33, v54;
	_ =	sdelay $0x3  }
0x2fe: {  	[tilespmem:v9+s15+$0x0] =	vst.idx.msk $0xffff, v1  }
0x2ff: {  	v9 =	vor.u32 v3, v55;
	v1 =	vld.idx.msk [tilespmem:v11+s12+$0x0], $0xffff  }
0x300: {  	v11 =	vor.u32 v33, v56;
	_ =	sdelay $0x3  }
0x301: {  	[tilespmem:v9+s15+$0x0] =	vst.idx.msk $0xffff, v1  }
0x302: {  	v9 =	vor.u32 v4, v57;
	v1 =	vld.idx.msk [tilespmem:v11+s12+$0x0], $0xffff  }
0x303: {  	v11 =	vor.u32 v33, v58;
	_ =	sdelay $0x3  }
0x304: {  	[tilespmem:v9+s15+$0x0] =	vst.idx.msk $0xffff, v1  }
0x305: {  	v9 =	vor.u32 v45, v59;
	v1 =	vld.idx.msk [tilespmem:v11+s12+$0x0], $0xffff  }
0x306: {  	v11 =	vor.u32 v33, v60;
	_ =	sdelay $0x3  }
0x307: {  	[tilespmem:v9+s15+$0x0] =	vst.idx.msk $0xffff, v1  }
0x308: {  	v9 =	vor.u32 v46, v61;
	v1 =	vld.idx.msk [tilespmem:v11+s12+$0x0], $0xffff  }
0x309: {  	v11 =	vor.u32 v33, v62;
	_ =	sdelay $0x3  }
0x30a: {  	[tilespmem:v9+s15+$0x0] =	vst.idx.msk $0xffff, v1  }
0x30b: {  	v9 =	vor.u32 v47, v63;
	v1 =	vld.idx.msk [tilespmem:v11+s12+$0x0], $0xffff  }
0x30c: {  	v11 =	vor.u32 v42, v44;
	_ =	sdelay $0x3  }
0x30d: {  	[tilespmem:v9+s15+$0x0] =	vst.idx.msk $0xffff, v1  }
0x30e: {  	v2 =	vor.u32 v48, v39;
	v1 =	vld.idx.msk [tilespmem:v11+s12+$0x0], $0xffff  }
0x30f: {  	v3 =	vor.u32 v42, v37;
	_ =	sdelay $0x3  }
0x310: {  	[tilespmem:v2+s15+$0x0] =	vst.idx.msk $0xffff, v1  }
0x311: {  	v2 =	vor.u32 v49, v38;
	v1 =	vld.idx.msk [tilespmem:v3+s12+$0x0], $0xffff  }
0x312: {  	v3 =	vor.u32 v42, v5;
	_ =	sdelay $0x3  }
0x313: {  	[tilespmem:v2+s15+$0x0] =	vst.idx.msk $0xffff, v1  }
0x314: {  	v2 =	vor.u32 v50, v6;
	v1 =	vld.idx.msk [tilespmem:v3+s12+$0x0], $0xffff  }
0x315: {  	v3 =	vor.u32 v42, v7;
	_ =	sdelay $0x3  }
0x316: {  	[tilespmem:v2+s15+$0x0] =	vst.idx.msk $0xffff, v1  }
0x317: {  	v2 =	vor.u32 v30, v8;
	v1 =	vld.idx.msk [tilespmem:v3+s12+$0x0], $0xffff  }
0x318: {  	v3 =	vor.u32 v42, v10;
	_ =	sdelay $0x3  }
0x319: {  	[tilespmem:v2+s15+$0x0] =	vst.idx.msk $0xffff, v1  }
0x31a: {  	v2 =	vor.u32 v31, v12;
	v1 =	vld.idx.msk [tilespmem:v3+s12+$0x0], $0xffff  }
0x31b: {  	v3 =	vor.u32 v42, v14;
	_ =	sdelay $0x3  }
0x31c: {  	[tilespmem:v2+s15+$0x0] =	vst.idx.msk $0xffff, v1  }
0x31d: {  	v2 =	vor.u32 v34, v15;
	v1 =	vld.idx.msk [tilespmem:v3+s12+$0x0], $0xffff  }
0x31e: {  	v3 =	vor.u32 v42, v17;
	_ =	sdelay $0x3  }
0x31f: {  	[tilespmem:v2+s15+$0x0] =	vst.idx.msk $0xffff, v1  }
0x320: {  	v2 =	vor.u32 v32, v18;
	v1 =	vld.idx.msk [tilespmem:v3+s12+$0x0], $0xffff  }
0x321: {  	v3 =	vor.u32 v42, v19;
	_ =	sdelay $0x3  }
0x322: {  	[tilespmem:v2+s15+$0x0] =	vst.idx.msk $0xffff, v1  }
0x323: {  	v2 =	vor.u32 v35, v20;
	v1 =	vld.idx.msk [tilespmem:v3+s12+$0x0], $0xffff  }
0x324: {  	v3 =	vor.u32 v42, v21;
	_ =	sdelay $0x3  }
0x325: {  	[tilespmem:v2+s15+$0x0] =	vst.idx.msk $0xffff, v1  }
0x326: {  	v2 =	vor.u32 v48, v22;
	v1 =	vld.idx.msk [tilespmem:v3+s12+$0x0], $0xffff  }
0x327: {  	v3 =	vor.u32 v42, v23;
	_ =	sdelay $0x3  }
0x328: {  	[tilespmem:v2+s15+$0x0] =	vst.idx.msk $0xffff, v1  }
0x329: {  	v2 =	vor.u32 v49, v51;
	v1 =	vld.idx.msk [tilespmem:v3+s12+$0x0], $0xffff  }
0x32a: {  	v3 =	vor.u32 v42, v52;
	_ =	sdelay $0x3  }
0x32b: {  	[tilespmem:v2+s15+$0x0] =	vst.idx.msk $0xffff, v1  }
0x32c: {  	v2 =	vor.u32 v50, v53;
	v1 =	vld.idx.msk [tilespmem:v3+s12+$0x0], $0xffff  }
0x32d: {  	v3 =	vor.u32 v42, v54;
	_ =	sdelay $0x3  }
0x32e: {  	[tilespmem:v2+s15+$0x0] =	vst.idx.msk $0xffff, v1  }
0x32f: {  	v2 =	vor.u32 v30, v55;
	v1 =	vld.idx.msk [tilespmem:v3+s12+$0x0], $0xffff  }
0x330: {  	v3 =	vor.u32 v42, v56;
	_ =	sdelay $0x3  }
0x331: {  	[tilespmem:v2+s15+$0x0] =	vst.idx.msk $0xffff, v1  }
0x332: {  	v2 =	vor.u32 v31, v57;
	v1 =	vld.idx.msk [tilespmem:v3+s12+$0x0], $0xffff  }
0x333: {  	v3 =	vor.u32 v42, v58;
	_ =	sdelay $0x3  }
0x334: {  	[tilespmem:v2+s15+$0x0] =	vst.idx.msk $0xffff, v1  }
0x335: {  	v2 =	vor.u32 v34, v59;
	v1 =	vld.idx.msk [tilespmem:v3+s12+$0x0], $0xffff  }
0x336: {  	v3 =	vor.u32 v42, v60;
	_ =	sdelay $0x3  }
0x337: {  	[tilespmem:v2+s15+$0x0] =	vst.idx.msk $0xffff, v1  }
0x338: {  	v2 =	vor.u32 v32, v61;
	v1 =	vld.idx.msk [tilespmem:v3+s12+$0x0], $0xffff  }
0x339: {  	v3 =	vor.u32 v42, v62;
	_ =	sdelay $0x3  }
0x33a: {  	[tilespmem:v2+s15+$0x0] =	vst.idx.msk $0xffff, v1  }
0x33b: {  	v2 =	vor.u32 v35, v63;
	v1 =	vld.idx.msk [tilespmem:v3+s12+$0x0], $0xffff;
	_ =	sdelay $0x1  }
0x33c: {  	p1 =	seq.s32 s21, $0x63  }
0x33d: {  	s22 =	sshll.u32 @!p1 s21, $0x8  }
0x33e: {  	s23 =	sor.u32 s4, s23;
	s25 =	simm.s32 @!p1 $0x80;
	s22 =	sand.u32 @!p1 $0x3FFFFF00, s22  }
0x33f: {  	s26 =	simm.s32 @!p1 $0x6400;
	s23 =	sshrl.u32 s23, $0x3;
	s24 =	sadd.s32 @!p1 $0x100, s22;
	[tilespmem:v2+s15+$0x0] =	vst.idx.msk $0xffff, v1  }
0x340: {  	[tilespmem:s26], [sflag:$0x1] =	stream.indirect.gather @!p1 [hbm4b:s3+s25], $0x40, s24, s25, $0xb8;
	[tilespmem:$0xE400] =	vst v63  }
0x341: {  	s30 =	sadd.s32 s5, s23  }
0x342: {  	[hbm4b:s30+s9] =	stream.strided.scatter [tilespmem:s15], [sflag:$0x3], $0x2000, s10, s9, $0x38;
	[tilespmem:$0xE400] =	vst v63  }
0x343: {  	_ =	swait.ge [sflag:s16], $0x2000  }
0x344: {  	s31 =	simm.s32 $0x0;
	[sflag:s16] =	ssyncset.done $0x0  }
0x345: {  	v2 =	vor.u32 s31, v0;
	s25 =	simm.s32 @!p0 $0x4;
	[sflag:s16] =	ssyncadd.s32 $0xFFFFE000  }
0x346: {  	v44 =	vshll.u32 v2, $0x6;
	_ =	swait.ge @!p0 [sflag:s25], $0x2000  }
0x347: {  	v3 =	vor.u32 v0, v44;
	v1 =	vld [tilespmem:$0x1FDE0]  }
0x348: {  	v62 =	vld [tilespmem:$0x1FDD0];
	_ =	sdelay $0x1  }
0x349: {  	[sflag:s25] =	ssyncset.done @!p0 $0x0  }
0x34a: {  	[sflag:s25] =	ssyncadd.s32 @!p0 $0xFFFFE000  }
0x34b: {  	v43 =	vand.u32 $0x78, v2;
	v5 =	vld.idx.msk [tilespmem:v3+s13+$0x0], $0xffff;
	v4 =	vor.u32 s31, v1  }
0x34c: {  	v6 =	vor.u32 v62, v43;
	v1 =	vld [tilespmem:$0x1FF30];
	v40 =	vshll.u32 v4, $0x6  }
0x34d: {  	v63 =	vld [tilespmem:$0x1FDF0];
	v7 =	vor.u32 v0, v40;
	_ =	sdelay $0x3  }
0x34e: {  	v41 =	vand.u32 $0x78, v4;
	[tilespmem:v6+s17+$0x0] =	vst.idx.msk $0xffff, v5;
	v6 =	vor.u32 s31, v1;
	v1 =	vld [tilespmem:$0x1FF10]  }
0x34f: {  	v8 =	vor.u32 v63, v41;
	v5 =	vshll.u32 v6, $0x6;
	v7 =	vld.idx.msk [tilespmem:v7+s13+$0x0], $0xffff  }
0x350: {  	v9 =	vor.u32 v0, v5;
	_ =	sdelay $0x3  }
0x351: {  	v6 =	vand.u32 $0x78, v6;
	[tilespmem:v8+s17+$0x0] =	vst.idx.msk $0xffff, v7;
	v8 =	vor.u32 s31, v1;
	v1 =	vld [tilespmem:$0x1FFD0]  }
0x352: {  	v10 =	vor.u32 v16, v6;
	v9 =	vld.idx.msk [tilespmem:v9+s13+$0x0], $0xffff;
	v7 =	vshll.u32 v8, $0x6  }
0x353: {  	v11 =	vor.u32 v0, v7;
	_ =	sdelay $0x3  }
0x354: {  	v8 =	vand.u32 $0x78, v8;
	[tilespmem:v10+s17+$0x0] =	vst.idx.msk $0xffff, v9;
	v9 =	vor.u32 s31, v1;
	v1 =	vld [tilespmem:$0x1FF20]  }
0x355: {  	v21 =	vor.u32 v25, v8;
	v11 =	vld.idx.msk [tilespmem:v11+s13+$0x0], $0xffff;
	v10 =	vshll.u32 v9, $0x6  }
0x356: {  	v22 =	vor.u32 v0, v10;
	_ =	sdelay $0x3  }
0x357: {  	v12 =	vand.u32 $0x78, v9;
	v9 =	vor.u32 s31, v1;
	v1 =	vld [tilespmem:$0x1FFB0];
	[tilespmem:v21+s17+$0x0] =	vst.idx.msk $0xffff, v11  }
0x358: {  	v23 =	vor.u32 v26, v12;
	v14 =	vshll.u32 v9, $0x6;
	v11 =	vld.idx.msk [tilespmem:v22+s13+$0x0], $0xffff  }
0x359: {  	v17 =	vor.u32 v0, v14;
	_ =	sdelay $0x3  }
0x35a: {  	v15 =	vand.u32 $0x78, v9;
	v9 =	vor.u32 s31, v1;
	v1 =	vld [tilespmem:$0x1FFC0];
	[tilespmem:v23+s17+$0x0] =	vst.idx.msk $0xffff, v11  }
0x35b: {  	v39 =	vor.u32 v27, v15;
	v11 =	vld.idx.msk [tilespmem:v17+s13+$0x0], $0xffff;
	v17 =	vshll.u32 v9, $0x6  }
0x35c: {  	v19 =	vor.u32 v0, v17;
	_ =	sdelay $0x3  }
0x35d: {  	v18 =	vand.u32 $0x78, v9;
	v9 =	vor.u32 s31, v1;
	v1 =	vld [tilespmem:$0x1FF60];
	[tilespmem:v39+s17+$0x0] =	vst.idx.msk $0xffff, v11  }
0x35e: {  	v51 =	vor.u32 v28, v18;
	v11 =	vld.idx.msk [tilespmem:v19+s13+$0x0], $0xffff;
	v19 =	vshll.u32 v9, $0x6  }
0x35f: {  	v52 =	vor.u32 v0, v19;
	_ =	sdelay $0x3  }
0x360: {  	v20 =	vand.u32 $0x78, v9;
	v9 =	vor.u32 s31, v1;
	v1 =	vld [tilespmem:$0x1FF40];
	[tilespmem:v51+s17+$0x0] =	vst.idx.msk $0xffff, v11  }
0x361: {  	v53 =	vor.u32 v29, v20;
	v21 =	vshll.u32 v9, $0x6;
	v11 =	vld.idx.msk [tilespmem:v52+s13+$0x0], $0xffff  }
0x362: {  	v54 =	vor.u32 v0, v21;
	_ =	sdelay $0x3  }
0x363: {  	v22 =	vand.u32 $0x78, v9;
	v9 =	vor.u32 s31, v1;
	v1 =	vld [tilespmem:$0x1FF50];
	[tilespmem:v53+s17+$0x0] =	vst.idx.msk $0xffff, v11  }
0x364: {  	v55 =	vor.u32 v62, v22;
	v23 =	vshll.u32 v9, $0x6;
	v11 =	vld.idx.msk [tilespmem:v54+s13+$0x0], $0xffff  }
0x365: {  	v56 =	vor.u32 v0, v23;
	_ =	sdelay $0x3  }
0x366: {  	v52 =	vand.u32 $0x78, v9;
	v9 =	vor.u32 s31, v1;
	v1 =	vld [tilespmem:$0x1FF70];
	[tilespmem:v55+s17+$0x0] =	vst.idx.msk $0xffff, v11  }
0x367: {  	v57 =	vor.u32 v63, v52;
	v53 =	vshll.u32 v9, $0x6;
	v11 =	vld.idx.msk [tilespmem:v56+s13+$0x0], $0xffff  }
0x368: {  	v58 =	vor.u32 v0, v53;
	_ =	sdelay $0x3  }
0x369: {  	v54 =	vand.u32 $0x78, v9;
	v9 =	vor.u32 s31, v1;
	v1 =	vld [tilespmem:$0x1FF80];
	[tilespmem:v57+s17+$0x0] =	vst.idx.msk $0xffff, v11  }
0x36a: {  	v59 =	vor.u32 v16, v54;
	v55 =	vshll.u32 v9, $0x6;
	v11 =	vld.idx.msk [tilespmem:v58+s13+$0x0], $0xffff  }
0x36b: {  	v60 =	vor.u32 v0, v55;
	_ =	sdelay $0x3  }
0x36c: {  	v56 =	vand.u32 $0x78, v9;
	v9 =	vor.u32 s31, v1;
	v1 =	vld [tilespmem:$0x1FF90];
	[tilespmem:v59+s17+$0x0] =	vst.idx.msk $0xffff, v11  }
0x36d: {  	v61 =	vor.u32 v25, v56;
	v57 =	vshll.u32 v9, $0x6;
	v11 =	vld.idx.msk [tilespmem:v60+s13+$0x0], $0xffff  }
0x36e: {  	v62 =	vor.u32 v0, v57;
	_ =	sdelay $0x3  }
0x36f: {  	v58 =	vand.u32 $0x78, v9;
	v9 =	vor.u32 s31, v1;
	v1 =	vld [tilespmem:$0x1FFA0];
	[tilespmem:v61+s17+$0x0] =	vst.idx.msk $0xffff, v11  }
0x370: {  	v63 =	vor.u32 v26, v58;
	v59 =	vshll.u32 v9, $0x6;
	v11 =	vld.idx.msk [tilespmem:v62+s13+$0x0], $0xffff  }
0x371: {  	v37 =	vor.u32 v0, v59;
	_ =	sdelay $0x3  }
0x372: {  	v60 =	vand.u32 $0x78, v9;
	v9 =	vor.u32 s31, v1;
	v1 =	vld [tilespmem:$0x1FE00];
	[tilespmem:v63+s17+$0x0] =	vst.idx.msk $0xffff, v11  }
0x373: {  	v38 =	vor.u32 v27, v60;
	v61 =	vshll.u32 v9, $0x6;
	v11 =	vld.idx.msk [tilespmem:v37+s13+$0x0], $0xffff  }
0x374: {  	v39 =	vor.u32 v0, v61;
	_ =	sdelay $0x3  }
0x375: {  	v62 =	vand.u32 $0x78, v9;
	v9 =	vor.u32 s31, v1;
	[tilespmem:v38+s17+$0x0] =	vst.idx.msk $0xffff, v11  }
0x376: {  	v51 =	vor.u32 v28, v62;
	v63 =	vshll.u32 v9, $0x6;
	v11 =	vld.idx.msk [tilespmem:v39+s13+$0x0], $0xffff  }
0x377: {  	v1 =	vor.u32 v0, v63;
	_ =	sdelay $0x3  }
0x378: {  	[tilespmem:v51+s17+$0x0] =	vst.idx.msk $0xffff, v11;
	v51 =	vand.u32 $0x78, v9  }
0x379: {  	v1 =	vld.idx.msk [tilespmem:v1+s13+$0x0], $0xffff;
	v9 =	vor.u32 v29, v51  }
0x37a: {  	v13 =	vld [tilespmem:$0x1FE10];
	v11 =	vor.u32 v24, v44;
	_ =	sdelay $0x3  }
0x37b: {  	[tilespmem:v9+s17+$0x0] =	vst.idx.msk $0xffff, v1  }
0x37c: {  	v9 =	vor.u32 v13, v43;
	v1 =	vld.idx.msk [tilespmem:v11+s13+$0x0], $0xffff  }
0x37d: {  	v37 =	vld [tilespmem:$0x1FE20];
	v11 =	vor.u32 v24, v40;
	_ =	sdelay $0x3  }
0x37e: {  	[tilespmem:v9+s17+$0x0] =	vst.idx.msk $0xffff, v1  }
0x37f: {  	v9 =	vor.u32 v37, v41;
	v1 =	vld.idx.msk [tilespmem:v11+s13+$0x0], $0xffff  }
0x380: {  	v11 =	vor.u32 v24, v5;
	_ =	sdelay $0x3  }
0x381: {  	[tilespmem:v9+s17+$0x0] =	vst.idx.msk $0xffff, v1  }
0x382: {  	v9 =	vor.u32 v36, v6;
	v1 =	vld.idx.msk [tilespmem:v11+s13+$0x0], $0xffff  }
0x383: {  	v38 =	vld [tilespmem:$0x1FE40];
	v11 =	vor.u32 v24, v7;
	_ =	sdelay $0x3  }
0x384: {  	[tilespmem:v9+s17+$0x0] =	vst.idx.msk $0xffff, v1  }
0x385: {  	v9 =	vor.u32 v38, v8;
	v1 =	vld.idx.msk [tilespmem:v11+s13+$0x0], $0xffff  }
0x386: {  	v2 =	vld [tilespmem:$0x1FE50];
	v11 =	vor.u32 v24, v10;
	_ =	sdelay $0x3  }
0x387: {  	[tilespmem:v9+s17+$0x0] =	vst.idx.msk $0xffff, v1  }
0x388: {  	v9 =	vor.u32 v2, v12;
	v1 =	vld.idx.msk [tilespmem:v11+s13+$0x0], $0xffff  }
0x389: {  	v39 =	vld [tilespmem:$0x1FE60];
	v11 =	vor.u32 v24, v14;
	_ =	sdelay $0x3  }
0x38a: {  	[tilespmem:v9+s17+$0x0] =	vst.idx.msk $0xffff, v1  }
0x38b: {  	v9 =	vor.u32 v39, v15;
	v1 =	vld.idx.msk [tilespmem:v11+s13+$0x0], $0xffff  }
0x38c: {  	v3 =	vld [tilespmem:$0x1FE70];
	v11 =	vor.u32 v24, v17;
	_ =	sdelay $0x3  }
0x38d: {  	[tilespmem:v9+s17+$0x0] =	vst.idx.msk $0xffff, v1  }
0x38e: {  	v9 =	vor.u32 v3, v18;
	v1 =	vld.idx.msk [tilespmem:v11+s13+$0x0], $0xffff  }
0x38f: {  	v4 =	vld [tilespmem:$0x1FE80];
	v11 =	vor.u32 v24, v19;
	_ =	sdelay $0x3  }
0x390: {  	[tilespmem:v9+s17+$0x0] =	vst.idx.msk $0xffff, v1  }
0x391: {  	v9 =	vor.u32 v4, v20;
	v1 =	vld.idx.msk [tilespmem:v11+s13+$0x0], $0xffff  }
0x392: {  	v11 =	vor.u32 v24, v21;
	_ =	sdelay $0x3  }
0x393: {  	[tilespmem:v9+s17+$0x0] =	vst.idx.msk $0xffff, v1  }
0x394: {  	v9 =	vor.u32 v13, v22;
	v1 =	vld.idx.msk [tilespmem:v11+s13+$0x0], $0xffff  }
0x395: {  	v11 =	vor.u32 v24, v23;
	_ =	sdelay $0x3  }
0x396: {  	[tilespmem:v9+s17+$0x0] =	vst.idx.msk $0xffff, v1  }
0x397: {  	v9 =	vor.u32 v37, v52;
	v1 =	vld.idx.msk [tilespmem:v11+s13+$0x0], $0xffff  }
0x398: {  	v11 =	vor.u32 v24, v53;
	_ =	sdelay $0x3  }
0x399: {  	[tilespmem:v9+s17+$0x0] =	vst.idx.msk $0xffff, v1  }
0x39a: {  	v9 =	vor.u32 v36, v54;
	v1 =	vld.idx.msk [tilespmem:v11+s13+$0x0], $0xffff  }
0x39b: {  	v11 =	vor.u32 v24, v55;
	_ =	sdelay $0x3  }
0x39c: {  	[tilespmem:v9+s17+$0x0] =	vst.idx.msk $0xffff, v1  }
0x39d: {  	v9 =	vor.u32 v38, v56;
	v1 =	vld.idx.msk [tilespmem:v11+s13+$0x0], $0xffff  }
0x39e: {  	v11 =	vor.u32 v24, v57;
	_ =	sdelay $0x3  }
0x39f: {  	[tilespmem:v9+s17+$0x0] =	vst.idx.msk $0xffff, v1  }
0x3a0: {  	v9 =	vor.u32 v2, v58;
	v1 =	vld.idx.msk [tilespmem:v11+s13+$0x0], $0xffff  }
0x3a1: {  	v11 =	vor.u32 v24, v59;
	_ =	sdelay $0x3  }
0x3a2: {  	[tilespmem:v9+s17+$0x0] =	vst.idx.msk $0xffff, v1  }
0x3a3: {  	v9 =	vor.u32 v39, v60;
	v1 =	vld.idx.msk [tilespmem:v11+s13+$0x0], $0xffff  }
0x3a4: {  	v11 =	vor.u32 v24, v61;
	_ =	sdelay $0x3  }
0x3a5: {  	[tilespmem:v9+s17+$0x0] =	vst.idx.msk $0xffff, v1  }
0x3a6: {  	v9 =	vor.u32 v3, v62;
	v1 =	vld.idx.msk [tilespmem:v11+s13+$0x0], $0xffff  }
0x3a7: {  	v11 =	vor.u32 v24, v63;
	_ =	sdelay $0x3  }
0x3a8: {  	[tilespmem:v9+s17+$0x0] =	vst.idx.msk $0xffff, v1  }
0x3a9: {  	v9 =	vor.u32 v4, v51;
	v1 =	vld.idx.msk [tilespmem:v11+s13+$0x0], $0xffff  }
0x3aa: {  	v2 =	vld [tilespmem:$0x1FE90];
	v11 =	vor.u32 v33, v44;
	_ =	sdelay $0x3  }
0x3ab: {  	[tilespmem:v9+s17+$0x0] =	vst.idx.msk $0xffff, v1  }
0x3ac: {  	v9 =	vor.u32 v2, v43;
	v1 =	vld.idx.msk [tilespmem:v11+s13+$0x0], $0xffff  }
0x3ad: {  	v13 =	vld [tilespmem:$0x1FEA0];
	v11 =	vor.u32 v33, v40;
	_ =	sdelay $0x3  }
0x3ae: {  	[tilespmem:v9+s17+$0x0] =	vst.idx.msk $0xffff, v1  }
0x3af: {  	v9 =	vor.u32 v13, v41;
	v1 =	vld.idx.msk [tilespmem:v11+s13+$0x0], $0xffff  }
0x3b0: {  	v36 =	vld [tilespmem:$0x1FEB0];
	v11 =	vor.u32 v33, v5;
	_ =	sdelay $0x3  }
0x3b1: {  	[tilespmem:v9+s17+$0x0] =	vst.idx.msk $0xffff, v1  }
0x3b2: {  	v9 =	vor.u32 v36, v6;
	v1 =	vld.idx.msk [tilespmem:v11+s13+$0x0], $0xffff  }
0x3b3: {  	v37 =	vld [tilespmem:$0x1FEC0];
	v11 =	vor.u32 v33, v7;
	_ =	sdelay $0x3  }
0x3b4: {  	[tilespmem:v9+s17+$0x0] =	vst.idx.msk $0xffff, v1  }
0x3b5: {  	v9 =	vor.u32 v37, v8;
	v1 =	vld.idx.msk [tilespmem:v11+s13+$0x0], $0xffff  }
0x3b6: {  	v38 =	vld [tilespmem:$0x1FED0];
	v11 =	vor.u32 v33, v10;
	_ =	sdelay $0x3  }
0x3b7: {  	[tilespmem:v9+s17+$0x0] =	vst.idx.msk $0xffff, v1  }
0x3b8: {  	v9 =	vor.u32 v38, v12;
	v1 =	vld.idx.msk [tilespmem:v11+s13+$0x0], $0xffff  }
0x3b9: {  	v11 =	vor.u32 v33, v14;
	_ =	sdelay $0x3  }
0x3ba: {  	[tilespmem:v9+s17+$0x0] =	vst.idx.msk $0xffff, v1  }
0x3bb: {  	v9 =	vor.u32 v45, v15;
	v1 =	vld.idx.msk [tilespmem:v11+s13+$0x0], $0xffff  }
0x3bc: {  	v11 =	vor.u32 v33, v17;
	_ =	sdelay $0x3  }
0x3bd: {  	[tilespmem:v9+s17+$0x0] =	vst.idx.msk $0xffff, v1  }
0x3be: {  	v9 =	vor.u32 v46, v18;
	v1 =	vld.idx.msk [tilespmem:v11+s13+$0x0], $0xffff  }
0x3bf: {  	v11 =	vor.u32 v33, v19;
	_ =	sdelay $0x3  }
0x3c0: {  	[tilespmem:v9+s17+$0x0] =	vst.idx.msk $0xffff, v1  }
0x3c1: {  	v9 =	vor.u32 v47, v20;
	v1 =	vld.idx.msk [tilespmem:v11+s13+$0x0], $0xffff  }
0x3c2: {  	v11 =	vor.u32 v33, v21;
	_ =	sdelay $0x3  }
0x3c3: {  	[tilespmem:v9+s17+$0x0] =	vst.idx.msk $0xffff, v1  }
0x3c4: {  	v9 =	vor.u32 v2, v22;
	v1 =	vld.idx.msk [tilespmem:v11+s13+$0x0], $0xffff  }
0x3c5: {  	v11 =	vor.u32 v33, v23;
	_ =	sdelay $0x3  }
0x3c6: {  	[tilespmem:v9+s17+$0x0] =	vst.idx.msk $0xffff, v1  }
0x3c7: {  	v9 =	vor.u32 v13, v52;
	v1 =	vld.idx.msk [tilespmem:v11+s13+$0x0], $0xffff  }
0x3c8: {  	v11 =	vor.u32 v33, v53;
	_ =	sdelay $0x3  }
0x3c9: {  	[tilespmem:v9+s17+$0x0] =	vst.idx.msk $0xffff, v1  }
0x3ca: {  	v9 =	vor.u32 v36, v54;
	v1 =	vld.idx.msk [tilespmem:v11+s13+$0x0], $0xffff  }
0x3cb: {  	v11 =	vor.u32 v33, v55;
	_ =	sdelay $0x3  }
0x3cc: {  	[tilespmem:v9+s17+$0x0] =	vst.idx.msk $0xffff, v1  }
0x3cd: {  	v9 =	vor.u32 v37, v56;
	v1 =	vld.idx.msk [tilespmem:v11+s13+$0x0], $0xffff  }
0x3ce: {  	v11 =	vor.u32 v33, v57;
	_ =	sdelay $0x3  }
0x3cf: {  	[tilespmem:v9+s17+$0x0] =	vst.idx.msk $0xffff, v1  }
0x3d0: {  	v9 =	vor.u32 v38, v58;
	v1 =	vld.idx.msk [tilespmem:v11+s13+$0x0], $0xffff  }
0x3d1: {  	v11 =	vor.u32 v33, v59;
	_ =	sdelay $0x3  }
0x3d2: {  	[tilespmem:v9+s17+$0x0] =	vst.idx.msk $0xffff, v1  }
0x3d3: {  	v9 =	vor.u32 v45, v60;
	v1 =	vld.idx.msk [tilespmem:v11+s13+$0x0], $0xffff  }
0x3d4: {  	v11 =	vor.u32 v33, v61;
	_ =	sdelay $0x3  }
0x3d5: {  	[tilespmem:v9+s17+$0x0] =	vst.idx.msk $0xffff, v1  }
0x3d6: {  	v9 =	vor.u32 v46, v62;
	v1 =	vld.idx.msk [tilespmem:v11+s13+$0x0], $0xffff  }
0x3d7: {  	v11 =	vor.u32 v33, v63;
	_ =	sdelay $0x3  }
0x3d8: {  	[tilespmem:v9+s17+$0x0] =	vst.idx.msk $0xffff, v1  }
0x3d9: {  	v9 =	vor.u32 v47, v51;
	v1 =	vld.idx.msk [tilespmem:v11+s13+$0x0], $0xffff  }
0x3da: {  	v11 =	vor.u32 v42, v44;
	_ =	sdelay $0x3  }
0x3db: {  	[tilespmem:v9+s17+$0x0] =	vst.idx.msk $0xffff, v1  }
0x3dc: {  	v2 =	vor.u32 v48, v43;
	v1 =	vld.idx.msk [tilespmem:v11+s13+$0x0], $0xffff  }
0x3dd: {  	v3 =	vor.u32 v42, v40;
	_ =	sdelay $0x3  }
0x3de: {  	[tilespmem:v2+s17+$0x0] =	vst.idx.msk $0xffff, v1  }
0x3df: {  	v2 =	vor.u32 v49, v41;
	v1 =	vld.idx.msk [tilespmem:v3+s13+$0x0], $0xffff  }
0x3e0: {  	v3 =	vor.u32 v42, v5;
	_ =	sdelay $0x3  }
0x3e1: {  	[tilespmem:v2+s17+$0x0] =	vst.idx.msk $0xffff, v1  }
0x3e2: {  	v2 =	vor.u32 v50, v6;
	v1 =	vld.idx.msk [tilespmem:v3+s13+$0x0], $0xffff  }
0x3e3: {  	v3 =	vor.u32 v42, v7;
	_ =	sdelay $0x3  }
0x3e4: {  	[tilespmem:v2+s17+$0x0] =	vst.idx.msk $0xffff, v1  }
0x3e5: {  	v2 =	vor.u32 v30, v8;
	v1 =	vld.idx.msk [tilespmem:v3+s13+$0x0], $0xffff  }
0x3e6: {  	v3 =	vor.u32 v42, v10;
	_ =	sdelay $0x3  }
0x3e7: {  	[tilespmem:v2+s17+$0x0] =	vst.idx.msk $0xffff, v1  }
0x3e8: {  	v2 =	vor.u32 v31, v12;
	v1 =	vld.idx.msk [tilespmem:v3+s13+$0x0], $0xffff  }
0x3e9: {  	v3 =	vor.u32 v42, v14;
	_ =	sdelay $0x3  }
0x3ea: {  	[tilespmem:v2+s17+$0x0] =	vst.idx.msk $0xffff, v1  }
0x3eb: {  	v2 =	vor.u32 v34, v15;
	v1 =	vld.idx.msk [tilespmem:v3+s13+$0x0], $0xffff  }
0x3ec: {  	v3 =	vor.u32 v42, v17;
	_ =	sdelay $0x3  }
0x3ed: {  	[tilespmem:v2+s17+$0x0] =	vst.idx.msk $0xffff, v1  }
0x3ee: {  	v2 =	vor.u32 v32, v18;
	v1 =	vld.idx.msk [tilespmem:v3+s13+$0x0], $0xffff  }
0x3ef: {  	v3 =	vor.u32 v42, v19;
	_ =	sdelay $0x3  }
0x3f0: {  	[tilespmem:v2+s17+$0x0] =	vst.idx.msk $0xffff, v1  }
0x3f1: {  	v2 =	vor.u32 v35, v20;
	v1 =	vld.idx.msk [tilespmem:v3+s13+$0x0], $0xffff  }
0x3f2: {  	v3 =	vor.u32 v42, v21;
	_ =	sdelay $0x3  }
0x3f3: {  	[tilespmem:v2+s17+$0x0] =	vst.idx.msk $0xffff, v1  }
0x3f4: {  	v2 =	vor.u32 v48, v22;
	v1 =	vld.idx.msk [tilespmem:v3+s13+$0x0], $0xffff  }
0x3f5: {  	v3 =	vor.u32 v42, v23;
	_ =	sdelay $0x3  }
0x3f6: {  	[tilespmem:v2+s17+$0x0] =	vst.idx.msk $0xffff, v1  }
0x3f7: {  	v2 =	vor.u32 v49, v52;
	v1 =	vld.idx.msk [tilespmem:v3+s13+$0x0], $0xffff  }
0x3f8: {  	v3 =	vor.u32 v42, v53;
	_ =	sdelay $0x3  }
0x3f9: {  	[tilespmem:v2+s17+$0x0] =	vst.idx.msk $0xffff, v1  }
0x3fa: {  	v2 =	vor.u32 v50, v54;
	v1 =	vld.idx.msk [tilespmem:v3+s13+$0x0], $0xffff  }
0x3fb: {  	v3 =	vor.u32 v42, v55;
	_ =	sdelay $0x3  }
0x3fc: {  	[tilespmem:v2+s17+$0x0] =	vst.idx.msk $0xffff, v1  }
0x3fd: {  	v2 =	vor.u32 v30, v56;
	v1 =	vld.idx.msk [tilespmem:v3+s13+$0x0], $0xffff  }
0x3fe: {  	v3 =	vor.u32 v42, v57;
	_ =	sdelay $0x3  }
0x3ff: {  	[tilespmem:v2+s17+$0x0] =	vst.idx.msk $0xffff, v1  }
0x400: {  	v2 =	vor.u32 v31, v58;
	v1 =	vld.idx.msk [tilespmem:v3+s13+$0x0], $0xffff  }
0x401: {  	v3 =	vor.u32 v42, v59;
	_ =	sdelay $0x3  }
0x402: {  	[tilespmem:v2+s17+$0x0] =	vst.idx.msk $0xffff, v1  }
0x403: {  	v2 =	vor.u32 v34, v60;
	v1 =	vld.idx.msk [tilespmem:v3+s13+$0x0], $0xffff  }
0x404: {  	v3 =	vor.u32 v42, v61;
	_ =	sdelay $0x3  }
0x405: {  	[tilespmem:v2+s17+$0x0] =	vst.idx.msk $0xffff, v1  }
0x406: {  	v2 =	vor.u32 v32, v62;
	v1 =	vld.idx.msk [tilespmem:v3+s13+$0x0], $0xffff  }
0x407: {  	v3 =	vor.u32 v42, v63;
	_ =	sdelay $0x3  }
0x408: {  	s24 =	simm.s32 $0x10;
	[tilespmem:v2+s17+$0x0] =	vst.idx.msk $0xffff, v1  }
0x409: {  	s25 =	simm.s32 $0x20;
	v8 =	vmov v35;
	v2 =	vor.u32 s24, v0;
	v3 =	vld.idx.msk [tilespmem:v3+s13+$0x0], $0xffff  }
.LBB2_5:
0x40a: {  	v52 =	vshll.u32 v2, $0x6;
	v1 =	vor.u32 v8, v51;
	v53 =	vand.u32 $0x78, v2;
	v2 =	vld [tilespmem:$0x1FDE0]  }
0x40b: {  	v9 =	vld [tilespmem:$0x1FDD0];
	v4 =	vor.u32 v0, v52;
	_ =	sdelay $0x3  }
0x40c: {  	[tilespmem:v1+s17+$0x0] =	vst.idx.msk $0xffff, v3;
	v2 =	vor.u32 s24, v2  }
0x40d: {  	v3 =	vor.u32 v9, v53;
	v1 =	vld.idx.msk [tilespmem:v4+s13+$0x0], $0xffff;
	v54 =	vshll.u32 v2, $0x6  }
0x40e: {  	v55 =	vand.u32 $0x78, v2;
	v2 =	vld [tilespmem:$0x1FF30];
	v4 =	vor.u32 v0, v54  }
0x40f: {  	v11 =	vld [tilespmem:$0x1FDF0];
	_ =	sdelay $0x2  }
0x410: {  	[tilespmem:v3+s17+$0x0] =	vst.idx.msk $0xffff, v1  }
0x411: {  	v2 =	vor.u32 s24, v2;
	v1 =	vld.idx.msk [tilespmem:v4+s13+$0x0], $0xffff  }
0x412: {  	v3 =	vor.u32 v11, v55;
	v56 =	vshll.u32 v2, $0x6;
	v57 =	vand.u32 $0x78, v2;
	v2 =	vld [tilespmem:$0x1FF10]  }
0x413: {  	v4 =	vor.u32 v0, v56;
	_ =	sdelay $0x3  }
0x414: {  	[tilespmem:v3+s17+$0x0] =	vst.idx.msk $0xffff, v1;
	v2 =	vor.u32 s24, v2  }
0x415: {  	v3 =	vor.u32 v16, v57;
	v1 =	vld.idx.msk [tilespmem:v4+s13+$0x0], $0xffff;
	v58 =	vshll.u32 v2, $0x6  }
0x416: {  	v59 =	vand.u32 $0x78, v2;
	v2 =	vld [tilespmem:$0x1FFD0];
	v4 =	vor.u32 v0, v58;
	_ =	sdelay $0x3  }
0x417: {  	[tilespmem:v3+s17+$0x0] =	vst.idx.msk $0xffff, v1  }
0x418: {  	v2 =	vor.u32 s24, v2;
	v1 =	vld.idx.msk [tilespmem:v4+s13+$0x0], $0xffff  }
0x419: {  	v3 =	vor.u32 v25, v59;
	v60 =	vshll.u32 v2, $0x6;
	v61 =	vand.u32 $0x78, v2;
	v2 =	vld [tilespmem:$0x1FF20]  }
0x41a: {  	v4 =	vor.u32 v0, v60;
	_ =	sdelay $0x3  }
0x41b: {  	[tilespmem:v3+s17+$0x0] =	vst.idx.msk $0xffff, v1;
	v2 =	vor.u32 s24, v2  }
0x41c: {  	v3 =	vor.u32 v26, v61;
	v1 =	vld.idx.msk [tilespmem:v4+s13+$0x0], $0xffff;
	v62 =	vshll.u32 v2, $0x6  }
0x41d: {  	v4 =	vor.u32 v0, v62;
	_ =	sdelay $0x2  }
0x41e: {  	v63 =	vand.u32 $0x78, v2;
	v2 =	vld [tilespmem:$0x1FFB0]  }
0x41f: {  	[tilespmem:v3+s17+$0x0] =	vst.idx.msk $0xffff, v1  }
0x420: {  	v1 =	vld.idx.msk [tilespmem:v4+s13+$0x0], $0xffff;
	v4 =	vor.u32 v27, v63;
	_ =	sdelay $0x2  }
0x421: {  	v3 =	vor.u32 s24, v2  }
0x422: {  	v2 =	vshll.u32 v3, $0x6  }
0x423: {  	v5 =	vor.u32 v0, v2;
	[tilespmem:v4+s17+$0x0] =	vst.idx.msk $0xffff, v1;
	v4 =	vand.u32 $0x78, v3;
	v3 =	vld [tilespmem:$0x1FFC0];
	_ =	sdelay $0x4  }
0x424: {  	v1 =	vld.idx.msk [tilespmem:v5+s13+$0x0], $0xffff;
	v3 =	vor.u32 s24, v3  }
0x425: {  	v5 =	vor.u32 v28, v4;
	v6 =	vshll.u32 v3, $0x6;
	v8 =	vand.u32 $0x78, v3;
	v3 =	vld [tilespmem:$0x1FF60]  }
0x426: {  	v7 =	vor.u32 v0, v6;
	_ =	sdelay $0x3  }
0x427: {  	[tilespmem:v5+s17+$0x0] =	vst.idx.msk $0xffff, v1;
	v3 =	vor.u32 s24, v3  }
0x428: {  	v5 =	vor.u32 v29, v8;
	v1 =	vld.idx.msk [tilespmem:v7+s13+$0x0], $0xffff;
	v10 =	vshll.u32 v3, $0x6  }
0x429: {  	v12 =	vand.u32 $0x78, v3;
	v3 =	vld [tilespmem:$0x1FF40];
	v7 =	vor.u32 v0, v10;
	_ =	sdelay $0x3  }
0x42a: {  	[tilespmem:v5+s17+$0x0] =	vst.idx.msk $0xffff, v1  }
0x42b: {  	v3 =	vor.u32 s24, v3;
	v1 =	vld.idx.msk [tilespmem:v7+s13+$0x0], $0xffff  }
0x42c: {  	v5 =	vor.u32 v9, v12;
	v14 =	vshll.u32 v3, $0x6;
	v15 =	vand.u32 $0x78, v3;
	v3 =	vld [tilespmem:$0x1FF50]  }
0x42d: {  	v7 =	vor.u32 v0, v14;
	_ =	sdelay $0x3  }
0x42e: {  	[tilespmem:v5+s17+$0x0] =	vst.idx.msk $0xffff, v1;
	v3 =	vor.u32 s24, v3  }
0x42f: {  	v5 =	vor.u32 v11, v15;
	v1 =	vld.idx.msk [tilespmem:v7+s13+$0x0], $0xffff;
	v17 =	vshll.u32 v3, $0x6  }
0x430: {  	v18 =	vand.u32 $0x78, v3;
	v3 =	vld [tilespmem:$0x1FF70];
	v7 =	vor.u32 v0, v17;
	_ =	sdelay $0x3  }
0x431: {  	[tilespmem:v5+s17+$0x0] =	vst.idx.msk $0xffff, v1  }
0x432: {  	v3 =	vor.u32 s24, v3;
	v1 =	vld.idx.msk [tilespmem:v7+s13+$0x0], $0xffff  }
0x433: {  	v5 =	vor.u32 v16, v18;
	v19 =	vshll.u32 v3, $0x6;
	v20 =	vand.u32 $0x78, v3;
	v3 =	vld [tilespmem:$0x1FF80]  }
0x434: {  	v7 =	vor.u32 v0, v19;
	_ =	sdelay $0x3  }
0x435: {  	[tilespmem:v5+s17+$0x0] =	vst.idx.msk $0xffff, v1;
	v3 =	vor.u32 s24, v3  }
0x436: {  	v5 =	vor.u32 v25, v20;
	v1 =	vld.idx.msk [tilespmem:v7+s13+$0x0], $0xffff;
	v21 =	vshll.u32 v3, $0x6  }
0x437: {  	v22 =	vand.u32 $0x78, v3;
	v3 =	vld [tilespmem:$0x1FF90];
	v7 =	vor.u32 v0, v21;
	_ =	sdelay $0x3  }
0x438: {  	[tilespmem:v5+s17+$0x0] =	vst.idx.msk $0xffff, v1  }
0x439: {  	v3 =	vor.u32 s24, v3;
	v5 =	vor.u32 v26, v22;
	v1 =	vld.idx.msk [tilespmem:v7+s13+$0x0], $0xffff  }
0x43a: {  	v23 =	vshll.u32 v3, $0x6  }
0x43b: {  	v7 =	vor.u32 v0, v23;
	_ =	sdelay $0x2  }
0x43c: {  	[tilespmem:v5+s17+$0x0] =	vst.idx.msk $0xffff, v1;
	v1 =	vand.u32 $0x78, v3;
	v3 =	vld [tilespmem:$0x1FFA0];
	_ =	sdelay $0x1  }
0x43d: {  	v5 =	vld.idx.msk [tilespmem:v7+s13+$0x0], $0xffff;
	v9 =	vor.u32 v27, v1;
	_ =	sdelay $0x2  }
0x43e: {  	v7 =	vor.u32 s24, v3  }
0x43f: {  	v3 =	vshll.u32 v7, $0x6  }
0x440: {  	[tilespmem:v9+s17+$0x0] =	vst.idx.msk $0xffff, v5;
	v5 =	vand.u32 $0x78, v7;
	v7 =	vld [tilespmem:$0x1FE00];
	v11 =	vor.u32 v0, v3;
	_ =	sdelay $0x4  }
0x441: {  	v9 =	vld.idx.msk [tilespmem:v11+s13+$0x0], $0xffff;
	v11 =	vor.u32 s24, v7  }
0x442: {  	v13 =	vor.u32 v28, v5;
	v7 =	vshll.u32 v11, $0x6  }
0x443: {  	v38 =	vor.u32 v0, v7;
	_ =	sdelay $0x3  }
0x444: {  	v51 =	vand.u32 $0x78, v11;
	[tilespmem:v13+s17+$0x0] =	vst.idx.msk $0xffff, v9  }
0x445: {  	v11 =	vor.u32 v29, v51;
	v9 =	vld.idx.msk [tilespmem:v38+s13+$0x0], $0xffff  }
0x446: {  	v36 =	vld [tilespmem:$0x1FE10];
	v39 =	vor.u32 v24, v52;
	_ =	sdelay $0x3  }
0x447: {  	[tilespmem:v11+s17+$0x0] =	vst.idx.msk $0xffff, v9  }
0x448: {  	v11 =	vor.u32 v36, v53;
	v9 =	vld.idx.msk [tilespmem:v39+s13+$0x0], $0xffff  }
0x449: {  	v40 =	vor.u32 v24, v54;
	v38 =	vld [tilespmem:$0x1FE20];
	_ =	sdelay $0x3  }
0x44a: {  	[tilespmem:v11+s17+$0x0] =	vst.idx.msk $0xffff, v9  }
0x44b: {  	v11 =	vor.u32 v38, v55;
	v9 =	vld.idx.msk [tilespmem:v40+s13+$0x0], $0xffff  }
0x44c: {  	v37 =	vld [tilespmem:$0x1FE30];
	v41 =	vor.u32 v24, v56;
	_ =	sdelay $0x3  }
0x44d: {  	[tilespmem:v11+s17+$0x0] =	vst.idx.msk $0xffff, v9  }
0x44e: {  	v11 =	vor.u32 v37, v57;
	v9 =	vld.idx.msk [tilespmem:v41+s13+$0x0], $0xffff  }
0x44f: {  	v43 =	vor.u32 v24, v58;
	v39 =	vld [tilespmem:$0x1FE40];
	_ =	sdelay $0x3  }
0x450: {  	[tilespmem:v11+s17+$0x0] =	vst.idx.msk $0xffff, v9  }
0x451: {  	v11 =	vor.u32 v39, v59;
	v9 =	vld.idx.msk [tilespmem:v43+s13+$0x0], $0xffff  }
0x452: {  	v44 =	vor.u32 v24, v60;
	v41 =	vld [tilespmem:$0x1FE50];
	_ =	sdelay $0x3  }
0x453: {  	[tilespmem:v11+s17+$0x0] =	vst.idx.msk $0xffff, v9  }
0x454: {  	v11 =	vor.u32 v41, v61;
	v9 =	vld.idx.msk [tilespmem:v44+s13+$0x0], $0xffff  }
0x455: {  	v40 =	vor.u32 v24, v62;
	_ =	sdelay $0x3  }
0x456: {  	[tilespmem:v11+s17+$0x0] =	vst.idx.msk $0xffff, v9  }
0x457: {  	v9 =	vld.idx.msk [tilespmem:v40+s13+$0x0], $0xffff  }
0x458: {  	v40 =	vld [tilespmem:$0x1FE60];
	_ =	sdelay $0x4  }
0x459: {  	v11 =	vor.u32 v40, v63  }
0x45a: {  	v43 =	vor.u32 v24, v2;
	_ =	sdelay $0x3  }
0x45b: {  	[tilespmem:v11+s17+$0x0] =	vst.idx.msk $0xffff, v9  }
0x45c: {  	v9 =	vld.idx.msk [tilespmem:v43+s13+$0x0], $0xffff  }
0x45d: {  	v43 =	vld [tilespmem:$0x1FE70];
	_ =	sdelay $0x4  }
0x45e: {  	v11 =	vor.u32 v43, v4  }
0x45f: {  	v44 =	vor.u32 v24, v6;
	_ =	sdelay $0x3  }
0x460: {  	[tilespmem:v11+s17+$0x0] =	vst.idx.msk $0xffff, v9  }
0x461: {  	v9 =	vld.idx.msk [tilespmem:v44+s13+$0x0], $0xffff  }
0x462: {  	v44 =	vld [tilespmem:$0x1FE80];
	_ =	sdelay $0x4  }
0x463: {  	v11 =	vor.u32 v44, v8  }
0x464: {  	v13 =	vor.u32 v24, v10;
	_ =	sdelay $0x3  }
0x465: {  	[tilespmem:v11+s17+$0x0] =	vst.idx.msk $0xffff, v9  }
0x466: {  	v11 =	vor.u32 v36, v12;
	v9 =	vld.idx.msk [tilespmem:v13+s13+$0x0], $0xffff  }
0x467: {  	v36 =	vor.u32 v24, v14;
	_ =	sdelay $0x3  }
0x468: {  	[tilespmem:v11+s17+$0x0] =	vst.idx.msk $0xffff, v9  }
0x469: {  	v11 =	vor.u32 v38, v15;
	v9 =	vld.idx.msk [tilespmem:v36+s13+$0x0], $0xffff  }
0x46a: {  	v36 =	vor.u32 v24, v17;
	_ =	sdelay $0x3  }
0x46b: {  	[tilespmem:v11+s17+$0x0] =	vst.idx.msk $0xffff, v9  }
0x46c: {  	v11 =	vor.u32 v37, v18;
	v9 =	vld.idx.msk [tilespmem:v36+s13+$0x0], $0xffff  }
0x46d: {  	v38 =	vor.u32 v24, v19;
	_ =	sdelay $0x3  }
0x46e: {  	[tilespmem:v11+s17+$0x0] =	vst.idx.msk $0xffff, v9  }
0x46f: {  	v11 =	vor.u32 v39, v20;
	v9 =	vld.idx.msk [tilespmem:v38+s13+$0x0], $0xffff  }
0x470: {  	v39 =	vor.u32 v24, v21;
	_ =	sdelay $0x3  }
0x471: {  	[tilespmem:v11+s17+$0x0] =	vst.idx.msk $0xffff, v9  }
0x472: {  	v11 =	vor.u32 v41, v22;
	v9 =	vld.idx.msk [tilespmem:v39+s13+$0x0], $0xffff  }
0x473: {  	v41 =	vor.u32 v24, v23;
	_ =	sdelay $0x3  }
0x474: {  	[tilespmem:v11+s17+$0x0] =	vst.idx.msk $0xffff, v9  }
0x475: {  	v11 =	vor.u32 v40, v1;
	v9 =	vld.idx.msk [tilespmem:v41+s13+$0x0], $0xffff  }
0x476: {  	v36 =	vor.u32 v24, v3;
	_ =	sdelay $0x3  }
0x477: {  	[tilespmem:v11+s17+$0x0] =	vst.idx.msk $0xffff, v9  }
0x478: {  	v11 =	vor.u32 v43, v5;
	v9 =	vld.idx.msk [tilespmem:v36+s13+$0x0], $0xffff  }
0x479: {  	v37 =	vor.u32 v24, v7;
	_ =	sdelay $0x3  }
0x47a: {  	[tilespmem:v11+s17+$0x0] =	vst.idx.msk $0xffff, v9  }
0x47b: {  	v11 =	vor.u32 v44, v51;
	v9 =	vld.idx.msk [tilespmem:v37+s13+$0x0], $0xffff  }
0x47c: {  	v38 =	vor.u32 v33, v52;
	v36 =	vld [tilespmem:$0x1FE90];
	_ =	sdelay $0x3  }
0x47d: {  	[tilespmem:v11+s17+$0x0] =	vst.idx.msk $0xffff, v9  }
0x47e: {  	v11 =	vor.u32 v36, v53;
	v9 =	vld.idx.msk [tilespmem:v38+s13+$0x0], $0xffff  }
0x47f: {  	v39 =	vor.u32 v33, v54;
	v37 =	vld [tilespmem:$0x1FEA0];
	_ =	sdelay $0x3  }
0x480: {  	[tilespmem:v11+s17+$0x0] =	vst.idx.msk $0xffff, v9  }
0x481: {  	v11 =	vor.u32 v37, v55;
	v9 =	vld.idx.msk [tilespmem:v39+s13+$0x0], $0xffff  }
0x482: {  	v40 =	vor.u32 v33, v56;
	v38 =	vld [tilespmem:$0x1FEB0];
	_ =	sdelay $0x3  }
0x483: {  	[tilespmem:v11+s17+$0x0] =	vst.idx.msk $0xffff, v9  }
0x484: {  	v11 =	vor.u32 v38, v57;
	v9 =	vld.idx.msk [tilespmem:v40+s13+$0x0], $0xffff  }
0x485: {  	v41 =	vor.u32 v33, v58;
	v39 =	vld [tilespmem:$0x1FEC0];
	_ =	sdelay $0x3  }
0x486: {  	[tilespmem:v11+s17+$0x0] =	vst.idx.msk $0xffff, v9  }
0x487: {  	v11 =	vor.u32 v39, v59;
	v9 =	vld.idx.msk [tilespmem:v41+s13+$0x0], $0xffff  }
0x488: {  	v43 =	vor.u32 v33, v60;
	v40 =	vld [tilespmem:$0x1FED0];
	_ =	sdelay $0x3  }
0x489: {  	[tilespmem:v11+s17+$0x0] =	vst.idx.msk $0xffff, v9  }
0x48a: {  	v11 =	vor.u32 v40, v61;
	v9 =	vld.idx.msk [tilespmem:v43+s13+$0x0], $0xffff  }
0x48b: {  	v44 =	vor.u32 v33, v62;
	_ =	sdelay $0x3  }
0x48c: {  	[tilespmem:v11+s17+$0x0] =	vst.idx.msk $0xffff, v9  }
0x48d: {  	v11 =	vor.u32 v45, v63;
	v9 =	vld.idx.msk [tilespmem:v44+s13+$0x0], $0xffff  }
0x48e: {  	v41 =	vor.u32 v33, v2;
	_ =	sdelay $0x3  }
0x48f: {  	[tilespmem:v11+s17+$0x0] =	vst.idx.msk $0xffff, v9  }
0x490: {  	v11 =	vor.u32 v46, v4;
	v9 =	vld.idx.msk [tilespmem:v41+s13+$0x0], $0xffff  }
0x491: {  	v43 =	vor.u32 v33, v6;
	_ =	sdelay $0x3  }
0x492: {  	[tilespmem:v11+s17+$0x0] =	vst.idx.msk $0xffff, v9  }
0x493: {  	v11 =	vor.u32 v47, v8;
	v9 =	vld.idx.msk [tilespmem:v43+s13+$0x0], $0xffff  }
0x494: {  	v44 =	vor.u32 v33, v10;
	_ =	sdelay $0x3  }
0x495: {  	[tilespmem:v11+s17+$0x0] =	vst.idx.msk $0xffff, v9  }
0x496: {  	v11 =	vor.u32 v36, v12;
	v9 =	vld.idx.msk [tilespmem:v44+s13+$0x0], $0xffff  }
0x497: {  	v36 =	vor.u32 v33, v14;
	_ =	sdelay $0x3  }
0x498: {  	[tilespmem:v11+s17+$0x0] =	vst.idx.msk $0xffff, v9  }
0x499: {  	v11 =	vor.u32 v37, v15;
	v9 =	vld.idx.msk [tilespmem:v36+s13+$0x0], $0xffff  }
0x49a: {  	v37 =	vor.u32 v33, v17;
	_ =	sdelay $0x3  }
0x49b: {  	[tilespmem:v11+s17+$0x0] =	vst.idx.msk $0xffff, v9  }
0x49c: {  	v11 =	vor.u32 v38, v18;
	v9 =	vld.idx.msk [tilespmem:v37+s13+$0x0], $0xffff  }
0x49d: {  	v38 =	vor.u32 v33, v19;
	_ =	sdelay $0x3  }
0x49e: {  	[tilespmem:v11+s17+$0x0] =	vst.idx.msk $0xffff, v9  }
0x49f: {  	v11 =	vor.u32 v39, v20;
	v9 =	vld.idx.msk [tilespmem:v38+s13+$0x0], $0xffff  }
0x4a0: {  	v39 =	vor.u32 v33, v21;
	_ =	sdelay $0x3  }
0x4a1: {  	[tilespmem:v11+s17+$0x0] =	vst.idx.msk $0xffff, v9  }
0x4a2: {  	v11 =	vor.u32 v40, v22;
	v9 =	vld.idx.msk [tilespmem:v39+s13+$0x0], $0xffff  }
0x4a3: {  	v41 =	vor.u32 v33, v23;
	_ =	sdelay $0x3  }
0x4a4: {  	[tilespmem:v11+s17+$0x0] =	vst.idx.msk $0xffff, v9  }
0x4a5: {  	v11 =	vor.u32 v45, v1;
	v9 =	vld.idx.msk [tilespmem:v41+s13+$0x0], $0xffff  }
0x4a6: {  	v43 =	vor.u32 v33, v3;
	_ =	sdelay $0x3  }
0x4a7: {  	[tilespmem:v11+s17+$0x0] =	vst.idx.msk $0xffff, v9  }
0x4a8: {  	v11 =	vor.u32 v46, v5;
	v9 =	vld.idx.msk [tilespmem:v43+s13+$0x0], $0xffff  }
0x4a9: {  	v44 =	vor.u32 v33, v7;
	_ =	sdelay $0x3  }
0x4aa: {  	[tilespmem:v11+s17+$0x0] =	vst.idx.msk $0xffff, v9  }
0x4ab: {  	v11 =	vor.u32 v47, v51;
	v9 =	vld.idx.msk [tilespmem:v44+s13+$0x0], $0xffff  }
0x4ac: {  	v52 =	vor.u32 v42, v52;
	_ =	sdelay $0x3  }
0x4ad: {  	[tilespmem:v11+s17+$0x0] =	vst.idx.msk $0xffff, v9  }
0x4ae: {  	v11 =	vor.u32 v48, v53;
	v9 =	vld.idx.msk [tilespmem:v52+s13+$0x0], $0xffff  }
0x4af: {  	v54 =	vor.u32 v42, v54;
	_ =	sdelay $0x3  }
0x4b0: {  	[tilespmem:v11+s17+$0x0] =	vst.idx.msk $0xffff, v9  }
0x4b1: {  	v11 =	vor.u32 v49, v55;
	v9 =	vld.idx.msk [tilespmem:v54+s13+$0x0], $0xffff  }
0x4b2: {  	v56 =	vor.u32 v42, v56;
	_ =	sdelay $0x3  }
0x4b3: {  	[tilespmem:v11+s17+$0x0] =	vst.idx.msk $0xffff, v9  }
0x4b4: {  	v11 =	vor.u32 v50, v57;
	v9 =	vld.idx.msk [tilespmem:v56+s13+$0x0], $0xffff  }
0x4b5: {  	v58 =	vor.u32 v42, v58;
	_ =	sdelay $0x3  }
0x4b6: {  	[tilespmem:v11+s17+$0x0] =	vst.idx.msk $0xffff, v9  }
0x4b7: {  	v11 =	vor.u32 v30, v59;
	v9 =	vld.idx.msk [tilespmem:v58+s13+$0x0], $0xffff  }
0x4b8: {  	v60 =	vor.u32 v42, v60;
	_ =	sdelay $0x3  }
0x4b9: {  	[tilespmem:v11+s17+$0x0] =	vst.idx.msk $0xffff, v9  }
0x4ba: {  	v11 =	vor.u32 v31, v61;
	v9 =	vld.idx.msk [tilespmem:v60+s13+$0x0], $0xffff  }
0x4bb: {  	v62 =	vor.u32 v42, v62;
	_ =	sdelay $0x3  }
0x4bc: {  	[tilespmem:v11+s17+$0x0] =	vst.idx.msk $0xffff, v9  }
0x4bd: {  	v11 =	vor.u32 v34, v63;
	v9 =	vld.idx.msk [tilespmem:v62+s13+$0x0], $0xffff  }
0x4be: {  	v2 =	vor.u32 v42, v2;
	_ =	sdelay $0x3  }
0x4bf: {  	[tilespmem:v11+s17+$0x0] =	vst.idx.msk $0xffff, v9  }
0x4c0: {  	v4 =	vor.u32 v32, v4;
	v2 =	vld.idx.msk [tilespmem:v2+s13+$0x0], $0xffff  }
0x4c1: {  	v6 =	vor.u32 v42, v6;
	_ =	sdelay $0x3  }
0x4c2: {  	[tilespmem:v4+s17+$0x0] =	vst.idx.msk $0xffff, v2  }
0x4c3: {  	v4 =	vor.u32 v35, v8;
	v2 =	vld.idx.msk [tilespmem:v6+s13+$0x0], $0xffff  }
0x4c4: {  	v6 =	vor.u32 v42, v10;
	_ =	sdelay $0x3  }
0x4c5: {  	[tilespmem:v4+s17+$0x0] =	vst.idx.msk $0xffff, v2  }
0x4c6: {  	v4 =	vor.u32 v48, v12;
	v2 =	vld.idx.msk [tilespmem:v6+s13+$0x0], $0xffff  }
0x4c7: {  	v6 =	vor.u32 v42, v14;
	_ =	sdelay $0x3  }
0x4c8: {  	[tilespmem:v4+s17+$0x0] =	vst.idx.msk $0xffff, v2  }
0x4c9: {  	v4 =	vor.u32 v49, v15;
	v2 =	vld.idx.msk [tilespmem:v6+s13+$0x0], $0xffff  }
0x4ca: {  	v6 =	vor.u32 v42, v17;
	_ =	sdelay $0x3  }
0x4cb: {  	[tilespmem:v4+s17+$0x0] =	vst.idx.msk $0xffff, v2  }
0x4cc: {  	v4 =	vor.u32 v50, v18;
	v2 =	vld.idx.msk [tilespmem:v6+s13+$0x0], $0xffff  }
0x4cd: {  	v6 =	vor.u32 v42, v19;
	_ =	sdelay $0x3  }
0x4ce: {  	[tilespmem:v4+s17+$0x0] =	vst.idx.msk $0xffff, v2  }
0x4cf: {  	v4 =	vor.u32 v30, v20;
	v2 =	vld.idx.msk [tilespmem:v6+s13+$0x0], $0xffff  }
0x4d0: {  	v6 =	vor.u32 v42, v21;
	_ =	sdelay $0x3  }
0x4d1: {  	[tilespmem:v4+s17+$0x0] =	vst.idx.msk $0xffff, v2  }
0x4d2: {  	v4 =	vor.u32 v31, v22;
	v2 =	vld.idx.msk [tilespmem:v6+s13+$0x0], $0xffff  }
0x4d3: {  	v6 =	vor.u32 v42, v23;
	_ =	sdelay $0x3  }
0x4d4: {  	[tilespmem:v4+s17+$0x0] =	vst.idx.msk $0xffff, v2  }
0x4d5: {  	v1 =	vor.u32 v34, v1;
	v2 =	vld.idx.msk [tilespmem:v6+s13+$0x0], $0xffff  }
0x4d6: {  	v3 =	vor.u32 v42, v3;
	_ =	sdelay $0x3  }
0x4d7: {  	[tilespmem:v1+s17+$0x0] =	vst.idx.msk $0xffff, v2  }
0x4d8: {  	v2 =	vor.u32 v32, v5;
	v1 =	vld.idx.msk [tilespmem:v3+s13+$0x0], $0xffff  }
0x4d9: {  	p0 =	sne.s32 s25, $0x70;
	v3 =	vor.u32 v42, v7  }
.Ltmp1:
0x4da: {  	_ = 	snop;
	(pc) =	sbr.rel @p0 .LBB2_5-.Ltmp1, $3  }
0x4db: {  	_ =	sdelay $0x1  }
0x4dc: {  	s24 =	smov.u32 s25;
	[tilespmem:v2+s17+$0x0] =	vst.idx.msk $0xffff, v1  }
0x4dd: {  	s25 =	sadd.s32 $0x10, s25;
	v8 =	vmov v35;
	v2 =	vor.u32 s24, v0;
	v3 =	vld.idx.msk [tilespmem:v3+s13+$0x0], $0xffff  }
0x4de: {  	v1 =	vld [tilespmem:$0x1FDE0];
	_ =	sdelay $0x3  }
0x4df: {  	v44 =	vshll.u32 v2, $0x6;
	v4 =	vor.u32 v8, v51  }
0x4e0: {  	v5 =	vor.u32 v0, v44;
	v55 =	vor.u32 s24, v1;
	v1 =	vld [tilespmem:$0x1FDD0];
	_ =	sdelay $0x3  }
0x4e1: {  	v2 =	vand.u32 $0x78, v2;
	v56 =	vld [tilespmem:$0x1FF30];
	[tilespmem:v4+s17+$0x0] =	vst.idx.msk $0xffff, v3  }
0x4e2: {  	v5 =	vld.idx.msk [tilespmem:v5+s13+$0x0], $0xffff;
	v3 =	vshll.u32 v55, $0x6;
	v6 =	vor.u32 v1, v2  }
0x4e3: {  	v36 =	vld [tilespmem:$0x1FDF0];
	v7 =	vor.u32 v0, v3;
	_ =	sdelay $0x3  }
0x4e4: {  	v58 =	vld [tilespmem:$0x1FF10];
	v57 =	vor.u32 s24, v56;
	v4 =	vand.u32 $0x78, v55;
	[tilespmem:v6+s17+$0x0] =	vst.idx.msk $0xffff, v5  }
0x4e5: {  	v8 =	vor.u32 v36, v4;
	v5 =	vshll.u32 v57, $0x6;
	v7 =	vld.idx.msk [tilespmem:v7+s13+$0x0], $0xffff  }
0x4e6: {  	v9 =	vor.u32 v0, v5;
	_ =	sdelay $0x3  }
0x4e7: {  	v6 =	vand.u32 $0x78, v57;
	[tilespmem:v8+s17+$0x0] =	vst.idx.msk $0xffff, v7;
	v8 =	vor.u32 s24, v58  }
0x4e8: {  	v10 =	vor.u32 v16, v6;
	v9 =	vld.idx.msk [tilespmem:v9+s13+$0x0], $0xffff;
	v7 =	vshll.u32 v8, $0x6  }
0x4e9: {  	v11 =	vor.u32 v0, v7;
	_ =	sdelay $0x3  }
0x4ea: {  	v8 =	vand.u32 $0x78, v8;
	[tilespmem:v10+s17+$0x0] =	vst.idx.msk $0xffff, v9;
	v9 =	vld [tilespmem:$0x1FFD0]  }
0x4eb: {  	v12 =	vor.u32 v25, v8;
	v11 =	vld.idx.msk [tilespmem:v11+s13+$0x0], $0xffff;
	_ =	sdelay $0x3  }
0x4ec: {  	v9 =	vor.u32 s24, v9  }
0x4ed: {  	v10 =	vshll.u32 v9, $0x6;
	[tilespmem:v12+s17+$0x0] =	vst.idx.msk $0xffff, v11;
	v12 =	vand.u32 $0x78, v9;
	v9 =	vld [tilespmem:$0x1FF20]  }
0x4ee: {  	v13 =	vor.u32 v0, v10;
	_ =	sdelay $0x3  }
0x4ef: {  	v9 =	vor.u32 s24, v9  }
0x4f0: {  	v59 =	vor.u32 v26, v12;
	v11 =	vld.idx.msk [tilespmem:v13+s13+$0x0], $0xffff;
	v14 =	vshll.u32 v9, $0x6  }
0x4f1: {  	v15 =	vand.u32 $0x78, v9;
	v9 =	vld [tilespmem:$0x1FFB0];
	v17 =	vor.u32 v0, v14;
	_ =	sdelay $0x3  }
0x4f2: {  	[tilespmem:v59+s17+$0x0] =	vst.idx.msk $0xffff, v11  }
0x4f3: {  	v9 =	vor.u32 s24, v9;
	v11 =	vld.idx.msk [tilespmem:v17+s13+$0x0], $0xffff  }
0x4f4: {  	v60 =	vor.u32 v27, v15;
	v17 =	vshll.u32 v9, $0x6;
	v18 =	vand.u32 $0x78, v9;
	v9 =	vld [tilespmem:$0x1FFC0]  }
0x4f5: {  	v19 =	vor.u32 v0, v17;
	_ =	sdelay $0x3  }
0x4f6: {  	[tilespmem:v60+s17+$0x0] =	vst.idx.msk $0xffff, v11;
	v9 =	vor.u32 s24, v9  }
0x4f7: {  	v61 =	vor.u32 v28, v18;
	v11 =	vld.idx.msk [tilespmem:v19+s13+$0x0], $0xffff;
	v19 =	vshll.u32 v9, $0x6  }
0x4f8: {  	v20 =	vand.u32 $0x78, v9;
	v9 =	vld [tilespmem:$0x1FF60];
	v21 =	vor.u32 v0, v19;
	_ =	sdelay $0x3  }
0x4f9: {  	[tilespmem:v61+s17+$0x0] =	vst.idx.msk $0xffff, v11  }
0x4fa: {  	v9 =	vor.u32 s24, v9;
	v11 =	vld.idx.msk [tilespmem:v21+s13+$0x0], $0xffff  }
0x4fb: {  	v62 =	vor.u32 v29, v20;
	v21 =	vshll.u32 v9, $0x6;
	v22 =	vand.u32 $0x78, v9;
	v9 =	vld [tilespmem:$0x1FF40]  }
0x4fc: {  	v23 =	vor.u32 v0, v21;
	_ =	sdelay $0x3  }
0x4fd: {  	v63 =	vor.u32 v1, v22;
	v1 =	vld [tilespmem:$0x1FF50];
	[tilespmem:v62+s17+$0x0] =	vst.idx.msk $0xffff, v11;
	v9 =	vor.u32 s24, v9  }
0x4fe: {  	v11 =	vld.idx.msk [tilespmem:v23+s13+$0x0], $0xffff;
	v23 =	vshll.u32 v9, $0x6  }
0x4ff: {  	v52 =	vor.u32 v0, v23;
	_ =	sdelay $0x3  }
0x500: {  	v51 =	vand.u32 $0x78, v9;
	v9 =	vor.u32 s24, v1;
	v1 =	vld [tilespmem:$0x1FF70];
	[tilespmem:v63+s17+$0x0] =	vst.idx.msk $0xffff, v11  }
0x501: {  	v36 =	vor.u32 v36, v51;
	v11 =	vld.idx.msk [tilespmem:v52+s13+$0x0], $0xffff;
	v52 =	vshll.u32 v9, $0x6  }
0x502: {  	v54 =	vor.u32 v0, v52;
	_ =	sdelay $0x3  }
0x503: {  	v53 =	vand.u32 $0x78, v9;
	v9 =	vor.u32 s24, v1;
	v1 =	vld [tilespmem:$0x1FF80];
	[tilespmem:v36+s17+$0x0] =	vst.idx.msk $0xffff, v11  }
0x504: {  	v37 =	vor.u32 v16, v53;
	v11 =	vld.idx.msk [tilespmem:v54+s13+$0x0], $0xffff;
	v54 =	vshll.u32 v9, $0x6  }
0x505: {  	v56 =	vor.u32 v0, v54;
	_ =	sdelay $0x3  }
0x506: {  	v55 =	vand.u32 $0x78, v9;
	v9 =	vor.u32 s24, v1;
	v1 =	vld [tilespmem:$0x1FF90];
	[tilespmem:v37+s17+$0x0] =	vst.idx.msk $0xffff, v11  }
0x507: {  	v38 =	vor.u32 v25, v55;
	v11 =	vld.idx.msk [tilespmem:v56+s13+$0x0], $0xffff;
	v56 =	vshll.u32 v9, $0x6  }
0x508: {  	v58 =	vor.u32 v0, v56;
	_ =	sdelay $0x3  }
0x509: {  	v57 =	vand.u32 $0x78, v9;
	v9 =	vor.u32 s24, v1;
	v1 =	vld [tilespmem:$0x1FFA0];
	[tilespmem:v38+s17+$0x0] =	vst.idx.msk $0xffff, v11  }
0x50a: {  	v39 =	vor.u32 v26, v57;
	v11 =	vld.idx.msk [tilespmem:v58+s13+$0x0], $0xffff;
	v58 =	vshll.u32 v9, $0x6  }
0x50b: {  	v60 =	vor.u32 v0, v58;
	_ =	sdelay $0x3  }
0x50c: {  	v59 =	vand.u32 $0x78, v9;
	v9 =	vor.u32 s24, v1;
	v1 =	vld [tilespmem:$0x1FE00];
	[tilespmem:v39+s17+$0x0] =	vst.idx.msk $0xffff, v11  }
0x50d: {  	v40 =	vor.u32 v27, v59;
	v11 =	vld.idx.msk [tilespmem:v60+s13+$0x0], $0xffff;
	v60 =	vshll.u32 v9, $0x6  }
0x50e: {  	v62 =	vor.u32 v0, v60;
	_ =	sdelay $0x3  }
0x50f: {  	v61 =	vand.u32 $0x78, v9;
	v9 =	vor.u32 s24, v1;
	[tilespmem:v40+s17+$0x0] =	vst.idx.msk $0xffff, v11  }
0x510: {  	v41 =	vor.u32 v28, v61;
	v11 =	vld.idx.msk [tilespmem:v62+s13+$0x0], $0xffff;
	v62 =	vshll.u32 v9, $0x6  }
0x511: {  	v1 =	vor.u32 v0, v62;
	_ =	sdelay $0x3  }
0x512: {  	v63 =	vand.u32 $0x78, v9;
	[tilespmem:v41+s17+$0x0] =	vst.idx.msk $0xffff, v11  }
0x513: {  	v9 =	vor.u32 v29, v63;
	v1 =	vld.idx.msk [tilespmem:v1+s13+$0x0], $0xffff  }
0x514: {  	v13 =	vld [tilespmem:$0x1FE10];
	v11 =	vor.u32 v24, v44;
	_ =	sdelay $0x3  }
0x515: {  	[tilespmem:v9+s17+$0x0] =	vst.idx.msk $0xffff, v1  }
0x516: {  	v9 =	vor.u32 v13, v2;
	v1 =	vld.idx.msk [tilespmem:v11+s13+$0x0], $0xffff  }
0x517: {  	v37 =	vld [tilespmem:$0x1FE20];
	v11 =	vor.u32 v24, v3;
	_ =	sdelay $0x3  }
0x518: {  	[tilespmem:v9+s17+$0x0] =	vst.idx.msk $0xffff, v1  }
0x519: {  	v9 =	vor.u32 v37, v4;
	v1 =	vld.idx.msk [tilespmem:v11+s13+$0x0], $0xffff  }
0x51a: {  	v36 =	vld [tilespmem:$0x1FE30];
	v11 =	vor.u32 v24, v5;
	_ =	sdelay $0x3  }
0x51b: {  	[tilespmem:v9+s17+$0x0] =	vst.idx.msk $0xffff, v1  }
0x51c: {  	v9 =	vor.u32 v36, v6;
	v1 =	vld.idx.msk [tilespmem:v11+s13+$0x0], $0xffff  }
0x51d: {  	v38 =	vld [tilespmem:$0x1FE40];
	v11 =	vor.u32 v24, v7;
	_ =	sdelay $0x3  }
0x51e: {  	[tilespmem:v9+s17+$0x0] =	vst.idx.msk $0xffff, v1  }
0x51f: {  	v9 =	vor.u32 v38, v8;
	v1 =	vld.idx.msk [tilespmem:v11+s13+$0x0], $0xffff  }
0x520: {  	v40 =	vld [tilespmem:$0x1FE50];
	v11 =	vor.u32 v24, v10;
	_ =	sdelay $0x3  }
0x521: {  	[tilespmem:v9+s17+$0x0] =	vst.idx.msk $0xffff, v1  }
0x522: {  	v9 =	vor.u32 v40, v12;
	v1 =	vld.idx.msk [tilespmem:v11+s13+$0x0], $0xffff  }
0x523: {  	v39 =	vld [tilespmem:$0x1FE60];
	v11 =	vor.u32 v24, v14;
	_ =	sdelay $0x3  }
0x524: {  	[tilespmem:v9+s17+$0x0] =	vst.idx.msk $0xffff, v1  }
0x525: {  	v9 =	vor.u32 v39, v15;
	v1 =	vld.idx.msk [tilespmem:v11+s13+$0x0], $0xffff  }
0x526: {  	v41 =	vld [tilespmem:$0x1FE70];
	v11 =	vor.u32 v24, v17;
	_ =	sdelay $0x3  }
0x527: {  	[tilespmem:v9+s17+$0x0] =	vst.idx.msk $0xffff, v1  }
0x528: {  	v9 =	vor.u32 v41, v18;
	v1 =	vld.idx.msk [tilespmem:v11+s13+$0x0], $0xffff  }
0x529: {  	v43 =	vld [tilespmem:$0x1FE80];
	v11 =	vor.u32 v24, v19;
	_ =	sdelay $0x3  }
0x52a: {  	[tilespmem:v9+s17+$0x0] =	vst.idx.msk $0xffff, v1  }
0x52b: {  	v9 =	vor.u32 v43, v20;
	v1 =	vld.idx.msk [tilespmem:v11+s13+$0x0], $0xffff  }
0x52c: {  	v11 =	vor.u32 v24, v21;
	_ =	sdelay $0x3  }
0x52d: {  	[tilespmem:v9+s17+$0x0] =	vst.idx.msk $0xffff, v1  }
0x52e: {  	v9 =	vor.u32 v13, v22;
	v1 =	vld.idx.msk [tilespmem:v11+s13+$0x0], $0xffff  }
0x52f: {  	v11 =	vor.u32 v24, v23;
	_ =	sdelay $0x3  }
0x530: {  	[tilespmem:v9+s17+$0x0] =	vst.idx.msk $0xffff, v1  }
0x531: {  	v9 =	vor.u32 v37, v51;
	v1 =	vld.idx.msk [tilespmem:v11+s13+$0x0], $0xffff  }
0x532: {  	v11 =	vor.u32 v24, v52;
	_ =	sdelay $0x3  }
0x533: {  	[tilespmem:v9+s17+$0x0] =	vst.idx.msk $0xffff, v1  }
0x534: {  	v9 =	vor.u32 v36, v53;
	v1 =	vld.idx.msk [tilespmem:v11+s13+$0x0], $0xffff  }
0x535: {  	v11 =	vor.u32 v24, v54;
	_ =	sdelay $0x3  }
0x536: {  	[tilespmem:v9+s17+$0x0] =	vst.idx.msk $0xffff, v1  }
0x537: {  	v9 =	vor.u32 v38, v55;
	v1 =	vld.idx.msk [tilespmem:v11+s13+$0x0], $0xffff  }
0x538: {  	v11 =	vor.u32 v24, v56;
	_ =	sdelay $0x3  }
0x539: {  	[tilespmem:v9+s17+$0x0] =	vst.idx.msk $0xffff, v1  }
0x53a: {  	v9 =	vor.u32 v40, v57;
	v1 =	vld.idx.msk [tilespmem:v11+s13+$0x0], $0xffff  }
0x53b: {  	v11 =	vor.u32 v24, v58;
	_ =	sdelay $0x3  }
0x53c: {  	[tilespmem:v9+s17+$0x0] =	vst.idx.msk $0xffff, v1  }
0x53d: {  	v9 =	vor.u32 v39, v59;
	v1 =	vld.idx.msk [tilespmem:v11+s13+$0x0], $0xffff  }
0x53e: {  	v11 =	vor.u32 v24, v60;
	_ =	sdelay $0x3  }
0x53f: {  	[tilespmem:v9+s17+$0x0] =	vst.idx.msk $0xffff, v1  }
0x540: {  	v9 =	vor.u32 v41, v61;
	v1 =	vld.idx.msk [tilespmem:v11+s13+$0x0], $0xffff  }
0x541: {  	v11 =	vor.u32 v24, v62;
	_ =	sdelay $0x3  }
0x542: {  	[tilespmem:v9+s17+$0x0] =	vst.idx.msk $0xffff, v1  }
0x543: {  	v9 =	vor.u32 v43, v63;
	v1 =	vld.idx.msk [tilespmem:v11+s13+$0x0], $0xffff  }
0x544: {  	v13 =	vld [tilespmem:$0x1FE90];
	v11 =	vor.u32 v33, v44;
	_ =	sdelay $0x3  }
0x545: {  	[tilespmem:v9+s17+$0x0] =	vst.idx.msk $0xffff, v1  }
0x546: {  	v9 =	vor.u32 v13, v2;
	v1 =	vld.idx.msk [tilespmem:v11+s13+$0x0], $0xffff  }
0x547: {  	v36 =	vld [tilespmem:$0x1FEA0];
	v11 =	vor.u32 v33, v3;
	_ =	sdelay $0x3  }
0x548: {  	[tilespmem:v9+s17+$0x0] =	vst.idx.msk $0xffff, v1  }
0x549: {  	v9 =	vor.u32 v36, v4;
	v1 =	vld.idx.msk [tilespmem:v11+s13+$0x0], $0xffff  }
0x54a: {  	v37 =	vld [tilespmem:$0x1FEB0];
	v11 =	vor.u32 v33, v5;
	_ =	sdelay $0x3  }
0x54b: {  	[tilespmem:v9+s17+$0x0] =	vst.idx.msk $0xffff, v1  }
0x54c: {  	v9 =	vor.u32 v37, v6;
	v1 =	vld.idx.msk [tilespmem:v11+s13+$0x0], $0xffff  }
0x54d: {  	v38 =	vld [tilespmem:$0x1FEC0];
	v11 =	vor.u32 v33, v7;
	_ =	sdelay $0x3  }
0x54e: {  	[tilespmem:v9+s17+$0x0] =	vst.idx.msk $0xffff, v1  }
0x54f: {  	v9 =	vor.u32 v38, v8;
	v1 =	vld.idx.msk [tilespmem:v11+s13+$0x0], $0xffff  }
0x550: {  	v43 =	vld [tilespmem:$0x1FED0];
	v11 =	vor.u32 v33, v10;
	_ =	sdelay $0x3  }
0x551: {  	[tilespmem:v9+s17+$0x0] =	vst.idx.msk $0xffff, v1  }
0x552: {  	v9 =	vor.u32 v43, v12;
	v1 =	vld.idx.msk [tilespmem:v11+s13+$0x0], $0xffff  }
0x553: {  	v11 =	vor.u32 v33, v14;
	_ =	sdelay $0x3  }
0x554: {  	[tilespmem:v9+s17+$0x0] =	vst.idx.msk $0xffff, v1  }
0x555: {  	v9 =	vor.u32 v45, v15;
	v1 =	vld.idx.msk [tilespmem:v11+s13+$0x0], $0xffff  }
0x556: {  	v11 =	vor.u32 v33, v17;
	_ =	sdelay $0x3  }
0x557: {  	[tilespmem:v9+s17+$0x0] =	vst.idx.msk $0xffff, v1  }
0x558: {  	v9 =	vor.u32 v46, v18;
	v1 =	vld.idx.msk [tilespmem:v11+s13+$0x0], $0xffff  }
0x559: {  	v11 =	vor.u32 v33, v19;
	_ =	sdelay $0x3  }
0x55a: {  	[tilespmem:v9+s17+$0x0] =	vst.idx.msk $0xffff, v1  }
0x55b: {  	v9 =	vor.u32 v47, v20;
	v1 =	vld.idx.msk [tilespmem:v11+s13+$0x0], $0xffff  }
0x55c: {  	v11 =	vor.u32 v33, v21;
	_ =	sdelay $0x3  }
0x55d: {  	[tilespmem:v9+s17+$0x0] =	vst.idx.msk $0xffff, v1  }
0x55e: {  	v9 =	vor.u32 v13, v22;
	v1 =	vld.idx.msk [tilespmem:v11+s13+$0x0], $0xffff  }
0x55f: {  	v11 =	vor.u32 v33, v23;
	_ =	sdelay $0x3  }
0x560: {  	[tilespmem:v9+s17+$0x0] =	vst.idx.msk $0xffff, v1  }
0x561: {  	v9 =	vor.u32 v36, v51;
	v1 =	vld.idx.msk [tilespmem:v11+s13+$0x0], $0xffff  }
0x562: {  	v11 =	vor.u32 v33, v52;
	_ =	sdelay $0x3  }
0x563: {  	[tilespmem:v9+s17+$0x0] =	vst.idx.msk $0xffff, v1  }
0x564: {  	v9 =	vor.u32 v37, v53;
	v1 =	vld.idx.msk [tilespmem:v11+s13+$0x0], $0xffff  }
0x565: {  	v11 =	vor.u32 v33, v54;
	_ =	sdelay $0x3  }
0x566: {  	[tilespmem:v9+s17+$0x0] =	vst.idx.msk $0xffff, v1  }
0x567: {  	v9 =	vor.u32 v38, v55;
	v1 =	vld.idx.msk [tilespmem:v11+s13+$0x0], $0xffff  }
0x568: {  	v11 =	vor.u32 v33, v56;
	_ =	sdelay $0x3  }
0x569: {  	[tilespmem:v9+s17+$0x0] =	vst.idx.msk $0xffff, v1  }
0x56a: {  	v9 =	vor.u32 v43, v57;
	v1 =	vld.idx.msk [tilespmem:v11+s13+$0x0], $0xffff  }
0x56b: {  	v11 =	vor.u32 v33, v58;
	_ =	sdelay $0x3  }
0x56c: {  	[tilespmem:v9+s17+$0x0] =	vst.idx.msk $0xffff, v1  }
0x56d: {  	v9 =	vor.u32 v45, v59;
	v1 =	vld.idx.msk [tilespmem:v11+s13+$0x0], $0xffff  }
0x56e: {  	v11 =	vor.u32 v33, v60;
	_ =	sdelay $0x3  }
0x56f: {  	[tilespmem:v9+s17+$0x0] =	vst.idx.msk $0xffff, v1  }
0x570: {  	v9 =	vor.u32 v46, v61;
	v1 =	vld.idx.msk [tilespmem:v11+s13+$0x0], $0xffff  }
0x571: {  	v11 =	vor.u32 v33, v62;
	_ =	sdelay $0x3  }
0x572: {  	[tilespmem:v9+s17+$0x0] =	vst.idx.msk $0xffff, v1  }
0x573: {  	v9 =	vor.u32 v47, v63;
	v1 =	vld.idx.msk [tilespmem:v11+s13+$0x0], $0xffff  }
0x574: {  	v11 =	vor.u32 v42, v44;
	_ =	sdelay $0x3  }
0x575: {  	[tilespmem:v9+s17+$0x0] =	vst.idx.msk $0xffff, v1  }
0x576: {  	v2 =	vor.u32 v48, v2;
	v1 =	vld.idx.msk [tilespmem:v11+s13+$0x0], $0xffff  }
0x577: {  	v3 =	vor.u32 v42, v3;
	_ =	sdelay $0x3  }
0x578: {  	[tilespmem:v2+s17+$0x0] =	vst.idx.msk $0xffff, v1  }
0x579: {  	v2 =	vor.u32 v49, v4;
	v1 =	vld.idx.msk [tilespmem:v3+s13+$0x0], $0xffff  }
0x57a: {  	v3 =	vor.u32 v42, v5;
	_ =	sdelay $0x3  }
0x57b: {  	[tilespmem:v2+s17+$0x0] =	vst.idx.msk $0xffff, v1  }
0x57c: {  	v2 =	vor.u32 v50, v6;
	v1 =	vld.idx.msk [tilespmem:v3+s13+$0x0], $0xffff  }
0x57d: {  	v3 =	vor.u32 v42, v7;
	_ =	sdelay $0x3  }
0x57e: {  	[tilespmem:v2+s17+$0x0] =	vst.idx.msk $0xffff, v1  }
0x57f: {  	v2 =	vor.u32 v30, v8;
	v1 =	vld.idx.msk [tilespmem:v3+s13+$0x0], $0xffff  }
0x580: {  	v3 =	vor.u32 v42, v10;
	_ =	sdelay $0x3  }
0x581: {  	[tilespmem:v2+s17+$0x0] =	vst.idx.msk $0xffff, v1  }
0x582: {  	v2 =	vor.u32 v31, v12;
	v1 =	vld.idx.msk [tilespmem:v3+s13+$0x0], $0xffff  }
0x583: {  	v3 =	vor.u32 v42, v14;
	_ =	sdelay $0x3  }
0x584: {  	[tilespmem:v2+s17+$0x0] =	vst.idx.msk $0xffff, v1  }
0x585: {  	v2 =	vor.u32 v34, v15;
	v1 =	vld.idx.msk [tilespmem:v3+s13+$0x0], $0xffff  }
0x586: {  	v3 =	vor.u32 v42, v17;
	_ =	sdelay $0x3  }
0x587: {  	[tilespmem:v2+s17+$0x0] =	vst.idx.msk $0xffff, v1  }
0x588: {  	v2 =	vor.u32 v32, v18;
	v1 =	vld.idx.msk [tilespmem:v3+s13+$0x0], $0xffff  }
0x589: {  	v3 =	vor.u32 v42, v19;
	_ =	sdelay $0x3  }
0x58a: {  	[tilespmem:v2+s17+$0x0] =	vst.idx.msk $0xffff, v1  }
0x58b: {  	v2 =	vor.u32 v35, v20;
	v1 =	vld.idx.msk [tilespmem:v3+s13+$0x0], $0xffff  }
0x58c: {  	v3 =	vor.u32 v42, v21;
	_ =	sdelay $0x3  }
0x58d: {  	[tilespmem:v2+s17+$0x0] =	vst.idx.msk $0xffff, v1  }
0x58e: {  	v2 =	vor.u32 v48, v22;
	v1 =	vld.idx.msk [tilespmem:v3+s13+$0x0], $0xffff  }
0x58f: {  	v3 =	vor.u32 v42, v23;
	_ =	sdelay $0x3  }
0x590: {  	[tilespmem:v2+s17+$0x0] =	vst.idx.msk $0xffff, v1  }
0x591: {  	v2 =	vor.u32 v49, v51;
	v1 =	vld.idx.msk [tilespmem:v3+s13+$0x0], $0xffff  }
0x592: {  	v3 =	vor.u32 v42, v52;
	_ =	sdelay $0x3  }
0x593: {  	[tilespmem:v2+s17+$0x0] =	vst.idx.msk $0xffff, v1  }
0x594: {  	v2 =	vor.u32 v50, v53;
	v1 =	vld.idx.msk [tilespmem:v3+s13+$0x0], $0xffff  }
0x595: {  	v3 =	vor.u32 v42, v54;
	_ =	sdelay $0x3  }
0x596: {  	[tilespmem:v2+s17+$0x0] =	vst.idx.msk $0xffff, v1  }
0x597: {  	v2 =	vor.u32 v30, v55;
	v1 =	vld.idx.msk [tilespmem:v3+s13+$0x0], $0xffff  }
0x598: {  	v3 =	vor.u32 v42, v56;
	_ =	sdelay $0x3  }
0x599: {  	[tilespmem:v2+s17+$0x0] =	vst.idx.msk $0xffff, v1  }
0x59a: {  	v2 =	vor.u32 v31, v57;
	v1 =	vld.idx.msk [tilespmem:v3+s13+$0x0], $0xffff  }
0x59b: {  	v3 =	vor.u32 v42, v58;
	_ =	sdelay $0x3  }
0x59c: {  	[tilespmem:v2+s17+$0x0] =	vst.idx.msk $0xffff, v1  }
0x59d: {  	v2 =	vor.u32 v34, v59;
	v1 =	vld.idx.msk [tilespmem:v3+s13+$0x0], $0xffff  }
0x59e: {  	v3 =	vor.u32 v42, v60;
	_ =	sdelay $0x3  }
0x59f: {  	[tilespmem:v2+s17+$0x0] =	vst.idx.msk $0xffff, v1  }
0x5a0: {  	v2 =	vor.u32 v32, v61;
	v1 =	vld.idx.msk [tilespmem:v3+s13+$0x0], $0xffff  }
0x5a1: {  	v40 =	vld [tilespmem:$0x1FF80];
	v3 =	vor.u32 v42, v62  }
0x5a2: {  	v39 =	vld [tilespmem:$0x1FF70]  }
0x5a3: {  	v41 =	vld [tilespmem:$0x1FF90]  }
0x5a4: {  	v36 =	vld [tilespmem:$0x1FF30]  }
0x5a5: {  	v37 =	vld [tilespmem:$0x1FF40];
	[tilespmem:v2+s17+$0x0] =	vst.idx.msk $0xffff, v1  }
0x5a6: {  	v2 =	vor.u32 v35, v63;
	v1 =	vld.idx.msk [tilespmem:v3+s13+$0x0], $0xffff  }
0x5a7: {  	v38 =	vld [tilespmem:$0x1FF50]  }
0x5a8: {  	s21 =	sadd.s32 $0x1, s21;
	v43 =	vld [tilespmem:$0x1FFA0]  }
0x5a9: {  	p0 =	sne.s32 s21, $0x64;
	v9 =	vld [tilespmem:$0x1FF20]  }
.Ltmp2:
0x5aa: {  	v22 =	vld [tilespmem:$0x1FFC0];
	(pc) =	sbr.rel @p0 .LBB2_2-.Ltmp2, $4  }
0x5ab: {  	s22 =	sadd.s32 @!p1 $0x180, s22;
	s25 =	simm.s32 @!p1 $0x8400;
	s24 =	simm.s32 @!p1 $0x80;
	v23 =	vld [tilespmem:$0x1FF10];
	[tilespmem:v2+s17+$0x0] =	vst.idx.msk $0xffff, v1  }
0x5ac: {  	v51 =	vld [tilespmem:$0x1FFB0];
	[tilespmem:s25], [sflag:$0x2] =	stream.indirect.gather @!p1 [hbm4b:s3+s24], $0x40, s22, s24, $0xb8  }
0x5ad: {  	s31 =	sadd.s32 s23, s7;
	v52 =	vld [tilespmem:$0x1FFD0]  }
0x5ae: {  	v53 =	vmov v27;
	v54 =	vmov v28;
	v57 =	vmov v16;
	v16 =	vld [tilespmem:$0x1FF60];
	[hbm4b:s31+s9] =	stream.strided.scatter [tilespmem:s17], [sflag:$0x4], $0x2000, s10, s9, $0x38  }
0x5af: {  	s20 =	sadd.s32 $0x1, s20  }
0x5b0: {  	_ =	swait.ge [sflag:s18], $0x2000;
	p0 =	sne.s32 s20, s8  }
.Ltmp3:
0x5b1: {  	[sflag:s18] =	ssyncset.done $0x0;
	(pc) =	sbr.rel @p0 .LBB2_1-.Ltmp3, $4  }
0x5b2: {  	[sflag:s18] =	ssyncadd.s32 $0xFFFFE000  }
0x5b3: {  	_ =	swait.ge [sflag:s19], $0x2000  }
0x5b4: {  	[sflag:s19] =	ssyncset.done $0x0  }
0x5b5: {  	[sflag:s19] =	ssyncadd.s32 $0xFFFFE000  }
0x5b6: {  	_ =	sfence.sel $0x180000  }
0x5b7: {  	[bflag:$0x0] =	sbarrier.arrive $0xFFFF  }
0x5b8: {  	p0 =	sne.s32 s2, $0x0;
	_ =	strace $0x90000047  }
0x5b9: {  	s0 =	sadd.s32 @!p0 $0x100000, s0;
	[bflag:$0x2] =	sbarrier.arrive $0xFFFF  }
0x5ba: {  	[sflag:s0] =	ssyncadd.tile.s32 @!p0 $0x1;
	_ =	shalt  }
.Lfunc_end2:
_tile_overlayer_lowered:
.L_overlay_start_2:
0x5bb: {  	(tag) =	ssettag $0x2  }
0x5bc: {  	s0 =	rddreg [dreg:$0x0];
	s2 =	stileid.u32  }
0x5bd: {  	s1 =	rddreg [dreg:$0x1];
	p0 =	sne.s32 s2, $0x0  }
0x5be: {  	s3 =	rddreg [dreg:$0x2];
	[bflag:$0x3] =	sbarrier.arrive $0xFFFF;
	s2 =	simm.s32 @!p0 $0x1C05  }
0x5bf: {  	[timem:s3], [sflag:s2] =	dma.local @!p0 [hbm:s0], s1  }
0x5c0: {  	s0 =	simm.s32 @!p0 $0x5  }
0x5c1: {  	_ =	swait.ge @!p0 [sflag:s0], s1  }
0x5c2: {  	s1 =	ssub.s32 @!p0 $0x0, s1;
	[sflag:s0] =	ssyncset.done @!p0 $0x0  }
0x5c3: {  	[sflag:s0] =	ssyncadd.s32 @!p0 s1  }
0x5c4: {  	[bflag:$0x3] =	sbarrier.arrive $0xFFFF  }
0x5c5: {  	_ =	shalt  }

</sc_bundles>
